<compile_context>
chip_gen: v7x
topology: tpu7x:2x2x1
jax: 0.10.2.dev20260603
libtpu: 0.0.44.dev20260713+nightly
codegen_flags: <defaults>
</compile_context>

<pallas_src>
import functools

import jax
import jax.numpy as jnp
from jax import lax
from jax.experimental import pallas as pl
from jax.experimental.pallas import tpu as pltpu
from jax.experimental.pallas import tpu_sc as plsc

B, S, D = 1024, 200, 64
N = B * S
NC, NS = 2, 16
NW = NC * NS
PER_W = N // NW
CH = 128
NCH = PER_W // CH
POS2 = 2 * S
NG = 4
NO = 2
UNROLL = 8


def _emb_body(idx_hbm, pos2_hbm, words_hbm, out_hbm,
              idx_v, pos_v, g0, g1, g2, g3, o0, o1,
              sg0, sg1, sg2, sg3, so0, so1):
    gbufs = (g0, g1, g2, g3)
    gsems = (sg0, sg1, sg2, sg3)
    obufs = (o0, o1)
    osems = (so0, so1)
    cid = lax.axis_index("c")
    sid = lax.axis_index("s")
    wid = sid * NC + cid
    base = wid * PER_W
    pltpu.sync_copy(idx_hbm.at[pl.ds(base, PER_W)], idx_v)
    pltpu.sync_copy(pos2_hbm, pos_v)

    def start_gather(c, k):
        pltpu.async_copy(words_hbm.at[idx_v.at[pl.ds(c * CH, CH)]],
                         gbufs[k], gsems[k])

    def wait_gather(k):
        pltpu.make_async_copy(words_hbm.at[idx_v.at[pl.ds(0, CH)]],
                              gbufs[k], gsems[k]).wait()

    def out_slice(c):
        return out_hbm.at[pl.ds(base + c * CH, CH)]

    def consume(c, k, j):
        wait_gather(k)
        o_v = obufs[j]

        @pl.when(c >= NO)
        def _():
            pltpu.make_async_copy(o_v, out_slice(c), osems[j]).wait()

        rbase = lax.rem(c * CH, S)

        def add_row(r, carry):
            prow = rbase + r
            for jj in range(4):
                sl = pl.ds(jj * 16, 16)
                o_v[r, sl] = gbufs[k][r, sl] + pos_v[prow, sl]
            return carry

        lax.fori_loop(0, CH, add_row, None, unroll=UNROLL)

        @pl.when(c + NG < NCH)
        def _():
            start_gather(c + NG, k)

        pltpu.async_copy(o_v, out_slice(c), osems[j])

    for k in range(NG):
        start_gather(k, k)

    def step(t, carry):
        c0 = NG * t
        for k in range(NG):
            consume(c0 + k, k, k % NO)
        return carry

    lax.fori_loop(0, NCH // NG, step, None)
    consume(jnp.int32(NCH - 2), 0, 0)
    consume(jnp.int32(NCH - 1), 1, 1)
    pltpu.make_async_copy(obufs[0], out_slice(NCH - 2), osems[0]).wait()
    pltpu.make_async_copy(obufs[1], out_slice(NCH - 1), osems[1]).wait()


def kernel(input_ids, words, pos_table):
    idx = input_ids.reshape(-1).astype(jnp.int32)
    pos2 = jnp.concatenate([pos_table[:S], pos_table[:S]], axis=0)
    mesh = plsc.VectorSubcoreMesh(core_axis_name="c", subcore_axis_name="s")
    out = pl.kernel(
        _emb_body,
        out_type=jax.ShapeDtypeStruct((N, D), jnp.float32),
        mesh=mesh,
        scratch_types=(
            [pltpu.VMEM((PER_W,), jnp.int32),
             pltpu.VMEM((POS2, D), jnp.float32)]
            + [pltpu.VMEM((CH, D), jnp.float32) for _ in range(NG + NO)]
            + [pltpu.SemaphoreType.DMA for _ in range(NG + NO)]
        ),
        compiler_params=pltpu.CompilerParams(use_tc_tiling_on_sc=False),
    )(idx, pos2, words)
    return out.reshape(B, S, D)

# --- scband reference (transcript-rebuilt; emitter-appended) ---
"""Pipeline reference for scband-embedding-block-79645873537722 (READ-ONLY COPY).

The authoritative reference and input builder live on the scoring server;
editing this copy changes nothing except your own understanding.
"""

import jax, jax.numpy as jnp
import numpy as np

VOCAB = 1000000
HIDDEN = 64
MAX_POS = 4096
BATCH = 1024
SEQ = 200


def setup_inputs(seed: int = 0) -> dict:
    key = jax.random.key(seed)
    k_ids, k_w, k_p = jax.random.split(key, 3)
    input_ids = jax.random.randint(k_ids, (BATCH, SEQ), 0, VOCAB, dtype=jnp.int64 if jax.config.jax_enable_x64 else jnp.int32)
    words = jax.random.normal(k_w, (VOCAB, HIDDEN), dtype=jnp.float32) * 0.02
    pos_table = jax.random.normal(k_p, (MAX_POS, HIDDEN), dtype=jnp.float32) * 0.02
    return {"input_ids": input_ids, "words": words, "pos_table": pos_table}


def reference(input_ids, words, pos_table):
    # EmbeddingBlock.forward with is_training=False (dropout is identity)
    seq_length = input_ids.shape[1]
    start_idx = 0
    pos_ids = jnp.arange(start_idx, start_idx + seq_length)
    pos_ids = jnp.broadcast_to(pos_ids[None, :], input_ids.shape)
    words_embedding = jnp.take(words, input_ids, axis=0)
    position_embeddings = jnp.take(pos_table, pos_ids, axis=0)
    embeddings = words_embedding + position_embeddings
    return embeddings

if __name__ == "__main__":
    import jax
    _d = setup_inputs()
    print(jax.jit(kernel)(*tuple(_d.values())))

</pallas_src>

<mosaic_0001>
#map = affine_map<(d0, d1) -> (0)>
#map1 = affine_map<(d0, d1) -> (0, 0)>
module attributes {stable_mosaic.version = 14 : i64} {
  func.func @_emb_body(%arg0: i32, %arg1: i32, %arg2: memref<204800xi32, #tpu.memory_space<hbm>>, %arg3: memref<400x64xf32, #tpu.memory_space<hbm>>, %arg4: memref<1000000x64xf32, #tpu.memory_space<hbm>>, %arg5: memref<204800x64xf32, #tpu.memory_space<hbm>>, %arg6: memref<6400xi32, #tpu.memory_space<vmem>>, %arg7: memref<400x64xf32, #tpu.memory_space<vmem>>, %arg8: memref<128x64xf32, #tpu.memory_space<vmem>>, %arg9: memref<128x64xf32, #tpu.memory_space<vmem>>, %arg10: memref<128x64xf32, #tpu.memory_space<vmem>>, %arg11: memref<128x64xf32, #tpu.memory_space<vmem>>, %arg12: memref<128x64xf32, #tpu.memory_space<vmem>>, %arg13: memref<128x64xf32, #tpu.memory_space<vmem>>, %arg14: memref<!tpu.dma_semaphore, #tpu.memory_space<semaphore_mem>>, %arg15: memref<!tpu.dma_semaphore, #tpu.memory_space<semaphore_mem>>, %arg16: memref<!tpu.dma_semaphore, #tpu.memory_space<semaphore_mem>>, %arg17: memref<!tpu.dma_semaphore, #tpu.memory_space<semaphore_mem>>, %arg18: memref<!tpu.dma_semaphore, #tpu.memory_space<semaphore_mem>>, %arg19: memref<!tpu.dma_semaphore, #tpu.memory_space<semaphore_mem>>) attributes {dimension_semantics = [#tpu.dimension_semantics<core_parallel>, #tpu.dimension_semantics<subcore_parallel>], iteration_bounds = array<i64: 2, 16>, scalar_prefetch = 0 : i64, scratch_operands = 14 : i64, tpu.core_type = #tpu.core_type<sc_vector_subcore>, window_params = [{transform_indices = #map}, {transform_indices = #map1}, {transform_indices = #map1}, {transform_indices = #map1}]} {
    %mul3A = arith.constant 2 : i32
    %mul3A_0 = arith.muli %arg1, %mul3A : i32
    %add3A = arith.addi %mul3A_0, %arg0 : i32
    %mul3A_1 = arith.constant 6400 : i32
    %mul3A_2 = arith.muli %add3A, %mul3A_1 : i32
    "tpu.region"() ({
      %run_scoped3A = tpu.sem_alloc : memref<!tpu.dma_semaphore, #tpu.memory_space<semaphore_mem>>
      %dma_start3A_110 = tpu.memref_slice %arg2[%mul3A_2] : memref<204800xi32, #tpu.memory_space<hbm>> -> memref<6400xi32, #tpu.memory_space<hbm>>
      %dma_start3A_111 = tpu.memref_slice %arg2[%mul3A_2] : memref<204800xi32, #tpu.memory_space<hbm>> -> memref<6400xi32, #tpu.memory_space<hbm>>
      tpu.enqueue_dma source(%dma_start3A_111 : memref<6400xi32, #tpu.memory_space<hbm>>) target(%arg6 : memref<6400xi32, #tpu.memory_space<vmem>>) target_semaphore(%run_scoped3A : memref<!tpu.dma_semaphore, #tpu.memory_space<semaphore_mem>>)
      %dma_wait3A_112 = tpu.memref_slice %arg2[%mul3A_2] : memref<204800xi32, #tpu.memory_space<hbm>> -> memref<6400xi32, #tpu.memory_space<hbm>>
      %dma_wait3A_113 = tpu.memref_slice %arg2[%mul3A_2] : memref<204800xi32, #tpu.memory_space<hbm>> -> memref<6400xi32, #tpu.memory_space<hbm>>
      tpu.wait_dma2 semaphore(%run_scoped3A : memref<!tpu.dma_semaphore, #tpu.memory_space<semaphore_mem>>) src(%dma_wait3A_113 : memref<6400xi32, #tpu.memory_space<hbm>>) dst(%arg6 : memref<6400xi32, #tpu.memory_space<vmem>>)
      tpu.yield
    }) : () -> ()
    "tpu.region"() ({
      %run_scoped3A = tpu.sem_alloc : memref<!tpu.dma_semaphore, #tpu.memory_space<semaphore_mem>>
      tpu.enqueue_dma source(%arg3 : memref<400x64xf32, #tpu.memory_space<hbm>>) target(%arg7 : memref<400x64xf32, #tpu.memory_space<vmem>>) target_semaphore(%run_scoped3A : memref<!tpu.dma_semaphore, #tpu.memory_space<semaphore_mem>>)
      tpu.wait_dma2 semaphore(%run_scoped3A : memref<!tpu.dma_semaphore, #tpu.memory_space<semaphore_mem>>) src(%arg3 : memref<400x64xf32, #tpu.memory_space<hbm>>) dst(%arg7 : memref<400x64xf32, #tpu.memory_space<vmem>>)
      tpu.yield
    }) : () -> ()
    %dma_start3A = arith.constant 0 : i32
    %dma_start3A_3 = tpu.memref_slice %arg6[%dma_start3A] : memref<6400xi32, #tpu.memory_space<vmem>> -> memref<128xi32, #tpu.memory_space<vmem>>
    %dma_start3A_4 = arith.constant 0 : i32
    %dma_start3A_5 = arith.constant 0 : i32
    %dma_start3A_6 = tpu.memref_slice %arg4[%dma_start3A_4, %dma_start3A_5] : memref<1000000x64xf32, #tpu.memory_space<hbm>> -> memref<1000000x64xf32, #tpu.memory_space<hbm>>
    tpu.enqueue_indirect_dma source(%dma_start3A_6 : memref<1000000x64xf32, #tpu.memory_space<hbm>>) target(%arg8 : memref<128x64xf32, #tpu.memory_space<vmem>>) offsets(%dma_start3A_3 : memref<128xi32, #tpu.memory_space<vmem>>) semaphore(%arg14 : memref<!tpu.dma_semaphore, #tpu.memory_space<semaphore_mem>>)
    %dma_start3A_7 = arith.constant 128 : i32
    %dma_start3A_8 = tpu.memref_slice %arg6[%dma_start3A_7] : memref<6400xi32, #tpu.memory_space<vmem>> -> memref<128xi32, #tpu.memory_space<vmem>>
    %dma_start3A_9 = arith.constant 0 : i32
    %dma_start3A_10 = arith.constant 0 : i32
    %dma_start3A_11 = tpu.memref_slice %arg4[%dma_start3A_9, %dma_start3A_10] : memref<1000000x64xf32, #tpu.memory_space<hbm>> -> memref<1000000x64xf32, #tpu.memory_space<hbm>>
    tpu.enqueue_indirect_dma source(%dma_start3A_11 : memref<1000000x64xf32, #tpu.memory_space<hbm>>) target(%arg9 : memref<128x64xf32, #tpu.memory_space<vmem>>) offsets(%dma_start3A_8 : memref<128xi32, #tpu.memory_space<vmem>>) semaphore(%arg15 : memref<!tpu.dma_semaphore, #tpu.memory_space<semaphore_mem>>)
    %dma_start3A_12 = arith.constant 256 : i32
    %dma_start3A_13 = tpu.memref_slice %arg6[%dma_start3A_12] : memref<6400xi32, #tpu.memory_space<vmem>> -> memref<128xi32, #tpu.memory_space<vmem>>
    %dma_start3A_14 = arith.constant 0 : i32
    %dma_start3A_15 = arith.constant 0 : i32
    %dma_start3A_16 = tpu.memref_slice %arg4[%dma_start3A_14, %dma_start3A_15] : memref<1000000x64xf32, #tpu.memory_space<hbm>> -> memref<1000000x64xf32, #tpu.memory_space<hbm>>
    tpu.enqueue_indirect_dma source(%dma_start3A_16 : memref<1000000x64xf32, #tpu.memory_space<hbm>>) target(%arg10 : memref<128x64xf32, #tpu.memory_space<vmem>>) offsets(%dma_start3A_13 : memref<128xi32, #tpu.memory_space<vmem>>) semaphore(%arg16 : memref<!tpu.dma_semaphore, #tpu.memory_space<semaphore_mem>>)
    %dma_start3A_17 = arith.constant 384 : i32
    %dma_start3A_18 = tpu.memref_slice %arg6[%dma_start3A_17] : memref<6400xi32, #tpu.memory_space<vmem>> -> memref<128xi32, #tpu.memory_space<vmem>>
    %dma_start3A_19 = arith.constant 0 : i32
    %dma_start3A_20 = arith.constant 0 : i32
    %dma_start3A_21 = tpu.memref_slice %arg4[%dma_start3A_19, %dma_start3A_20] : memref<1000000x64xf32, #tpu.memory_space<hbm>> -> memref<1000000x64xf32, #tpu.memory_space<hbm>>
    tpu.enqueue_indirect_dma source(%dma_start3A_21 : memref<1000000x64xf32, #tpu.memory_space<hbm>>) target(%arg11 : memref<128x64xf32, #tpu.memory_space<vmem>>) offsets(%dma_start3A_18 : memref<128xi32, #tpu.memory_space<vmem>>) semaphore(%arg17 : memref<!tpu.dma_semaphore, #tpu.memory_space<semaphore_mem>>)
    %scan3A = arith.constant 0 : i32
    %scan3A_22 = arith.constant 12 : i32
    %scan3A_23 = arith.addi %scan3A, %scan3A_22 : i32
    %scan3A_24 = arith.constant 1 : i32
    scf.for %scan3A_110 = %scan3A to %scan3A_23 step %scan3A_24  : i32 {
      %mul3A_111 = arith.constant 4 : i32
      %mul3A_112 = arith.muli %mul3A_111, %scan3A_110 : i32
      %add3A_113 = arith.constant 0 : i32
      %add3A_114 = arith.addi %mul3A_112, %add3A_113 : i32
      %dma_wait3A_115 = arith.constant 0 : i32
      %dma_wait3A_116 = tpu.memref_slice %arg6[%dma_wait3A_115] : memref<6400xi32, #tpu.memory_space<vmem>> -> memref<128xi32, #tpu.memory_space<vmem>>
      %dma_wait3A_117 = arith.constant 0 : i32
      %dma_wait3A_118 = arith.constant 0 : i32
      %dma_wait3A_119 = tpu.memref_slice %arg4[%dma_wait3A_117, %dma_wait3A_118] : memref<1000000x64xf32, #tpu.memory_space<hbm>> -> memref<1000000x64xf32, #tpu.memory_space<hbm>>
      tpu.wait_indirect_dma semaphore(%arg14 : memref<!tpu.dma_semaphore, #tpu.memory_space<semaphore_mem>>) src(%dma_wait3A_119 : memref<1000000x64xf32, #tpu.memory_space<hbm>>) dst(%arg8 : memref<128x64xf32, #tpu.memory_space<vmem>>)
      %ge3A_120 = arith.constant 2 : i32
      %ge3A_121 = arith.cmpi sge, %add3A_114, %ge3A_120 : i32
      %convert_element_type3A_122 = arith.extui %ge3A_121 : i1 to i32
      %cond3A_123 = arith.constant 0 : i32
      %cond3A_124 = arith.cmpi ne, %convert_element_type3A_122, %cond3A_123 : i32
      scf.if %cond3A_124 {
        %mul3A_253 = arith.constant 128 : i32
        %mul3A_254 = arith.muli %add3A_114, %mul3A_253 : i32
        %add3A_255 = arith.addi %mul3A_2, %mul3A_254 : i32
        %dma_wait3A_256 = arith.constant 0 : i32
        %dma_wait3A_257 = tpu.memref_slice %arg5[%add3A_255, %dma_wait3A_256] : memref<204800x64xf32, #tpu.memory_space<hbm>> -> memref<128x64xf32, #tpu.memory_space<hbm>>
        %dma_wait3A_258 = arith.constant 0 : i32
        %dma_wait3A_259 = tpu.memref_slice %arg5[%add3A_255, %dma_wait3A_258] : memref<204800x64xf32, #tpu.memory_space<hbm>> -> memref<128x64xf32, #tpu.memory_space<hbm>>
        tpu.wait_dma2 semaphore(%arg18 : memref<!tpu.dma_semaphore, #tpu.memory_space<semaphore_mem>>) src(%arg12 : memref<128x64xf32, #tpu.memory_space<vmem>>) dst(%dma_wait3A_259 : memref<128x64xf32, #tpu.memory_space<hbm>>)
      } else {
      }
      %mul3A_125 = arith.constant 128 : i32
      %mul3A_126 = arith.muli %add3A_114, %mul3A_125 : i32
      %rem3A_127 = arith.constant 200 : i32
      %rem3A_128 = arith.remsi %mul3A_126, %rem3A_127 : i32
      %scan3A_129 = arith.constant 0 : i32
      %scan3A_130 = arith.constant 128 : i32
      %scan3A_131 = arith.addi %scan3A_129, %scan3A_130 : i32
      %scan3A_132 = arith.constant 8 : i32
      scf.for %scan3A_253 = %scan3A_129 to %scan3A_131 step %scan3A_132  : i32 {
        %add3A_254 = arith.addi %rem3A_128, %scan3A_253 : i32
        %get3A = arith.index_cast %scan3A_253 : i32 to index
        %get3A_255 = arith.constant 0 : index
        %get3A_256 = tpu.vector_load %arg8[%get3A, %get3A_255] {strides = array<i32>} : memref<128x64xf32, #tpu.memory_space<vmem>>, vector<1x16xf32>,
        %get3A_257 = vector.shape_cast %get3A_256 : vector<1x16xf32> to vector<16xf32>
        %get3A_258 = arith.index_cast %add3A_254 : i32 to index
        %get3A_259 = arith.constant 0 : index
        %get3A_260 = tpu.vector_load %arg7[%get3A_258, %get3A_259] {strides = array<i32>} : memref<400x64xf32, #tpu.memory_space<vmem>>, vector<1x16xf32>,
        %get3A_261 = vector.shape_cast %get3A_260 : vector<1x16xf32> to vector<16xf32>
        %add3A_262 = arith.addf %get3A_257, %get3A_261 : vector<16xf32>
        %swap3A = arith.index_cast %scan3A_253 : i32 to index
        %swap3A_263 = arith.constant 0 : index
        %swap3A_264 = tpu.vector_load %arg12[%swap3A, %swap3A_263] {strides = array<i32>} : memref<128x64xf32, #tpu.memory_space<vmem>>, vector<1x16xf32>,
        %swap3A_265 = vector.shape_cast %swap3A_264 : vector<1x16xf32> to vector<16xf32>
        %swap3A_266 = vector.shape_cast %add3A_262 : vector<16xf32> to vector<1x16xf32>
        tpu.vector_store %arg12[%swap3A, %swap3A_263], %swap3A_266 {strides = array<i32>} : memref<128x64xf32, #tpu.memory_space<vmem>>, vector<1x16xf32>,
        %get3A_267 = arith.index_cast %scan3A_253 : i32 to index
        %get3A_268 = arith.constant 16 : index
        %get3A_269 = tpu.vector_load %arg8[%get3A_267, %get3A_268] {strides = array<i32>} : memref<128x64xf32, #tpu.memory_space<vmem>>, vector<1x16xf32>,
        %get3A_270 = vector.shape_cast %get3A_269 : vector<1x16xf32> to vector<16xf32>
        %get3A_271 = arith.index_cast %add3A_254 : i32 to index
        %get3A_272 = arith.constant 16 : index
        %get3A_273 = tpu.vector_load %arg7[%get3A_271, %get3A_272] {strides = array<i32>} : memref<400x64xf32, #tpu.memory_space<vmem>>, vector<1x16xf32>,
        %get3A_274 = vector.shape_cast %get3A_273 : vector<1x16xf32> to vector<16xf32>
        %add3A_275 = arith.addf %get3A_270, %get3A_274 : vector<16xf32>
        %swap3A_276 = arith.index_cast %scan3A_253 : i32 to index
        %swap3A_277 = arith.constant 16 : index
        %swap3A_278 = tpu.vector_load %arg12[%swap3A_276, %swap3A_277] {strides = array<i32>} : memref<128x64xf32, #tpu.memory_space<vmem>>, vector<1x16xf32>,
        %swap3A_279 = vector.shape_cast %swap3A_278 : vector<1x16xf32> to vector<16xf32>
        %swap3A_280 = vector.shape_cast %add3A_275 : vector<16xf32> to vector<1x16xf32>
        tpu.vector_store %arg12[%swap3A_276, %swap3A_277], %swap3A_280 {strides = array<i32>} : memref<128x64xf32, #tpu.memory_space<vmem>>, vector<1x16xf32>,
        %get3A_281 = arith.index_cast %scan3A_253 : i32 to index
        %get3A_282 = arith.constant 32 : index
        %get3A_283 = tpu.vector_load %arg8[%get3A_281, %get3A_282] {strides = array<i32>} : memref<128x64xf32, #tpu.memory_space<vmem>>, vector<1x16xf32>,
        %get3A_284 = vector.shape_cast %get3A_283 : vector<1x16xf32> to vector<16xf32>
        %get3A_285 = arith.index_cast %add3A_254 : i32 to index
        %get3A_286 = arith.constant 32 : index
        %get3A_287 = tpu.vector_load %arg7[%get3A_285, %get3A_286] {strides = array<i32>} : memref<400x64xf32, #tpu.memory_space<vmem>>, vector<1x16xf32>,
        %get3A_288 = vector.shape_cast %get3A_287 : vector<1x16xf32> to vector<16xf32>
        %add3A_289 = arith.addf %get3A_284, %get3A_288 : vector<16xf32>
        %swap3A_290 = arith.index_cast %scan3A_253 : i32 to index
        %swap3A_291 = arith.constant 32 : index
        %swap3A_292 = tpu.vector_load %arg12[%swap3A_290, %swap3A_291] {strides = array<i32>} : memref<128x64xf32, #tpu.memory_space<vmem>>, vector<1x16xf32>,
        %swap3A_293 = vector.shape_cast %swap3A_292 : vector<1x16xf32> to vector<16xf32>
        %swap3A_294 = vector.shape_cast %add3A_289 : vector<16xf32> to vector<1x16xf32>
        tpu.vector_store %arg12[%swap3A_290, %swap3A_291], %swap3A_294 {strides = array<i32>} : memref<128x64xf32, #tpu.memory_space<vmem>>, vector<1x16xf32>,
        %get3A_295 = arith.index_cast %scan3A_253 : i32 to index
        %get3A_296 = arith.constant 48 : index
        %get3A_297 = tpu.vector_load %arg8[%get3A_295, %get3A_296] {strides = array<i32>} : memref<128x64xf32, #tpu.memory_space<vmem>>, vector<1x16xf32>,
        %get3A_298 = vector.shape_cast %get3A_297 : vector<1x16xf32> to vector<16xf32>
        %get3A_299 = arith.index_cast %add3A_254 : i32 to index
        %get3A_300 = arith.constant 48 : index
        %get3A_301 = tpu.vector_load %arg7[%get3A_299, %get3A_300] {strides = array<i32>} : memref<400x64xf32, #tpu.memory_space<vmem>>, vector<1x16xf32>,
        %get3A_302 = vector.shape_cast %get3A_301 : vector<1x16xf32> to vector<16xf32>
        %add3A_303 = arith.addf %get3A_298, %get3A_302 : vector<16xf32>
        %swap3A_304 = arith.index_cast %scan3A_253 : i32 to index
        %swap3A_305 = arith.constant 48 : index
        %swap3A_306 = tpu.vector_load %arg12[%swap3A_304, %swap3A_305] {strides = array<i32>} : memref<128x64xf32, #tpu.memory_space<vmem>>, vector<1x16xf32>,
        %swap3A_307 = vector.shape_cast %swap3A_306 : vector<1x16xf32> to vector<16xf32>
        %swap3A_308 = vector.shape_cast %add3A_303 : vector<16xf32> to vector<1x16xf32>
        tpu.vector_store %arg12[%swap3A_304, %swap3A_305], %swap3A_308 {strides = array<i32>} : memref<128x64xf32, #tpu.memory_space<vmem>>, vector<1x16xf32>,
        %scan3A_309 = arith.constant 1 : i32
        %scan3A_310 = arith.addi %scan3A_253, %scan3A_309 : i32
        %add3A_311 = arith.addi %rem3A_128, %scan3A_310 : i32
        %get3A_312 = arith.index_cast %scan3A_310 : i32 to index
        %get3A_313 = arith.constant 0 : index
        %get3A_314 = tpu.vector_load %arg8[%get3A_312, %get3A_313] {strides = array<i32>} : memref<128x64xf32, #tpu.memory_space<vmem>>, vector<1x16xf32>,
        %get3A_315 = vector.shape_cast %get3A_314 : vector<1x16xf32> to vector<16xf32>
        %get3A_316 = arith.index_cast %add3A_311 : i32 to index
        %get3A_317 = arith.constant 0 : index
        %get3A_318 = tpu.vector_load %arg7[%get3A_316, %get3A_317] {strides = array<i32>} : memref<400x64xf32, #tpu.memory_space<vmem>>, vector<1x16xf32>,
        %get3A_319 = vector.shape_cast %get3A_318 : vector<1x16xf32> to vector<16xf32>
        %add3A_320 = arith.addf %get3A_315, %get3A_319 : vector<16xf32>
        %swap3A_321 = arith.index_cast %scan3A_310 : i32 to index
        %swap3A_322 = arith.constant 0 : index
        %swap3A_323 = tpu.vector_load %arg12[%swap3A_321, %swap3A_322] {strides = array<i32>} : memref<128x64xf32, #tpu.memory_space<vmem>>, vector<1x16xf32>,
        %swap3A_324 = vector.shape_cast %swap3A_323 : vector<1x16xf32> to vector<16xf32>
        %swap3A_325 = vector.shape_cast %add3A_320 : vector<16xf32> to vector<1x16xf32>
        tpu.vector_store %arg12[%swap3A_321, %swap3A_322], %swap3A_325 {strides = array<i32>} : memref<128x64xf32, #tpu.memory_space<vmem>>, vector<1x16xf32>,
        %get3A_326 = arith.index_cast %scan3A_310 : i32 to index
        %get3A_327 = arith.constant 16 : index
        %get3A_328 = tpu.vector_load %arg8[%get3A_326, %get3A_327] {strides = array<i32>} : memref<128x64xf32, #tpu.memory_space<vmem>>, vector<1x16xf32>,
        %get3A_329 = vector.shape_cast %get3A_328 : vector<1x16xf32> to vector<16xf32>
        %get3A_330 = arith.index_cast %add3A_311 : i32 to index
        %get3A_331 = arith.constant 16 : index
        %get3A_332 = tpu.vector_load %arg7[%get3A_330, %get3A_331] {strides = array<i32>} : memref<400x64xf32, #tpu.memory_space<vmem>>, vector<1x16xf32>,
        %get3A_333 = vector.shape_cast %get3A_332 : vector<1x16xf32> to vector<16xf32>
        %add3A_334 = arith.addf %get3A_329, %get3A_333 : vector<16xf32>
        %swap3A_335 = arith.index_cast %scan3A_310 : i32 to index
        %swap3A_336 = arith.constant 16 : index
        %swap3A_337 = tpu.vector_load %arg12[%swap3A_335, %swap3A_336] {strides = array<i32>} : memref<128x64xf32, #tpu.memory_space<vmem>>, vector<1x16xf32>,
        %swap3A_338 = vector.shape_cast %swap3A_337 : vector<1x16xf32> to vector<16xf32>
        %swap3A_339 = vector.shape_cast %add3A_334 : vector<16xf32> to vector<1x16xf32>
        tpu.vector_store %arg12[%swap3A_335, %swap3A_336], %swap3A_339 {strides = array<i32>} : memref<128x64xf32, #tpu.memory_space<vmem>>, vector<1x16xf32>,
        %get3A_340 = arith.index_cast %scan3A_310 : i32 to index
        %get3A_341 = arith.constant 32 : index
        %get3A_342 = tpu.vector_load %arg8[%get3A_340, %get3A_341] {strides = array<i32>} : memref<128x64xf32, #tpu.memory_space<vmem>>, vector<1x16xf32>,
        %get3A_343 = vector.shape_cast %get3A_342 : vector<1x16xf32> to vector<16xf32>
        %get3A_344 = arith.index_cast %add3A_311 : i32 to index
        %get3A_345 = arith.constant 32 : index
        %get3A_346 = tpu.vector_load %arg7[%get3A_344, %get3A_345] {strides = array<i32>} : memref<400x64xf32, #tpu.memory_space<vmem>>, vector<1x16xf32>,
        %get3A_347 = vector.shape_cast %get3A_346 : vector<1x16xf32> to vector<16xf32>
        %add3A_348 = arith.addf %get3A_343, %get3A_347 : vector<16xf32>
        %swap3A_349 = arith.index_cast %scan3A_310 : i32 to index
        %swap3A_350 = arith.constant 32 : index
        %swap3A_351 = tpu.vector_load %arg12[%swap3A_349, %swap3A_350] {strides = array<i32>} : memref<128x64xf32, #tpu.memory_space<vmem>>, vector<1x16xf32>,
        %swap3A_352 = vector.shape_cast %swap3A_351 : vector<1x16xf32> to vector<16xf32>
        %swap3A_353 = vector.shape_cast %add3A_348 : vector<16xf32> to vector<1x16xf32>
        tpu.vector_store %arg12[%swap3A_349, %swap3A_350], %swap3A_353 {strides = array<i32>} : memref<128x64xf32, #tpu.memory_space<vmem>>, vector<1x16xf32>,
        %get3A_354 = arith.index_cast %scan3A_310 : i32 to index
        %get3A_355 = arith.constant 48 : index
        %get3A_356 = tpu.vector_load %arg8[%get3A_354, %get3A_355] {strides = array<i32>} : memref<128x64xf32, #tpu.memory_space<vmem>>, vector<1x16xf32>,
        %get3A_357 = vector.shape_cast %get3A_356 : vector<1x16xf32> to vector<16xf32>
        %get3A_358 = arith.index_cast %add3A_311 : i32 to index
        %get3A_359 = arith.constant 48 : index
        %get3A_360 = tpu.vector_load %arg7[%get3A_358, %get3A_359] {strides = array<i32>} : memref<400x64xf32, #tpu.memory_space<vmem>>, vector<1x16xf32>,
        %get3A_361 = vector.shape_cast %get3A_360 : vector<1x16xf32> to vector<16xf32>
        %add3A_362 = arith.addf %get3A_357, %get3A_361 : vector<16xf32>
        %swap3A_363 = arith.index_cast %scan3A_310 : i32 to index
        %swap3A_364 = arith.constant 48 : index
        %swap3A_365 = tpu.vector_load %arg12[%swap3A_363, %swap3A_364] {strides = array<i32>} : memref<128x64xf32, #tpu.memory_space<vmem>>, vector<1x16xf32>,
        %swap3A_366 = vector.shape_cast %swap3A_365 : vector<1x16xf32> to vector<16xf32>
        %swap3A_367 = vector.shape_cast %add3A_362 : vector<16xf32> to vector<1x16xf32>
        tpu.vector_store %arg12[%swap3A_363, %swap3A_364], %swap3A_367 {strides = array<i32>} : memref<128x64xf32, #tpu.memory_space<vmem>>, vector<1x16xf32>,
        %scan3A_368 = arith.constant 2 : i32
        %scan3A_369 = arith.addi %scan3A_253, %scan3A_368 : i32
        %add3A_370 = arith.addi %rem3A_128, %scan3A_369 : i32
        %get3A_371 = arith.index_cast %scan3A_369 : i32 to index
        %get3A_372 = arith.constant 0 : index
        %get3A_373 = tpu.vector_load %arg8[%get3A_371, %get3A_372] {strides = array<i32>} : memref<128x64xf32, #tpu.memory_space<vmem>>, vector<1x16xf32>,
        %get3A_374 = vector.shape_cast %get3A_373 : vector<1x16xf32> to vector<16xf32>
        %get3A_375 = arith.index_cast %add3A_370 : i32 to index
        %get3A_376 = arith.constant 0 : index
        %get3A_377 = tpu.vector_load %arg7[%get3A_375, %get3A_376] {strides = array<i32>} : memref<400x64xf32, #tpu.memory_space<vmem>>, vector<1x16xf32>,
        %get3A_378 = vector.shape_cast %get3A_377 : vector<1x16xf32> to vector<16xf32>
        %add3A_379 = arith.addf %get3A_374, %get3A_378 : vector<16xf32>
        %swap3A_380 = arith.index_cast %scan3A_369 : i32 to index
        %swap3A_381 = arith.constant 0 : index
        %swap3A_382 = tpu.vector_load %arg12[%swap3A_380, %swap3A_381] {strides = array<i32>} : memref<128x64xf32, #tpu.memory_space<vmem>>, vector<1x16xf32>,
        %swap3A_383 = vector.shape_cast %swap3A_382 : vector<1x16xf32> to vector<16xf32>
        %swap3A_384 = vector.shape_cast %add3A_379 : vector<16xf32> to vector<1x16xf32>
        tpu.vector_store %arg12[%swap3A_380, %swap3A_381], %swap3A_384 {strides = array<i32>} : memref<128x64xf32, #tpu.memory_space<vmem>>, vector<1x16xf32>,
        %get3A_385 = arith.index_cast %scan3A_369 : i32 to index
        %get3A_386 = arith.constant 16 : index
        %get3A_387 = tpu.vector_load %arg8[%get3A_385, %get3A_386] {strides = array<i32>} : memref<128x64xf32, #tpu.memory_space<vmem>>, vector<1x16xf32>,
        %get3A_388 = vector.shape_cast %get3A_387 : vector<1x16xf32> to vector<16xf32>
        %get3A_389 = arith.index_cast %add3A_370 : i32 to index
        %get3A_390 = arith.constant 16 : index
        %get3A_391 = tpu.vector_load %arg7[%get3A_389, %get3A_390] {strides = array<i32>} : memref<400x64xf32, #tpu.memory_space<vmem>>, vector<1x16xf32>,
        %get3A_392 = vector.shape_cast %get3A_391 : vector<1x16xf32> to vector<16xf32>
        %add3A_393 = arith.addf %get3A_388, %get3A_392 : vector<16xf32>
        %swap3A_394 = arith.index_cast %scan3A_369 : i32 to index
        %swap3A_395 = arith.constant 16 : index
        %swap3A_396 = tpu.vector_load %arg12[%swap3A_394, %swap3A_395] {strides = array<i32>} : memref<128x64xf32, #tpu.memory_space<vmem>>, vector<1x16xf32>,
        %swap3A_397 = vector.shape_cast %swap3A_396 : vector<1x16xf32> to vector<16xf32>
        %swap3A_398 = vector.shape_cast %add3A_393 : vector<16xf32> to vector<1x16xf32>
        tpu.vector_store %arg12[%swap3A_394, %swap3A_395], %swap3A_398 {strides = array<i32>} : memref<128x64xf32, #tpu.memory_space<vmem>>, vector<1x16xf32>,
        %get3A_399 = arith.index_cast %scan3A_369 : i32 to index
        %get3A_400 = arith.constant 32 : index
        %get3A_401 = tpu.vector_load %arg8[%get3A_399, %get3A_400] {strides = array<i32>} : memref<128x64xf32, #tpu.memory_space<vmem>>, vector<1x16xf32>,
        %get3A_402 = vector.shape_cast %get3A_401 : vector<1x16xf32> to vector<16xf32>
        %get3A_403 = arith.index_cast %add3A_370 : i32 to index
        %get3A_404 = arith.constant 32 : index
        %get3A_405 = tpu.vector_load %arg7[%get3A_403, %get3A_404] {strides = array<i32>} : memref<400x64xf32, #tpu.memory_space<vmem>>, vector<1x16xf32>,
        %get3A_406 = vector.shape_cast %get3A_405 : vector<1x16xf32> to vector<16xf32>
        %add3A_407 = arith.addf %get3A_402, %get3A_406 : vector<16xf32>
        %swap3A_408 = arith.index_cast %scan3A_369 : i32 to index
        %swap3A_409 = arith.constant 32 : index
        %swap3A_410 = tpu.vector_load %arg12[%swap3A_408, %swap3A_409] {strides = array<i32>} : memref<128x64xf32, #tpu.memory_space<vmem>>, vector<1x16xf32>,
        %swap3A_411 = vector.shape_cast %swap3A_410 : vector<1x16xf32> to vector<16xf32>
        %swap3A_412 = vector.shape_cast %add3A_407 : vector<16xf32> to vector<1x16xf32>
        tpu.vector_store %arg12[%swap3A_408, %swap3A_409], %swap3A_412 {strides = array<i32>} : memref<128x64xf32, #tpu.memory_space<vmem>>, vector<1x16xf32>,
        %get3A_413 = arith.index_cast %scan3A_369 : i32 to index
        %get3A_414 = arith.constant 48 : index
        %get3A_415 = tpu.vector_load %arg8[%get3A_413, %get3A_414] {strides = array<i32>} : memref<128x64xf32, #tpu.memory_space<vmem>>, vector<1x16xf32>,
        %get3A_416 = vector.shape_cast %get3A_415 : vector<1x16xf32> to vector<16xf32>
        %get3A_417 = arith.index_cast %add3A_370 : i32 to index
        %get3A_418 = arith.constant 48 : index
        %get3A_419 = tpu.vector_load %arg7[%get3A_417, %get3A_418] {strides = array<i32>} : memref<400x64xf32, #tpu.memory_space<vmem>>, vector<1x16xf32>,
        %get3A_420 = vector.shape_cast %get3A_419 : vector<1x16xf32> to vector<16xf32>
        %add3A_421 = arith.addf %get3A_416, %get3A_420 : vector<16xf32>
        %swap3A_422 = arith.index_cast %scan3A_369 : i32 to index
        %swap3A_423 = arith.constant 48 : index
        %swap3A_424 = tpu.vector_load %arg12[%swap3A_422, %swap3A_423] {strides = array<i32>} : memref<128x64xf32, #tpu.memory_space<vmem>>, vector<1x16xf32>,
        %swap3A_425 = vector.shape_cast %swap3A_424 : vector<1x16xf32> to vector<16xf32>
        %swap3A_426 = vector.shape_cast %add3A_421 : vector<16xf32> to vector<1x16xf32>
        tpu.vector_store %arg12[%swap3A_422, %swap3A_423], %swap3A_426 {strides = array<i32>} : memref<128x64xf32, #tpu.memory_space<vmem>>, vector<1x16xf32>,
        %scan3A_427 = arith.constant 3 : i32
        %scan3A_428 = arith.addi %scan3A_253, %scan3A_427 : i32
        %add3A_429 = arith.addi %rem3A_128, %scan3A_428 : i32
        %get3A_430 = arith.index_cast %scan3A_428 : i32 to index
        %get3A_431 = arith.constant 0 : index
        %get3A_432 = tpu.vector_load %arg8[%get3A_430, %get3A_431] {strides = array<i32>} : memref<128x64xf32, #tpu.memory_space<vmem>>, vector<1x16xf32>,
        %get3A_433 = vector.shape_cast %get3A_432 : vector<1x16xf32> to vector<16xf32>
        %get3A_434 = arith.index_cast %add3A_429 : i32 to index
        %get3A_435 = arith.constant 0 : index
        %get3A_436 = tpu.vector_load %arg7[%get3A_434, %get3A_435] {strides = array<i32>} : memref<400x64xf32, #tpu.memory_space<vmem>>, vector<1x16xf32>,
        %get3A_437 = vector.shape_cast %get3A_436 : vector<1x16xf32> to vector<16xf32>
        %add3A_438 = arith.addf %get3A_433, %get3A_437 : vector<16xf32>
        %swap3A_439 = arith.index_cast %scan3A_428 : i32 to index
        %swap3A_440 = arith.constant 0 : index
        %swap3A_441 = tpu.vector_load %arg12[%swap3A_439, %swap3A_440] {strides = array<i32>} : memref<128x64xf32, #tpu.memory_space<vmem>>, vector<1x16xf32>,
        %swap3A_442 = vector.shape_cast %swap3A_441 : vector<1x16xf32> to vector<16xf32>
        %swap3A_443 = vector.shape_cast %add3A_438 : vector<16xf32> to vector<1x16xf32>
        tpu.vector_store %arg12[%swap3A_439, %swap3A_440], %swap3A_443 {strides = array<i32>} : memref<128x64xf32, #tpu.memory_space<vmem>>, vector<1x16xf32>,
        %get3A_444 = arith.index_cast %scan3A_428 : i32 to index
        %get3A_445 = arith.constant 16 : index
        %get3A_446 = tpu.vector_load %arg8[%get3A_444, %get3A_445] {strides = array<i32>} : memref<128x64xf32, #tpu.memory_space<vmem>>, vector<1x16xf32>,
        %get3A_447 = vector.shape_cast %get3A_446 : vector<1x16xf32> to vector<16xf32>
        %get3A_448 = arith.index_cast %add3A_429 : i32 to index
        %get3A_449 = arith.constant 16 : index
        %get3A_450 = tpu.vector_load %arg7[%get3A_448, %get3A_449] {strides = array<i32>} : memref<400x64xf32, #tpu.memory_space<vmem>>, vector<1x16xf32>,
        %get3A_451 = vector.shape_cast %get3A_450 : vector<1x16xf32> to vector<16xf32>
        %add3A_452 = arith.addf %get3A_447, %get3A_451 : vector<16xf32>
        %swap3A_453 = arith.index_cast %scan3A_428 : i32 to index
        %swap3A_454 = arith.constant 16 : index
        %swap3A_455 = tpu.vector_load %arg12[%swap3A_453, %swap3A_454] {strides = array<i32>} : memref<128x64xf32, #tpu.memory_space<vmem>>, vector<1x16xf32>,
        %swap3A_456 = vector.shape_cast %swap3A_455 : vector<1x16xf32> to vector<16xf32>
        %swap3A_457 = vector.shape_cast %add3A_452 : vector<16xf32> to vector<1x16xf32>
        tpu.vector_store %arg12[%swap3A_453, %swap3A_454], %swap3A_457 {strides = array<i32>} : memref<128x64xf32, #tpu.memory_space<vmem>>, vector<1x16xf32>,
        %get3A_458 = arith.index_cast %scan3A_428 : i32 to index
        %get3A_459 = arith.constant 32 : index
        %get3A_460 = tpu.vector_load %arg8[%get3A_458, %get3A_459] {strides = array<i32>} : memref<128x64xf32, #tpu.memory_space<vmem>>, vector<1x16xf32>,
        %get3A_461 = vector.shape_cast %get3A_460 : vector<1x16xf32> to vector<16xf32>
        %get3A_462 = arith.index_cast %add3A_429 : i32 to index
        %get3A_463 = arith.constant 32 : index
        %get3A_464 = tpu.vector_load %arg7[%get3A_462, %get3A_463] {strides = array<i32>} : memref<400x64xf32, #tpu.memory_space<vmem>>, vector<1x16xf32>,
        %get3A_465 = vector.shape_cast %get3A_464 : vector<1x16xf32> to vector<16xf32>
        %add3A_466 = arith.addf %get3A_461, %get3A_465 : vector<16xf32>
        %swap3A_467 = arith.index_cast %scan3A_428 : i32 to index
        %swap3A_468 = arith.constant 32 : index
        %swap3A_469 = tpu.vector_load %arg12[%swap3A_467, %swap3A_468] {strides = array<i32>} : memref<128x64xf32, #tpu.memory_space<vmem>>, vector<1x16xf32>,
        %swap3A_470 = vector.shape_cast %swap3A_469 : vector<1x16xf32> to vector<16xf32>
        %swap3A_471 = vector.shape_cast %add3A_466 : vector<16xf32> to vector<1x16xf32>
        tpu.vector_store %arg12[%swap3A_467, %swap3A_468], %swap3A_471 {strides = array<i32>} : memref<128x64xf32, #tpu.memory_space<vmem>>, vector<1x16xf32>,
        %get3A_472 = arith.index_cast %scan3A_428 : i32 to index
        %get3A_473 = arith.constant 48 : index
        %get3A_474 = tpu.vector_load %arg8[%get3A_472, %get3A_473] {strides = array<i32>} : memref<128x64xf32, #tpu.memory_space<vmem>>, vector<1x16xf32>,
        %get3A_475 = vector.shape_cast %get3A_474 : vector<1x16xf32> to vector<16xf32>
        %get3A_476 = arith.index_cast %add3A_429 : i32 to index
        %get3A_477 = arith.constant 48 : index
        %get3A_478 = tpu.vector_load %arg7[%get3A_476, %get3A_477] {strides = array<i32>} : memref<400x64xf32, #tpu.memory_space<vmem>>, vector<1x16xf32>,
        %get3A_479 = vector.shape_cast %get3A_478 : vector<1x16xf32> to vector<16xf32>
        %add3A_480 = arith.addf %get3A_475, %get3A_479 : vector<16xf32>
        %swap3A_481 = arith.index_cast %scan3A_428 : i32 to index
        %swap3A_482 = arith.constant 48 : index
        %swap3A_483 = tpu.vector_load %arg12[%swap3A_481, %swap3A_482] {strides = array<i32>} : memref<128x64xf32, #tpu.memory_space<vmem>>, vector<1x16xf32>,
        %swap3A_484 = vector.shape_cast %swap3A_483 : vector<1x16xf32> to vector<16xf32>
        %swap3A_485 = vector.shape_cast %add3A_480 : vector<16xf32> to vector<1x16xf32>
        tpu.vector_store %arg12[%swap3A_481, %swap3A_482], %swap3A_485 {strides = array<i32>} : memref<128x64xf32, #tpu.memory_space<vmem>>, vector<1x16xf32>,
        %scan3A_486 = arith.constant 4 : i32
        %scan3A_487 = arith.addi %scan3A_253, %scan3A_486 : i32
        %add3A_488 = arith.addi %rem3A_128, %scan3A_487 : i32
        %get3A_489 = arith.index_cast %scan3A_487 : i32 to index
        %get3A_490 = arith.constant 0 : index
        %get3A_491 = tpu.vector_load %arg8[%get3A_489, %get3A_490] {strides = array<i32>} : memref<128x64xf32, #tpu.memory_space<vmem>>, vector<1x16xf32>,
        %get3A_492 = vector.shape_cast %get3A_491 : vector<1x16xf32> to vector<16xf32>
        %get3A_493 = arith.index_cast %add3A_488 : i32 to index
        %get3A_494 = arith.constant 0 : index
        %get3A_495 = tpu.vector_load %arg7[%get3A_493, %get3A_494] {strides = array<i32>} : memref<400x64xf32, #tpu.memory_space<vmem>>, vector<1x16xf32>,
        %get3A_496 = vector.shape_cast %get3A_495 : vector<1x16xf32> to vector<16xf32>
        %add3A_497 = arith.addf %get3A_492, %get3A_496 : vector<16xf32>
        %swap3A_498 = arith.index_cast %scan3A_487 : i32 to index
        %swap3A_499 = arith.constant 0 : index
        %swap3A_500 = tpu.vector_load %arg12[%swap3A_498, %swap3A_499] {strides = array<i32>} : memref<128x64xf32, #tpu.memory_space<vmem>>, vector<1x16xf32>,
        %swap3A_501 = vector.shape_cast %swap3A_500 : vector<1x16xf32> to vector<16xf32>
        %swap3A_502 = vector.shape_cast %add3A_497 : vector<16xf32> to vector<1x16xf32>
        tpu.vector_store %arg12[%swap3A_498, %swap3A_499], %swap3A_502 {strides = array<i32>} : memref<128x64xf32, #tpu.memory_space<vmem>>, vector<1x16xf32>,
        %get3A_503 = arith.index_cast %scan3A_487 : i32 to index
        %get3A_504 = arith.constant 16 : index
        %get3A_505 = tpu.vector_load %arg8[%get3A_503, %get3A_504] {strides = array<i32>} : memref<128x64xf32, #tpu.memory_space<vmem>>, vector<1x16xf32>,
        %get3A_506 = vector.shape_cast %get3A_505 : vector<1x16xf32> to vector<16xf32>
        %get3A_507 = arith.index_cast %add3A_488 : i32 to index
        %get3A_508 = arith.constant 16 : index
        %get3A_509 = tpu.vector_load %arg7[%get3A_507, %get3A_508] {strides = array<i32>} : memref<400x64xf32, #tpu.memory_space<vmem>>, vector<1x16xf32>,
        %get3A_510 = vector.shape_cast %get3A_509 : vector<1x16xf32> to vector<16xf32>
        %add3A_511 = arith.addf %get3A_506, %get3A_510 : vector<16xf32>
        %swap3A_512 = arith.index_cast %scan3A_487 : i32 to index
        %swap3A_513 = arith.constant 16 : index
        %swap3A_514 = tpu.vector_load %arg12[%swap3A_512, %swap3A_513] {strides = array<i32>} : memref<128x64xf32, #tpu.memory_space<vmem>>, vector<1x16xf32>,
        %swap3A_515 = vector.shape_cast %swap3A_514 : vector<1x16xf32> to vector<16xf32>
        %swap3A_516 = vector.shape_cast %add3A_511 : vector<16xf32> to vector<1x16xf32>
        tpu.vector_store %arg12[%swap3A_512, %swap3A_513], %swap3A_516 {strides = array<i32>} : memref<128x64xf32, #tpu.memory_space<vmem>>, vector<1x16xf32>,
        %get3A_517 = arith.index_cast %scan3A_487 : i32 to index
        %get3A_518 = arith.constant 32 : index
        %get3A_519 = tpu.vector_load %arg8[%get3A_517, %get3A_518] {strides = array<i32>} : memref<128x64xf32, #tpu.memory_space<vmem>>, vector<1x16xf32>,
        %get3A_520 = vector.shape_cast %get3A_519 : vector<1x16xf32> to vector<16xf32>
        %get3A_521 = arith.index_cast %add3A_488 : i32 to index
        %get3A_522 = arith.constant 32 : index
        %get3A_523 = tpu.vector_load %arg7[%get3A_521, %get3A_522] {strides = array<i32>} : memref<400x64xf32, #tpu.memory_space<vmem>>, vector<1x16xf32>,
        %get3A_524 = vector.shape_cast %get3A_523 : vector<1x16xf32> to vector<16xf32>
        %add3A_525 = arith.addf %get3A_520, %get3A_524 : vector<16xf32>
        %swap3A_526 = arith.index_cast %scan3A_487 : i32 to index
        %swap3A_527 = arith.constant 32 : index
        %swap3A_528 = tpu.vector_load %arg12[%swap3A_526, %swap3A_527] {strides = array<i32>} : memref<128x64xf32, #tpu.memory_space<vmem>>, vector<1x16xf32>,
        %swap3A_529 = vector.shape_cast %swap3A_528 : vector<1x16xf32> to vector<16xf32>
        %swap3A_530 = vector.shape_cast %add3A_525 : vector<16xf32> to vector<1x16xf32>
        tpu.vector_store %arg12[%swap3A_526, %swap3A_527], %swap3A_530 {strides = array<i32>} : memref<128x64xf32, #tpu.memory_space<vmem>>, vector<1x16xf32>,
        %get3A_531 = arith.index_cast %scan3A_487 : i32 to index
        %get3A_532 = arith.constant 48 : index
        %get3A_533 = tpu.vector_load %arg8[%get3A_531, %get3A_532] {strides = array<i32>} : memref<128x64xf32, #tpu.memory_space<vmem>>, vector<1x16xf32>,
        %get3A_534 = vector.shape_cast %get3A_533 : vector<1x16xf32> to vector<16xf32>
        %get3A_535 = arith.index_cast %add3A_488 : i32 to index
        %get3A_536 = arith.constant 48 : index
        %get3A_537 = tpu.vector_load %arg7[%get3A_535, %get3A_536] {strides = array<i32>} : memref<400x64xf32, #tpu.memory_space<vmem>>, vector<1x16xf32>,
        %get3A_538 = vector.shape_cast %get3A_537 : vector<1x16xf32> to vector<16xf32>
        %add3A_539 = arith.addf %get3A_534, %get3A_538 : vector<16xf32>
        %swap3A_540 = arith.index_cast %scan3A_487 : i32 to index
        %swap3A_541 = arith.constant 48 : index
        %swap3A_542 = tpu.vector_load %arg12[%swap3A_540, %swap3A_541] {strides = array<i32>} : memref<128x64xf32, #tpu.memory_space<vmem>>, vector<1x16xf32>,
        %swap3A_543 = vector.shape_cast %swap3A_542 : vector<1x16xf32> to vector<16xf32>
        %swap3A_544 = vector.shape_cast %add3A_539 : vector<16xf32> to vector<1x16xf32>
        tpu.vector_store %arg12[%swap3A_540, %swap3A_541], %swap3A_544 {strides = array<i32>} : memref<128x64xf32, #tpu.memory_space<vmem>>, vector<1x16xf32>,
        %scan3A_545 = arith.constant 5 : i32
        %scan3A_546 = arith.addi %scan3A_253, %scan3A_545 : i32
        %add3A_547 = arith.addi %rem3A_128, %scan3A_546 : i32
        %get3A_548 = arith.index_cast %scan3A_546 : i32 to index
        %get3A_549 = arith.constant 0 : index
        %get3A_550 = tpu.vector_load %arg8[%get3A_548, %get3A_549] {strides = array<i32>} : memref<128x64xf32, #tpu.memory_space<vmem>>, vector<1x16xf32>,
        %get3A_551 = vector.shape_cast %get3A_550 : vector<1x16xf32> to vector<16xf32>
        %get3A_552 = arith.index_cast %add3A_547 : i32 to index
        %get3A_553 = arith.constant 0 : index
        %get3A_554 = tpu.vector_load %arg7[%get3A_552, %get3A_553] {strides = array<i32>} : memref<400x64xf32, #tpu.memory_space<vmem>>, vector<1x16xf32>,
        %get3A_555 = vector.shape_cast %get3A_554 : vector<1x16xf32> to vector<16xf32>
        %add3A_556 = arith.addf %get3A_551, %get3A_555 : vector<16xf32>
        %swap3A_557 = arith.index_cast %scan3A_546 : i32 to index
        %swap3A_558 = arith.constant 0 : index
        %swap3A_559 = tpu.vector_load %arg12[%swap3A_557, %swap3A_558] {strides = array<i32>} : memref<128x64xf32, #tpu.memory_space<vmem>>, vector<1x16xf32>,
        %swap3A_560 = vector.shape_cast %swap3A_559 : vector<1x16xf32> to vector<16xf32>
        %swap3A_561 = vector.shape_cast %add3A_556 : vector<16xf32> to vector<1x16xf32>
        tpu.vector_store %arg12[%swap3A_557, %swap3A_558], %swap3A_561 {strides = array<i32>} : memref<128x64xf32, #tpu.memory_space<vmem>>, vector<1x16xf32>,
        %get3A_562 = arith.index_cast %scan3A_546 : i32 to index
        %get3A_563 = arith.constant 16 : index
        %get3A_564 = tpu.vector_load %arg8[%get3A_562, %get3A_563] {strides = array<i32>} : memref<128x64xf32, #tpu.memory_space<vmem>>, vector<1x16xf32>,
        %get3A_565 = vector.shape_cast %get3A_564 : vector<1x16xf32> to vector<16xf32>
        %get3A_566 = arith.index_cast %add3A_547 : i32 to index
        %get3A_567 = arith.constant 16 : index
        %get3A_568 = tpu.vector_load %arg7[%get3A_566, %get3A_567] {strides = array<i32>} : memref<400x64xf32, #tpu.memory_space<vmem>>, vector<1x16xf32>,
        %get3A_569 = vector.shape_cast %get3A_568 : vector<1x16xf32> to vector<16xf32>
        %add3A_570 = arith.addf %get3A_565, %get3A_569 : vector<16xf32>
        %swap3A_571 = arith.index_cast %scan3A_546 : i32 to index
        %swap3A_572 = arith.constant 16 : index
        %swap3A_573 = tpu.vector_load %arg12[%swap3A_571, %swap3A_572] {strides = array<i32>} : memref<128x64xf32, #tpu.memory_space<vmem>>, vector<1x16xf32>,
        %swap3A_574 = vector.shape_cast %swap3A_573 : vector<1x16xf32> to vector<16xf32>
        %swap3A_575 = vector.shape_cast %add3A_570 : vector<16xf32> to vector<1x16xf32>
        tpu.vector_store %arg12[%swap3A_571, %swap3A_572], %swap3A_575 {strides = array<i32>} : memref<128x64xf32, #tpu.memory_space<vmem>>, vector<1x16xf32>,
        %get3A_576 = arith.index_cast %scan3A_546 : i32 to index
        %get3A_577 = arith.constant 32 : index
        %get3A_578 = tpu.vector_load %arg8[%get3A_576, %get3A_577] {strides = array<i32>} : memref<128x64xf32, #tpu.memory_space<vmem>>, vector<1x16xf32>,
        %get3A_579 = vector.shape_cast %get3A_578 : vector<1x16xf32> to vector<16xf32>
        %get3A_580 = arith.index_cast %add3A_547 : i32 to index
        %get3A_581 = arith.constant 32 : index
        %get3A_582 = tpu.vector_load %arg7[%get3A_580, %get3A_581] {strides = array<i32>} : memref<400x64xf32, #tpu.memory_space<vmem>>, vector<1x16xf32>,
        %get3A_583 = vector.shape_cast %get3A_582 : vector<1x16xf32> to vector<16xf32>
        %add3A_584 = arith.addf %get3A_579, %get3A_583 : vector<16xf32>
        %swap3A_585 = arith.index_cast %scan3A_546 : i32 to index
        %swap3A_586 = arith.constant 32 : index
        %swap3A_587 = tpu.vector_load %arg12[%swap3A_585, %swap3A_586] {strides = array<i32>} : memref<128x64xf32, #tpu.memory_space<vmem>>, vector<1x16xf32>,
        %swap3A_588 = vector.shape_cast %swap3A_587 : vector<1x16xf32> to vector<16xf32>
        %swap3A_589 = vector.shape_cast %add3A_584 : vector<16xf32> to vector<1x16xf32>
        tpu.vector_store %arg12[%swap3A_585, %swap3A_586], %swap3A_589 {strides = array<i32>} : memref<128x64xf32, #tpu.memory_space<vmem>>, vector<1x16xf32>,
        %get3A_590 = arith.index_cast %scan3A_546 : i32 to index
        %get3A_591 = arith.constant 48 : index
        %get3A_592 = tpu.vector_load %arg8[%get3A_590, %get3A_591] {strides = array<i32>} : memref<128x64xf32, #tpu.memory_space<vmem>>, vector<1x16xf32>,
        %get3A_593 = vector.shape_cast %get3A_592 : vector<1x16xf32> to vector<16xf32>
        %get3A_594 = arith.index_cast %add3A_547 : i32 to index
        %get3A_595 = arith.constant 48 : index
        %get3A_596 = tpu.vector_load %arg7[%get3A_594, %get3A_595] {strides = array<i32>} : memref<400x64xf32, #tpu.memory_space<vmem>>, vector<1x16xf32>,
        %get3A_597 = vector.shape_cast %get3A_596 : vector<1x16xf32> to vector<16xf32>
        %add3A_598 = arith.addf %get3A_593, %get3A_597 : vector<16xf32>
        %swap3A_599 = arith.index_cast %scan3A_546 : i32 to index
        %swap3A_600 = arith.constant 48 : index
        %swap3A_601 = tpu.vector_load %arg12[%swap3A_599, %swap3A_600] {strides = array<i32>} : memref<128x64xf32, #tpu.memory_space<vmem>>, vector<1x16xf32>,
        %swap3A_602 = vector.shape_cast %swap3A_601 : vector<1x16xf32> to vector<16xf32>
        %swap3A_603 = vector.shape_cast %add3A_598 : vector<16xf32> to vector<1x16xf32>
        tpu.vector_store %arg12[%swap3A_599, %swap3A_600], %swap3A_603 {strides = array<i32>} : memref<128x64xf32, #tpu.memory_space<vmem>>, vector<1x16xf32>,
        %scan3A_604 = arith.constant 6 : i32
        %scan3A_605 = arith.addi %scan3A_253, %scan3A_604 : i32
        %add3A_606 = arith.addi %rem3A_128, %scan3A_605 : i32
        %get3A_607 = arith.index_cast %scan3A_605 : i32 to index
        %get3A_608 = arith.constant 0 : index
        %get3A_609 = tpu.vector_load %arg8[%get3A_607, %get3A_608] {strides = array<i32>} : memref<128x64xf32, #tpu.memory_space<vmem>>, vector<1x16xf32>,
        %get3A_610 = vector.shape_cast %get3A_609 : vector<1x16xf32> to vector<16xf32>
        %get3A_611 = arith.index_cast %add3A_606 : i32 to index
        %get3A_612 = arith.constant 0 : index
        %get3A_613 = tpu.vector_load %arg7[%get3A_611, %get3A_612] {strides = array<i32>} : memref<400x64xf32, #tpu.memory_space<vmem>>, vector<1x16xf32>,
        %get3A_614 = vector.shape_cast %get3A_613 : vector<1x16xf32> to vector<16xf32>
        %add3A_615 = arith.addf %get3A_610, %get3A_614 : vector<16xf32>
        %swap3A_616 = arith.index_cast %scan3A_605 : i32 to index
        %swap3A_617 = arith.constant 0 : index
        %swap3A_618 = tpu.vector_load %arg12[%swap3A_616, %swap3A_617] {strides = array<i32>} : memref<128x64xf32, #tpu.memory_space<vmem>>, vector<1x16xf32>,
        %swap3A_619 = vector.shape_cast %swap3A_618 : vector<1x16xf32> to vector<16xf32>
        %swap3A_620 = vector.shape_cast %add3A_615 : vector<16xf32> to vector<1x16xf32>
        tpu.vector_store %arg12[%swap3A_616, %swap3A_617], %swap3A_620 {strides = array<i32>} : memref<128x64xf32, #tpu.memory_space<vmem>>, vector<1x16xf32>,
        %get3A_621 = arith.index_cast %scan3A_605 : i32 to index
        %get3A_622 = arith.constant 16 : index
        %get3A_623 = tpu.vector_load %arg8[%get3A_621, %get3A_622] {strides = array<i32>} : memref<128x64xf32, #tpu.memory_space<vmem>>, vector<1x16xf32>,
        %get3A_624 = vector.shape_cast %get3A_623 : vector<1x16xf32> to vector<16xf32>
        %get3A_625 = arith.index_cast %add3A_606 : i32 to index
        %get3A_626 = arith.constant 16 : index
        %get3A_627 = tpu.vector_load %arg7[%get3A_625, %get3A_626] {strides = array<i32>} : memref<400x64xf32, #tpu.memory_space<vmem>>, vector<1x16xf32>,
        %get3A_628 = vector.shape_cast %get3A_627 : vector<1x16xf32> to vector<16xf32>
        %add3A_629 = arith.addf %get3A_624, %get3A_628 : vector<16xf32>
        %swap3A_630 = arith.index_cast %scan3A_605 : i32 to index
        %swap3A_631 = arith.constant 16 : index
        %swap3A_632 = tpu.vector_load %arg12[%swap3A_630, %swap3A_631] {strides = array<i32>} : memref<128x64xf32, #tpu.memory_space<vmem>>, vector<1x16xf32>,
        %swap3A_633 = vector.shape_cast %swap3A_632 : vector<1x16xf32> to vector<16xf32>
        %swap3A_634 = vector.shape_cast %add3A_629 : vector<16xf32> to vector<1x16xf32>
        tpu.vector_store %arg12[%swap3A_630, %swap3A_631], %swap3A_634 {strides = array<i32>} : memref<128x64xf32, #tpu.memory_space<vmem>>, vector<1x16xf32>,
        %get3A_635 = arith.index_cast %scan3A_605 : i32 to index
        %get3A_636 = arith.constant 32 : index
        %get3A_637 = tpu.vector_load %arg8[%get3A_635, %get3A_636] {strides = array<i32>} : memref<128x64xf32, #tpu.memory_space<vmem>>, vector<1x16xf32>,
        %get3A_638 = vector.shape_cast %get3A_637 : vector<1x16xf32> to vector<16xf32>
        %get3A_639 = arith.index_cast %add3A_606 : i32 to index
        %get3A_640 = arith.constant 32 : index
        %get3A_641 = tpu.vector_load %arg7[%get3A_639, %get3A_640] {strides = array<i32>} : memref<400x64xf32, #tpu.memory_space<vmem>>, vector<1x16xf32>,
        %get3A_642 = vector.shape_cast %get3A_641 : vector<1x16xf32> to vector<16xf32>
        %add3A_643 = arith.addf %get3A_638, %get3A_642 : vector<16xf32>
        %swap3A_644 = arith.index_cast %scan3A_605 : i32 to index
        %swap3A_645 = arith.constant 32 : index
        %swap3A_646 = tpu.vector_load %arg12[%swap3A_644, %swap3A_645] {strides = array<i32>} : memref<128x64xf32, #tpu.memory_space<vmem>>, vector<1x16xf32>,
        %swap3A_647 = vector.shape_cast %swap3A_646 : vector<1x16xf32> to vector<16xf32>
        %swap3A_648 = vector.shape_cast %add3A_643 : vector<16xf32> to vector<1x16xf32>
        tpu.vector_store %arg12[%swap3A_644, %swap3A_645], %swap3A_648 {strides = array<i32>} : memref<128x64xf32, #tpu.memory_space<vmem>>, vector<1x16xf32>,
        %get3A_649 = arith.index_cast %scan3A_605 : i32 to index
        %get3A_650 = arith.constant 48 : index
        %get3A_651 = tpu.vector_load %arg8[%get3A_649, %get3A_650] {strides = array<i32>} : memref<128x64xf32, #tpu.memory_space<vmem>>, vector<1x16xf32>,
        %get3A_652 = vector.shape_cast %get3A_651 : vector<1x16xf32> to vector<16xf32>
        %get3A_653 = arith.index_cast %add3A_606 : i32 to index
        %get3A_654 = arith.constant 48 : index
        %get3A_655 = tpu.vector_load %arg7[%get3A_653, %get3A_654] {strides = array<i32>} : memref<400x64xf32, #tpu.memory_space<vmem>>, vector<1x16xf32>,
        %get3A_656 = vector.shape_cast %get3A_655 : vector<1x16xf32> to vector<16xf32>
        %add3A_657 = arith.addf %get3A_652, %get3A_656 : vector<16xf32>
        %swap3A_658 = arith.index_cast %scan3A_605 : i32 to index
        %swap3A_659 = arith.constant 48 : index
        %swap3A_660 = tpu.vector_load %arg12[%swap3A_658, %swap3A_659] {strides = array<i32>} : memref<128x64xf32, #tpu.memory_space<vmem>>, vector<1x16xf32>,
        %swap3A_661 = vector.shape_cast %swap3A_660 : vector<1x16xf32> to vector<16xf32>
        %swap3A_662 = vector.shape_cast %add3A_657 : vector<16xf32> to vector<1x16xf32>
        tpu.vector_store %arg12[%swap3A_658, %swap3A_659], %swap3A_662 {strides = array<i32>} : memref<128x64xf32, #tpu.memory_space<vmem>>, vector<1x16xf32>,
        %scan3A_663 = arith.constant 7 : i32
        %scan3A_664 = arith.addi %scan3A_253, %scan3A_663 : i32
        %add3A_665 = arith.addi %rem3A_128, %scan3A_664 : i32
        %get3A_666 = arith.index_cast %scan3A_664 : i32 to index
        %get3A_667 = arith.constant 0 : index
        %get3A_668 = tpu.vector_load %arg8[%get3A_666, %get3A_667] {strides = array<i32>} : memref<128x64xf32, #tpu.memory_space<vmem>>, vector<1x16xf32>,
        %get3A_669 = vector.shape_cast %get3A_668 : vector<1x16xf32> to vector<16xf32>
        %get3A_670 = arith.index_cast %add3A_665 : i32 to index
        %get3A_671 = arith.constant 0 : index
        %get3A_672 = tpu.vector_load %arg7[%get3A_670, %get3A_671] {strides = array<i32>} : memref<400x64xf32, #tpu.memory_space<vmem>>, vector<1x16xf32>,
        %get3A_673 = vector.shape_cast %get3A_672 : vector<1x16xf32> to vector<16xf32>
        %add3A_674 = arith.addf %get3A_669, %get3A_673 : vector<16xf32>
        %swap3A_675 = arith.index_cast %scan3A_664 : i32 to index
        %swap3A_676 = arith.constant 0 : index
        %swap3A_677 = tpu.vector_load %arg12[%swap3A_675, %swap3A_676] {strides = array<i32>} : memref<128x64xf32, #tpu.memory_space<vmem>>, vector<1x16xf32>,
        %swap3A_678 = vector.shape_cast %swap3A_677 : vector<1x16xf32> to vector<16xf32>
        %swap3A_679 = vector.shape_cast %add3A_674 : vector<16xf32> to vector<1x16xf32>
        tpu.vector_store %arg12[%swap3A_675, %swap3A_676], %swap3A_679 {strides = array<i32>} : memref<128x64xf32, #tpu.memory_space<vmem>>, vector<1x16xf32>,
        %get3A_680 = arith.index_cast %scan3A_664 : i32 to index
        %get3A_681 = arith.constant 16 : index
        %get3A_682 = tpu.vector_load %arg8[%get3A_680, %get3A_681] {strides = array<i32>} : memref<128x64xf32, #tpu.memory_space<vmem>>, vector<1x16xf32>,
        %get3A_683 = vector.shape_cast %get3A_682 : vector<1x16xf32> to vector<16xf32>
        %get3A_684 = arith.index_cast %add3A_665 : i32 to index
        %get3A_685 = arith.constant 16 : index
        %get3A_686 = tpu.vector_load %arg7[%get3A_684, %get3A_685] {strides = array<i32>} : memref<400x64xf32, #tpu.memory_space<vmem>>, vector<1x16xf32>,
        %get3A_687 = vector.shape_cast %get3A_686 : vector<1x16xf32> to vector<16xf32>
        %add3A_688 = arith.addf %get3A_683, %get3A_687 : vector<16xf32>
        %swap3A_689 = arith.index_cast %scan3A_664 : i32 to index
        %swap3A_690 = arith.constant 16 : index
        %swap3A_691 = tpu.vector_load %arg12[%swap3A_689, %swap3A_690] {strides = array<i32>} : memref<128x64xf32, #tpu.memory_space<vmem>>, vector<1x16xf32>,
        %swap3A_692 = vector.shape_cast %swap3A_691 : vector<1x16xf32> to vector<16xf32>
        %swap3A_693 = vector.shape_cast %add3A_688 : vector<16xf32> to vector<1x16xf32>
        tpu.vector_store %arg12[%swap3A_689, %swap3A_690], %swap3A_693 {strides = array<i32>} : memref<128x64xf32, #tpu.memory_space<vmem>>, vector<1x16xf32>,
        %get3A_694 = arith.index_cast %scan3A_664 : i32 to index
        %get3A_695 = arith.constant 32 : index
        %get3A_696 = tpu.vector_load %arg8[%get3A_694, %get3A_695] {strides = array<i32>} : memref<128x64xf32, #tpu.memory_space<vmem>>, vector<1x16xf32>,
        %get3A_697 = vector.shape_cast %get3A_696 : vector<1x16xf32> to vector<16xf32>
        %get3A_698 = arith.index_cast %add3A_665 : i32 to index
        %get3A_699 = arith.constant 32 : index
        %get3A_700 = tpu.vector_load %arg7[%get3A_698, %get3A_699] {strides = array<i32>} : memref<400x64xf32, #tpu.memory_space<vmem>>, vector<1x16xf32>,
        %get3A_701 = vector.shape_cast %get3A_700 : vector<1x16xf32> to vector<16xf32>
        %add3A_702 = arith.addf %get3A_697, %get3A_701 : vector<16xf32>
        %swap3A_703 = arith.index_cast %scan3A_664 : i32 to index
        %swap3A_704 = arith.constant 32 : index
        %swap3A_705 = tpu.vector_load %arg12[%swap3A_703, %swap3A_704] {strides = array<i32>} : memref<128x64xf32, #tpu.memory_space<vmem>>, vector<1x16xf32>,
        %swap3A_706 = vector.shape_cast %swap3A_705 : vector<1x16xf32> to vector<16xf32>
        %swap3A_707 = vector.shape_cast %add3A_702 : vector<16xf32> to vector<1x16xf32>
        tpu.vector_store %arg12[%swap3A_703, %swap3A_704], %swap3A_707 {strides = array<i32>} : memref<128x64xf32, #tpu.memory_space<vmem>>, vector<1x16xf32>,
        %get3A_708 = arith.index_cast %scan3A_664 : i32 to index
        %get3A_709 = arith.constant 48 : index
        %get3A_710 = tpu.vector_load %arg8[%get3A_708, %get3A_709] {strides = array<i32>} : memref<128x64xf32, #tpu.memory_space<vmem>>, vector<1x16xf32>,
        %get3A_711 = vector.shape_cast %get3A_710 : vector<1x16xf32> to vector<16xf32>
        %get3A_712 = arith.index_cast %add3A_665 : i32 to index
        %get3A_713 = arith.constant 48 : index
        %get3A_714 = tpu.vector_load %arg7[%get3A_712, %get3A_713] {strides = array<i32>} : memref<400x64xf32, #tpu.memory_space<vmem>>, vector<1x16xf32>,
        %get3A_715 = vector.shape_cast %get3A_714 : vector<1x16xf32> to vector<16xf32>
        %add3A_716 = arith.addf %get3A_711, %get3A_715 : vector<16xf32>
        %swap3A_717 = arith.index_cast %scan3A_664 : i32 to index
        %swap3A_718 = arith.constant 48 : index
        %swap3A_719 = tpu.vector_load %arg12[%swap3A_717, %swap3A_718] {strides = array<i32>} : memref<128x64xf32, #tpu.memory_space<vmem>>, vector<1x16xf32>,
        %swap3A_720 = vector.shape_cast %swap3A_719 : vector<1x16xf32> to vector<16xf32>
        %swap3A_721 = vector.shape_cast %add3A_716 : vector<16xf32> to vector<1x16xf32>
        tpu.vector_store %arg12[%swap3A_717, %swap3A_718], %swap3A_721 {strides = array<i32>} : memref<128x64xf32, #tpu.memory_space<vmem>>, vector<1x16xf32>,
      }
      %scan3A_133 = arith.constant 128 : i32
      %add3A_134 = arith.constant 4 : i32
      %add3A_135 = arith.addi %add3A_114, %add3A_134 : i32
      %lt3A_136 = arith.constant 50 : i32
      %lt3A_137 = arith.cmpi slt, %add3A_135, %lt3A_136 : i32
      %convert_element_type3A_138 = arith.extui %lt3A_137 : i1 to i32
      %cond3A_139 = arith.constant 0 : i32
      %cond3A_140 = arith.cmpi ne, %convert_element_type3A_138, %cond3A_139 : i32
      scf.if %cond3A_140 {
        %add3A_253 = arith.constant 4 : i32
        %add3A_254 = arith.addi %add3A_114, %add3A_253 : i32
        %mul3A_255 = arith.constant 128 : i32
        %mul3A_256 = arith.muli %add3A_254, %mul3A_255 : i32
        %dma_start3A_257 = tpu.memref_slice %arg6[%mul3A_256] : memref<6400xi32, #tpu.memory_space<vmem>> -> memref<128xi32, #tpu.memory_space<vmem>>
        %dma_start3A_258 = arith.constant 0 : i32
        %dma_start3A_259 = arith.constant 0 : i32
        %dma_start3A_260 = tpu.memref_slice %arg4[%dma_start3A_258, %dma_start3A_259] : memref<1000000x64xf32, #tpu.memory_space<hbm>> -> memref<1000000x64xf32, #tpu.memory_space<hbm>>
        tpu.enqueue_indirect_dma source(%dma_start3A_260 : memref<1000000x64xf32, #tpu.memory_space<hbm>>) target(%arg8 : memref<128x64xf32, #tpu.memory_space<vmem>>) offsets(%dma_start3A_257 : memref<128xi32, #tpu.memory_space<vmem>>) semaphore(%arg14 : memref<!tpu.dma_semaphore, #tpu.memory_space<semaphore_mem>>)
      } else {
      }
      %mul3A_141 = arith.constant 128 : i32
      %mul3A_142 = arith.muli %add3A_114, %mul3A_141 : i32
      %add3A_143 = arith.addi %mul3A_2, %mul3A_142 : i32
      %dma_start3A_144 = arith.constant 0 : i32
      %dma_start3A_145 = tpu.memref_slice %arg5[%add3A_143, %dma_start3A_144] : memref<204800x64xf32, #tpu.memory_space<hbm>> -> memref<128x64xf32, #tpu.memory_space<hbm>>
      %dma_start3A_146 = arith.constant 0 : i32
      %dma_start3A_147 = tpu.memref_slice %arg5[%add3A_143, %dma_start3A_146] : memref<204800x64xf32, #tpu.memory_space<hbm>> -> memref<128x64xf32, #tpu.memory_space<hbm>>
      tpu.enqueue_dma source(%arg12 : memref<128x64xf32, #tpu.memory_space<vmem>>) target(%dma_start3A_147 : memref<128x64xf32, #tpu.memory_space<hbm>>) target_semaphore(%arg18 : memref<!tpu.dma_semaphore, #tpu.memory_space<semaphore_mem>>)
      %add3A_148 = arith.constant 1 : i32
      %add3A_149 = arith.addi %mul3A_112, %add3A_148 : i32
      %dma_wait3A_150 = arith.constant 0 : i32
      %dma_wait3A_151 = tpu.memref_slice %arg6[%dma_wait3A_150] : memref<6400xi32, #tpu.memory_space<vmem>> -> memref<128xi32, #tpu.memory_space<vmem>>
      %dma_wait3A_152 = arith.constant 0 : i32
      %dma_wait3A_153 = arith.constant 0 : i32
      %dma_wait3A_154 = tpu.memref_slice %arg4[%dma_wait3A_152, %dma_wait3A_153] : memref<1000000x64xf32, #tpu.memory_space<hbm>> -> memref<1000000x64xf32, #tpu.memory_space<hbm>>
      tpu.wait_indirect_dma semaphore(%arg15 : memref<!tpu.dma_semaphore, #tpu.memory_space<semaphore_mem>>) src(%dma_wait3A_154 : memref<1000000x64xf32, #tpu.memory_space<hbm>>) dst(%arg9 : memref<128x64xf32, #tpu.memory_space<vmem>>)
      %ge3A_155 = arith.constant 2 : i32
      %ge3A_156 = arith.cmpi sge, %add3A_149, %ge3A_155 : i32
      %convert_element_type3A_157 = arith.extui %ge3A_156 : i1 to i32
      %cond3A_158 = arith.constant 0 : i32
      %cond3A_159 = arith.cmpi ne, %convert_element_type3A_157, %cond3A_158 : i32
      scf.if %cond3A_159 {
        %mul3A_253 = arith.constant 128 : i32
        %mul3A_254 = arith.muli %add3A_149, %mul3A_253 : i32
        %add3A_255 = arith.addi %mul3A_2, %mul3A_254 : i32
        %dma_wait3A_256 = arith.constant 0 : i32
        %dma_wait3A_257 = tpu.memref_slice %arg5[%add3A_255, %dma_wait3A_256] : memref<204800x64xf32, #tpu.memory_space<hbm>> -> memref<128x64xf32, #tpu.memory_space<hbm>>
        %dma_wait3A_258 = arith.constant 0 : i32
        %dma_wait3A_259 = tpu.memref_slice %arg5[%add3A_255, %dma_wait3A_258] : memref<204800x64xf32, #tpu.memory_space<hbm>> -> memref<128x64xf32, #tpu.memory_space<hbm>>
        tpu.wait_dma2 semaphore(%arg19 : memref<!tpu.dma_semaphore, #tpu.memory_space<semaphore_mem>>) src(%arg13 : memref<128x64xf32, #tpu.memory_space<vmem>>) dst(%dma_wait3A_259 : memref<128x64xf32, #tpu.memory_space<hbm>>)
      } else {
      }
      %mul3A_160 = arith.constant 128 : i32
      %mul3A_161 = arith.muli %add3A_149, %mul3A_160 : i32
      %rem3A_162 = arith.constant 200 : i32
      %rem3A_163 = arith.remsi %mul3A_161, %rem3A_162 : i32
      %scan3A_164 = arith.constant 0 : i32
      %scan3A_165 = arith.constant 128 : i32
      %scan3A_166 = arith.addi %scan3A_164, %scan3A_165 : i32
      %scan3A_167 = arith.constant 8 : i32
      scf.for %scan3A_253 = %scan3A_164 to %scan3A_166 step %scan3A_167  : i32 {
        %add3A_254 = arith.addi %rem3A_163, %scan3A_253 : i32
        %get3A = arith.index_cast %scan3A_253 : i32 to index
        %get3A_255 = arith.constant 0 : index
        %get3A_256 = tpu.vector_load %arg9[%get3A, %get3A_255] {strides = array<i32>} : memref<128x64xf32, #tpu.memory_space<vmem>>, vector<1x16xf32>,
        %get3A_257 = vector.shape_cast %get3A_256 : vector<1x16xf32> to vector<16xf32>
        %get3A_258 = arith.index_cast %add3A_254 : i32 to index
        %get3A_259 = arith.constant 0 : index
        %get3A_260 = tpu.vector_load %arg7[%get3A_258, %get3A_259] {strides = array<i32>} : memref<400x64xf32, #tpu.memory_space<vmem>>, vector<1x16xf32>,
        %get3A_261 = vector.shape_cast %get3A_260 : vector<1x16xf32> to vector<16xf32>
        %add3A_262 = arith.addf %get3A_257, %get3A_261 : vector<16xf32>
        %swap3A = arith.index_cast %scan3A_253 : i32 to index
        %swap3A_263 = arith.constant 0 : index
        %swap3A_264 = tpu.vector_load %arg13[%swap3A, %swap3A_263] {strides = array<i32>} : memref<128x64xf32, #tpu.memory_space<vmem>>, vector<1x16xf32>,
        %swap3A_265 = vector.shape_cast %swap3A_264 : vector<1x16xf32> to vector<16xf32>
        %swap3A_266 = vector.shape_cast %add3A_262 : vector<16xf32> to vector<1x16xf32>
        tpu.vector_store %arg13[%swap3A, %swap3A_263], %swap3A_266 {strides = array<i32>} : memref<128x64xf32, #tpu.memory_space<vmem>>, vector<1x16xf32>,
        %get3A_267 = arith.index_cast %scan3A_253 : i32 to index
        %get3A_268 = arith.constant 16 : index
        %get3A_269 = tpu.vector_load %arg9[%get3A_267, %get3A_268] {strides = array<i32>} : memref<128x64xf32, #tpu.memory_space<vmem>>, vector<1x16xf32>,
        %get3A_270 = vector.shape_cast %get3A_269 : vector<1x16xf32> to vector<16xf32>
        %get3A_271 = arith.index_cast %add3A_254 : i32 to index
        %get3A_272 = arith.constant 16 : index
        %get3A_273 = tpu.vector_load %arg7[%get3A_271, %get3A_272] {strides = array<i32>} : memref<400x64xf32, #tpu.memory_space<vmem>>, vector<1x16xf32>,
        %get3A_274 = vector.shape_cast %get3A_273 : vector<1x16xf32> to vector<16xf32>
        %add3A_275 = arith.addf %get3A_270, %get3A_274 : vector<16xf32>
        %swap3A_276 = arith.index_cast %scan3A_253 : i32 to index
        %swap3A_277 = arith.constant 16 : index
        %swap3A_278 = tpu.vector_load %arg13[%swap3A_276, %swap3A_277] {strides = array<i32>} : memref<128x64xf32, #tpu.memory_space<vmem>>, vector<1x16xf32>,
        %swap3A_279 = vector.shape_cast %swap3A_278 : vector<1x16xf32> to vector<16xf32>
        %swap3A_280 = vector.shape_cast %add3A_275 : vector<16xf32> to vector<1x16xf32>
        tpu.vector_store %arg13[%swap3A_276, %swap3A_277], %swap3A_280 {strides = array<i32>} : memref<128x64xf32, #tpu.memory_space<vmem>>, vector<1x16xf32>,
        %get3A_281 = arith.index_cast %scan3A_253 : i32 to index
        %get3A_282 = arith.constant 32 : index
        %get3A_283 = tpu.vector_load %arg9[%get3A_281, %get3A_282] {strides = array<i32>} : memref<128x64xf32, #tpu.memory_space<vmem>>, vector<1x16xf32>,
        %get3A_284 = vector.shape_cast %get3A_283 : vector<1x16xf32> to vector<16xf32>
        %get3A_285 = arith.index_cast %add3A_254 : i32 to index
        %get3A_286 = arith.constant 32 : index
        %get3A_287 = tpu.vector_load %arg7[%get3A_285, %get3A_286] {strides = array<i32>} : memref<400x64xf32, #tpu.memory_space<vmem>>, vector<1x16xf32>,
        %get3A_288 = vector.shape_cast %get3A_287 : vector<1x16xf32> to vector<16xf32>
        %add3A_289 = arith.addf %get3A_284, %get3A_288 : vector<16xf32>
        %swap3A_290 = arith.index_cast %scan3A_253 : i32 to index
        %swap3A_291 = arith.constant 32 : index
        %swap3A_292 = tpu.vector_load %arg13[%swap3A_290, %swap3A_291] {strides = array<i32>} : memref<128x64xf32, #tpu.memory_space<vmem>>, vector<1x16xf32>,
        %swap3A_293 = vector.shape_cast %swap3A_292 : vector<1x16xf32> to vector<16xf32>
        %swap3A_294 = vector.shape_cast %add3A_289 : vector<16xf32> to vector<1x16xf32>
        tpu.vector_store %arg13[%swap3A_290, %swap3A_291], %swap3A_294 {strides = array<i32>} : memref<128x64xf32, #tpu.memory_space<vmem>>, vector<1x16xf32>,
        %get3A_295 = arith.index_cast %scan3A_253 : i32 to index
        %get3A_296 = arith.constant 48 : index
        %get3A_297 = tpu.vector_load %arg9[%get3A_295, %get3A_296] {strides = array<i32>} : memref<128x64xf32, #tpu.memory_space<vmem>>, vector<1x16xf32>,
        %get3A_298 = vector.shape_cast %get3A_297 : vector<1x16xf32> to vector<16xf32>
        %get3A_299 = arith.index_cast %add3A_254 : i32 to index
        %get3A_300 = arith.constant 48 : index
        %get3A_301 = tpu.vector_load %arg7[%get3A_299, %get3A_300] {strides = array<i32>} : memref<400x64xf32, #tpu.memory_space<vmem>>, vector<1x16xf32>,
        %get3A_302 = vector.shape_cast %get3A_301 : vector<1x16xf32> to vector<16xf32>
        %add3A_303 = arith.addf %get3A_298, %get3A_302 : vector<16xf32>
        %swap3A_304 = arith.index_cast %scan3A_253 : i32 to index
        %swap3A_305 = arith.constant 48 : index
        %swap3A_306 = tpu.vector_load %arg13[%swap3A_304, %swap3A_305] {strides = array<i32>} : memref<128x64xf32, #tpu.memory_space<vmem>>, vector<1x16xf32>,
        %swap3A_307 = vector.shape_cast %swap3A_306 : vector<1x16xf32> to vector<16xf32>
        %swap3A_308 = vector.shape_cast %add3A_303 : vector<16xf32> to vector<1x16xf32>
        tpu.vector_store %arg13[%swap3A_304, %swap3A_305], %swap3A_308 {strides = array<i32>} : memref<128x64xf32, #tpu.memory_space<vmem>>, vector<1x16xf32>,
        %scan3A_309 = arith.constant 1 : i32
        %scan3A_310 = arith.addi %scan3A_253, %scan3A_309 : i32
        %add3A_311 = arith.addi %rem3A_163, %scan3A_310 : i32
        %get3A_312 = arith.index_cast %scan3A_310 : i32 to index
        %get3A_313 = arith.constant 0 : index
        %get3A_314 = tpu.vector_load %arg9[%get3A_312, %get3A_313] {strides = array<i32>} : memref<128x64xf32, #tpu.memory_space<vmem>>, vector<1x16xf32>,
        %get3A_315 = vector.shape_cast %get3A_314 : vector<1x16xf32> to vector<16xf32>
        %get3A_316 = arith.index_cast %add3A_311 : i32 to index
        %get3A_317 = arith.constant 0 : index
        %get3A_318 = tpu.vector_load %arg7[%get3A_316, %get3A_317] {strides = array<i32>} : memref<400x64xf32, #tpu.memory_space<vmem>>, vector<1x16xf32>,
        %get3A_319 = vector.shape_cast %get3A_318 : vector<1x16xf32> to vector<16xf32>
        %add3A_320 = arith.addf %get3A_315, %get3A_319 : vector<16xf32>
        %swap3A_321 = arith.index_cast %scan3A_310 : i32 to index
        %swap3A_322 = arith.constant 0 : index
        %swap3A_323 = tpu.vector_load %arg13[%swap3A_321, %swap3A_322] {strides = array<i32>} : memref<128x64xf32, #tpu.memory_space<vmem>>, vector<1x16xf32>,
        %swap3A_324 = vector.shape_cast %swap3A_323 : vector<1x16xf32> to vector<16xf32>
        %swap3A_325 = vector.shape_cast %add3A_320 : vector<16xf32> to vector<1x16xf32>
        tpu.vector_store %arg13[%swap3A_321, %swap3A_322], %swap3A_325 {strides = array<i32>} : memref<128x64xf32, #tpu.memory_space<vmem>>, vector<1x16xf32>,
        %get3A_326 = arith.index_cast %scan3A_310 : i32 to index
        %get3A_327 = arith.constant 16 : index
        %get3A_328 = tpu.vector_load %arg9[%get3A_326, %get3A_327] {strides = array<i32>} : memref<128x64xf32, #tpu.memory_space<vmem>>, vector<1x16xf32>,
        %get3A_329 = vector.shape_cast %get3A_328 : vector<1x16xf32> to vector<16xf32>
        %get3A_330 = arith.index_cast %add3A_311 : i32 to index
        %get3A_331 = arith.constant 16 : index
        %get3A_332 = tpu.vector_load %arg7[%get3A_330, %get3A_331] {strides = array<i32>} : memref<400x64xf32, #tpu.memory_space<vmem>>, vector<1x16xf32>,
        %get3A_333 = vector.shape_cast %get3A_332 : vector<1x16xf32> to vector<16xf32>
        %add3A_334 = arith.addf %get3A_329, %get3A_333 : vector<16xf32>
        %swap3A_335 = arith.index_cast %scan3A_310 : i32 to index
        %swap3A_336 = arith.constant 16 : index
        %swap3A_337 = tpu.vector_load %arg13[%swap3A_335, %swap3A_336] {strides = array<i32>} : memref<128x64xf32, #tpu.memory_space<vmem>>, vector<1x16xf32>,
        %swap3A_338 = vector.shape_cast %swap3A_337 : vector<1x16xf32> to vector<16xf32>
        %swap3A_339 = vector.shape_cast %add3A_334 : vector<16xf32> to vector<1x16xf32>
        tpu.vector_store %arg13[%swap3A_335, %swap3A_336], %swap3A_339 {strides = array<i32>} : memref<128x64xf32, #tpu.memory_space<vmem>>, vector<1x16xf32>,
        %get3A_340 = arith.index_cast %scan3A_310 : i32 to index
        %get3A_341 = arith.constant 32 : index
        %get3A_342 = tpu.vector_load %arg9[%get3A_340, %get3A_341] {strides = array<i32>} : memref<128x64xf32, #tpu.memory_space<vmem>>, vector<1x16xf32>,
        %get3A_343 = vector.shape_cast %get3A_342 : vector<1x16xf32> to vector<16xf32>
        %get3A_344 = arith.index_cast %add3A_311 : i32 to index
        %get3A_345 = arith.constant 32 : index
        %get3A_346 = tpu.vector_load %arg7[%get3A_344, %get3A_345] {strides = array<i32>} : memref<400x64xf32, #tpu.memory_space<vmem>>, vector<1x16xf32>,
        %get3A_347 = vector.shape_cast %get3A_346 : vector<1x16xf32> to vector<16xf32>
        %add3A_348 = arith.addf %get3A_343, %get3A_347 : vector<16xf32>
        %swap3A_349 = arith.index_cast %scan3A_310 : i32 to index
        %swap3A_350 = arith.constant 32 : index
        %swap3A_351 = tpu.vector_load %arg13[%swap3A_349, %swap3A_350] {strides = array<i32>} : memref<128x64xf32, #tpu.memory_space<vmem>>, vector<1x16xf32>,
        %swap3A_352 = vector.shape_cast %swap3A_351 : vector<1x16xf32> to vector<16xf32>
        %swap3A_353 = vector.shape_cast %add3A_348 : vector<16xf32> to vector<1x16xf32>
        tpu.vector_store %arg13[%swap3A_349, %swap3A_350], %swap3A_353 {strides = array<i32>} : memref<128x64xf32, #tpu.memory_space<vmem>>, vector<1x16xf32>,
        %get3A_354 = arith.index_cast %scan3A_310 : i32 to index
        %get3A_355 = arith.constant 48 : index
        %get3A_356 = tpu.vector_load %arg9[%get3A_354, %get3A_355] {strides = array<i32>} : memref<128x64xf32, #tpu.memory_space<vmem>>, vector<1x16xf32>,
        %get3A_357 = vector.shape_cast %get3A_356 : vector<1x16xf32> to vector<16xf32>
        %get3A_358 = arith.index_cast %add3A_311 : i32 to index
        %get3A_359 = arith.constant 48 : index
        %get3A_360 = tpu.vector_load %arg7[%get3A_358, %get3A_359] {strides = array<i32>} : memref<400x64xf32, #tpu.memory_space<vmem>>, vector<1x16xf32>,
        %get3A_361 = vector.shape_cast %get3A_360 : vector<1x16xf32> to vector<16xf32>
        %add3A_362 = arith.addf %get3A_357, %get3A_361 : vector<16xf32>
        %swap3A_363 = arith.index_cast %scan3A_310 : i32 to index
        %swap3A_364 = arith.constant 48 : index
        %swap3A_365 = tpu.vector_load %arg13[%swap3A_363, %swap3A_364] {strides = array<i32>} : memref<128x64xf32, #tpu.memory_space<vmem>>, vector<1x16xf32>,
        %swap3A_366 = vector.shape_cast %swap3A_365 : vector<1x16xf32> to vector<16xf32>
        %swap3A_367 = vector.shape_cast %add3A_362 : vector<16xf32> to vector<1x16xf32>
        tpu.vector_store %arg13[%swap3A_363, %swap3A_364], %swap3A_367 {strides = array<i32>} : memref<128x64xf32, #tpu.memory_space<vmem>>, vector<1x16xf32>,
        %scan3A_368 = arith.constant 2 : i32
        %scan3A_369 = arith.addi %scan3A_253, %scan3A_368 : i32
        %add3A_370 = arith.addi %rem3A_163, %scan3A_369 : i32
        %get3A_371 = arith.index_cast %scan3A_369 : i32 to index
        %get3A_372 = arith.constant 0 : index
        %get3A_373 = tpu.vector_load %arg9[%get3A_371, %get3A_372] {strides = array<i32>} : memref<128x64xf32, #tpu.memory_space<vmem>>, vector<1x16xf32>,
        %get3A_374 = vector.shape_cast %get3A_373 : vector<1x16xf32> to vector<16xf32>
        %get3A_375 = arith.index_cast %add3A_370 : i32 to index
        %get3A_376 = arith.constant 0 : index
        %get3A_377 = tpu.vector_load %arg7[%get3A_375, %get3A_376] {strides = array<i32>} : memref<400x64xf32, #tpu.memory_space<vmem>>, vector<1x16xf32>,
        %get3A_378 = vector.shape_cast %get3A_377 : vector<1x16xf32> to vector<16xf32>
        %add3A_379 = arith.addf %get3A_374, %get3A_378 : vector<16xf32>
        %swap3A_380 = arith.index_cast %scan3A_369 : i32 to index
        %swap3A_381 = arith.constant 0 : index
        %swap3A_382 = tpu.vector_load %arg13[%swap3A_380, %swap3A_381] {strides = array<i32>} : memref<128x64xf32, #tpu.memory_space<vmem>>, vector<1x16xf32>,
        %swap3A_383 = vector.shape_cast %swap3A_382 : vector<1x16xf32> to vector<16xf32>
        %swap3A_384 = vector.shape_cast %add3A_379 : vector<16xf32> to vector<1x16xf32>
        tpu.vector_store %arg13[%swap3A_380, %swap3A_381], %swap3A_384 {strides = array<i32>} : memref<128x64xf32, #tpu.memory_space<vmem>>, vector<1x16xf32>,
        %get3A_385 = arith.index_cast %scan3A_369 : i32 to index
        %get3A_386 = arith.constant 16 : index
        %get3A_387 = tpu.vector_load %arg9[%get3A_385, %get3A_386] {strides = array<i32>} : memref<128x64xf32, #tpu.memory_space<vmem>>, vector<1x16xf32>,
        %get3A_388 = vector.shape_cast %get3A_387 : vector<1x16xf32> to vector<16xf32>
        %get3A_389 = arith.index_cast %add3A_370 : i32 to index
        %get3A_390 = arith.constant 16 : index
        %get3A_391 = tpu.vector_load %arg7[%get3A_389, %get3A_390] {strides = array<i32>} : memref<400x64xf32, #tpu.memory_space<vmem>>, vector<1x16xf32>,
        %get3A_392 = vector.shape_cast %get3A_391 : vector<1x16xf32> to vector<16xf32>
        %add3A_393 = arith.addf %get3A_388, %get3A_392 : vector<16xf32>
        %swap3A_394 = arith.index_cast %scan3A_369 : i32 to index
        %swap3A_395 = arith.constant 16 : index
        %swap3A_396 = tpu.vector_load %arg13[%swap3A_394, %swap3A_395] {strides = array<i32>} : memref<128x64xf32, #tpu.memory_space<vmem>>, vector<1x16xf32>,
        %swap3A_397 = vector.shape_cast %swap3A_396 : vector<1x16xf32> to vector<16xf32>
        %swap3A_398 = vector.shape_cast %add3A_393 : vector<16xf32> to vector<1x16xf32>
        tpu.vector_store %arg13[%swap3A_394, %swap3A_395], %swap3A_398 {strides = array<i32>} : memref<128x64xf32, #tpu.memory_space<vmem>>, vector<1x16xf32>,
        %get3A_399 = arith.index_cast %scan3A_369 : i32 to index
        %get3A_400 = arith.constant 32 : index
        %get3A_401 = tpu.vector_load %arg9[%get3A_399, %get3A_400] {strides = array<i32>} : memref<128x64xf32, #tpu.memory_space<vmem>>, vector<1x16xf32>,
        %get3A_402 = vector.shape_cast %get3A_401 : vector<1x16xf32> to vector<16xf32>
        %get3A_403 = arith.index_cast %add3A_370 : i32 to index
        %get3A_404 = arith.constant 32 : index
        %get3A_405 = tpu.vector_load %arg7[%get3A_403, %get3A_404] {strides = array<i32>} : memref<400x64xf32, #tpu.memory_space<vmem>>, vector<1x16xf32>,
        %get3A_406 = vector.shape_cast %get3A_405 : vector<1x16xf32> to vector<16xf32>
        %add3A_407 = arith.addf %get3A_402, %get3A_406 : vector<16xf32>
        %swap3A_408 = arith.index_cast %scan3A_369 : i32 to index
        %swap3A_409 = arith.constant 32 : index
        %swap3A_410 = tpu.vector_load %arg13[%swap3A_408, %swap3A_409] {strides = array<i32>} : memref<128x64xf32, #tpu.memory_space<vmem>>, vector<1x16xf32>,
        %swap3A_411 = vector.shape_cast %swap3A_410 : vector<1x16xf32> to vector<16xf32>
        %swap3A_412 = vector.shape_cast %add3A_407 : vector<16xf32> to vector<1x16xf32>
        tpu.vector_store %arg13[%swap3A_408, %swap3A_409], %swap3A_412 {strides = array<i32>} : memref<128x64xf32, #tpu.memory_space<vmem>>, vector<1x16xf32>,
        %get3A_413 = arith.index_cast %scan3A_369 : i32 to index
        %get3A_414 = arith.constant 48 : index
        %get3A_415 = tpu.vector_load %arg9[%get3A_413, %get3A_414] {strides = array<i32>} : memref<128x64xf32, #tpu.memory_space<vmem>>, vector<1x16xf32>,
        %get3A_416 = vector.shape_cast %get3A_415 : vector<1x16xf32> to vector<16xf32>
        %get3A_417 = arith.index_cast %add3A_370 : i32 to index
        %get3A_418 = arith.constant 48 : index
        %get3A_419 = tpu.vector_load %arg7[%get3A_417, %get3A_418] {strides = array<i32>} : memref<400x64xf32, #tpu.memory_space<vmem>>, vector<1x16xf32>,
        %get3A_420 = vector.shape_cast %get3A_419 : vector<1x16xf32> to vector<16xf32>
        %add3A_421 = arith.addf %get3A_416, %get3A_420 : vector<16xf32>
        %swap3A_422 = arith.index_cast %scan3A_369 : i32 to index
        %swap3A_423 = arith.constant 48 : index
        %swap3A_424 = tpu.vector_load %arg13[%swap3A_422, %swap3A_423] {strides = array<i32>} : memref<128x64xf32, #tpu.memory_space<vmem>>, vector<1x16xf32>,
        %swap3A_425 = vector.shape_cast %swap3A_424 : vector<1x16xf32> to vector<16xf32>
        %swap3A_426 = vector.shape_cast %add3A_421 : vector<16xf32> to vector<1x16xf32>
        tpu.vector_store %arg13[%swap3A_422, %swap3A_423], %swap3A_426 {strides = array<i32>} : memref<128x64xf32, #tpu.memory_space<vmem>>, vector<1x16xf32>,
        %scan3A_427 = arith.constant 3 : i32
        %scan3A_428 = arith.addi %scan3A_253, %scan3A_427 : i32
        %add3A_429 = arith.addi %rem3A_163, %scan3A_428 : i32
        %get3A_430 = arith.index_cast %scan3A_428 : i32 to index
        %get3A_431 = arith.constant 0 : index
        %get3A_432 = tpu.vector_load %arg9[%get3A_430, %get3A_431] {strides = array<i32>} : memref<128x64xf32, #tpu.memory_space<vmem>>, vector<1x16xf32>,
        %get3A_433 = vector.shape_cast %get3A_432 : vector<1x16xf32> to vector<16xf32>
        %get3A_434 = arith.index_cast %add3A_429 : i32 to index
        %get3A_435 = arith.constant 0 : index
        %get3A_436 = tpu.vector_load %arg7[%get3A_434, %get3A_435] {strides = array<i32>} : memref<400x64xf32, #tpu.memory_space<vmem>>, vector<1x16xf32>,
        %get3A_437 = vector.shape_cast %get3A_436 : vector<1x16xf32> to vector<16xf32>
        %add3A_438 = arith.addf %get3A_433, %get3A_437 : vector<16xf32>
        %swap3A_439 = arith.index_cast %scan3A_428 : i32 to index
        %swap3A_440 = arith.constant 0 : index
        %swap3A_441 = tpu.vector_load %arg13[%swap3A_439, %swap3A_440] {strides = array<i32>} : memref<128x64xf32, #tpu.memory_space<vmem>>, vector<1x16xf32>,
        %swap3A_442 = vector.shape_cast %swap3A_441 : vector<1x16xf32> to vector<16xf32>
        %swap3A_443 = vector.shape_cast %add3A_438 : vector<16xf32> to vector<1x16xf32>
        tpu.vector_store %arg13[%swap3A_439, %swap3A_440], %swap3A_443 {strides = array<i32>} : memref<128x64xf32, #tpu.memory_space<vmem>>, vector<1x16xf32>,
        %get3A_444 = arith.index_cast %scan3A_428 : i32 to index
        %get3A_445 = arith.constant 16 : index
        %get3A_446 = tpu.vector_load %arg9[%get3A_444, %get3A_445] {strides = array<i32>} : memref<128x64xf32, #tpu.memory_space<vmem>>, vector<1x16xf32>,
        %get3A_447 = vector.shape_cast %get3A_446 : vector<1x16xf32> to vector<16xf32>
        %get3A_448 = arith.index_cast %add3A_429 : i32 to index
        %get3A_449 = arith.constant 16 : index
        %get3A_450 = tpu.vector_load %arg7[%get3A_448, %get3A_449] {strides = array<i32>} : memref<400x64xf32, #tpu.memory_space<vmem>>, vector<1x16xf32>,
        %get3A_451 = vector.shape_cast %get3A_450 : vector<1x16xf32> to vector<16xf32>
        %add3A_452 = arith.addf %get3A_447, %get3A_451 : vector<16xf32>
        %swap3A_453 = arith.index_cast %scan3A_428 : i32 to index
        %swap3A_454 = arith.constant 16 : index
        %swap3A_455 = tpu.vector_load %arg13[%swap3A_453, %swap3A_454] {strides = array<i32>} : memref<128x64xf32, #tpu.memory_space<vmem>>, vector<1x16xf32>,
        %swap3A_456 = vector.shape_cast %swap3A_455 : vector<1x16xf32> to vector<16xf32>
        %swap3A_457 = vector.shape_cast %add3A_452 : vector<16xf32> to vector<1x16xf32>
        tpu.vector_store %arg13[%swap3A_453, %swap3A_454], %swap3A_457 {strides = array<i32>} : memref<128x64xf32, #tpu.memory_space<vmem>>, vector<1x16xf32>,
        %get3A_458 = arith.index_cast %scan3A_428 : i32 to index
        %get3A_459 = arith.constant 32 : index
        %get3A_460 = tpu.vector_load %arg9[%get3A_458, %get3A_459] {strides = array<i32>} : memref<128x64xf32, #tpu.memory_space<vmem>>, vector<1x16xf32>,
        %get3A_461 = vector.shape_cast %get3A_460 : vector<1x16xf32> to vector<16xf32>
        %get3A_462 = arith.index_cast %add3A_429 : i32 to index
        %get3A_463 = arith.constant 32 : index
        %get3A_464 = tpu.vector_load %arg7[%get3A_462, %get3A_463] {strides = array<i32>} : memref<400x64xf32, #tpu.memory_space<vmem>>, vector<1x16xf32>,
        %get3A_465 = vector.shape_cast %get3A_464 : vector<1x16xf32> to vector<16xf32>
        %add3A_466 = arith.addf %get3A_461, %get3A_465 : vector<16xf32>
        %swap3A_467 = arith.index_cast %scan3A_428 : i32 to index
        %swap3A_468 = arith.constant 32 : index
        %swap3A_469 = tpu.vector_load %arg13[%swap3A_467, %swap3A_468] {strides = array<i32>} : memref<128x64xf32, #tpu.memory_space<vmem>>, vector<1x16xf32>,
        %swap3A_470 = vector.shape_cast %swap3A_469 : vector<1x16xf32> to vector<16xf32>
        %swap3A_471 = vector.shape_cast %add3A_466 : vector<16xf32> to vector<1x16xf32>
        tpu.vector_store %arg13[%swap3A_467, %swap3A_468], %swap3A_471 {strides = array<i32>} : memref<128x64xf32, #tpu.memory_space<vmem>>, vector<1x16xf32>,
        %get3A_472 = arith.index_cast %scan3A_428 : i32 to index
        %get3A_473 = arith.constant 48 : index
        %get3A_474 = tpu.vector_load %arg9[%get3A_472, %get3A_473] {strides = array<i32>} : memref<128x64xf32, #tpu.memory_space<vmem>>, vector<1x16xf32>,
        %get3A_475 = vector.shape_cast %get3A_474 : vector<1x16xf32> to vector<16xf32>
        %get3A_476 = arith.index_cast %add3A_429 : i32 to index
        %get3A_477 = arith.constant 48 : index
        %get3A_478 = tpu.vector_load %arg7[%get3A_476, %get3A_477] {strides = array<i32>} : memref<400x64xf32, #tpu.memory_space<vmem>>, vector<1x16xf32>,
        %get3A_479 = vector.shape_cast %get3A_478 : vector<1x16xf32> to vector<16xf32>
        %add3A_480 = arith.addf %get3A_475, %get3A_479 : vector<16xf32>
        %swap3A_481 = arith.index_cast %scan3A_428 : i32 to index
        %swap3A_482 = arith.constant 48 : index
        %swap3A_483 = tpu.vector_load %arg13[%swap3A_481, %swap3A_482] {strides = array<i32>} : memref<128x64xf32, #tpu.memory_space<vmem>>, vector<1x16xf32>,
        %swap3A_484 = vector.shape_cast %swap3A_483 : vector<1x16xf32> to vector<16xf32>
        %swap3A_485 = vector.shape_cast %add3A_480 : vector<16xf32> to vector<1x16xf32>
        tpu.vector_store %arg13[%swap3A_481, %swap3A_482], %swap3A_485 {strides = array<i32>} : memref<128x64xf32, #tpu.memory_space<vmem>>, vector<1x16xf32>,
        %scan3A_486 = arith.constant 4 : i32
        %scan3A_487 = arith.addi %scan3A_253, %scan3A_486 : i32
        %add3A_488 = arith.addi %rem3A_163, %scan3A_487 : i32
        %get3A_489 = arith.index_cast %scan3A_487 : i32 to index
        %get3A_490 = arith.constant 0 : index
        %get3A_491 = tpu.vector_load %arg9[%get3A_489, %get3A_490] {strides = array<i32>} : memref<128x64xf32, #tpu.memory_space<vmem>>, vector<1x16xf32>,
        %get3A_492 = vector.shape_cast %get3A_491 : vector<1x16xf32> to vector<16xf32>
        %get3A_493 = arith.index_cast %add3A_488 : i32 to index
        %get3A_494 = arith.constant 0 : index
        %get3A_495 = tpu.vector_load %arg7[%get3A_493, %get3A_494] {strides = array<i32>} : memref<400x64xf32, #tpu.memory_space<vmem>>, vector<1x16xf32>,
        %get3A_496 = vector.shape_cast %get3A_495 : vector<1x16xf32> to vector<16xf32>
        %add3A_497 = arith.addf %get3A_492, %get3A_496 : vector<16xf32>
        %swap3A_498 = arith.index_cast %scan3A_487 : i32 to index
        %swap3A_499 = arith.constant 0 : index
        %swap3A_500 = tpu.vector_load %arg13[%swap3A_498, %swap3A_499] {strides = array<i32>} : memref<128x64xf32, #tpu.memory_space<vmem>>, vector<1x16xf32>,
        %swap3A_501 = vector.shape_cast %swap3A_500 : vector<1x16xf32> to vector<16xf32>
        %swap3A_502 = vector.shape_cast %add3A_497 : vector<16xf32> to vector<1x16xf32>
        tpu.vector_store %arg13[%swap3A_498, %swap3A_499], %swap3A_502 {strides = array<i32>} : memref<128x64xf32, #tpu.memory_space<vmem>>, vector<1x16xf32>,
        %get3A_503 = arith.index_cast %scan3A_487 : i32 to index
        %get3A_504 = arith.constant 16 : index
        %get3A_505 = tpu.vector_load %arg9[%get3A_503, %get3A_504] {strides = array<i32>} : memref<128x64xf32, #tpu.memory_space<vmem>>, vector<1x16xf32>,
        %get3A_506 = vector.shape_cast %get3A_505 : vector<1x16xf32> to vector<16xf32>
        %get3A_507 = arith.index_cast %add3A_488 : i32 to index
        %get3A_508 = arith.constant 16 : index
        %get3A_509 = tpu.vector_load %arg7[%get3A_507, %get3A_508] {strides = array<i32>} : memref<400x64xf32, #tpu.memory_space<vmem>>, vector<1x16xf32>,
        %get3A_510 = vector.shape_cast %get3A_509 : vector<1x16xf32> to vector<16xf32>
        %add3A_511 = arith.addf %get3A_506, %get3A_510 : vector<16xf32>
        %swap3A_512 = arith.index_cast %scan3A_487 : i32 to index
        %swap3A_513 = arith.constant 16 : index
        %swap3A_514 = tpu.vector_load %arg13[%swap3A_512, %swap3A_513] {strides = array<i32>} : memref<128x64xf32, #tpu.memory_space<vmem>>, vector<1x16xf32>,
        %swap3A_515 = vector.shape_cast %swap3A_514 : vector<1x16xf32> to vector<16xf32>
        %swap3A_516 = vector.shape_cast %add3A_511 : vector<16xf32> to vector<1x16xf32>
        tpu.vector_store %arg13[%swap3A_512, %swap3A_513], %swap3A_516 {strides = array<i32>} : memref<128x64xf32, #tpu.memory_space<vmem>>, vector<1x16xf32>,
        %get3A_517 = arith.index_cast %scan3A_487 : i32 to index
        %get3A_518 = arith.constant 32 : index
        %get3A_519 = tpu.vector_load %arg9[%get3A_517, %get3A_518] {strides = array<i32>} : memref<128x64xf32, #tpu.memory_space<vmem>>, vector<1x16xf32>,
        %get3A_520 = vector.shape_cast %get3A_519 : vector<1x16xf32> to vector<16xf32>
        %get3A_521 = arith.index_cast %add3A_488 : i32 to index
        %get3A_522 = arith.constant 32 : index
        %get3A_523 = tpu.vector_load %arg7[%get3A_521, %get3A_522] {strides = array<i32>} : memref<400x64xf32, #tpu.memory_space<vmem>>, vector<1x16xf32>,
        %get3A_524 = vector.shape_cast %get3A_523 : vector<1x16xf32> to vector<16xf32>
        %add3A_525 = arith.addf %get3A_520, %get3A_524 : vector<16xf32>
        %swap3A_526 = arith.index_cast %scan3A_487 : i32 to index
        %swap3A_527 = arith.constant 32 : index
        %swap3A_528 = tpu.vector_load %arg13[%swap3A_526, %swap3A_527] {strides = array<i32>} : memref<128x64xf32, #tpu.memory_space<vmem>>, vector<1x16xf32>,
        %swap3A_529 = vector.shape_cast %swap3A_528 : vector<1x16xf32> to vector<16xf32>
        %swap3A_530 = vector.shape_cast %add3A_525 : vector<16xf32> to vector<1x16xf32>
        tpu.vector_store %arg13[%swap3A_526, %swap3A_527], %swap3A_530 {strides = array<i32>} : memref<128x64xf32, #tpu.memory_space<vmem>>, vector<1x16xf32>,
        %get3A_531 = arith.index_cast %scan3A_487 : i32 to index
        %get3A_532 = arith.constant 48 : index
        %get3A_533 = tpu.vector_load %arg9[%get3A_531, %get3A_532] {strides = array<i32>} : memref<128x64xf32, #tpu.memory_space<vmem>>, vector<1x16xf32>,
        %get3A_534 = vector.shape_cast %get3A_533 : vector<1x16xf32> to vector<16xf32>
        %get3A_535 = arith.index_cast %add3A_488 : i32 to index
        %get3A_536 = arith.constant 48 : index
        %get3A_537 = tpu.vector_load %arg7[%get3A_535, %get3A_536] {strides = array<i32>} : memref<400x64xf32, #tpu.memory_space<vmem>>, vector<1x16xf32>,
        %get3A_538 = vector.shape_cast %get3A_537 : vector<1x16xf32> to vector<16xf32>
        %add3A_539 = arith.addf %get3A_534, %get3A_538 : vector<16xf32>
        %swap3A_540 = arith.index_cast %scan3A_487 : i32 to index
        %swap3A_541 = arith.constant 48 : index
        %swap3A_542 = tpu.vector_load %arg13[%swap3A_540, %swap3A_541] {strides = array<i32>} : memref<128x64xf32, #tpu.memory_space<vmem>>, vector<1x16xf32>,
        %swap3A_543 = vector.shape_cast %swap3A_542 : vector<1x16xf32> to vector<16xf32>
        %swap3A_544 = vector.shape_cast %add3A_539 : vector<16xf32> to vector<1x16xf32>
        tpu.vector_store %arg13[%swap3A_540, %swap3A_541], %swap3A_544 {strides = array<i32>} : memref<128x64xf32, #tpu.memory_space<vmem>>, vector<1x16xf32>,
        %scan3A_545 = arith.constant 5 : i32
        %scan3A_546 = arith.addi %scan3A_253, %scan3A_545 : i32
        %add3A_547 = arith.addi %rem3A_163, %scan3A_546 : i32
        %get3A_548 = arith.index_cast %scan3A_546 : i32 to index
        %get3A_549 = arith.constant 0 : index
        %get3A_550 = tpu.vector_load %arg9[%get3A_548, %get3A_549] {strides = array<i32>} : memref<128x64xf32, #tpu.memory_space<vmem>>, vector<1x16xf32>,
        %get3A_551 = vector.shape_cast %get3A_550 : vector<1x16xf32> to vector<16xf32>
        %get3A_552 = arith.index_cast %add3A_547 : i32 to index
        %get3A_553 = arith.constant 0 : index
        %get3A_554 = tpu.vector_load %arg7[%get3A_552, %get3A_553] {strides = array<i32>} : memref<400x64xf32, #tpu.memory_space<vmem>>, vector<1x16xf32>,
        %get3A_555 = vector.shape_cast %get3A_554 : vector<1x16xf32> to vector<16xf32>
        %add3A_556 = arith.addf %get3A_551, %get3A_555 : vector<16xf32>
        %swap3A_557 = arith.index_cast %scan3A_546 : i32 to index
        %swap3A_558 = arith.constant 0 : index
        %swap3A_559 = tpu.vector_load %arg13[%swap3A_557, %swap3A_558] {strides = array<i32>} : memref<128x64xf32, #tpu.memory_space<vmem>>, vector<1x16xf32>,
        %swap3A_560 = vector.shape_cast %swap3A_559 : vector<1x16xf32> to vector<16xf32>
        %swap3A_561 = vector.shape_cast %add3A_556 : vector<16xf32> to vector<1x16xf32>
        tpu.vector_store %arg13[%swap3A_557, %swap3A_558], %swap3A_561 {strides = array<i32>} : memref<128x64xf32, #tpu.memory_space<vmem>>, vector<1x16xf32>,
        %get3A_562 = arith.index_cast %scan3A_546 : i32 to index
        %get3A_563 = arith.constant 16 : index
        %get3A_564 = tpu.vector_load %arg9[%get3A_562, %get3A_563] {strides = array<i32>} : memref<128x64xf32, #tpu.memory_space<vmem>>, vector<1x16xf32>,
        %get3A_565 = vector.shape_cast %get3A_564 : vector<1x16xf32> to vector<16xf32>
        %get3A_566 = arith.index_cast %add3A_547 : i32 to index
        %get3A_567 = arith.constant 16 : index
        %get3A_568 = tpu.vector_load %arg7[%get3A_566, %get3A_567] {strides = array<i32>} : memref<400x64xf32, #tpu.memory_space<vmem>>, vector<1x16xf32>,
        %get3A_569 = vector.shape_cast %get3A_568 : vector<1x16xf32> to vector<16xf32>
        %add3A_570 = arith.addf %get3A_565, %get3A_569 : vector<16xf32>
        %swap3A_571 = arith.index_cast %scan3A_546 : i32 to index
        %swap3A_572 = arith.constant 16 : index
        %swap3A_573 = tpu.vector_load %arg13[%swap3A_571, %swap3A_572] {strides = array<i32>} : memref<128x64xf32, #tpu.memory_space<vmem>>, vector<1x16xf32>,
        %swap3A_574 = vector.shape_cast %swap3A_573 : vector<1x16xf32> to vector<16xf32>
        %swap3A_575 = vector.shape_cast %add3A_570 : vector<16xf32> to vector<1x16xf32>
        tpu.vector_store %arg13[%swap3A_571, %swap3A_572], %swap3A_575 {strides = array<i32>} : memref<128x64xf32, #tpu.memory_space<vmem>>, vector<1x16xf32>,
        %get3A_576 = arith.index_cast %scan3A_546 : i32 to index
        %get3A_577 = arith.constant 32 : index
        %get3A_578 = tpu.vector_load %arg9[%get3A_576, %get3A_577] {strides = array<i32>} : memref<128x64xf32, #tpu.memory_space<vmem>>, vector<1x16xf32>,
        %get3A_579 = vector.shape_cast %get3A_578 : vector<1x16xf32> to vector<16xf32>
        %get3A_580 = arith.index_cast %add3A_547 : i32 to index
        %get3A_581 = arith.constant 32 : index
        %get3A_582 = tpu.vector_load %arg7[%get3A_580, %get3A_581] {strides = array<i32>} : memref<400x64xf32, #tpu.memory_space<vmem>>, vector<1x16xf32>,
        %get3A_583 = vector.shape_cast %get3A_582 : vector<1x16xf32> to vector<16xf32>
        %add3A_584 = arith.addf %get3A_579, %get3A_583 : vector<16xf32>
        %swap3A_585 = arith.index_cast %scan3A_546 : i32 to index
        %swap3A_586 = arith.constant 32 : index
        %swap3A_587 = tpu.vector_load %arg13[%swap3A_585, %swap3A_586] {strides = array<i32>} : memref<128x64xf32, #tpu.memory_space<vmem>>, vector<1x16xf32>,
        %swap3A_588 = vector.shape_cast %swap3A_587 : vector<1x16xf32> to vector<16xf32>
        %swap3A_589 = vector.shape_cast %add3A_584 : vector<16xf32> to vector<1x16xf32>
        tpu.vector_store %arg13[%swap3A_585, %swap3A_586], %swap3A_589 {strides = array<i32>} : memref<128x64xf32, #tpu.memory_space<vmem>>, vector<1x16xf32>,
        %get3A_590 = arith.index_cast %scan3A_546 : i32 to index
        %get3A_591 = arith.constant 48 : index
        %get3A_592 = tpu.vector_load %arg9[%get3A_590, %get3A_591] {strides = array<i32>} : memref<128x64xf32, #tpu.memory_space<vmem>>, vector<1x16xf32>,
        %get3A_593 = vector.shape_cast %get3A_592 : vector<1x16xf32> to vector<16xf32>
        %get3A_594 = arith.index_cast %add3A_547 : i32 to index
        %get3A_595 = arith.constant 48 : index
        %get3A_596 = tpu.vector_load %arg7[%get3A_594, %get3A_595] {strides = array<i32>} : memref<400x64xf32, #tpu.memory_space<vmem>>, vector<1x16xf32>,
        %get3A_597 = vector.shape_cast %get3A_596 : vector<1x16xf32> to vector<16xf32>
        %add3A_598 = arith.addf %get3A_593, %get3A_597 : vector<16xf32>
        %swap3A_599 = arith.index_cast %scan3A_546 : i32 to index
        %swap3A_600 = arith.constant 48 : index
        %swap3A_601 = tpu.vector_load %arg13[%swap3A_599, %swap3A_600] {strides = array<i32>} : memref<128x64xf32, #tpu.memory_space<vmem>>, vector<1x16xf32>,
        %swap3A_602 = vector.shape_cast %swap3A_601 : vector<1x16xf32> to vector<16xf32>
        %swap3A_603 = vector.shape_cast %add3A_598 : vector<16xf32> to vector<1x16xf32>
        tpu.vector_store %arg13[%swap3A_599, %swap3A_600], %swap3A_603 {strides = array<i32>} : memref<128x64xf32, #tpu.memory_space<vmem>>, vector<1x16xf32>,
        %scan3A_604 = arith.constant 6 : i32
        %scan3A_605 = arith.addi %scan3A_253, %scan3A_604 : i32
        %add3A_606 = arith.addi %rem3A_163, %scan3A_605 : i32
        %get3A_607 = arith.index_cast %scan3A_605 : i32 to index
        %get3A_608 = arith.constant 0 : index
        %get3A_609 = tpu.vector_load %arg9[%get3A_607, %get3A_608] {strides = array<i32>} : memref<128x64xf32, #tpu.memory_space<vmem>>, vector<1x16xf32>,
        %get3A_610 = vector.shape_cast %get3A_609 : vector<1x16xf32> to vector<16xf32>
        %get3A_611 = arith.index_cast %add3A_606 : i32 to index
        %get3A_612 = arith.constant 0 : index
        %get3A_613 = tpu.vector_load %arg7[%get3A_611, %get3A_612] {strides = array<i32>} : memref<400x64xf32, #tpu.memory_space<vmem>>, vector<1x16xf32>,
        %get3A_614 = vector.shape_cast %get3A_613 : vector<1x16xf32> to vector<16xf32>
        %add3A_615 = arith.addf %get3A_610, %get3A_614 : vector<16xf32>
        %swap3A_616 = arith.index_cast %scan3A_605 : i32 to index
        %swap3A_617 = arith.constant 0 : index
        %swap3A_618 = tpu.vector_load %arg13[%swap3A_616, %swap3A_617] {strides = array<i32>} : memref<128x64xf32, #tpu.memory_space<vmem>>, vector<1x16xf32>,
        %swap3A_619 = vector.shape_cast %swap3A_618 : vector<1x16xf32> to vector<16xf32>
        %swap3A_620 = vector.shape_cast %add3A_615 : vector<16xf32> to vector<1x16xf32>
        tpu.vector_store %arg13[%swap3A_616, %swap3A_617], %swap3A_620 {strides = array<i32>} : memref<128x64xf32, #tpu.memory_space<vmem>>, vector<1x16xf32>,
        %get3A_621 = arith.index_cast %scan3A_605 : i32 to index
        %get3A_622 = arith.constant 16 : index
        %get3A_623 = tpu.vector_load %arg9[%get3A_621, %get3A_622] {strides = array<i32>} : memref<128x64xf32, #tpu.memory_space<vmem>>, vector<1x16xf32>,
        %get3A_624 = vector.shape_cast %get3A_623 : vector<1x16xf32> to vector<16xf32>
        %get3A_625 = arith.index_cast %add3A_606 : i32 to index
        %get3A_626 = arith.constant 16 : index
        %get3A_627 = tpu.vector_load %arg7[%get3A_625, %get3A_626] {strides = array<i32>} : memref<400x64xf32, #tpu.memory_space<vmem>>, vector<1x16xf32>,
        %get3A_628 = vector.shape_cast %get3A_627 : vector<1x16xf32> to vector<16xf32>
        %add3A_629 = arith.addf %get3A_624, %get3A_628 : vector<16xf32>
        %swap3A_630 = arith.index_cast %scan3A_605 : i32 to index
        %swap3A_631 = arith.constant 16 : index
        %swap3A_632 = tpu.vector_load %arg13[%swap3A_630, %swap3A_631] {strides = array<i32>} : memref<128x64xf32, #tpu.memory_space<vmem>>, vector<1x16xf32>,
        %swap3A_633 = vector.shape_cast %swap3A_632 : vector<1x16xf32> to vector<16xf32>
        %swap3A_634 = vector.shape_cast %add3A_629 : vector<16xf32> to vector<1x16xf32>
        tpu.vector_store %arg13[%swap3A_630, %swap3A_631], %swap3A_634 {strides = array<i32>} : memref<128x64xf32, #tpu.memory_space<vmem>>, vector<1x16xf32>,
        %get3A_635 = arith.index_cast %scan3A_605 : i32 to index
        %get3A_636 = arith.constant 32 : index
        %get3A_637 = tpu.vector_load %arg9[%get3A_635, %get3A_636] {strides = array<i32>} : memref<128x64xf32, #tpu.memory_space<vmem>>, vector<1x16xf32>,
        %get3A_638 = vector.shape_cast %get3A_637 : vector<1x16xf32> to vector<16xf32>
        %get3A_639 = arith.index_cast %add3A_606 : i32 to index
        %get3A_640 = arith.constant 32 : index
        %get3A_641 = tpu.vector_load %arg7[%get3A_639, %get3A_640] {strides = array<i32>} : memref<400x64xf32, #tpu.memory_space<vmem>>, vector<1x16xf32>,
        %get3A_642 = vector.shape_cast %get3A_641 : vector<1x16xf32> to vector<16xf32>
        %add3A_643 = arith.addf %get3A_638, %get3A_642 : vector<16xf32>
        %swap3A_644 = arith.index_cast %scan3A_605 : i32 to index
        %swap3A_645 = arith.constant 32 : index
        %swap3A_646 = tpu.vector_load %arg13[%swap3A_644, %swap3A_645] {strides = array<i32>} : memref<128x64xf32, #tpu.memory_space<vmem>>, vector<1x16xf32>,
        %swap3A_647 = vector.shape_cast %swap3A_646 : vector<1x16xf32> to vector<16xf32>
        %swap3A_648 = vector.shape_cast %add3A_643 : vector<16xf32> to vector<1x16xf32>
        tpu.vector_store %arg13[%swap3A_644, %swap3A_645], %swap3A_648 {strides = array<i32>} : memref<128x64xf32, #tpu.memory_space<vmem>>, vector<1x16xf32>,
        %get3A_649 = arith.index_cast %scan3A_605 : i32 to index
        %get3A_650 = arith.constant 48 : index
        %get3A_651 = tpu.vector_load %arg9[%get3A_649, %get3A_650] {strides = array<i32>} : memref<128x64xf32, #tpu.memory_space<vmem>>, vector<1x16xf32>,
        %get3A_652 = vector.shape_cast %get3A_651 : vector<1x16xf32> to vector<16xf32>
        %get3A_653 = arith.index_cast %add3A_606 : i32 to index
        %get3A_654 = arith.constant 48 : index
        %get3A_655 = tpu.vector_load %arg7[%get3A_653, %get3A_654] {strides = array<i32>} : memref<400x64xf32, #tpu.memory_space<vmem>>, vector<1x16xf32>,
        %get3A_656 = vector.shape_cast %get3A_655 : vector<1x16xf32> to vector<16xf32>
        %add3A_657 = arith.addf %get3A_652, %get3A_656 : vector<16xf32>
        %swap3A_658 = arith.index_cast %scan3A_605 : i32 to index
        %swap3A_659 = arith.constant 48 : index
        %swap3A_660 = tpu.vector_load %arg13[%swap3A_658, %swap3A_659] {strides = array<i32>} : memref<128x64xf32, #tpu.memory_space<vmem>>, vector<1x16xf32>,
        %swap3A_661 = vector.shape_cast %swap3A_660 : vector<1x16xf32> to vector<16xf32>
        %swap3A_662 = vector.shape_cast %add3A_657 : vector<16xf32> to vector<1x16xf32>
        tpu.vector_store %arg13[%swap3A_658, %swap3A_659], %swap3A_662 {strides = array<i32>} : memref<128x64xf32, #tpu.memory_space<vmem>>, vector<1x16xf32>,
        %scan3A_663 = arith.constant 7 : i32
        %scan3A_664 = arith.addi %scan3A_253, %scan3A_663 : i32
        %add3A_665 = arith.addi %rem3A_163, %scan3A_664 : i32
        %get3A_666 = arith.index_cast %scan3A_664 : i32 to index
        %get3A_667 = arith.constant 0 : index
        %get3A_668 = tpu.vector_load %arg9[%get3A_666, %get3A_667] {strides = array<i32>} : memref<128x64xf32, #tpu.memory_space<vmem>>, vector<1x16xf32>,
        %get3A_669 = vector.shape_cast %get3A_668 : vector<1x16xf32> to vector<16xf32>
        %get3A_670 = arith.index_cast %add3A_665 : i32 to index
        %get3A_671 = arith.constant 0 : index
        %get3A_672 = tpu.vector_load %arg7[%get3A_670, %get3A_671] {strides = array<i32>} : memref<400x64xf32, #tpu.memory_space<vmem>>, vector<1x16xf32>,
        %get3A_673 = vector.shape_cast %get3A_672 : vector<1x16xf32> to vector<16xf32>
        %add3A_674 = arith.addf %get3A_669, %get3A_673 : vector<16xf32>
        %swap3A_675 = arith.index_cast %scan3A_664 : i32 to index
        %swap3A_676 = arith.constant 0 : index
        %swap3A_677 = tpu.vector_load %arg13[%swap3A_675, %swap3A_676] {strides = array<i32>} : memref<128x64xf32, #tpu.memory_space<vmem>>, vector<1x16xf32>,
        %swap3A_678 = vector.shape_cast %swap3A_677 : vector<1x16xf32> to vector<16xf32>
        %swap3A_679 = vector.shape_cast %add3A_674 : vector<16xf32> to vector<1x16xf32>
        tpu.vector_store %arg13[%swap3A_675, %swap3A_676], %swap3A_679 {strides = array<i32>} : memref<128x64xf32, #tpu.memory_space<vmem>>, vector<1x16xf32>,
        %get3A_680 = arith.index_cast %scan3A_664 : i32 to index
        %get3A_681 = arith.constant 16 : index
        %get3A_682 = tpu.vector_load %arg9[%get3A_680, %get3A_681] {strides = array<i32>} : memref<128x64xf32, #tpu.memory_space<vmem>>, vector<1x16xf32>,
        %get3A_683 = vector.shape_cast %get3A_682 : vector<1x16xf32> to vector<16xf32>
        %get3A_684 = arith.index_cast %add3A_665 : i32 to index
        %get3A_685 = arith.constant 16 : index
        %get3A_686 = tpu.vector_load %arg7[%get3A_684, %get3A_685] {strides = array<i32>} : memref<400x64xf32, #tpu.memory_space<vmem>>, vector<1x16xf32>,
        %get3A_687 = vector.shape_cast %get3A_686 : vector<1x16xf32> to vector<16xf32>
        %add3A_688 = arith.addf %get3A_683, %get3A_687 : vector<16xf32>
        %swap3A_689 = arith.index_cast %scan3A_664 : i32 to index
        %swap3A_690 = arith.constant 16 : index
        %swap3A_691 = tpu.vector_load %arg13[%swap3A_689, %swap3A_690] {strides = array<i32>} : memref<128x64xf32, #tpu.memory_space<vmem>>, vector<1x16xf32>,
        %swap3A_692 = vector.shape_cast %swap3A_691 : vector<1x16xf32> to vector<16xf32>
        %swap3A_693 = vector.shape_cast %add3A_688 : vector<16xf32> to vector<1x16xf32>
        tpu.vector_store %arg13[%swap3A_689, %swap3A_690], %swap3A_693 {strides = array<i32>} : memref<128x64xf32, #tpu.memory_space<vmem>>, vector<1x16xf32>,
        %get3A_694 = arith.index_cast %scan3A_664 : i32 to index
        %get3A_695 = arith.constant 32 : index
        %get3A_696 = tpu.vector_load %arg9[%get3A_694, %get3A_695] {strides = array<i32>} : memref<128x64xf32, #tpu.memory_space<vmem>>, vector<1x16xf32>,
        %get3A_697 = vector.shape_cast %get3A_696 : vector<1x16xf32> to vector<16xf32>
        %get3A_698 = arith.index_cast %add3A_665 : i32 to index
        %get3A_699 = arith.constant 32 : index
        %get3A_700 = tpu.vector_load %arg7[%get3A_698, %get3A_699] {strides = array<i32>} : memref<400x64xf32, #tpu.memory_space<vmem>>, vector<1x16xf32>,
        %get3A_701 = vector.shape_cast %get3A_700 : vector<1x16xf32> to vector<16xf32>
        %add3A_702 = arith.addf %get3A_697, %get3A_701 : vector<16xf32>
        %swap3A_703 = arith.index_cast %scan3A_664 : i32 to index
        %swap3A_704 = arith.constant 32 : index
        %swap3A_705 = tpu.vector_load %arg13[%swap3A_703, %swap3A_704] {strides = array<i32>} : memref<128x64xf32, #tpu.memory_space<vmem>>, vector<1x16xf32>,
        %swap3A_706 = vector.shape_cast %swap3A_705 : vector<1x16xf32> to vector<16xf32>
        %swap3A_707 = vector.shape_cast %add3A_702 : vector<16xf32> to vector<1x16xf32>
        tpu.vector_store %arg13[%swap3A_703, %swap3A_704], %swap3A_707 {strides = array<i32>} : memref<128x64xf32, #tpu.memory_space<vmem>>, vector<1x16xf32>,
        %get3A_708 = arith.index_cast %scan3A_664 : i32 to index
        %get3A_709 = arith.constant 48 : index
        %get3A_710 = tpu.vector_load %arg9[%get3A_708, %get3A_709] {strides = array<i32>} : memref<128x64xf32, #tpu.memory_space<vmem>>, vector<1x16xf32>,
        %get3A_711 = vector.shape_cast %get3A_710 : vector<1x16xf32> to vector<16xf32>
        %get3A_712 = arith.index_cast %add3A_665 : i32 to index
        %get3A_713 = arith.constant 48 : index
        %get3A_714 = tpu.vector_load %arg7[%get3A_712, %get3A_713] {strides = array<i32>} : memref<400x64xf32, #tpu.memory_space<vmem>>, vector<1x16xf32>,
        %get3A_715 = vector.shape_cast %get3A_714 : vector<1x16xf32> to vector<16xf32>
        %add3A_716 = arith.addf %get3A_711, %get3A_715 : vector<16xf32>
        %swap3A_717 = arith.index_cast %scan3A_664 : i32 to index
        %swap3A_718 = arith.constant 48 : index
        %swap3A_719 = tpu.vector_load %arg13[%swap3A_717, %swap3A_718] {strides = array<i32>} : memref<128x64xf32, #tpu.memory_space<vmem>>, vector<1x16xf32>,
        %swap3A_720 = vector.shape_cast %swap3A_719 : vector<1x16xf32> to vector<16xf32>
        %swap3A_721 = vector.shape_cast %add3A_716 : vector<16xf32> to vector<1x16xf32>
        tpu.vector_store %arg13[%swap3A_717, %swap3A_718], %swap3A_721 {strides = array<i32>} : memref<128x64xf32, #tpu.memory_space<vmem>>, vector<1x16xf32>,
      }
      %scan3A_168 = arith.constant 128 : i32
      %add3A_169 = arith.constant 4 : i32
      %add3A_170 = arith.addi %add3A_149, %add3A_169 : i32
      %lt3A_171 = arith.constant 50 : i32
      %lt3A_172 = arith.cmpi slt, %add3A_170, %lt3A_171 : i32
      %convert_element_type3A_173 = arith.extui %lt3A_172 : i1 to i32
      %cond3A_174 = arith.constant 0 : i32
      %cond3A_175 = arith.cmpi ne, %convert_element_type3A_173, %cond3A_174 : i32
      scf.if %cond3A_175 {
        %add3A_253 = arith.constant 4 : i32
        %add3A_254 = arith.addi %add3A_149, %add3A_253 : i32
        %mul3A_255 = arith.constant 128 : i32
        %mul3A_256 = arith.muli %add3A_254, %mul3A_255 : i32
        %dma_start3A_257 = tpu.memref_slice %arg6[%mul3A_256] : memref<6400xi32, #tpu.memory_space<vmem>> -> memref<128xi32, #tpu.memory_space<vmem>>
        %dma_start3A_258 = arith.constant 0 : i32
        %dma_start3A_259 = arith.constant 0 : i32
        %dma_start3A_260 = tpu.memref_slice %arg4[%dma_start3A_258, %dma_start3A_259] : memref<1000000x64xf32, #tpu.memory_space<hbm>> -> memref<1000000x64xf32, #tpu.memory_space<hbm>>
        tpu.enqueue_indirect_dma source(%dma_start3A_260 : memref<1000000x64xf32, #tpu.memory_space<hbm>>) target(%arg9 : memref<128x64xf32, #tpu.memory_space<vmem>>) offsets(%dma_start3A_257 : memref<128xi32, #tpu.memory_space<vmem>>) semaphore(%arg15 : memref<!tpu.dma_semaphore, #tpu.memory_space<semaphore_mem>>)
      } else {
      }
      %mul3A_176 = arith.constant 128 : i32
      %mul3A_177 = arith.muli %add3A_149, %mul3A_176 : i32
      %add3A_178 = arith.addi %mul3A_2, %mul3A_177 : i32
      %dma_start3A_179 = arith.constant 0 : i32
      %dma_start3A_180 = tpu.memref_slice %arg5[%add3A_178, %dma_start3A_179] : memref<204800x64xf32, #tpu.memory_space<hbm>> -> memref<128x64xf32, #tpu.memory_space<hbm>>
      %dma_start3A_181 = arith.constant 0 : i32
      %dma_start3A_182 = tpu.memref_slice %arg5[%add3A_178, %dma_start3A_181] : memref<204800x64xf32, #tpu.memory_space<hbm>> -> memref<128x64xf32, #tpu.memory_space<hbm>>
      tpu.enqueue_dma source(%arg13 : memref<128x64xf32, #tpu.memory_space<vmem>>) target(%dma_start3A_182 : memref<128x64xf32, #tpu.memory_space<hbm>>) target_semaphore(%arg19 : memref<!tpu.dma_semaphore, #tpu.memory_space<semaphore_mem>>)
      %add3A_183 = arith.constant 2 : i32
      %add3A_184 = arith.addi %mul3A_112, %add3A_183 : i32
      %dma_wait3A_185 = arith.constant 0 : i32
      %dma_wait3A_186 = tpu.memref_slice %arg6[%dma_wait3A_185] : memref<6400xi32, #tpu.memory_space<vmem>> -> memref<128xi32, #tpu.memory_space<vmem>>
      %dma_wait3A_187 = arith.constant 0 : i32
      %dma_wait3A_188 = arith.constant 0 : i32
      %dma_wait3A_189 = tpu.memref_slice %arg4[%dma_wait3A_187, %dma_wait3A_188] : memref<1000000x64xf32, #tpu.memory_space<hbm>> -> memref<1000000x64xf32, #tpu.memory_space<hbm>>
      tpu.wait_indirect_dma semaphore(%arg16 : memref<!tpu.dma_semaphore, #tpu.memory_space<semaphore_mem>>) src(%dma_wait3A_189 : memref<1000000x64xf32, #tpu.memory_space<hbm>>) dst(%arg10 : memref<128x64xf32, #tpu.memory_space<vmem>>)
      %ge3A_190 = arith.constant 2 : i32
      %ge3A_191 = arith.cmpi sge, %add3A_184, %ge3A_190 : i32
      %convert_element_type3A_192 = arith.extui %ge3A_191 : i1 to i32
      %cond3A_193 = arith.constant 0 : i32
      %cond3A_194 = arith.cmpi ne, %convert_element_type3A_192, %cond3A_193 : i32
      scf.if %cond3A_194 {
        %mul3A_253 = arith.constant 128 : i32
        %mul3A_254 = arith.muli %add3A_184, %mul3A_253 : i32
        %add3A_255 = arith.addi %mul3A_2, %mul3A_254 : i32
        %dma_wait3A_256 = arith.constant 0 : i32
        %dma_wait3A_257 = tpu.memref_slice %arg5[%add3A_255, %dma_wait3A_256] : memref<204800x64xf32, #tpu.memory_space<hbm>> -> memref<128x64xf32, #tpu.memory_space<hbm>>
        %dma_wait3A_258 = arith.constant 0 : i32
        %dma_wait3A_259 = tpu.memref_slice %arg5[%add3A_255, %dma_wait3A_258] : memref<204800x64xf32, #tpu.memory_space<hbm>> -> memref<128x64xf32, #tpu.memory_space<hbm>>
        tpu.wait_dma2 semaphore(%arg18 : memref<!tpu.dma_semaphore, #tpu.memory_space<semaphore_mem>>) src(%arg12 : memref<128x64xf32, #tpu.memory_space<vmem>>) dst(%dma_wait3A_259 : memref<128x64xf32, #tpu.memory_space<hbm>>)
      } else {
      }
      %mul3A_195 = arith.constant 128 : i32
      %mul3A_196 = arith.muli %add3A_184, %mul3A_195 : i32
      %rem3A_197 = arith.constant 200 : i32
      %rem3A_198 = arith.remsi %mul3A_196, %rem3A_197 : i32
      %scan3A_199 = arith.constant 0 : i32
      %scan3A_200 = arith.constant 128 : i32
      %scan3A_201 = arith.addi %scan3A_199, %scan3A_200 : i32
      %scan3A_202 = arith.constant 8 : i32
      scf.for %scan3A_253 = %scan3A_199 to %scan3A_201 step %scan3A_202  : i32 {
        %add3A_254 = arith.addi %rem3A_198, %scan3A_253 : i32
        %get3A = arith.index_cast %scan3A_253 : i32 to index
        %get3A_255 = arith.constant 0 : index
        %get3A_256 = tpu.vector_load %arg10[%get3A, %get3A_255] {strides = array<i32>} : memref<128x64xf32, #tpu.memory_space<vmem>>, vector<1x16xf32>,
        %get3A_257 = vector.shape_cast %get3A_256 : vector<1x16xf32> to vector<16xf32>
        %get3A_258 = arith.index_cast %add3A_254 : i32 to index
        %get3A_259 = arith.constant 0 : index
        %get3A_260 = tpu.vector_load %arg7[%get3A_258, %get3A_259] {strides = array<i32>} : memref<400x64xf32, #tpu.memory_space<vmem>>, vector<1x16xf32>,
        %get3A_261 = vector.shape_cast %get3A_260 : vector<1x16xf32> to vector<16xf32>
        %add3A_262 = arith.addf %get3A_257, %get3A_261 : vector<16xf32>
        %swap3A = arith.index_cast %scan3A_253 : i32 to index
        %swap3A_263 = arith.constant 0 : index
        %swap3A_264 = tpu.vector_load %arg12[%swap3A, %swap3A_263] {strides = array<i32>} : memref<128x64xf32, #tpu.memory_space<vmem>>, vector<1x16xf32>,
        %swap3A_265 = vector.shape_cast %swap3A_264 : vector<1x16xf32> to vector<16xf32>
        %swap3A_266 = vector.shape_cast %add3A_262 : vector<16xf32> to vector<1x16xf32>
        tpu.vector_store %arg12[%swap3A, %swap3A_263], %swap3A_266 {strides = array<i32>} : memref<128x64xf32, #tpu.memory_space<vmem>>, vector<1x16xf32>,
        %get3A_267 = arith.index_cast %scan3A_253 : i32 to index
        %get3A_268 = arith.constant 16 : index
        %get3A_269 = tpu.vector_load %arg10[%get3A_267, %get3A_268] {strides = array<i32>} : memref<128x64xf32, #tpu.memory_space<vmem>>, vector<1x16xf32>,
        %get3A_270 = vector.shape_cast %get3A_269 : vector<1x16xf32> to vector<16xf32>
        %get3A_271 = arith.index_cast %add3A_254 : i32 to index
        %get3A_272 = arith.constant 16 : index
        %get3A_273 = tpu.vector_load %arg7[%get3A_271, %get3A_272] {strides = array<i32>} : memref<400x64xf32, #tpu.memory_space<vmem>>, vector<1x16xf32>,
        %get3A_274 = vector.shape_cast %get3A_273 : vector<1x16xf32> to vector<16xf32>
        %add3A_275 = arith.addf %get3A_270, %get3A_274 : vector<16xf32>
        %swap3A_276 = arith.index_cast %scan3A_253 : i32 to index
        %swap3A_277 = arith.constant 16 : index
        %swap3A_278 = tpu.vector_load %arg12[%swap3A_276, %swap3A_277] {strides = array<i32>} : memref<128x64xf32, #tpu.memory_space<vmem>>, vector<1x16xf32>,
        %swap3A_279 = vector.shape_cast %swap3A_278 : vector<1x16xf32> to vector<16xf32>
        %swap3A_280 = vector.shape_cast %add3A_275 : vector<16xf32> to vector<1x16xf32>
        tpu.vector_store %arg12[%swap3A_276, %swap3A_277], %swap3A_280 {strides = array<i32>} : memref<128x64xf32, #tpu.memory_space<vmem>>, vector<1x16xf32>,
        %get3A_281 = arith.index_cast %scan3A_253 : i32 to index
        %get3A_282 = arith.constant 32 : index
        %get3A_283 = tpu.vector_load %arg10[%get3A_281, %get3A_282] {strides = array<i32>} : memref<128x64xf32, #tpu.memory_space<vmem>>, vector<1x16xf32>,
        %get3A_284 = vector.shape_cast %get3A_283 : vector<1x16xf32> to vector<16xf32>
        %get3A_285 = arith.index_cast %add3A_254 : i32 to index
        %get3A_286 = arith.constant 32 : index
        %get3A_287 = tpu.vector_load %arg7[%get3A_285, %get3A_286] {strides = array<i32>} : memref<400x64xf32, #tpu.memory_space<vmem>>, vector<1x16xf32>,
        %get3A_288 = vector.shape_cast %get3A_287 : vector<1x16xf32> to vector<16xf32>
        %add3A_289 = arith.addf %get3A_284, %get3A_288 : vector<16xf32>
        %swap3A_290 = arith.index_cast %scan3A_253 : i32 to index
        %swap3A_291 = arith.constant 32 : index
        %swap3A_292 = tpu.vector_load %arg12[%swap3A_290, %swap3A_291] {strides = array<i32>} : memref<128x64xf32, #tpu.memory_space<vmem>>, vector<1x16xf32>,
        %swap3A_293 = vector.shape_cast %swap3A_292 : vector<1x16xf32> to vector<16xf32>
        %swap3A_294 = vector.shape_cast %add3A_289 : vector<16xf32> to vector<1x16xf32>
        tpu.vector_store %arg12[%swap3A_290, %swap3A_291], %swap3A_294 {strides = array<i32>} : memref<128x64xf32, #tpu.memory_space<vmem>>, vector<1x16xf32>,
        %get3A_295 = arith.index_cast %scan3A_253 : i32 to index
        %get3A_296 = arith.constant 48 : index
        %get3A_297 = tpu.vector_load %arg10[%get3A_295, %get3A_296] {strides = array<i32>} : memref<128x64xf32, #tpu.memory_space<vmem>>, vector<1x16xf32>,
        %get3A_298 = vector.shape_cast %get3A_297 : vector<1x16xf32> to vector<16xf32>
        %get3A_299 = arith.index_cast %add3A_254 : i32 to index
        %get3A_300 = arith.constant 48 : index
        %get3A_301 = tpu.vector_load %arg7[%get3A_299, %get3A_300] {strides = array<i32>} : memref<400x64xf32, #tpu.memory_space<vmem>>, vector<1x16xf32>,
        %get3A_302 = vector.shape_cast %get3A_301 : vector<1x16xf32> to vector<16xf32>
        %add3A_303 = arith.addf %get3A_298, %get3A_302 : vector<16xf32>
        %swap3A_304 = arith.index_cast %scan3A_253 : i32 to index
        %swap3A_305 = arith.constant 48 : index
        %swap3A_306 = tpu.vector_load %arg12[%swap3A_304, %swap3A_305] {strides = array<i32>} : memref<128x64xf32, #tpu.memory_space<vmem>>, vector<1x16xf32>,
        %swap3A_307 = vector.shape_cast %swap3A_306 : vector<1x16xf32> to vector<16xf32>
        %swap3A_308 = vector.shape_cast %add3A_303 : vector<16xf32> to vector<1x16xf32>
        tpu.vector_store %arg12[%swap3A_304, %swap3A_305], %swap3A_308 {strides = array<i32>} : memref<128x64xf32, #tpu.memory_space<vmem>>, vector<1x16xf32>,
        %scan3A_309 = arith.constant 1 : i32
        %scan3A_310 = arith.addi %scan3A_253, %scan3A_309 : i32
        %add3A_311 = arith.addi %rem3A_198, %scan3A_310 : i32
        %get3A_312 = arith.index_cast %scan3A_310 : i32 to index
        %get3A_313 = arith.constant 0 : index
        %get3A_314 = tpu.vector_load %arg10[%get3A_312, %get3A_313] {strides = array<i32>} : memref<128x64xf32, #tpu.memory_space<vmem>>, vector<1x16xf32>,
        %get3A_315 = vector.shape_cast %get3A_314 : vector<1x16xf32> to vector<16xf32>
        %get3A_316 = arith.index_cast %add3A_311 : i32 to index
        %get3A_317 = arith.constant 0 : index
        %get3A_318 = tpu.vector_load %arg7[%get3A_316, %get3A_317] {strides = array<i32>} : memref<400x64xf32, #tpu.memory_space<vmem>>, vector<1x16xf32>,
        %get3A_319 = vector.shape_cast %get3A_318 : vector<1x16xf32> to vector<16xf32>
        %add3A_320 = arith.addf %get3A_315, %get3A_319 : vector<16xf32>
        %swap3A_321 = arith.index_cast %scan3A_310 : i32 to index
        %swap3A_322 = arith.constant 0 : index
        %swap3A_323 = tpu.vector_load %arg12[%swap3A_321, %swap3A_322] {strides = array<i32>} : memref<128x64xf32, #tpu.memory_space<vmem>>, vector<1x16xf32>,
        %swap3A_324 = vector.shape_cast %swap3A_323 : vector<1x16xf32> to vector<16xf32>
        %swap3A_325 = vector.shape_cast %add3A_320 : vector<16xf32> to vector<1x16xf32>
        tpu.vector_store %arg12[%swap3A_321, %swap3A_322], %swap3A_325 {strides = array<i32>} : memref<128x64xf32, #tpu.memory_space<vmem>>, vector<1x16xf32>,
        %get3A_326 = arith.index_cast %scan3A_310 : i32 to index
        %get3A_327 = arith.constant 16 : index
        %get3A_328 = tpu.vector_load %arg10[%get3A_326, %get3A_327] {strides = array<i32>} : memref<128x64xf32, #tpu.memory_space<vmem>>, vector<1x16xf32>,
        %get3A_329 = vector.shape_cast %get3A_328 : vector<1x16xf32> to vector<16xf32>
        %get3A_330 = arith.index_cast %add3A_311 : i32 to index
        %get3A_331 = arith.constant 16 : index
        %get3A_332 = tpu.vector_load %arg7[%get3A_330, %get3A_331] {strides = array<i32>} : memref<400x64xf32, #tpu.memory_space<vmem>>, vector<1x16xf32>,
        %get3A_333 = vector.shape_cast %get3A_332 : vector<1x16xf32> to vector<16xf32>
        %add3A_334 = arith.addf %get3A_329, %get3A_333 : vector<16xf32>
        %swap3A_335 = arith.index_cast %scan3A_310 : i32 to index
        %swap3A_336 = arith.constant 16 : index
        %swap3A_337 = tpu.vector_load %arg12[%swap3A_335, %swap3A_336] {strides = array<i32>} : memref<128x64xf32, #tpu.memory_space<vmem>>, vector<1x16xf32>,
        %swap3A_338 = vector.shape_cast %swap3A_337 : vector<1x16xf32> to vector<16xf32>
        %swap3A_339 = vector.shape_cast %add3A_334 : vector<16xf32> to vector<1x16xf32>
        tpu.vector_store %arg12[%swap3A_335, %swap3A_336], %swap3A_339 {strides = array<i32>} : memref<128x64xf32, #tpu.memory_space<vmem>>, vector<1x16xf32>,
        %get3A_340 = arith.index_cast %scan3A_310 : i32 to index
        %get3A_341 = arith.constant 32 : index
        %get3A_342 = tpu.vector_load %arg10[%get3A_340, %get3A_341] {strides = array<i32>} : memref<128x64xf32, #tpu.memory_space<vmem>>, vector<1x16xf32>,
        %get3A_343 = vector.shape_cast %get3A_342 : vector<1x16xf32> to vector<16xf32>
        %get3A_344 = arith.index_cast %add3A_311 : i32 to index
        %get3A_345 = arith.constant 32 : index
        %get3A_346 = tpu.vector_load %arg7[%get3A_344, %get3A_345] {strides = array<i32>} : memref<400x64xf32, #tpu.memory_space<vmem>>, vector<1x16xf32>,
        %get3A_347 = vector.shape_cast %get3A_346 : vector<1x16xf32> to vector<16xf32>
        %add3A_348 = arith.addf %get3A_343, %get3A_347 : vector<16xf32>
        %swap3A_349 = arith.index_cast %scan3A_310 : i32 to index
        %swap3A_350 = arith.constant 32 : index
        %swap3A_351 = tpu.vector_load %arg12[%swap3A_349, %swap3A_350] {strides = array<i32>} : memref<128x64xf32, #tpu.memory_space<vmem>>, vector<1x16xf32>,
        %swap3A_352 = vector.shape_cast %swap3A_351 : vector<1x16xf32> to vector<16xf32>
        %swap3A_353 = vector.shape_cast %add3A_348 : vector<16xf32> to vector<1x16xf32>
        tpu.vector_store %arg12[%swap3A_349, %swap3A_350], %swap3A_353 {strides = array<i32>} : memref<128x64xf32, #tpu.memory_space<vmem>>, vector<1x16xf32>,
        %get3A_354 = arith.index_cast %scan3A_310 : i32 to index
        %get3A_355 = arith.constant 48 : index
        %get3A_356 = tpu.vector_load %arg10[%get3A_354, %get3A_355] {strides = array<i32>} : memref<128x64xf32, #tpu.memory_space<vmem>>, vector<1x16xf32>,
        %get3A_357 = vector.shape_cast %get3A_356 : vector<1x16xf32> to vector<16xf32>
        %get3A_358 = arith.index_cast %add3A_311 : i32 to index
        %get3A_359 = arith.constant 48 : index
        %get3A_360 = tpu.vector_load %arg7[%get3A_358, %get3A_359] {strides = array<i32>} : memref<400x64xf32, #tpu.memory_space<vmem>>, vector<1x16xf32>,
        %get3A_361 = vector.shape_cast %get3A_360 : vector<1x16xf32> to vector<16xf32>
        %add3A_362 = arith.addf %get3A_357, %get3A_361 : vector<16xf32>
        %swap3A_363 = arith.index_cast %scan3A_310 : i32 to index
        %swap3A_364 = arith.constant 48 : index
        %swap3A_365 = tpu.vector_load %arg12[%swap3A_363, %swap3A_364] {strides = array<i32>} : memref<128x64xf32, #tpu.memory_space<vmem>>, vector<1x16xf32>,
        %swap3A_366 = vector.shape_cast %swap3A_365 : vector<1x16xf32> to vector<16xf32>
        %swap3A_367 = vector.shape_cast %add3A_362 : vector<16xf32> to vector<1x16xf32>
        tpu.vector_store %arg12[%swap3A_363, %swap3A_364], %swap3A_367 {strides = array<i32>} : memref<128x64xf32, #tpu.memory_space<vmem>>, vector<1x16xf32>,
        %scan3A_368 = arith.constant 2 : i32
        %scan3A_369 = arith.addi %scan3A_253, %scan3A_368 : i32
        %add3A_370 = arith.addi %rem3A_198, %scan3A_369 : i32
        %get3A_371 = arith.index_cast %scan3A_369 : i32 to index
        %get3A_372 = arith.constant 0 : index
        %get3A_373 = tpu.vector_load %arg10[%get3A_371, %get3A_372] {strides = array<i32>} : memref<128x64xf32, #tpu.memory_space<vmem>>, vector<1x16xf32>,
        %get3A_374 = vector.shape_cast %get3A_373 : vector<1x16xf32> to vector<16xf32>
        %get3A_375 = arith.index_cast %add3A_370 : i32 to index
        %get3A_376 = arith.constant 0 : index
        %get3A_377 = tpu.vector_load %arg7[%get3A_375, %get3A_376] {strides = array<i32>} : memref<400x64xf32, #tpu.memory_space<vmem>>, vector<1x16xf32>,
        %get3A_378 = vector.shape_cast %get3A_377 : vector<1x16xf32> to vector<16xf32>
        %add3A_379 = arith.addf %get3A_374, %get3A_378 : vector<16xf32>
        %swap3A_380 = arith.index_cast %scan3A_369 : i32 to index
        %swap3A_381 = arith.constant 0 : index
        %swap3A_382 = tpu.vector_load %arg12[%swap3A_380, %swap3A_381] {strides = array<i32>} : memref<128x64xf32, #tpu.memory_space<vmem>>, vector<1x16xf32>,
        %swap3A_383 = vector.shape_cast %swap3A_382 : vector<1x16xf32> to vector<16xf32>
        %swap3A_384 = vector.shape_cast %add3A_379 : vector<16xf32> to vector<1x16xf32>
        tpu.vector_store %arg12[%swap3A_380, %swap3A_381], %swap3A_384 {strides = array<i32>} : memref<128x64xf32, #tpu.memory_space<vmem>>, vector<1x16xf32>,
        %get3A_385 = arith.index_cast %scan3A_369 : i32 to index
        %get3A_386 = arith.constant 16 : index
        %get3A_387 = tpu.vector_load %arg10[%get3A_385, %get3A_386] {strides = array<i32>} : memref<128x64xf32, #tpu.memory_space<vmem>>, vector<1x16xf32>,
        %get3A_388 = vector.shape_cast %get3A_387 : vector<1x16xf32> to vector<16xf32>
        %get3A_389 = arith.index_cast %add3A_370 : i32 to index
        %get3A_390 = arith.constant 16 : index
        %get3A_391 = tpu.vector_load %arg7[%get3A_389, %get3A_390] {strides = array<i32>} : memref<400x64xf32, #tpu.memory_space<vmem>>, vector<1x16xf32>,
        %get3A_392 = vector.shape_cast %get3A_391 : vector<1x16xf32> to vector<16xf32>
        %add3A_393 = arith.addf %get3A_388, %get3A_392 : vector<16xf32>
        %swap3A_394 = arith.index_cast %scan3A_369 : i32 to index
        %swap3A_395 = arith.constant 16 : index
        %swap3A_396 = tpu.vector_load %arg12[%swap3A_394, %swap3A_395] {strides = array<i32>} : memref<128x64xf32, #tpu.memory_space<vmem>>, vector<1x16xf32>,
        %swap3A_397 = vector.shape_cast %swap3A_396 : vector<1x16xf32> to vector<16xf32>
        %swap3A_398 = vector.shape_cast %add3A_393 : vector<16xf32> to vector<1x16xf32>
        tpu.vector_store %arg12[%swap3A_394, %swap3A_395], %swap3A_398 {strides = array<i32>} : memref<128x64xf32, #tpu.memory_space<vmem>>, vector<1x16xf32>,
        %get3A_399 = arith.index_cast %scan3A_369 : i32 to index
        %get3A_400 = arith.constant 32 : index
        %get3A_401 = tpu.vector_load %arg10[%get3A_399, %get3A_400] {strides = array<i32>} : memref<128x64xf32, #tpu.memory_space<vmem>>, vector<1x16xf32>,
        %get3A_402 = vector.shape_cast %get3A_401 : vector<1x16xf32> to vector<16xf32>
        %get3A_403 = arith.index_cast %add3A_370 : i32 to index
        %get3A_404 = arith.constant 32 : index
        %get3A_405 = tpu.vector_load %arg7[%get3A_403, %get3A_404] {strides = array<i32>} : memref<400x64xf32, #tpu.memory_space<vmem>>, vector<1x16xf32>,
        %get3A_406 = vector.shape_cast %get3A_405 : vector<1x16xf32> to vector<16xf32>
        %add3A_407 = arith.addf %get3A_402, %get3A_406 : vector<16xf32>
        %swap3A_408 = arith.index_cast %scan3A_369 : i32 to index
        %swap3A_409 = arith.constant 32 : index
        %swap3A_410 = tpu.vector_load %arg12[%swap3A_408, %swap3A_409] {strides = array<i32>} : memref<128x64xf32, #tpu.memory_space<vmem>>, vector<1x16xf32>,
        %swap3A_411 = vector.shape_cast %swap3A_410 : vector<1x16xf32> to vector<16xf32>
        %swap3A_412 = vector.shape_cast %add3A_407 : vector<16xf32> to vector<1x16xf32>
        tpu.vector_store %arg12[%swap3A_408, %swap3A_409], %swap3A_412 {strides = array<i32>} : memref<128x64xf32, #tpu.memory_space<vmem>>, vector<1x16xf32>,
        %get3A_413 = arith.index_cast %scan3A_369 : i32 to index
        %get3A_414 = arith.constant 48 : index
        %get3A_415 = tpu.vector_load %arg10[%get3A_413, %get3A_414] {strides = array<i32>} : memref<128x64xf32, #tpu.memory_space<vmem>>, vector<1x16xf32>,
        %get3A_416 = vector.shape_cast %get3A_415 : vector<1x16xf32> to vector<16xf32>
        %get3A_417 = arith.index_cast %add3A_370 : i32 to index
        %get3A_418 = arith.constant 48 : index
        %get3A_419 = tpu.vector_load %arg7[%get3A_417, %get3A_418] {strides = array<i32>} : memref<400x64xf32, #tpu.memory_space<vmem>>, vector<1x16xf32>,
        %get3A_420 = vector.shape_cast %get3A_419 : vector<1x16xf32> to vector<16xf32>
        %add3A_421 = arith.addf %get3A_416, %get3A_420 : vector<16xf32>
        %swap3A_422 = arith.index_cast %scan3A_369 : i32 to index
        %swap3A_423 = arith.constant 48 : index
        %swap3A_424 = tpu.vector_load %arg12[%swap3A_422, %swap3A_423] {strides = array<i32>} : memref<128x64xf32, #tpu.memory_space<vmem>>, vector<1x16xf32>,
        %swap3A_425 = vector.shape_cast %swap3A_424 : vector<1x16xf32> to vector<16xf32>
        %swap3A_426 = vector.shape_cast %add3A_421 : vector<16xf32> to vector<1x16xf32>
        tpu.vector_store %arg12[%swap3A_422, %swap3A_423], %swap3A_426 {strides = array<i32>} : memref<128x64xf32, #tpu.memory_space<vmem>>, vector<1x16xf32>,
        %scan3A_427 = arith.constant 3 : i32
        %scan3A_428 = arith.addi %scan3A_253, %scan3A_427 : i32
        %add3A_429 = arith.addi %rem3A_198, %scan3A_428 : i32
        %get3A_430 = arith.index_cast %scan3A_428 : i32 to index
        %get3A_431 = arith.constant 0 : index
        %get3A_432 = tpu.vector_load %arg10[%get3A_430, %get3A_431] {strides = array<i32>} : memref<128x64xf32, #tpu.memory_space<vmem>>, vector<1x16xf32>,
        %get3A_433 = vector.shape_cast %get3A_432 : vector<1x16xf32> to vector<16xf32>
        %get3A_434 = arith.index_cast %add3A_429 : i32 to index
        %get3A_435 = arith.constant 0 : index
        %get3A_436 = tpu.vector_load %arg7[%get3A_434, %get3A_435] {strides = array<i32>} : memref<400x64xf32, #tpu.memory_space<vmem>>, vector<1x16xf32>,
        %get3A_437 = vector.shape_cast %get3A_436 : vector<1x16xf32> to vector<16xf32>
        %add3A_438 = arith.addf %get3A_433, %get3A_437 : vector<16xf32>
        %swap3A_439 = arith.index_cast %scan3A_428 : i32 to index
        %swap3A_440 = arith.constant 0 : index
        %swap3A_441 = tpu.vector_load %arg12[%swap3A_439, %swap3A_440] {strides = array<i32>} : memref<128x64xf32, #tpu.memory_space<vmem>>, vector<1x16xf32>,
        %swap3A_442 = vector.shape_cast %swap3A_441 : vector<1x16xf32> to vector<16xf32>
        %swap3A_443 = vector.shape_cast %add3A_438 : vector<16xf32> to vector<1x16xf32>
        tpu.vector_store %arg12[%swap3A_439, %swap3A_440], %swap3A_443 {strides = array<i32>} : memref<128x64xf32, #tpu.memory_space<vmem>>, vector<1x16xf32>,
        %get3A_444 = arith.index_cast %scan3A_428 : i32 to index
        %get3A_445 = arith.constant 16 : index
        %get3A_446 = tpu.vector_load %arg10[%get3A_444, %get3A_445] {strides = array<i32>} : memref<128x64xf32, #tpu.memory_space<vmem>>, vector<1x16xf32>,
        %get3A_447 = vector.shape_cast %get3A_446 : vector<1x16xf32> to vector<16xf32>
        %get3A_448 = arith.index_cast %add3A_429 : i32 to index
        %get3A_449 = arith.constant 16 : index
        %get3A_450 = tpu.vector_load %arg7[%get3A_448, %get3A_449] {strides = array<i32>} : memref<400x64xf32, #tpu.memory_space<vmem>>, vector<1x16xf32>,
        %get3A_451 = vector.shape_cast %get3A_450 : vector<1x16xf32> to vector<16xf32>
        %add3A_452 = arith.addf %get3A_447, %get3A_451 : vector<16xf32>
        %swap3A_453 = arith.index_cast %scan3A_428 : i32 to index
        %swap3A_454 = arith.constant 16 : index
        %swap3A_455 = tpu.vector_load %arg12[%swap3A_453, %swap3A_454] {strides = array<i32>} : memref<128x64xf32, #tpu.memory_space<vmem>>, vector<1x16xf32>,
        %swap3A_456 = vector.shape_cast %swap3A_455 : vector<1x16xf32> to vector<16xf32>
        %swap3A_457 = vector.shape_cast %add3A_452 : vector<16xf32> to vector<1x16xf32>
        tpu.vector_store %arg12[%swap3A_453, %swap3A_454], %swap3A_457 {strides = array<i32>} : memref<128x64xf32, #tpu.memory_space<vmem>>, vector<1x16xf32>,
        %get3A_458 = arith.index_cast %scan3A_428 : i32 to index
        %get3A_459 = arith.constant 32 : index
        %get3A_460 = tpu.vector_load %arg10[%get3A_458, %get3A_459] {strides = array<i32>} : memref<128x64xf32, #tpu.memory_space<vmem>>, vector<1x16xf32>,
        %get3A_461 = vector.shape_cast %get3A_460 : vector<1x16xf32> to vector<16xf32>
        %get3A_462 = arith.index_cast %add3A_429 : i32 to index
        %get3A_463 = arith.constant 32 : index
        %get3A_464 = tpu.vector_load %arg7[%get3A_462, %get3A_463] {strides = array<i32>} : memref<400x64xf32, #tpu.memory_space<vmem>>, vector<1x16xf32>,
        %get3A_465 = vector.shape_cast %get3A_464 : vector<1x16xf32> to vector<16xf32>
        %add3A_466 = arith.addf %get3A_461, %get3A_465 : vector<16xf32>
        %swap3A_467 = arith.index_cast %scan3A_428 : i32 to index
        %swap3A_468 = arith.constant 32 : index
        %swap3A_469 = tpu.vector_load %arg12[%swap3A_467, %swap3A_468] {strides = array<i32>} : memref<128x64xf32, #tpu.memory_space<vmem>>, vector<1x16xf32>,
        %swap3A_470 = vector.shape_cast %swap3A_469 : vector<1x16xf32> to vector<16xf32>
        %swap3A_471 = vector.shape_cast %add3A_466 : vector<16xf32> to vector<1x16xf32>
        tpu.vector_store %arg12[%swap3A_467, %swap3A_468], %swap3A_471 {strides = array<i32>} : memref<128x64xf32, #tpu.memory_space<vmem>>, vector<1x16xf32>,
        %get3A_472 = arith.index_cast %scan3A_428 : i32 to index
        %get3A_473 = arith.constant 48 : index
        %get3A_474 = tpu.vector_load %arg10[%get3A_472, %get3A_473] {strides = array<i32>} : memref<128x64xf32, #tpu.memory_space<vmem>>, vector<1x16xf32>,
        %get3A_475 = vector.shape_cast %get3A_474 : vector<1x16xf32> to vector<16xf32>
        %get3A_476 = arith.index_cast %add3A_429 : i32 to index
        %get3A_477 = arith.constant 48 : index
        %get3A_478 = tpu.vector_load %arg7[%get3A_476, %get3A_477] {strides = array<i32>} : memref<400x64xf32, #tpu.memory_space<vmem>>, vector<1x16xf32>,
        %get3A_479 = vector.shape_cast %get3A_478 : vector<1x16xf32> to vector<16xf32>
        %add3A_480 = arith.addf %get3A_475, %get3A_479 : vector<16xf32>
        %swap3A_481 = arith.index_cast %scan3A_428 : i32 to index
        %swap3A_482 = arith.constant 48 : index
        %swap3A_483 = tpu.vector_load %arg12[%swap3A_481, %swap3A_482] {strides = array<i32>} : memref<128x64xf32, #tpu.memory_space<vmem>>, vector<1x16xf32>,
        %swap3A_484 = vector.shape_cast %swap3A_483 : vector<1x16xf32> to vector<16xf32>
        %swap3A_485 = vector.shape_cast %add3A_480 : vector<16xf32> to vector<1x16xf32>
        tpu.vector_store %arg12[%swap3A_481, %swap3A_482], %swap3A_485 {strides = array<i32>} : memref<128x64xf32, #tpu.memory_space<vmem>>, vector<1x16xf32>,
        %scan3A_486 = arith.constant 4 : i32
        %scan3A_487 = arith.addi %scan3A_253, %scan3A_486 : i32
        %add3A_488 = arith.addi %rem3A_198, %scan3A_487 : i32
        %get3A_489 = arith.index_cast %scan3A_487 : i32 to index
        %get3A_490 = arith.constant 0 : index
        %get3A_491 = tpu.vector_load %arg10[%get3A_489, %get3A_490] {strides = array<i32>} : memref<128x64xf32, #tpu.memory_space<vmem>>, vector<1x16xf32>,
        %get3A_492 = vector.shape_cast %get3A_491 : vector<1x16xf32> to vector<16xf32>
        %get3A_493 = arith.index_cast %add3A_488 : i32 to index
        %get3A_494 = arith.constant 0 : index
        %get3A_495 = tpu.vector_load %arg7[%get3A_493, %get3A_494] {strides = array<i32>} : memref<400x64xf32, #tpu.memory_space<vmem>>, vector<1x16xf32>,
        %get3A_496 = vector.shape_cast %get3A_495 : vector<1x16xf32> to vector<16xf32>
        %add3A_497 = arith.addf %get3A_492, %get3A_496 : vector<16xf32>
        %swap3A_498 = arith.index_cast %scan3A_487 : i32 to index
        %swap3A_499 = arith.constant 0 : index
        %swap3A_500 = tpu.vector_load %arg12[%swap3A_498, %swap3A_499] {strides = array<i32>} : memref<128x64xf32, #tpu.memory_space<vmem>>, vector<1x16xf32>,
        %swap3A_501 = vector.shape_cast %swap3A_500 : vector<1x16xf32> to vector<16xf32>
        %swap3A_502 = vector.shape_cast %add3A_497 : vector<16xf32> to vector<1x16xf32>
        tpu.vector_store %arg12[%swap3A_498, %swap3A_499], %swap3A_502 {strides = array<i32>} : memref<128x64xf32, #tpu.memory_space<vmem>>, vector<1x16xf32>,
        %get3A_503 = arith.index_cast %scan3A_487 : i32 to index
        %get3A_504 = arith.constant 16 : index
        %get3A_505 = tpu.vector_load %arg10[%get3A_503, %get3A_504] {strides = array<i32>} : memref<128x64xf32, #tpu.memory_space<vmem>>, vector<1x16xf32>,
        %get3A_506 = vector.shape_cast %get3A_505 : vector<1x16xf32> to vector<16xf32>
        %get3A_507 = arith.index_cast %add3A_488 : i32 to index
        %get3A_508 = arith.constant 16 : index
        %get3A_509 = tpu.vector_load %arg7[%get3A_507, %get3A_508] {strides = array<i32>} : memref<400x64xf32, #tpu.memory_space<vmem>>, vector<1x16xf32>,
        %get3A_510 = vector.shape_cast %get3A_509 : vector<1x16xf32> to vector<16xf32>
        %add3A_511 = arith.addf %get3A_506, %get3A_510 : vector<16xf32>
        %swap3A_512 = arith.index_cast %scan3A_487 : i32 to index
        %swap3A_513 = arith.constant 16 : index
        %swap3A_514 = tpu.vector_load %arg12[%swap3A_512, %swap3A_513] {strides = array<i32>} : memref<128x64xf32, #tpu.memory_space<vmem>>, vector<1x16xf32>,
        %swap3A_515 = vector.shape_cast %swap3A_514 : vector<1x16xf32> to vector<16xf32>
        %swap3A_516 = vector.shape_cast %add3A_511 : vector<16xf32> to vector<1x16xf32>
        tpu.vector_store %arg12[%swap3A_512, %swap3A_513], %swap3A_516 {strides = array<i32>} : memref<128x64xf32, #tpu.memory_space<vmem>>, vector<1x16xf32>,
        %get3A_517 = arith.index_cast %scan3A_487 : i32 to index
        %get3A_518 = arith.constant 32 : index
        %get3A_519 = tpu.vector_load %arg10[%get3A_517, %get3A_518] {strides = array<i32>} : memref<128x64xf32, #tpu.memory_space<vmem>>, vector<1x16xf32>,
        %get3A_520 = vector.shape_cast %get3A_519 : vector<1x16xf32> to vector<16xf32>
        %get3A_521 = arith.index_cast %add3A_488 : i32 to index
        %get3A_522 = arith.constant 32 : index
        %get3A_523 = tpu.vector_load %arg7[%get3A_521, %get3A_522] {strides = array<i32>} : memref<400x64xf32, #tpu.memory_space<vmem>>, vector<1x16xf32>,
        %get3A_524 = vector.shape_cast %get3A_523 : vector<1x16xf32> to vector<16xf32>
        %add3A_525 = arith.addf %get3A_520, %get3A_524 : vector<16xf32>
        %swap3A_526 = arith.index_cast %scan3A_487 : i32 to index
        %swap3A_527 = arith.constant 32 : index
        %swap3A_528 = tpu.vector_load %arg12[%swap3A_526, %swap3A_527] {strides = array<i32>} : memref<128x64xf32, #tpu.memory_space<vmem>>, vector<1x16xf32>,
        %swap3A_529 = vector.shape_cast %swap3A_528 : vector<1x16xf32> to vector<16xf32>
        %swap3A_530 = vector.shape_cast %add3A_525 : vector<16xf32> to vector<1x16xf32>
        tpu.vector_store %arg12[%swap3A_526, %swap3A_527], %swap3A_530 {strides = array<i32>} : memref<128x64xf32, #tpu.memory_space<vmem>>, vector<1x16xf32>,
        %get3A_531 = arith.index_cast %scan3A_487 : i32 to index
        %get3A_532 = arith.constant 48 : index
        %get3A_533 = tpu.vector_load %arg10[%get3A_531, %get3A_532] {strides = array<i32>} : memref<128x64xf32, #tpu.memory_space<vmem>>, vector<1x16xf32>,
        %get3A_534 = vector.shape_cast %get3A_533 : vector<1x16xf32> to vector<16xf32>
        %get3A_535 = arith.index_cast %add3A_488 : i32 to index
        %get3A_536 = arith.constant 48 : index
        %get3A_537 = tpu.vector_load %arg7[%get3A_535, %get3A_536] {strides = array<i32>} : memref<400x64xf32, #tpu.memory_space<vmem>>, vector<1x16xf32>,
        %get3A_538 = vector.shape_cast %get3A_537 : vector<1x16xf32> to vector<16xf32>
        %add3A_539 = arith.addf %get3A_534, %get3A_538 : vector<16xf32>
        %swap3A_540 = arith.index_cast %scan3A_487 : i32 to index
        %swap3A_541 = arith.constant 48 : index
        %swap3A_542 = tpu.vector_load %arg12[%swap3A_540, %swap3A_541] {strides = array<i32>} : memref<128x64xf32, #tpu.memory_space<vmem>>, vector<1x16xf32>,
        %swap3A_543 = vector.shape_cast %swap3A_542 : vector<1x16xf32> to vector<16xf32>
        %swap3A_544 = vector.shape_cast %add3A_539 : vector<16xf32> to vector<1x16xf32>
        tpu.vector_store %arg12[%swap3A_540, %swap3A_541], %swap3A_544 {strides = array<i32>} : memref<128x64xf32, #tpu.memory_space<vmem>>, vector<1x16xf32>,
        %scan3A_545 = arith.constant 5 : i32
        %scan3A_546 = arith.addi %scan3A_253, %scan3A_545 : i32
        %add3A_547 = arith.addi %rem3A_198, %scan3A_546 : i32
        %get3A_548 = arith.index_cast %scan3A_546 : i32 to index
        %get3A_549 = arith.constant 0 : index
        %get3A_550 = tpu.vector_load %arg10[%get3A_548, %get3A_549] {strides = array<i32>} : memref<128x64xf32, #tpu.memory_space<vmem>>, vector<1x16xf32>,
        %get3A_551 = vector.shape_cast %get3A_550 : vector<1x16xf32> to vector<16xf32>
        %get3A_552 = arith.index_cast %add3A_547 : i32 to index
        %get3A_553 = arith.constant 0 : index
        %get3A_554 = tpu.vector_load %arg7[%get3A_552, %get3A_553] {strides = array<i32>} : memref<400x64xf32, #tpu.memory_space<vmem>>, vector<1x16xf32>,
        %get3A_555 = vector.shape_cast %get3A_554 : vector<1x16xf32> to vector<16xf32>
        %add3A_556 = arith.addf %get3A_551, %get3A_555 : vector<16xf32>
        %swap3A_557 = arith.index_cast %scan3A_546 : i32 to index
        %swap3A_558 = arith.constant 0 : index
        %swap3A_559 = tpu.vector_load %arg12[%swap3A_557, %swap3A_558] {strides = array<i32>} : memref<128x64xf32, #tpu.memory_space<vmem>>, vector<1x16xf32>,
        %swap3A_560 = vector.shape_cast %swap3A_559 : vector<1x16xf32> to vector<16xf32>
        %swap3A_561 = vector.shape_cast %add3A_556 : vector<16xf32> to vector<1x16xf32>
        tpu.vector_store %arg12[%swap3A_557, %swap3A_558], %swap3A_561 {strides = array<i32>} : memref<128x64xf32, #tpu.memory_space<vmem>>, vector<1x16xf32>,
        %get3A_562 = arith.index_cast %scan3A_546 : i32 to index
        %get3A_563 = arith.constant 16 : index
        %get3A_564 = tpu.vector_load %arg10[%get3A_562, %get3A_563] {strides = array<i32>} : memref<128x64xf32, #tpu.memory_space<vmem>>, vector<1x16xf32>,
        %get3A_565 = vector.shape_cast %get3A_564 : vector<1x16xf32> to vector<16xf32>
        %get3A_566 = arith.index_cast %add3A_547 : i32 to index
        %get3A_567 = arith.constant 16 : index
        %get3A_568 = tpu.vector_load %arg7[%get3A_566, %get3A_567] {strides = array<i32>} : memref<400x64xf32, #tpu.memory_space<vmem>>, vector<1x16xf32>,
        %get3A_569 = vector.shape_cast %get3A_568 : vector<1x16xf32> to vector<16xf32>
        %add3A_570 = arith.addf %get3A_565, %get3A_569 : vector<16xf32>
        %swap3A_571 = arith.index_cast %scan3A_546 : i32 to index
        %swap3A_572 = arith.constant 16 : index
        %swap3A_573 = tpu.vector_load %arg12[%swap3A_571, %swap3A_572] {strides = array<i32>} : memref<128x64xf32, #tpu.memory_space<vmem>>, vector<1x16xf32>,
        %swap3A_574 = vector.shape_cast %swap3A_573 : vector<1x16xf32> to vector<16xf32>
        %swap3A_575 = vector.shape_cast %add3A_570 : vector<16xf32> to vector<1x16xf32>
        tpu.vector_store %arg12[%swap3A_571, %swap3A_572], %swap3A_575 {strides = array<i32>} : memref<128x64xf32, #tpu.memory_space<vmem>>, vector<1x16xf32>,
        %get3A_576 = arith.index_cast %scan3A_546 : i32 to index
        %get3A_577 = arith.constant 32 : index
        %get3A_578 = tpu.vector_load %arg10[%get3A_576, %get3A_577] {strides = array<i32>} : memref<128x64xf32, #tpu.memory_space<vmem>>, vector<1x16xf32>,
        %get3A_579 = vector.shape_cast %get3A_578 : vector<1x16xf32> to vector<16xf32>
        %get3A_580 = arith.index_cast %add3A_547 : i32 to index
        %get3A_581 = arith.constant 32 : index
        %get3A_582 = tpu.vector_load %arg7[%get3A_580, %get3A_581] {strides = array<i32>} : memref<400x64xf32, #tpu.memory_space<vmem>>, vector<1x16xf32>,
        %get3A_583 = vector.shape_cast %get3A_582 : vector<1x16xf32> to vector<16xf32>
        %add3A_584 = arith.addf %get3A_579, %get3A_583 : vector<16xf32>
        %swap3A_585 = arith.index_cast %scan3A_546 : i32 to index
        %swap3A_586 = arith.constant 32 : index
        %swap3A_587 = tpu.vector_load %arg12[%swap3A_585, %swap3A_586] {strides = array<i32>} : memref<128x64xf32, #tpu.memory_space<vmem>>, vector<1x16xf32>,
        %swap3A_588 = vector.shape_cast %swap3A_587 : vector<1x16xf32> to vector<16xf32>
        %swap3A_589 = vector.shape_cast %add3A_584 : vector<16xf32> to vector<1x16xf32>
        tpu.vector_store %arg12[%swap3A_585, %swap3A_586], %swap3A_589 {strides = array<i32>} : memref<128x64xf32, #tpu.memory_space<vmem>>, vector<1x16xf32>,
        %get3A_590 = arith.index_cast %scan3A_546 : i32 to index
        %get3A_591 = arith.constant 48 : index
        %get3A_592 = tpu.vector_load %arg10[%get3A_590, %get3A_591] {strides = array<i32>} : memref<128x64xf32, #tpu.memory_space<vmem>>, vector<1x16xf32>,
        %get3A_593 = vector.shape_cast %get3A_592 : vector<1x16xf32> to vector<16xf32>
        %get3A_594 = arith.index_cast %add3A_547 : i32 to index
        %get3A_595 = arith.constant 48 : index
        %get3A_596 = tpu.vector_load %arg7[%get3A_594, %get3A_595] {strides = array<i32>} : memref<400x64xf32, #tpu.memory_space<vmem>>, vector<1x16xf32>,
        %get3A_597 = vector.shape_cast %get3A_596 : vector<1x16xf32> to vector<16xf32>
        %add3A_598 = arith.addf %get3A_593, %get3A_597 : vector<16xf32>
        %swap3A_599 = arith.index_cast %scan3A_546 : i32 to index
        %swap3A_600 = arith.constant 48 : index
        %swap3A_601 = tpu.vector_load %arg12[%swap3A_599, %swap3A_600] {strides = array<i32>} : memref<128x64xf32, #tpu.memory_space<vmem>>, vector<1x16xf32>,
        %swap3A_602 = vector.shape_cast %swap3A_601 : vector<1x16xf32> to vector<16xf32>
        %swap3A_603 = vector.shape_cast %add3A_598 : vector<16xf32> to vector<1x16xf32>
        tpu.vector_store %arg12[%swap3A_599, %swap3A_600], %swap3A_603 {strides = array<i32>} : memref<128x64xf32, #tpu.memory_space<vmem>>, vector<1x16xf32>,
        %scan3A_604 = arith.constant 6 : i32
        %scan3A_605 = arith.addi %scan3A_253, %scan3A_604 : i32
        %add3A_606 = arith.addi %rem3A_198, %scan3A_605 : i32
        %get3A_607 = arith.index_cast %scan3A_605 : i32 to index
        %get3A_608 = arith.constant 0 : index
        %get3A_609 = tpu.vector_load %arg10[%get3A_607, %get3A_608] {strides = array<i32>} : memref<128x64xf32, #tpu.memory_space<vmem>>, vector<1x16xf32>,
        %get3A_610 = vector.shape_cast %get3A_609 : vector<1x16xf32> to vector<16xf32>
        %get3A_611 = arith.index_cast %add3A_606 : i32 to index
        %get3A_612 = arith.constant 0 : index
        %get3A_613 = tpu.vector_load %arg7[%get3A_611, %get3A_612] {strides = array<i32>} : memref<400x64xf32, #tpu.memory_space<vmem>>, vector<1x16xf32>,
        %get3A_614 = vector.shape_cast %get3A_613 : vector<1x16xf32> to vector<16xf32>
        %add3A_615 = arith.addf %get3A_610, %get3A_614 : vector<16xf32>
        %swap3A_616 = arith.index_cast %scan3A_605 : i32 to index
        %swap3A_617 = arith.constant 0 : index
        %swap3A_618 = tpu.vector_load %arg12[%swap3A_616, %swap3A_617] {strides = array<i32>} : memref<128x64xf32, #tpu.memory_space<vmem>>, vector<1x16xf32>,
        %swap3A_619 = vector.shape_cast %swap3A_618 : vector<1x16xf32> to vector<16xf32>
        %swap3A_620 = vector.shape_cast %add3A_615 : vector<16xf32> to vector<1x16xf32>
        tpu.vector_store %arg12[%swap3A_616, %swap3A_617], %swap3A_620 {strides = array<i32>} : memref<128x64xf32, #tpu.memory_space<vmem>>, vector<1x16xf32>,
        %get3A_621 = arith.index_cast %scan3A_605 : i32 to index
        %get3A_622 = arith.constant 16 : index
        %get3A_623 = tpu.vector_load %arg10[%get3A_621, %get3A_622] {strides = array<i32>} : memref<128x64xf32, #tpu.memory_space<vmem>>, vector<1x16xf32>,
        %get3A_624 = vector.shape_cast %get3A_623 : vector<1x16xf32> to vector<16xf32>
        %get3A_625 = arith.index_cast %add3A_606 : i32 to index
        %get3A_626 = arith.constant 16 : index
        %get3A_627 = tpu.vector_load %arg7[%get3A_625, %get3A_626] {strides = array<i32>} : memref<400x64xf32, #tpu.memory_space<vmem>>, vector<1x16xf32>,
        %get3A_628 = vector.shape_cast %get3A_627 : vector<1x16xf32> to vector<16xf32>
        %add3A_629 = arith.addf %get3A_624, %get3A_628 : vector<16xf32>
        %swap3A_630 = arith.index_cast %scan3A_605 : i32 to index
        %swap3A_631 = arith.constant 16 : index
        %swap3A_632 = tpu.vector_load %arg12[%swap3A_630, %swap3A_631] {strides = array<i32>} : memref<128x64xf32, #tpu.memory_space<vmem>>, vector<1x16xf32>,
        %swap3A_633 = vector.shape_cast %swap3A_632 : vector<1x16xf32> to vector<16xf32>
        %swap3A_634 = vector.shape_cast %add3A_629 : vector<16xf32> to vector<1x16xf32>
        tpu.vector_store %arg12[%swap3A_630, %swap3A_631], %swap3A_634 {strides = array<i32>} : memref<128x64xf32, #tpu.memory_space<vmem>>, vector<1x16xf32>,
        %get3A_635 = arith.index_cast %scan3A_605 : i32 to index
        %get3A_636 = arith.constant 32 : index
        %get3A_637 = tpu.vector_load %arg10[%get3A_635, %get3A_636] {strides = array<i32>} : memref<128x64xf32, #tpu.memory_space<vmem>>, vector<1x16xf32>,
        %get3A_638 = vector.shape_cast %get3A_637 : vector<1x16xf32> to vector<16xf32>
        %get3A_639 = arith.index_cast %add3A_606 : i32 to index
        %get3A_640 = arith.constant 32 : index
        %get3A_641 = tpu.vector_load %arg7[%get3A_639, %get3A_640] {strides = array<i32>} : memref<400x64xf32, #tpu.memory_space<vmem>>, vector<1x16xf32>,
        %get3A_642 = vector.shape_cast %get3A_641 : vector<1x16xf32> to vector<16xf32>
        %add3A_643 = arith.addf %get3A_638, %get3A_642 : vector<16xf32>
        %swap3A_644 = arith.index_cast %scan3A_605 : i32 to index
        %swap3A_645 = arith.constant 32 : index
        %swap3A_646 = tpu.vector_load %arg12[%swap3A_644, %swap3A_645] {strides = array<i32>} : memref<128x64xf32, #tpu.memory_space<vmem>>, vector<1x16xf32>,
        %swap3A_647 = vector.shape_cast %swap3A_646 : vector<1x16xf32> to vector<16xf32>
        %swap3A_648 = vector.shape_cast %add3A_643 : vector<16xf32> to vector<1x16xf32>
        tpu.vector_store %arg12[%swap3A_644, %swap3A_645], %swap3A_648 {strides = array<i32>} : memref<128x64xf32, #tpu.memory_space<vmem>>, vector<1x16xf32>,
        %get3A_649 = arith.index_cast %scan3A_605 : i32 to index
        %get3A_650 = arith.constant 48 : index
        %get3A_651 = tpu.vector_load %arg10[%get3A_649, %get3A_650] {strides = array<i32>} : memref<128x64xf32, #tpu.memory_space<vmem>>, vector<1x16xf32>,
        %get3A_652 = vector.shape_cast %get3A_651 : vector<1x16xf32> to vector<16xf32>
        %get3A_653 = arith.index_cast %add3A_606 : i32 to index
        %get3A_654 = arith.constant 48 : index
        %get3A_655 = tpu.vector_load %arg7[%get3A_653, %get3A_654] {strides = array<i32>} : memref<400x64xf32, #tpu.memory_space<vmem>>, vector<1x16xf32>,
        %get3A_656 = vector.shape_cast %get3A_655 : vector<1x16xf32> to vector<16xf32>
        %add3A_657 = arith.addf %get3A_652, %get3A_656 : vector<16xf32>
        %swap3A_658 = arith.index_cast %scan3A_605 : i32 to index
        %swap3A_659 = arith.constant 48 : index
        %swap3A_660 = tpu.vector_load %arg12[%swap3A_658, %swap3A_659] {strides = array<i32>} : memref<128x64xf32, #tpu.memory_space<vmem>>, vector<1x16xf32>,
        %swap3A_661 = vector.shape_cast %swap3A_660 : vector<1x16xf32> to vector<16xf32>
        %swap3A_662 = vector.shape_cast %add3A_657 : vector<16xf32> to vector<1x16xf32>
        tpu.vector_store %arg12[%swap3A_658, %swap3A_659], %swap3A_662 {strides = array<i32>} : memref<128x64xf32, #tpu.memory_space<vmem>>, vector<1x16xf32>,
        %scan3A_663 = arith.constant 7 : i32
        %scan3A_664 = arith.addi %scan3A_253, %scan3A_663 : i32
        %add3A_665 = arith.addi %rem3A_198, %scan3A_664 : i32
        %get3A_666 = arith.index_cast %scan3A_664 : i32 to index
        %get3A_667 = arith.constant 0 : index
        %get3A_668 = tpu.vector_load %arg10[%get3A_666, %get3A_667] {strides = array<i32>} : memref<128x64xf32, #tpu.memory_space<vmem>>, vector<1x16xf32>,
        %get3A_669 = vector.shape_cast %get3A_668 : vector<1x16xf32> to vector<16xf32>
        %get3A_670 = arith.index_cast %add3A_665 : i32 to index
        %get3A_671 = arith.constant 0 : index
        %get3A_672 = tpu.vector_load %arg7[%get3A_670, %get3A_671] {strides = array<i32>} : memref<400x64xf32, #tpu.memory_space<vmem>>, vector<1x16xf32>,
        %get3A_673 = vector.shape_cast %get3A_672 : vector<1x16xf32> to vector<16xf32>
        %add3A_674 = arith.addf %get3A_669, %get3A_673 : vector<16xf32>
        %swap3A_675 = arith.index_cast %scan3A_664 : i32 to index
        %swap3A_676 = arith.constant 0 : index
        %swap3A_677 = tpu.vector_load %arg12[%swap3A_675, %swap3A_676] {strides = array<i32>} : memref<128x64xf32, #tpu.memory_space<vmem>>, vector<1x16xf32>,
        %swap3A_678 = vector.shape_cast %swap3A_677 : vector<1x16xf32> to vector<16xf32>
        %swap3A_679 = vector.shape_cast %add3A_674 : vector<16xf32> to vector<1x16xf32>
        tpu.vector_store %arg12[%swap3A_675, %swap3A_676], %swap3A_679 {strides = array<i32>} : memref<128x64xf32, #tpu.memory_space<vmem>>, vector<1x16xf32>,
        %get3A_680 = arith.index_cast %scan3A_664 : i32 to index
        %get3A_681 = arith.constant 16 : index
        %get3A_682 = tpu.vector_load %arg10[%get3A_680, %get3A_681] {strides = array<i32>} : memref<128x64xf32, #tpu.memory_space<vmem>>, vector<1x16xf32>,
        %get3A_683 = vector.shape_cast %get3A_682 : vector<1x16xf32> to vector<16xf32>
        %get3A_684 = arith.index_cast %add3A_665 : i32 to index
        %get3A_685 = arith.constant 16 : index
        %get3A_686 = tpu.vector_load %arg7[%get3A_684, %get3A_685] {strides = array<i32>} : memref<400x64xf32, #tpu.memory_space<vmem>>, vector<1x16xf32>,
        %get3A_687 = vector.shape_cast %get3A_686 : vector<1x16xf32> to vector<16xf32>
        %add3A_688 = arith.addf %get3A_683, %get3A_687 : vector<16xf32>
        %swap3A_689 = arith.index_cast %scan3A_664 : i32 to index
        %swap3A_690 = arith.constant 16 : index
        %swap3A_691 = tpu.vector_load %arg12[%swap3A_689, %swap3A_690] {strides = array<i32>} : memref<128x64xf32, #tpu.memory_space<vmem>>, vector<1x16xf32>,
        %swap3A_692 = vector.shape_cast %swap3A_691 : vector<1x16xf32> to vector<16xf32>
        %swap3A_693 = vector.shape_cast %add3A_688 : vector<16xf32> to vector<1x16xf32>
        tpu.vector_store %arg12[%swap3A_689, %swap3A_690], %swap3A_693 {strides = array<i32>} : memref<128x64xf32, #tpu.memory_space<vmem>>, vector<1x16xf32>,
        %get3A_694 = arith.index_cast %scan3A_664 : i32 to index
        %get3A_695 = arith.constant 32 : index
        %get3A_696 = tpu.vector_load %arg10[%get3A_694, %get3A_695] {strides = array<i32>} : memref<128x64xf32, #tpu.memory_space<vmem>>, vector<1x16xf32>,
        %get3A_697 = vector.shape_cast %get3A_696 : vector<1x16xf32> to vector<16xf32>
        %get3A_698 = arith.index_cast %add3A_665 : i32 to index
        %get3A_699 = arith.constant 32 : index
        %get3A_700 = tpu.vector_load %arg7[%get3A_698, %get3A_699] {strides = array<i32>} : memref<400x64xf32, #tpu.memory_space<vmem>>, vector<1x16xf32>,
        %get3A_701 = vector.shape_cast %get3A_700 : vector<1x16xf32> to vector<16xf32>
        %add3A_702 = arith.addf %get3A_697, %get3A_701 : vector<16xf32>
        %swap3A_703 = arith.index_cast %scan3A_664 : i32 to index
        %swap3A_704 = arith.constant 32 : index
        %swap3A_705 = tpu.vector_load %arg12[%swap3A_703, %swap3A_704] {strides = array<i32>} : memref<128x64xf32, #tpu.memory_space<vmem>>, vector<1x16xf32>,
        %swap3A_706 = vector.shape_cast %swap3A_705 : vector<1x16xf32> to vector<16xf32>
        %swap3A_707 = vector.shape_cast %add3A_702 : vector<16xf32> to vector<1x16xf32>
        tpu.vector_store %arg12[%swap3A_703, %swap3A_704], %swap3A_707 {strides = array<i32>} : memref<128x64xf32, #tpu.memory_space<vmem>>, vector<1x16xf32>,
        %get3A_708 = arith.index_cast %scan3A_664 : i32 to index
        %get3A_709 = arith.constant 48 : index
        %get3A_710 = tpu.vector_load %arg10[%get3A_708, %get3A_709] {strides = array<i32>} : memref<128x64xf32, #tpu.memory_space<vmem>>, vector<1x16xf32>,
        %get3A_711 = vector.shape_cast %get3A_710 : vector<1x16xf32> to vector<16xf32>
        %get3A_712 = arith.index_cast %add3A_665 : i32 to index
        %get3A_713 = arith.constant 48 : index
        %get3A_714 = tpu.vector_load %arg7[%get3A_712, %get3A_713] {strides = array<i32>} : memref<400x64xf32, #tpu.memory_space<vmem>>, vector<1x16xf32>,
        %get3A_715 = vector.shape_cast %get3A_714 : vector<1x16xf32> to vector<16xf32>
        %add3A_716 = arith.addf %get3A_711, %get3A_715 : vector<16xf32>
        %swap3A_717 = arith.index_cast %scan3A_664 : i32 to index
        %swap3A_718 = arith.constant 48 : index
        %swap3A_719 = tpu.vector_load %arg12[%swap3A_717, %swap3A_718] {strides = array<i32>} : memref<128x64xf32, #tpu.memory_space<vmem>>, vector<1x16xf32>,
        %swap3A_720 = vector.shape_cast %swap3A_719 : vector<1x16xf32> to vector<16xf32>
        %swap3A_721 = vector.shape_cast %add3A_716 : vector<16xf32> to vector<1x16xf32>
        tpu.vector_store %arg12[%swap3A_717, %swap3A_718], %swap3A_721 {strides = array<i32>} : memref<128x64xf32, #tpu.memory_space<vmem>>, vector<1x16xf32>,
      }
      %scan3A_203 = arith.constant 128 : i32
      %add3A_204 = arith.constant 4 : i32
      %add3A_205 = arith.addi %add3A_184, %add3A_204 : i32
      %lt3A_206 = arith.constant 50 : i32
      %lt3A_207 = arith.cmpi slt, %add3A_205, %lt3A_206 : i32
      %convert_element_type3A_208 = arith.extui %lt3A_207 : i1 to i32
      %cond3A_209 = arith.constant 0 : i32
      %cond3A_210 = arith.cmpi ne, %convert_element_type3A_208, %cond3A_209 : i32
      scf.if %cond3A_210 {
        %add3A_253 = arith.constant 4 : i32
        %add3A_254 = arith.addi %add3A_184, %add3A_253 : i32
        %mul3A_255 = arith.constant 128 : i32
        %mul3A_256 = arith.muli %add3A_254, %mul3A_255 : i32
        %dma_start3A_257 = tpu.memref_slice %arg6[%mul3A_256] : memref<6400xi32, #tpu.memory_space<vmem>> -> memref<128xi32, #tpu.memory_space<vmem>>
        %dma_start3A_258 = arith.constant 0 : i32
        %dma_start3A_259 = arith.constant 0 : i32
        %dma_start3A_260 = tpu.memref_slice %arg4[%dma_start3A_258, %dma_start3A_259] : memref<1000000x64xf32, #tpu.memory_space<hbm>> -> memref<1000000x64xf32, #tpu.memory_space<hbm>>
        tpu.enqueue_indirect_dma source(%dma_start3A_260 : memref<1000000x64xf32, #tpu.memory_space<hbm>>) target(%arg10 : memref<128x64xf32, #tpu.memory_space<vmem>>) offsets(%dma_start3A_257 : memref<128xi32, #tpu.memory_space<vmem>>) semaphore(%arg16 : memref<!tpu.dma_semaphore, #tpu.memory_space<semaphore_mem>>)
      } else {
      }
      %mul3A_211 = arith.constant 128 : i32
      %mul3A_212 = arith.muli %add3A_184, %mul3A_211 : i32
      %add3A_213 = arith.addi %mul3A_2, %mul3A_212 : i32
      %dma_start3A_214 = arith.constant 0 : i32
      %dma_start3A_215 = tpu.memref_slice %arg5[%add3A_213, %dma_start3A_214] : memref<204800x64xf32, #tpu.memory_space<hbm>> -> memref<128x64xf32, #tpu.memory_space<hbm>>
      %dma_start3A_216 = arith.constant 0 : i32
      %dma_start3A_217 = tpu.memref_slice %arg5[%add3A_213, %dma_start3A_216] : memref<204800x64xf32, #tpu.memory_space<hbm>> -> memref<128x64xf32, #tpu.memory_space<hbm>>
      tpu.enqueue_dma source(%arg12 : memref<128x64xf32, #tpu.memory_space<vmem>>) target(%dma_start3A_217 : memref<128x64xf32, #tpu.memory_space<hbm>>) target_semaphore(%arg18 : memref<!tpu.dma_semaphore, #tpu.memory_space<semaphore_mem>>)
      %add3A_218 = arith.constant 3 : i32
      %add3A_219 = arith.addi %mul3A_112, %add3A_218 : i32
      %dma_wait3A_220 = arith.constant 0 : i32
      %dma_wait3A_221 = tpu.memref_slice %arg6[%dma_wait3A_220] : memref<6400xi32, #tpu.memory_space<vmem>> -> memref<128xi32, #tpu.memory_space<vmem>>
      %dma_wait3A_222 = arith.constant 0 : i32
      %dma_wait3A_223 = arith.constant 0 : i32
      %dma_wait3A_224 = tpu.memref_slice %arg4[%dma_wait3A_222, %dma_wait3A_223] : memref<1000000x64xf32, #tpu.memory_space<hbm>> -> memref<1000000x64xf32, #tpu.memory_space<hbm>>
      tpu.wait_indirect_dma semaphore(%arg17 : memref<!tpu.dma_semaphore, #tpu.memory_space<semaphore_mem>>) src(%dma_wait3A_224 : memref<1000000x64xf32, #tpu.memory_space<hbm>>) dst(%arg11 : memref<128x64xf32, #tpu.memory_space<vmem>>)
      %ge3A_225 = arith.constant 2 : i32
      %ge3A_226 = arith.cmpi sge, %add3A_219, %ge3A_225 : i32
      %convert_element_type3A_227 = arith.extui %ge3A_226 : i1 to i32
      %cond3A_228 = arith.constant 0 : i32
      %cond3A_229 = arith.cmpi ne, %convert_element_type3A_227, %cond3A_228 : i32
      scf.if %cond3A_229 {
        %mul3A_253 = arith.constant 128 : i32
        %mul3A_254 = arith.muli %add3A_219, %mul3A_253 : i32
        %add3A_255 = arith.addi %mul3A_2, %mul3A_254 : i32
        %dma_wait3A_256 = arith.constant 0 : i32
        %dma_wait3A_257 = tpu.memref_slice %arg5[%add3A_255, %dma_wait3A_256] : memref<204800x64xf32, #tpu.memory_space<hbm>> -> memref<128x64xf32, #tpu.memory_space<hbm>>
        %dma_wait3A_258 = arith.constant 0 : i32
        %dma_wait3A_259 = tpu.memref_slice %arg5[%add3A_255, %dma_wait3A_258] : memref<204800x64xf32, #tpu.memory_space<hbm>> -> memref<128x64xf32, #tpu.memory_space<hbm>>
        tpu.wait_dma2 semaphore(%arg19 : memref<!tpu.dma_semaphore, #tpu.memory_space<semaphore_mem>>) src(%arg13 : memref<128x64xf32, #tpu.memory_space<vmem>>) dst(%dma_wait3A_259 : memref<128x64xf32, #tpu.memory_space<hbm>>)
      } else {
      }
      %mul3A_230 = arith.constant 128 : i32
      %mul3A_231 = arith.muli %add3A_219, %mul3A_230 : i32
      %rem3A_232 = arith.constant 200 : i32
      %rem3A_233 = arith.remsi %mul3A_231, %rem3A_232 : i32
      %scan3A_234 = arith.constant 0 : i32
      %scan3A_235 = arith.constant 128 : i32
      %scan3A_236 = arith.addi %scan3A_234, %scan3A_235 : i32
      %scan3A_237 = arith.constant 8 : i32
      scf.for %scan3A_253 = %scan3A_234 to %scan3A_236 step %scan3A_237  : i32 {
        %add3A_254 = arith.addi %rem3A_233, %scan3A_253 : i32
        %get3A = arith.index_cast %scan3A_253 : i32 to index
        %get3A_255 = arith.constant 0 : index
        %get3A_256 = tpu.vector_load %arg11[%get3A, %get3A_255] {strides = array<i32>} : memref<128x64xf32, #tpu.memory_space<vmem>>, vector<1x16xf32>,
        %get3A_257 = vector.shape_cast %get3A_256 : vector<1x16xf32> to vector<16xf32>
        %get3A_258 = arith.index_cast %add3A_254 : i32 to index
        %get3A_259 = arith.constant 0 : index
        %get3A_260 = tpu.vector_load %arg7[%get3A_258, %get3A_259] {strides = array<i32>} : memref<400x64xf32, #tpu.memory_space<vmem>>, vector<1x16xf32>,
        %get3A_261 = vector.shape_cast %get3A_260 : vector<1x16xf32> to vector<16xf32>
        %add3A_262 = arith.addf %get3A_257, %get3A_261 : vector<16xf32>
        %swap3A = arith.index_cast %scan3A_253 : i32 to index
        %swap3A_263 = arith.constant 0 : index
        %swap3A_264 = tpu.vector_load %arg13[%swap3A, %swap3A_263] {strides = array<i32>} : memref<128x64xf32, #tpu.memory_space<vmem>>, vector<1x16xf32>,
        %swap3A_265 = vector.shape_cast %swap3A_264 : vector<1x16xf32> to vector<16xf32>
        %swap3A_266 = vector.shape_cast %add3A_262 : vector<16xf32> to vector<1x16xf32>
        tpu.vector_store %arg13[%swap3A, %swap3A_263], %swap3A_266 {strides = array<i32>} : memref<128x64xf32, #tpu.memory_space<vmem>>, vector<1x16xf32>,
        %get3A_267 = arith.index_cast %scan3A_253 : i32 to index
        %get3A_268 = arith.constant 16 : index
        %get3A_269 = tpu.vector_load %arg11[%get3A_267, %get3A_268] {strides = array<i32>} : memref<128x64xf32, #tpu.memory_space<vmem>>, vector<1x16xf32>,
        %get3A_270 = vector.shape_cast %get3A_269 : vector<1x16xf32> to vector<16xf32>
        %get3A_271 = arith.index_cast %add3A_254 : i32 to index
        %get3A_272 = arith.constant 16 : index
        %get3A_273 = tpu.vector_load %arg7[%get3A_271, %get3A_272] {strides = array<i32>} : memref<400x64xf32, #tpu.memory_space<vmem>>, vector<1x16xf32>,
        %get3A_274 = vector.shape_cast %get3A_273 : vector<1x16xf32> to vector<16xf32>
        %add3A_275 = arith.addf %get3A_270, %get3A_274 : vector<16xf32>
        %swap3A_276 = arith.index_cast %scan3A_253 : i32 to index
        %swap3A_277 = arith.constant 16 : index
        %swap3A_278 = tpu.vector_load %arg13[%swap3A_276, %swap3A_277] {strides = array<i32>} : memref<128x64xf32, #tpu.memory_space<vmem>>, vector<1x16xf32>,
        %swap3A_279 = vector.shape_cast %swap3A_278 : vector<1x16xf32> to vector<16xf32>
        %swap3A_280 = vector.shape_cast %add3A_275 : vector<16xf32> to vector<1x16xf32>
        tpu.vector_store %arg13[%swap3A_276, %swap3A_277], %swap3A_280 {strides = array<i32>} : memref<128x64xf32, #tpu.memory_space<vmem>>, vector<1x16xf32>,
        %get3A_281 = arith.index_cast %scan3A_253 : i32 to index
        %get3A_282 = arith.constant 32 : index
        %get3A_283 = tpu.vector_load %arg11[%get3A_281, %get3A_282] {strides = array<i32>} : memref<128x64xf32, #tpu.memory_space<vmem>>, vector<1x16xf32>,
        %get3A_284 = vector.shape_cast %get3A_283 : vector<1x16xf32> to vector<16xf32>
        %get3A_285 = arith.index_cast %add3A_254 : i32 to index
        %get3A_286 = arith.constant 32 : index
        %get3A_287 = tpu.vector_load %arg7[%get3A_285, %get3A_286] {strides = array<i32>} : memref<400x64xf32, #tpu.memory_space<vmem>>, vector<1x16xf32>,
        %get3A_288 = vector.shape_cast %get3A_287 : vector<1x16xf32> to vector<16xf32>
        %add3A_289 = arith.addf %get3A_284, %get3A_288 : vector<16xf32>
        %swap3A_290 = arith.index_cast %scan3A_253 : i32 to index
        %swap3A_291 = arith.constant 32 : index
        %swap3A_292 = tpu.vector_load %arg13[%swap3A_290, %swap3A_291] {strides = array<i32>} : memref<128x64xf32, #tpu.memory_space<vmem>>, vector<1x16xf32>,
        %swap3A_293 = vector.shape_cast %swap3A_292 : vector<1x16xf32> to vector<16xf32>
        %swap3A_294 = vector.shape_cast %add3A_289 : vector<16xf32> to vector<1x16xf32>
        tpu.vector_store %arg13[%swap3A_290, %swap3A_291], %swap3A_294 {strides = array<i32>} : memref<128x64xf32, #tpu.memory_space<vmem>>, vector<1x16xf32>,
        %get3A_295 = arith.index_cast %scan3A_253 : i32 to index
        %get3A_296 = arith.constant 48 : index
        %get3A_297 = tpu.vector_load %arg11[%get3A_295, %get3A_296] {strides = array<i32>} : memref<128x64xf32, #tpu.memory_space<vmem>>, vector<1x16xf32>,
        %get3A_298 = vector.shape_cast %get3A_297 : vector<1x16xf32> to vector<16xf32>
        %get3A_299 = arith.index_cast %add3A_254 : i32 to index
        %get3A_300 = arith.constant 48 : index
        %get3A_301 = tpu.vector_load %arg7[%get3A_299, %get3A_300] {strides = array<i32>} : memref<400x64xf32, #tpu.memory_space<vmem>>, vector<1x16xf32>,
        %get3A_302 = vector.shape_cast %get3A_301 : vector<1x16xf32> to vector<16xf32>
        %add3A_303 = arith.addf %get3A_298, %get3A_302 : vector<16xf32>
        %swap3A_304 = arith.index_cast %scan3A_253 : i32 to index
        %swap3A_305 = arith.constant 48 : index
        %swap3A_306 = tpu.vector_load %arg13[%swap3A_304, %swap3A_305] {strides = array<i32>} : memref<128x64xf32, #tpu.memory_space<vmem>>, vector<1x16xf32>,
        %swap3A_307 = vector.shape_cast %swap3A_306 : vector<1x16xf32> to vector<16xf32>
        %swap3A_308 = vector.shape_cast %add3A_303 : vector<16xf32> to vector<1x16xf32>
        tpu.vector_store %arg13[%swap3A_304, %swap3A_305], %swap3A_308 {strides = array<i32>} : memref<128x64xf32, #tpu.memory_space<vmem>>, vector<1x16xf32>,
        %scan3A_309 = arith.constant 1 : i32
        %scan3A_310 = arith.addi %scan3A_253, %scan3A_309 : i32
        %add3A_311 = arith.addi %rem3A_233, %scan3A_310 : i32
        %get3A_312 = arith.index_cast %scan3A_310 : i32 to index
        %get3A_313 = arith.constant 0 : index
        %get3A_314 = tpu.vector_load %arg11[%get3A_312, %get3A_313] {strides = array<i32>} : memref<128x64xf32, #tpu.memory_space<vmem>>, vector<1x16xf32>,
        %get3A_315 = vector.shape_cast %get3A_314 : vector<1x16xf32> to vector<16xf32>
        %get3A_316 = arith.index_cast %add3A_311 : i32 to index
        %get3A_317 = arith.constant 0 : index
        %get3A_318 = tpu.vector_load %arg7[%get3A_316, %get3A_317] {strides = array<i32>} : memref<400x64xf32, #tpu.memory_space<vmem>>, vector<1x16xf32>,
        %get3A_319 = vector.shape_cast %get3A_318 : vector<1x16xf32> to vector<16xf32>
        %add3A_320 = arith.addf %get3A_315, %get3A_319 : vector<16xf32>
        %swap3A_321 = arith.index_cast %scan3A_310 : i32 to index
        %swap3A_322 = arith.constant 0 : index
        %swap3A_323 = tpu.vector_load %arg13[%swap3A_321, %swap3A_322] {strides = array<i32>} : memref<128x64xf32, #tpu.memory_space<vmem>>, vector<1x16xf32>,
        %swap3A_324 = vector.shape_cast %swap3A_323 : vector<1x16xf32> to vector<16xf32>
        %swap3A_325 = vector.shape_cast %add3A_320 : vector<16xf32> to vector<1x16xf32>
        tpu.vector_store %arg13[%swap3A_321, %swap3A_322], %swap3A_325 {strides = array<i32>} : memref<128x64xf32, #tpu.memory_space<vmem>>, vector<1x16xf32>,
        %get3A_326 = arith.index_cast %scan3A_310 : i32 to index
        %get3A_327 = arith.constant 16 : index
        %get3A_328 = tpu.vector_load %arg11[%get3A_326, %get3A_327] {strides = array<i32>} : memref<128x64xf32, #tpu.memory_space<vmem>>, vector<1x16xf32>,
        %get3A_329 = vector.shape_cast %get3A_328 : vector<1x16xf32> to vector<16xf32>
        %get3A_330 = arith.index_cast %add3A_311 : i32 to index
        %get3A_331 = arith.constant 16 : index
        %get3A_332 = tpu.vector_load %arg7[%get3A_330, %get3A_331] {strides = array<i32>} : memref<400x64xf32, #tpu.memory_space<vmem>>, vector<1x16xf32>,
        %get3A_333 = vector.shape_cast %get3A_332 : vector<1x16xf32> to vector<16xf32>
        %add3A_334 = arith.addf %get3A_329, %get3A_333 : vector<16xf32>
        %swap3A_335 = arith.index_cast %scan3A_310 : i32 to index
        %swap3A_336 = arith.constant 16 : index
        %swap3A_337 = tpu.vector_load %arg13[%swap3A_335, %swap3A_336] {strides = array<i32>} : memref<128x64xf32, #tpu.memory_space<vmem>>, vector<1x16xf32>,
        %swap3A_338 = vector.shape_cast %swap3A_337 : vector<1x16xf32> to vector<16xf32>
        %swap3A_339 = vector.shape_cast %add3A_334 : vector<16xf32> to vector<1x16xf32>
        tpu.vector_store %arg13[%swap3A_335, %swap3A_336], %swap3A_339 {strides = array<i32>} : memref<128x64xf32, #tpu.memory_space<vmem>>, vector<1x16xf32>,
        %get3A_340 = arith.index_cast %scan3A_310 : i32 to index
        %get3A_341 = arith.constant 32 : index
        %get3A_342 = tpu.vector_load %arg11[%get3A_340, %get3A_341] {strides = array<i32>} : memref<128x64xf32, #tpu.memory_space<vmem>>, vector<1x16xf32>,
        %get3A_343 = vector.shape_cast %get3A_342 : vector<1x16xf32> to vector<16xf32>
        %get3A_344 = arith.index_cast %add3A_311 : i32 to index
        %get3A_345 = arith.constant 32 : index
        %get3A_346 = tpu.vector_load %arg7[%get3A_344, %get3A_345] {strides = array<i32>} : memref<400x64xf32, #tpu.memory_space<vmem>>, vector<1x16xf32>,
        %get3A_347 = vector.shape_cast %get3A_346 : vector<1x16xf32> to vector<16xf32>
        %add3A_348 = arith.addf %get3A_343, %get3A_347 : vector<16xf32>
        %swap3A_349 = arith.index_cast %scan3A_310 : i32 to index
        %swap3A_350 = arith.constant 32 : index
        %swap3A_351 = tpu.vector_load %arg13[%swap3A_349, %swap3A_350] {strides = array<i32>} : memref<128x64xf32, #tpu.memory_space<vmem>>, vector<1x16xf32>,
        %swap3A_352 = vector.shape_cast %swap3A_351 : vector<1x16xf32> to vector<16xf32>
        %swap3A_353 = vector.shape_cast %add3A_348 : vector<16xf32> to vector<1x16xf32>
        tpu.vector_store %arg13[%swap3A_349, %swap3A_350], %swap3A_353 {strides = array<i32>} : memref<128x64xf32, #tpu.memory_space<vmem>>, vector<1x16xf32>,
        %get3A_354 = arith.index_cast %scan3A_310 : i32 to index
        %get3A_355 = arith.constant 48 : index
        %get3A_356 = tpu.vector_load %arg11[%get3A_354, %get3A_355] {strides = array<i32>} : memref<128x64xf32, #tpu.memory_space<vmem>>, vector<1x16xf32>,
        %get3A_357 = vector.shape_cast %get3A_356 : vector<1x16xf32> to vector<16xf32>
        %get3A_358 = arith.index_cast %add3A_311 : i32 to index
        %get3A_359 = arith.constant 48 : index
        %get3A_360 = tpu.vector_load %arg7[%get3A_358, %get3A_359] {strides = array<i32>} : memref<400x64xf32, #tpu.memory_space<vmem>>, vector<1x16xf32>,
        %get3A_361 = vector.shape_cast %get3A_360 : vector<1x16xf32> to vector<16xf32>
        %add3A_362 = arith.addf %get3A_357, %get3A_361 : vector<16xf32>
        %swap3A_363 = arith.index_cast %scan3A_310 : i32 to index
        %swap3A_364 = arith.constant 48 : index
        %swap3A_365 = tpu.vector_load %arg13[%swap3A_363, %swap3A_364] {strides = array<i32>} : memref<128x64xf32, #tpu.memory_space<vmem>>, vector<1x16xf32>,
        %swap3A_366 = vector.shape_cast %swap3A_365 : vector<1x16xf32> to vector<16xf32>
        %swap3A_367 = vector.shape_cast %add3A_362 : vector<16xf32> to vector<1x16xf32>
        tpu.vector_store %arg13[%swap3A_363, %swap3A_364], %swap3A_367 {strides = array<i32>} : memref<128x64xf32, #tpu.memory_space<vmem>>, vector<1x16xf32>,
        %scan3A_368 = arith.constant 2 : i32
        %scan3A_369 = arith.addi %scan3A_253, %scan3A_368 : i32
        %add3A_370 = arith.addi %rem3A_233, %scan3A_369 : i32
        %get3A_371 = arith.index_cast %scan3A_369 : i32 to index
        %get3A_372 = arith.constant 0 : index
        %get3A_373 = tpu.vector_load %arg11[%get3A_371, %get3A_372] {strides = array<i32>} : memref<128x64xf32, #tpu.memory_space<vmem>>, vector<1x16xf32>,
        %get3A_374 = vector.shape_cast %get3A_373 : vector<1x16xf32> to vector<16xf32>
        %get3A_375 = arith.index_cast %add3A_370 : i32 to index
        %get3A_376 = arith.constant 0 : index
        %get3A_377 = tpu.vector_load %arg7[%get3A_375, %get3A_376] {strides = array<i32>} : memref<400x64xf32, #tpu.memory_space<vmem>>, vector<1x16xf32>,
        %get3A_378 = vector.shape_cast %get3A_377 : vector<1x16xf32> to vector<16xf32>
        %add3A_379 = arith.addf %get3A_374, %get3A_378 : vector<16xf32>
        %swap3A_380 = arith.index_cast %scan3A_369 : i32 to index
        %swap3A_381 = arith.constant 0 : index
        %swap3A_382 = tpu.vector_load %arg13[%swap3A_380, %swap3A_381] {strides = array<i32>} : memref<128x64xf32, #tpu.memory_space<vmem>>, vector<1x16xf32>,
        %swap3A_383 = vector.shape_cast %swap3A_382 : vector<1x16xf32> to vector<16xf32>
        %swap3A_384 = vector.shape_cast %add3A_379 : vector<16xf32> to vector<1x16xf32>
        tpu.vector_store %arg13[%swap3A_380, %swap3A_381], %swap3A_384 {strides = array<i32>} : memref<128x64xf32, #tpu.memory_space<vmem>>, vector<1x16xf32>,
        %get3A_385 = arith.index_cast %scan3A_369 : i32 to index
        %get3A_386 = arith.constant 16 : index
        %get3A_387 = tpu.vector_load %arg11[%get3A_385, %get3A_386] {strides = array<i32>} : memref<128x64xf32, #tpu.memory_space<vmem>>, vector<1x16xf32>,
        %get3A_388 = vector.shape_cast %get3A_387 : vector<1x16xf32> to vector<16xf32>
        %get3A_389 = arith.index_cast %add3A_370 : i32 to index
        %get3A_390 = arith.constant 16 : index
        %get3A_391 = tpu.vector_load %arg7[%get3A_389, %get3A_390] {strides = array<i32>} : memref<400x64xf32, #tpu.memory_space<vmem>>, vector<1x16xf32>,
        %get3A_392 = vector.shape_cast %get3A_391 : vector<1x16xf32> to vector<16xf32>
        %add3A_393 = arith.addf %get3A_388, %get3A_392 : vector<16xf32>
        %swap3A_394 = arith.index_cast %scan3A_369 : i32 to index
        %swap3A_395 = arith.constant 16 : index
        %swap3A_396 = tpu.vector_load %arg13[%swap3A_394, %swap3A_395] {strides = array<i32>} : memref<128x64xf32, #tpu.memory_space<vmem>>, vector<1x16xf32>,
        %swap3A_397 = vector.shape_cast %swap3A_396 : vector<1x16xf32> to vector<16xf32>
        %swap3A_398 = vector.shape_cast %add3A_393 : vector<16xf32> to vector<1x16xf32>
        tpu.vector_store %arg13[%swap3A_394, %swap3A_395], %swap3A_398 {strides = array<i32>} : memref<128x64xf32, #tpu.memory_space<vmem>>, vector<1x16xf32>,
        %get3A_399 = arith.index_cast %scan3A_369 : i32 to index
        %get3A_400 = arith.constant 32 : index
        %get3A_401 = tpu.vector_load %arg11[%get3A_399, %get3A_400] {strides = array<i32>} : memref<128x64xf32, #tpu.memory_space<vmem>>, vector<1x16xf32>,
        %get3A_402 = vector.shape_cast %get3A_401 : vector<1x16xf32> to vector<16xf32>
        %get3A_403 = arith.index_cast %add3A_370 : i32 to index
        %get3A_404 = arith.constant 32 : index
        %get3A_405 = tpu.vector_load %arg7[%get3A_403, %get3A_404] {strides = array<i32>} : memref<400x64xf32, #tpu.memory_space<vmem>>, vector<1x16xf32>,
        %get3A_406 = vector.shape_cast %get3A_405 : vector<1x16xf32> to vector<16xf32>
        %add3A_407 = arith.addf %get3A_402, %get3A_406 : vector<16xf32>
        %swap3A_408 = arith.index_cast %scan3A_369 : i32 to index
        %swap3A_409 = arith.constant 32 : index
        %swap3A_410 = tpu.vector_load %arg13[%swap3A_408, %swap3A_409] {strides = array<i32>} : memref<128x64xf32, #tpu.memory_space<vmem>>, vector<1x16xf32>,
        %swap3A_411 = vector.shape_cast %swap3A_410 : vector<1x16xf32> to vector<16xf32>
        %swap3A_412 = vector.shape_cast %add3A_407 : vector<16xf32> to vector<1x16xf32>
        tpu.vector_store %arg13[%swap3A_408, %swap3A_409], %swap3A_412 {strides = array<i32>} : memref<128x64xf32, #tpu.memory_space<vmem>>, vector<1x16xf32>,
        %get3A_413 = arith.index_cast %scan3A_369 : i32 to index
        %get3A_414 = arith.constant 48 : index
        %get3A_415 = tpu.vector_load %arg11[%get3A_413, %get3A_414] {strides = array<i32>} : memref<128x64xf32, #tpu.memory_space<vmem>>, vector<1x16xf32>,
        %get3A_416 = vector.shape_cast %get3A_415 : vector<1x16xf32> to vector<16xf32>
        %get3A_417 = arith.index_cast %add3A_370 : i32 to index
        %get3A_418 = arith.constant 48 : index
        %get3A_419 = tpu.vector_load %arg7[%get3A_417, %get3A_418] {strides = array<i32>} : memref<400x64xf32, #tpu.memory_space<vmem>>, vector<1x16xf32>,
        %get3A_420 = vector.shape_cast %get3A_419 : vector<1x16xf32> to vector<16xf32>
        %add3A_421 = arith.addf %get3A_416, %get3A_420 : vector<16xf32>
        %swap3A_422 = arith.index_cast %scan3A_369 : i32 to index
        %swap3A_423 = arith.constant 48 : index
        %swap3A_424 = tpu.vector_load %arg13[%swap3A_422, %swap3A_423] {strides = array<i32>} : memref<128x64xf32, #tpu.memory_space<vmem>>, vector<1x16xf32>,
        %swap3A_425 = vector.shape_cast %swap3A_424 : vector<1x16xf32> to vector<16xf32>
        %swap3A_426 = vector.shape_cast %add3A_421 : vector<16xf32> to vector<1x16xf32>
        tpu.vector_store %arg13[%swap3A_422, %swap3A_423], %swap3A_426 {strides = array<i32>} : memref<128x64xf32, #tpu.memory_space<vmem>>, vector<1x16xf32>,
        %scan3A_427 = arith.constant 3 : i32
        %scan3A_428 = arith.addi %scan3A_253, %scan3A_427 : i32
        %add3A_429 = arith.addi %rem3A_233, %scan3A_428 : i32
        %get3A_430 = arith.index_cast %scan3A_428 : i32 to index
        %get3A_431 = arith.constant 0 : index
        %get3A_432 = tpu.vector_load %arg11[%get3A_430, %get3A_431] {strides = array<i32>} : memref<128x64xf32, #tpu.memory_space<vmem>>, vector<1x16xf32>,
        %get3A_433 = vector.shape_cast %get3A_432 : vector<1x16xf32> to vector<16xf32>
        %get3A_434 = arith.index_cast %add3A_429 : i32 to index
        %get3A_435 = arith.constant 0 : index
        %get3A_436 = tpu.vector_load %arg7[%get3A_434, %get3A_435] {strides = array<i32>} : memref<400x64xf32, #tpu.memory_space<vmem>>, vector<1x16xf32>,
        %get3A_437 = vector.shape_cast %get3A_436 : vector<1x16xf32> to vector<16xf32>
        %add3A_438 = arith.addf %get3A_433, %get3A_437 : vector<16xf32>
        %swap3A_439 = arith.index_cast %scan3A_428 : i32 to index
        %swap3A_440 = arith.constant 0 : index
        %swap3A_441 = tpu.vector_load %arg13[%swap3A_439, %swap3A_440] {strides = array<i32>} : memref<128x64xf32, #tpu.memory_space<vmem>>, vector<1x16xf32>,
        %swap3A_442 = vector.shape_cast %swap3A_441 : vector<1x16xf32> to vector<16xf32>
        %swap3A_443 = vector.shape_cast %add3A_438 : vector<16xf32> to vector<1x16xf32>
        tpu.vector_store %arg13[%swap3A_439, %swap3A_440], %swap3A_443 {strides = array<i32>} : memref<128x64xf32, #tpu.memory_space<vmem>>, vector<1x16xf32>,
        %get3A_444 = arith.index_cast %scan3A_428 : i32 to index
        %get3A_445 = arith.constant 16 : index
        %get3A_446 = tpu.vector_load %arg11[%get3A_444, %get3A_445] {strides = array<i32>} : memref<128x64xf32, #tpu.memory_space<vmem>>, vector<1x16xf32>,
        %get3A_447 = vector.shape_cast %get3A_446 : vector<1x16xf32> to vector<16xf32>
        %get3A_448 = arith.index_cast %add3A_429 : i32 to index
        %get3A_449 = arith.constant 16 : index
        %get3A_450 = tpu.vector_load %arg7[%get3A_448, %get3A_449] {strides = array<i32>} : memref<400x64xf32, #tpu.memory_space<vmem>>, vector<1x16xf32>,
        %get3A_451 = vector.shape_cast %get3A_450 : vector<1x16xf32> to vector<16xf32>
        %add3A_452 = arith.addf %get3A_447, %get3A_451 : vector<16xf32>
        %swap3A_453 = arith.index_cast %scan3A_428 : i32 to index
        %swap3A_454 = arith.constant 16 : index
        %swap3A_455 = tpu.vector_load %arg13[%swap3A_453, %swap3A_454] {strides = array<i32>} : memref<128x64xf32, #tpu.memory_space<vmem>>, vector<1x16xf32>,
        %swap3A_456 = vector.shape_cast %swap3A_455 : vector<1x16xf32> to vector<16xf32>
        %swap3A_457 = vector.shape_cast %add3A_452 : vector<16xf32> to vector<1x16xf32>
        tpu.vector_store %arg13[%swap3A_453, %swap3A_454], %swap3A_457 {strides = array<i32>} : memref<128x64xf32, #tpu.memory_space<vmem>>, vector<1x16xf32>,
        %get3A_458 = arith.index_cast %scan3A_428 : i32 to index
        %get3A_459 = arith.constant 32 : index
        %get3A_460 = tpu.vector_load %arg11[%get3A_458, %get3A_459] {strides = array<i32>} : memref<128x64xf32, #tpu.memory_space<vmem>>, vector<1x16xf32>,
        %get3A_461 = vector.shape_cast %get3A_460 : vector<1x16xf32> to vector<16xf32>
        %get3A_462 = arith.index_cast %add3A_429 : i32 to index
        %get3A_463 = arith.constant 32 : index
        %get3A_464 = tpu.vector_load %arg7[%get3A_462, %get3A_463] {strides = array<i32>} : memref<400x64xf32, #tpu.memory_space<vmem>>, vector<1x16xf32>,
        %get3A_465 = vector.shape_cast %get3A_464 : vector<1x16xf32> to vector<16xf32>
        %add3A_466 = arith.addf %get3A_461, %get3A_465 : vector<16xf32>
        %swap3A_467 = arith.index_cast %scan3A_428 : i32 to index
        %swap3A_468 = arith.constant 32 : index
        %swap3A_469 = tpu.vector_load %arg13[%swap3A_467, %swap3A_468] {strides = array<i32>} : memref<128x64xf32, #tpu.memory_space<vmem>>, vector<1x16xf32>,
        %swap3A_470 = vector.shape_cast %swap3A_469 : vector<1x16xf32> to vector<16xf32>
        %swap3A_471 = vector.shape_cast %add3A_466 : vector<16xf32> to vector<1x16xf32>
        tpu.vector_store %arg13[%swap3A_467, %swap3A_468], %swap3A_471 {strides = array<i32>} : memref<128x64xf32, #tpu.memory_space<vmem>>, vector<1x16xf32>,
        %get3A_472 = arith.index_cast %scan3A_428 : i32 to index
        %get3A_473 = arith.constant 48 : index
        %get3A_474 = tpu.vector_load %arg11[%get3A_472, %get3A_473] {strides = array<i32>} : memref<128x64xf32, #tpu.memory_space<vmem>>, vector<1x16xf32>,
        %get3A_475 = vector.shape_cast %get3A_474 : vector<1x16xf32> to vector<16xf32>
        %get3A_476 = arith.index_cast %add3A_429 : i32 to index
        %get3A_477 = arith.constant 48 : index
        %get3A_478 = tpu.vector_load %arg7[%get3A_476, %get3A_477] {strides = array<i32>} : memref<400x64xf32, #tpu.memory_space<vmem>>, vector<1x16xf32>,
        %get3A_479 = vector.shape_cast %get3A_478 : vector<1x16xf32> to vector<16xf32>
        %add3A_480 = arith.addf %get3A_475, %get3A_479 : vector<16xf32>
        %swap3A_481 = arith.index_cast %scan3A_428 : i32 to index
        %swap3A_482 = arith.constant 48 : index
        %swap3A_483 = tpu.vector_load %arg13[%swap3A_481, %swap3A_482] {strides = array<i32>} : memref<128x64xf32, #tpu.memory_space<vmem>>, vector<1x16xf32>,
        %swap3A_484 = vector.shape_cast %swap3A_483 : vector<1x16xf32> to vector<16xf32>
        %swap3A_485 = vector.shape_cast %add3A_480 : vector<16xf32> to vector<1x16xf32>
        tpu.vector_store %arg13[%swap3A_481, %swap3A_482], %swap3A_485 {strides = array<i32>} : memref<128x64xf32, #tpu.memory_space<vmem>>, vector<1x16xf32>,
        %scan3A_486 = arith.constant 4 : i32
        %scan3A_487 = arith.addi %scan3A_253, %scan3A_486 : i32
        %add3A_488 = arith.addi %rem3A_233, %scan3A_487 : i32
        %get3A_489 = arith.index_cast %scan3A_487 : i32 to index
        %get3A_490 = arith.constant 0 : index
        %get3A_491 = tpu.vector_load %arg11[%get3A_489, %get3A_490] {strides = array<i32>} : memref<128x64xf32, #tpu.memory_space<vmem>>, vector<1x16xf32>,
        %get3A_492 = vector.shape_cast %get3A_491 : vector<1x16xf32> to vector<16xf32>
        %get3A_493 = arith.index_cast %add3A_488 : i32 to index
        %get3A_494 = arith.constant 0 : index
        %get3A_495 = tpu.vector_load %arg7[%get3A_493, %get3A_494] {strides = array<i32>} : memref<400x64xf32, #tpu.memory_space<vmem>>, vector<1x16xf32>,
        %get3A_496 = vector.shape_cast %get3A_495 : vector<1x16xf32> to vector<16xf32>
        %add3A_497 = arith.addf %get3A_492, %get3A_496 : vector<16xf32>
        %swap3A_498 = arith.index_cast %scan3A_487 : i32 to index
        %swap3A_499 = arith.constant 0 : index
        %swap3A_500 = tpu.vector_load %arg13[%swap3A_498, %swap3A_499] {strides = array<i32>} : memref<128x64xf32, #tpu.memory_space<vmem>>, vector<1x16xf32>,
        %swap3A_501 = vector.shape_cast %swap3A_500 : vector<1x16xf32> to vector<16xf32>
        %swap3A_502 = vector.shape_cast %add3A_497 : vector<16xf32> to vector<1x16xf32>
        tpu.vector_store %arg13[%swap3A_498, %swap3A_499], %swap3A_502 {strides = array<i32>} : memref<128x64xf32, #tpu.memory_space<vmem>>, vector<1x16xf32>,
        %get3A_503 = arith.index_cast %scan3A_487 : i32 to index
        %get3A_504 = arith.constant 16 : index
        %get3A_505 = tpu.vector_load %arg11[%get3A_503, %get3A_504] {strides = array<i32>} : memref<128x64xf32, #tpu.memory_space<vmem>>, vector<1x16xf32>,
        %get3A_506 = vector.shape_cast %get3A_505 : vector<1x16xf32> to vector<16xf32>
        %get3A_507 = arith.index_cast %add3A_488 : i32 to index
        %get3A_508 = arith.constant 16 : index
        %get3A_509 = tpu.vector_load %arg7[%get3A_507, %get3A_508] {strides = array<i32>} : memref<400x64xf32, #tpu.memory_space<vmem>>, vector<1x16xf32>,
        %get3A_510 = vector.shape_cast %get3A_509 : vector<1x16xf32> to vector<16xf32>
        %add3A_511 = arith.addf %get3A_506, %get3A_510 : vector<16xf32>
        %swap3A_512 = arith.index_cast %scan3A_487 : i32 to index
        %swap3A_513 = arith.constant 16 : index
        %swap3A_514 = tpu.vector_load %arg13[%swap3A_512, %swap3A_513] {strides = array<i32>} : memref<128x64xf32, #tpu.memory_space<vmem>>, vector<1x16xf32>,
        %swap3A_515 = vector.shape_cast %swap3A_514 : vector<1x16xf32> to vector<16xf32>
        %swap3A_516 = vector.shape_cast %add3A_511 : vector<16xf32> to vector<1x16xf32>
        tpu.vector_store %arg13[%swap3A_512, %swap3A_513], %swap3A_516 {strides = array<i32>} : memref<128x64xf32, #tpu.memory_space<vmem>>, vector<1x16xf32>,
        %get3A_517 = arith.index_cast %scan3A_487 : i32 to index
        %get3A_518 = arith.constant 32 : index
        %get3A_519 = tpu.vector_load %arg11[%get3A_517, %get3A_518] {strides = array<i32>} : memref<128x64xf32, #tpu.memory_space<vmem>>, vector<1x16xf32>,
        %get3A_520 = vector.shape_cast %get3A_519 : vector<1x16xf32> to vector<16xf32>
        %get3A_521 = arith.index_cast %add3A_488 : i32 to index
        %get3A_522 = arith.constant 32 : index
        %get3A_523 = tpu.vector_load %arg7[%get3A_521, %get3A_522] {strides = array<i32>} : memref<400x64xf32, #tpu.memory_space<vmem>>, vector<1x16xf32>,
        %get3A_524 = vector.shape_cast %get3A_523 : vector<1x16xf32> to vector<16xf32>
        %add3A_525 = arith.addf %get3A_520, %get3A_524 : vector<16xf32>
        %swap3A_526 = arith.index_cast %scan3A_487 : i32 to index
        %swap3A_527 = arith.constant 32 : index
        %swap3A_528 = tpu.vector_load %arg13[%swap3A_526, %swap3A_527] {strides = array<i32>} : memref<128x64xf32, #tpu.memory_space<vmem>>, vector<1x16xf32>,
        %swap3A_529 = vector.shape_cast %swap3A_528 : vector<1x16xf32> to vector<16xf32>
        %swap3A_530 = vector.shape_cast %add3A_525 : vector<16xf32> to vector<1x16xf32>
        tpu.vector_store %arg13[%swap3A_526, %swap3A_527], %swap3A_530 {strides = array<i32>} : memref<128x64xf32, #tpu.memory_space<vmem>>, vector<1x16xf32>,
        %get3A_531 = arith.index_cast %scan3A_487 : i32 to index
        %get3A_532 = arith.constant 48 : index
        %get3A_533 = tpu.vector_load %arg11[%get3A_531, %get3A_532] {strides = array<i32>} : memref<128x64xf32, #tpu.memory_space<vmem>>, vector<1x16xf32>,
        %get3A_534 = vector.shape_cast %get3A_533 : vector<1x16xf32> to vector<16xf32>
        %get3A_535 = arith.index_cast %add3A_488 : i32 to index
        %get3A_536 = arith.constant 48 : index
        %get3A_537 = tpu.vector_load %arg7[%get3A_535, %get3A_536] {strides = array<i32>} : memref<400x64xf32, #tpu.memory_space<vmem>>, vector<1x16xf32>,
        %get3A_538 = vector.shape_cast %get3A_537 : vector<1x16xf32> to vector<16xf32>
        %add3A_539 = arith.addf %get3A_534, %get3A_538 : vector<16xf32>
        %swap3A_540 = arith.index_cast %scan3A_487 : i32 to index
        %swap3A_541 = arith.constant 48 : index
        %swap3A_542 = tpu.vector_load %arg13[%swap3A_540, %swap3A_541] {strides = array<i32>} : memref<128x64xf32, #tpu.memory_space<vmem>>, vector<1x16xf32>,
        %swap3A_543 = vector.shape_cast %swap3A_542 : vector<1x16xf32> to vector<16xf32>
        %swap3A_544 = vector.shape_cast %add3A_539 : vector<16xf32> to vector<1x16xf32>
        tpu.vector_store %arg13[%swap3A_540, %swap3A_541], %swap3A_544 {strides = array<i32>} : memref<128x64xf32, #tpu.memory_space<vmem>>, vector<1x16xf32>,
        %scan3A_545 = arith.constant 5 : i32
        %scan3A_546 = arith.addi %scan3A_253, %scan3A_545 : i32
        %add3A_547 = arith.addi %rem3A_233, %scan3A_546 : i32
        %get3A_548 = arith.index_cast %scan3A_546 : i32 to index
        %get3A_549 = arith.constant 0 : index
        %get3A_550 = tpu.vector_load %arg11[%get3A_548, %get3A_549] {strides = array<i32>} : memref<128x64xf32, #tpu.memory_space<vmem>>, vector<1x16xf32>,
        %get3A_551 = vector.shape_cast %get3A_550 : vector<1x16xf32> to vector<16xf32>
        %get3A_552 = arith.index_cast %add3A_547 : i32 to index
        %get3A_553 = arith.constant 0 : index
        %get3A_554 = tpu.vector_load %arg7[%get3A_552, %get3A_553] {strides = array<i32>} : memref<400x64xf32, #tpu.memory_space<vmem>>, vector<1x16xf32>,
        %get3A_555 = vector.shape_cast %get3A_554 : vector<1x16xf32> to vector<16xf32>
        %add3A_556 = arith.addf %get3A_551, %get3A_555 : vector<16xf32>
        %swap3A_557 = arith.index_cast %scan3A_546 : i32 to index
        %swap3A_558 = arith.constant 0 : index
        %swap3A_559 = tpu.vector_load %arg13[%swap3A_557, %swap3A_558] {strides = array<i32>} : memref<128x64xf32, #tpu.memory_space<vmem>>, vector<1x16xf32>,
        %swap3A_560 = vector.shape_cast %swap3A_559 : vector<1x16xf32> to vector<16xf32>
        %swap3A_561 = vector.shape_cast %add3A_556 : vector<16xf32> to vector<1x16xf32>
        tpu.vector_store %arg13[%swap3A_557, %swap3A_558], %swap3A_561 {strides = array<i32>} : memref<128x64xf32, #tpu.memory_space<vmem>>, vector<1x16xf32>,
        %get3A_562 = arith.index_cast %scan3A_546 : i32 to index
        %get3A_563 = arith.constant 16 : index
        %get3A_564 = tpu.vector_load %arg11[%get3A_562, %get3A_563] {strides = array<i32>} : memref<128x64xf32, #tpu.memory_space<vmem>>, vector<1x16xf32>,
        %get3A_565 = vector.shape_cast %get3A_564 : vector<1x16xf32> to vector<16xf32>
        %get3A_566 = arith.index_cast %add3A_547 : i32 to index
        %get3A_567 = arith.constant 16 : index
        %get3A_568 = tpu.vector_load %arg7[%get3A_566, %get3A_567] {strides = array<i32>} : memref<400x64xf32, #tpu.memory_space<vmem>>, vector<1x16xf32>,
        %get3A_569 = vector.shape_cast %get3A_568 : vector<1x16xf32> to vector<16xf32>
        %add3A_570 = arith.addf %get3A_565, %get3A_569 : vector<16xf32>
        %swap3A_571 = arith.index_cast %scan3A_546 : i32 to index
        %swap3A_572 = arith.constant 16 : index
        %swap3A_573 = tpu.vector_load %arg13[%swap3A_571, %swap3A_572] {strides = array<i32>} : memref<128x64xf32, #tpu.memory_space<vmem>>, vector<1x16xf32>,
        %swap3A_574 = vector.shape_cast %swap3A_573 : vector<1x16xf32> to vector<16xf32>
        %swap3A_575 = vector.shape_cast %add3A_570 : vector<16xf32> to vector<1x16xf32>
        tpu.vector_store %arg13[%swap3A_571, %swap3A_572], %swap3A_575 {strides = array<i32>} : memref<128x64xf32, #tpu.memory_space<vmem>>, vector<1x16xf32>,
        %get3A_576 = arith.index_cast %scan3A_546 : i32 to index
        %get3A_577 = arith.constant 32 : index
        %get3A_578 = tpu.vector_load %arg11[%get3A_576, %get3A_577] {strides = array<i32>} : memref<128x64xf32, #tpu.memory_space<vmem>>, vector<1x16xf32>,
        %get3A_579 = vector.shape_cast %get3A_578 : vector<1x16xf32> to vector<16xf32>
        %get3A_580 = arith.index_cast %add3A_547 : i32 to index
        %get3A_581 = arith.constant 32 : index
        %get3A_582 = tpu.vector_load %arg7[%get3A_580, %get3A_581] {strides = array<i32>} : memref<400x64xf32, #tpu.memory_space<vmem>>, vector<1x16xf32>,
        %get3A_583 = vector.shape_cast %get3A_582 : vector<1x16xf32> to vector<16xf32>
        %add3A_584 = arith.addf %get3A_579, %get3A_583 : vector<16xf32>
        %swap3A_585 = arith.index_cast %scan3A_546 : i32 to index
        %swap3A_586 = arith.constant 32 : index
        %swap3A_587 = tpu.vector_load %arg13[%swap3A_585, %swap3A_586] {strides = array<i32>} : memref<128x64xf32, #tpu.memory_space<vmem>>, vector<1x16xf32>,
        %swap3A_588 = vector.shape_cast %swap3A_587 : vector<1x16xf32> to vector<16xf32>
        %swap3A_589 = vector.shape_cast %add3A_584 : vector<16xf32> to vector<1x16xf32>
        tpu.vector_store %arg13[%swap3A_585, %swap3A_586], %swap3A_589 {strides = array<i32>} : memref<128x64xf32, #tpu.memory_space<vmem>>, vector<1x16xf32>,
        %get3A_590 = arith.index_cast %scan3A_546 : i32 to index
        %get3A_591 = arith.constant 48 : index
        %get3A_592 = tpu.vector_load %arg11[%get3A_590, %get3A_591] {strides = array<i32>} : memref<128x64xf32, #tpu.memory_space<vmem>>, vector<1x16xf32>,
        %get3A_593 = vector.shape_cast %get3A_592 : vector<1x16xf32> to vector<16xf32>
        %get3A_594 = arith.index_cast %add3A_547 : i32 to index
        %get3A_595 = arith.constant 48 : index
        %get3A_596 = tpu.vector_load %arg7[%get3A_594, %get3A_595] {strides = array<i32>} : memref<400x64xf32, #tpu.memory_space<vmem>>, vector<1x16xf32>,
        %get3A_597 = vector.shape_cast %get3A_596 : vector<1x16xf32> to vector<16xf32>
        %add3A_598 = arith.addf %get3A_593, %get3A_597 : vector<16xf32>
        %swap3A_599 = arith.index_cast %scan3A_546 : i32 to index
        %swap3A_600 = arith.constant 48 : index
        %swap3A_601 = tpu.vector_load %arg13[%swap3A_599, %swap3A_600] {strides = array<i32>} : memref<128x64xf32, #tpu.memory_space<vmem>>, vector<1x16xf32>,
        %swap3A_602 = vector.shape_cast %swap3A_601 : vector<1x16xf32> to vector<16xf32>
        %swap3A_603 = vector.shape_cast %add3A_598 : vector<16xf32> to vector<1x16xf32>
        tpu.vector_store %arg13[%swap3A_599, %swap3A_600], %swap3A_603 {strides = array<i32>} : memref<128x64xf32, #tpu.memory_space<vmem>>, vector<1x16xf32>,
        %scan3A_604 = arith.constant 6 : i32
        %scan3A_605 = arith.addi %scan3A_253, %scan3A_604 : i32
        %add3A_606 = arith.addi %rem3A_233, %scan3A_605 : i32
        %get3A_607 = arith.index_cast %scan3A_605 : i32 to index
        %get3A_608 = arith.constant 0 : index
        %get3A_609 = tpu.vector_load %arg11[%get3A_607, %get3A_608] {strides = array<i32>} : memref<128x64xf32, #tpu.memory_space<vmem>>, vector<1x16xf32>,
        %get3A_610 = vector.shape_cast %get3A_609 : vector<1x16xf32> to vector<16xf32>
        %get3A_611 = arith.index_cast %add3A_606 : i32 to index
        %get3A_612 = arith.constant 0 : index
        %get3A_613 = tpu.vector_load %arg7[%get3A_611, %get3A_612] {strides = array<i32>} : memref<400x64xf32, #tpu.memory_space<vmem>>, vector<1x16xf32>,
        %get3A_614 = vector.shape_cast %get3A_613 : vector<1x16xf32> to vector<16xf32>
        %add3A_615 = arith.addf %get3A_610, %get3A_614 : vector<16xf32>
        %swap3A_616 = arith.index_cast %scan3A_605 : i32 to index
        %swap3A_617 = arith.constant 0 : index
        %swap3A_618 = tpu.vector_load %arg13[%swap3A_616, %swap3A_617] {strides = array<i32>} : memref<128x64xf32, #tpu.memory_space<vmem>>, vector<1x16xf32>,
        %swap3A_619 = vector.shape_cast %swap3A_618 : vector<1x16xf32> to vector<16xf32>
        %swap3A_620 = vector.shape_cast %add3A_615 : vector<16xf32> to vector<1x16xf32>
        tpu.vector_store %arg13[%swap3A_616, %swap3A_617], %swap3A_620 {strides = array<i32>} : memref<128x64xf32, #tpu.memory_space<vmem>>, vector<1x16xf32>,
        %get3A_621 = arith.index_cast %scan3A_605 : i32 to index
        %get3A_622 = arith.constant 16 : index
        %get3A_623 = tpu.vector_load %arg11[%get3A_621, %get3A_622] {strides = array<i32>} : memref<128x64xf32, #tpu.memory_space<vmem>>, vector<1x16xf32>,
        %get3A_624 = vector.shape_cast %get3A_623 : vector<1x16xf32> to vector<16xf32>
        %get3A_625 = arith.index_cast %add3A_606 : i32 to index
        %get3A_626 = arith.constant 16 : index
        %get3A_627 = tpu.vector_load %arg7[%get3A_625, %get3A_626] {strides = array<i32>} : memref<400x64xf32, #tpu.memory_space<vmem>>, vector<1x16xf32>,
        %get3A_628 = vector.shape_cast %get3A_627 : vector<1x16xf32> to vector<16xf32>
        %add3A_629 = arith.addf %get3A_624, %get3A_628 : vector<16xf32>
        %swap3A_630 = arith.index_cast %scan3A_605 : i32 to index
        %swap3A_631 = arith.constant 16 : index
        %swap3A_632 = tpu.vector_load %arg13[%swap3A_630, %swap3A_631] {strides = array<i32>} : memref<128x64xf32, #tpu.memory_space<vmem>>, vector<1x16xf32>,
        %swap3A_633 = vector.shape_cast %swap3A_632 : vector<1x16xf32> to vector<16xf32>
        %swap3A_634 = vector.shape_cast %add3A_629 : vector<16xf32> to vector<1x16xf32>
        tpu.vector_store %arg13[%swap3A_630, %swap3A_631], %swap3A_634 {strides = array<i32>} : memref<128x64xf32, #tpu.memory_space<vmem>>, vector<1x16xf32>,
        %get3A_635 = arith.index_cast %scan3A_605 : i32 to index
        %get3A_636 = arith.constant 32 : index
        %get3A_637 = tpu.vector_load %arg11[%get3A_635, %get3A_636] {strides = array<i32>} : memref<128x64xf32, #tpu.memory_space<vmem>>, vector<1x16xf32>,
        %get3A_638 = vector.shape_cast %get3A_637 : vector<1x16xf32> to vector<16xf32>
        %get3A_639 = arith.index_cast %add3A_606 : i32 to index
        %get3A_640 = arith.constant 32 : index
        %get3A_641 = tpu.vector_load %arg7[%get3A_639, %get3A_640] {strides = array<i32>} : memref<400x64xf32, #tpu.memory_space<vmem>>, vector<1x16xf32>,
        %get3A_642 = vector.shape_cast %get3A_641 : vector<1x16xf32> to vector<16xf32>
        %add3A_643 = arith.addf %get3A_638, %get3A_642 : vector<16xf32>
        %swap3A_644 = arith.index_cast %scan3A_605 : i32 to index
        %swap3A_645 = arith.constant 32 : index
        %swap3A_646 = tpu.vector_load %arg13[%swap3A_644, %swap3A_645] {strides = array<i32>} : memref<128x64xf32, #tpu.memory_space<vmem>>, vector<1x16xf32>,
        %swap3A_647 = vector.shape_cast %swap3A_646 : vector<1x16xf32> to vector<16xf32>
        %swap3A_648 = vector.shape_cast %add3A_643 : vector<16xf32> to vector<1x16xf32>
        tpu.vector_store %arg13[%swap3A_644, %swap3A_645], %swap3A_648 {strides = array<i32>} : memref<128x64xf32, #tpu.memory_space<vmem>>, vector<1x16xf32>,
        %get3A_649 = arith.index_cast %scan3A_605 : i32 to index
        %get3A_650 = arith.constant 48 : index
        %get3A_651 = tpu.vector_load %arg11[%get3A_649, %get3A_650] {strides = array<i32>} : memref<128x64xf32, #tpu.memory_space<vmem>>, vector<1x16xf32>,
        %get3A_652 = vector.shape_cast %get3A_651 : vector<1x16xf32> to vector<16xf32>
        %get3A_653 = arith.index_cast %add3A_606 : i32 to index
        %get3A_654 = arith.constant 48 : index
        %get3A_655 = tpu.vector_load %arg7[%get3A_653, %get3A_654] {strides = array<i32>} : memref<400x64xf32, #tpu.memory_space<vmem>>, vector<1x16xf32>,
        %get3A_656 = vector.shape_cast %get3A_655 : vector<1x16xf32> to vector<16xf32>
        %add3A_657 = arith.addf %get3A_652, %get3A_656 : vector<16xf32>
        %swap3A_658 = arith.index_cast %scan3A_605 : i32 to index
        %swap3A_659 = arith.constant 48 : index
        %swap3A_660 = tpu.vector_load %arg13[%swap3A_658, %swap3A_659] {strides = array<i32>} : memref<128x64xf32, #tpu.memory_space<vmem>>, vector<1x16xf32>,
        %swap3A_661 = vector.shape_cast %swap3A_660 : vector<1x16xf32> to vector<16xf32>
        %swap3A_662 = vector.shape_cast %add3A_657 : vector<16xf32> to vector<1x16xf32>
        tpu.vector_store %arg13[%swap3A_658, %swap3A_659], %swap3A_662 {strides = array<i32>} : memref<128x64xf32, #tpu.memory_space<vmem>>, vector<1x16xf32>,
        %scan3A_663 = arith.constant 7 : i32
        %scan3A_664 = arith.addi %scan3A_253, %scan3A_663 : i32
        %add3A_665 = arith.addi %rem3A_233, %scan3A_664 : i32
        %get3A_666 = arith.index_cast %scan3A_664 : i32 to index
        %get3A_667 = arith.constant 0 : index
        %get3A_668 = tpu.vector_load %arg11[%get3A_666, %get3A_667] {strides = array<i32>} : memref<128x64xf32, #tpu.memory_space<vmem>>, vector<1x16xf32>,
        %get3A_669 = vector.shape_cast %get3A_668 : vector<1x16xf32> to vector<16xf32>
        %get3A_670 = arith.index_cast %add3A_665 : i32 to index
        %get3A_671 = arith.constant 0 : index
        %get3A_672 = tpu.vector_load %arg7[%get3A_670, %get3A_671] {strides = array<i32>} : memref<400x64xf32, #tpu.memory_space<vmem>>, vector<1x16xf32>,
        %get3A_673 = vector.shape_cast %get3A_672 : vector<1x16xf32> to vector<16xf32>
        %add3A_674 = arith.addf %get3A_669, %get3A_673 : vector<16xf32>
        %swap3A_675 = arith.index_cast %scan3A_664 : i32 to index
        %swap3A_676 = arith.constant 0 : index
        %swap3A_677 = tpu.vector_load %arg13[%swap3A_675, %swap3A_676] {strides = array<i32>} : memref<128x64xf32, #tpu.memory_space<vmem>>, vector<1x16xf32>,
        %swap3A_678 = vector.shape_cast %swap3A_677 : vector<1x16xf32> to vector<16xf32>
        %swap3A_679 = vector.shape_cast %add3A_674 : vector<16xf32> to vector<1x16xf32>
        tpu.vector_store %arg13[%swap3A_675, %swap3A_676], %swap3A_679 {strides = array<i32>} : memref<128x64xf32, #tpu.memory_space<vmem>>, vector<1x16xf32>,
        %get3A_680 = arith.index_cast %scan3A_664 : i32 to index
        %get3A_681 = arith.constant 16 : index
        %get3A_682 = tpu.vector_load %arg11[%get3A_680, %get3A_681] {strides = array<i32>} : memref<128x64xf32, #tpu.memory_space<vmem>>, vector<1x16xf32>,
        %get3A_683 = vector.shape_cast %get3A_682 : vector<1x16xf32> to vector<16xf32>
        %get3A_684 = arith.index_cast %add3A_665 : i32 to index
        %get3A_685 = arith.constant 16 : index
        %get3A_686 = tpu.vector_load %arg7[%get3A_684, %get3A_685] {strides = array<i32>} : memref<400x64xf32, #tpu.memory_space<vmem>>, vector<1x16xf32>,
        %get3A_687 = vector.shape_cast %get3A_686 : vector<1x16xf32> to vector<16xf32>
        %add3A_688 = arith.addf %get3A_683, %get3A_687 : vector<16xf32>
        %swap3A_689 = arith.index_cast %scan3A_664 : i32 to index
        %swap3A_690 = arith.constant 16 : index
        %swap3A_691 = tpu.vector_load %arg13[%swap3A_689, %swap3A_690] {strides = array<i32>} : memref<128x64xf32, #tpu.memory_space<vmem>>, vector<1x16xf32>,
        %swap3A_692 = vector.shape_cast %swap3A_691 : vector<1x16xf32> to vector<16xf32>
        %swap3A_693 = vector.shape_cast %add3A_688 : vector<16xf32> to vector<1x16xf32>
        tpu.vector_store %arg13[%swap3A_689, %swap3A_690], %swap3A_693 {strides = array<i32>} : memref<128x64xf32, #tpu.memory_space<vmem>>, vector<1x16xf32>,
        %get3A_694 = arith.index_cast %scan3A_664 : i32 to index
        %get3A_695 = arith.constant 32 : index
        %get3A_696 = tpu.vector_load %arg11[%get3A_694, %get3A_695] {strides = array<i32>} : memref<128x64xf32, #tpu.memory_space<vmem>>, vector<1x16xf32>,
        %get3A_697 = vector.shape_cast %get3A_696 : vector<1x16xf32> to vector<16xf32>
        %get3A_698 = arith.index_cast %add3A_665 : i32 to index
        %get3A_699 = arith.constant 32 : index
        %get3A_700 = tpu.vector_load %arg7[%get3A_698, %get3A_699] {strides = array<i32>} : memref<400x64xf32, #tpu.memory_space<vmem>>, vector<1x16xf32>,
        %get3A_701 = vector.shape_cast %get3A_700 : vector<1x16xf32> to vector<16xf32>
        %add3A_702 = arith.addf %get3A_697, %get3A_701 : vector<16xf32>
        %swap3A_703 = arith.index_cast %scan3A_664 : i32 to index
        %swap3A_704 = arith.constant 32 : index
        %swap3A_705 = tpu.vector_load %arg13[%swap3A_703, %swap3A_704] {strides = array<i32>} : memref<128x64xf32, #tpu.memory_space<vmem>>, vector<1x16xf32>,
        %swap3A_706 = vector.shape_cast %swap3A_705 : vector<1x16xf32> to vector<16xf32>
        %swap3A_707 = vector.shape_cast %add3A_702 : vector<16xf32> to vector<1x16xf32>
        tpu.vector_store %arg13[%swap3A_703, %swap3A_704], %swap3A_707 {strides = array<i32>} : memref<128x64xf32, #tpu.memory_space<vmem>>, vector<1x16xf32>,
        %get3A_708 = arith.index_cast %scan3A_664 : i32 to index
        %get3A_709 = arith.constant 48 : index
        %get3A_710 = tpu.vector_load %arg11[%get3A_708, %get3A_709] {strides = array<i32>} : memref<128x64xf32, #tpu.memory_space<vmem>>, vector<1x16xf32>,
        %get3A_711 = vector.shape_cast %get3A_710 : vector<1x16xf32> to vector<16xf32>
        %get3A_712 = arith.index_cast %add3A_665 : i32 to index
        %get3A_713 = arith.constant 48 : index
        %get3A_714 = tpu.vector_load %arg7[%get3A_712, %get3A_713] {strides = array<i32>} : memref<400x64xf32, #tpu.memory_space<vmem>>, vector<1x16xf32>,
        %get3A_715 = vector.shape_cast %get3A_714 : vector<1x16xf32> to vector<16xf32>
        %add3A_716 = arith.addf %get3A_711, %get3A_715 : vector<16xf32>
        %swap3A_717 = arith.index_cast %scan3A_664 : i32 to index
        %swap3A_718 = arith.constant 48 : index
        %swap3A_719 = tpu.vector_load %arg13[%swap3A_717, %swap3A_718] {strides = array<i32>} : memref<128x64xf32, #tpu.memory_space<vmem>>, vector<1x16xf32>,
        %swap3A_720 = vector.shape_cast %swap3A_719 : vector<1x16xf32> to vector<16xf32>
        %swap3A_721 = vector.shape_cast %add3A_716 : vector<16xf32> to vector<1x16xf32>
        tpu.vector_store %arg13[%swap3A_717, %swap3A_718], %swap3A_721 {strides = array<i32>} : memref<128x64xf32, #tpu.memory_space<vmem>>, vector<1x16xf32>,
      }
      %scan3A_238 = arith.constant 128 : i32
      %add3A_239 = arith.constant 4 : i32
      %add3A_240 = arith.addi %add3A_219, %add3A_239 : i32
      %lt3A_241 = arith.constant 50 : i32
      %lt3A_242 = arith.cmpi slt, %add3A_240, %lt3A_241 : i32
      %convert_element_type3A_243 = arith.extui %lt3A_242 : i1 to i32
      %cond3A_244 = arith.constant 0 : i32
      %cond3A_245 = arith.cmpi ne, %convert_element_type3A_243, %cond3A_244 : i32
      scf.if %cond3A_245 {
        %add3A_253 = arith.constant 4 : i32
        %add3A_254 = arith.addi %add3A_219, %add3A_253 : i32
        %mul3A_255 = arith.constant 128 : i32
        %mul3A_256 = arith.muli %add3A_254, %mul3A_255 : i32
        %dma_start3A_257 = tpu.memref_slice %arg6[%mul3A_256] : memref<6400xi32, #tpu.memory_space<vmem>> -> memref<128xi32, #tpu.memory_space<vmem>>
        %dma_start3A_258 = arith.constant 0 : i32
        %dma_start3A_259 = arith.constant 0 : i32
        %dma_start3A_260 = tpu.memref_slice %arg4[%dma_start3A_258, %dma_start3A_259] : memref<1000000x64xf32, #tpu.memory_space<hbm>> -> memref<1000000x64xf32, #tpu.memory_space<hbm>>
        tpu.enqueue_indirect_dma source(%dma_start3A_260 : memref<1000000x64xf32, #tpu.memory_space<hbm>>) target(%arg11 : memref<128x64xf32, #tpu.memory_space<vmem>>) offsets(%dma_start3A_257 : memref<128xi32, #tpu.memory_space<vmem>>) semaphore(%arg17 : memref<!tpu.dma_semaphore, #tpu.memory_space<semaphore_mem>>)
      } else {
      }
      %mul3A_246 = arith.constant 128 : i32
      %mul3A_247 = arith.muli %add3A_219, %mul3A_246 : i32
      %add3A_248 = arith.addi %mul3A_2, %mul3A_247 : i32
      %dma_start3A_249 = arith.constant 0 : i32
      %dma_start3A_250 = tpu.memref_slice %arg5[%add3A_248, %dma_start3A_249] : memref<204800x64xf32, #tpu.memory_space<hbm>> -> memref<128x64xf32, #tpu.memory_space<hbm>>
      %dma_start3A_251 = arith.constant 0 : i32
      %dma_start3A_252 = tpu.memref_slice %arg5[%add3A_248, %dma_start3A_251] : memref<204800x64xf32, #tpu.memory_space<hbm>> -> memref<128x64xf32, #tpu.memory_space<hbm>>
      tpu.enqueue_dma source(%arg13 : memref<128x64xf32, #tpu.memory_space<vmem>>) target(%dma_start3A_252 : memref<128x64xf32, #tpu.memory_space<hbm>>) target_semaphore(%arg19 : memref<!tpu.dma_semaphore, #tpu.memory_space<semaphore_mem>>)
    }
    %scan3A_25 = arith.constant 12 : i32
    %dma_wait3A = arith.constant 0 : i32
    %dma_wait3A_26 = tpu.memref_slice %arg6[%dma_wait3A] : memref<6400xi32, #tpu.memory_space<vmem>> -> memref<128xi32, #tpu.memory_space<vmem>>
    %dma_wait3A_27 = arith.constant 0 : i32
    %dma_wait3A_28 = arith.constant 0 : i32
    %dma_wait3A_29 = tpu.memref_slice %arg4[%dma_wait3A_27, %dma_wait3A_28] : memref<1000000x64xf32, #tpu.memory_space<hbm>> -> memref<1000000x64xf32, #tpu.memory_space<hbm>>
    tpu.wait_indirect_dma semaphore(%arg14 : memref<!tpu.dma_semaphore, #tpu.memory_space<semaphore_mem>>) src(%dma_wait3A_29 : memref<1000000x64xf32, #tpu.memory_space<hbm>>) dst(%arg8 : memref<128x64xf32, #tpu.memory_space<vmem>>)
    %ge3A = arith.constant 48 : i32
    %ge3A_30 = arith.constant 2 : i32
    %ge3A_31 = arith.cmpi sge, %ge3A, %ge3A_30 : i32
    %convert_element_type3A = arith.extui %ge3A_31 : i1 to i32
    %cond3A = arith.constant 48 : i32
    %cond3A_32 = arith.constant 0 : i32
    %cond3A_33 = arith.cmpi ne, %convert_element_type3A, %cond3A_32 : i32
    scf.if %cond3A_33 {
      %mul3A_110 = arith.constant 128 : i32
      %mul3A_111 = arith.muli %cond3A, %mul3A_110 : i32
      %add3A_112 = arith.addi %mul3A_2, %mul3A_111 : i32
      %dma_wait3A_113 = arith.constant 0 : i32
      %dma_wait3A_114 = tpu.memref_slice %arg5[%add3A_112, %dma_wait3A_113] : memref<204800x64xf32, #tpu.memory_space<hbm>> -> memref<128x64xf32, #tpu.memory_space<hbm>>
      %dma_wait3A_115 = arith.constant 0 : i32
      %dma_wait3A_116 = tpu.memref_slice %arg5[%add3A_112, %dma_wait3A_115] : memref<204800x64xf32, #tpu.memory_space<hbm>> -> memref<128x64xf32, #tpu.memory_space<hbm>>
      tpu.wait_dma2 semaphore(%arg18 : memref<!tpu.dma_semaphore, #tpu.memory_space<semaphore_mem>>) src(%arg12 : memref<128x64xf32, #tpu.memory_space<vmem>>) dst(%dma_wait3A_116 : memref<128x64xf32, #tpu.memory_space<hbm>>)
    } else {
    }
    %mul3A_34 = arith.constant 48 : i32
    %mul3A_35 = arith.constant 128 : i32
    %mul3A_36 = arith.muli %mul3A_34, %mul3A_35 : i32
    %rem3A = arith.constant 200 : i32
    %rem3A_37 = arith.remsi %mul3A_36, %rem3A : i32
    %scan3A_38 = arith.constant 0 : i32
    %scan3A_39 = arith.constant 128 : i32
    %scan3A_40 = arith.addi %scan3A_38, %scan3A_39 : i32
    %scan3A_41 = arith.constant 8 : i32
    scf.for %scan3A_110 = %scan3A_38 to %scan3A_40 step %scan3A_41  : i32 {
      %add3A_111 = arith.addi %rem3A_37, %scan3A_110 : i32
      %get3A = arith.index_cast %scan3A_110 : i32 to index
      %get3A_112 = arith.constant 0 : index
      %get3A_113 = tpu.vector_load %arg8[%get3A, %get3A_112] {strides = array<i32>} : memref<128x64xf32, #tpu.memory_space<vmem>>, vector<1x16xf32>,
      %get3A_114 = vector.shape_cast %get3A_113 : vector<1x16xf32> to vector<16xf32>
      %get3A_115 = arith.index_cast %add3A_111 : i32 to index
      %get3A_116 = arith.constant 0 : index
      %get3A_117 = tpu.vector_load %arg7[%get3A_115, %get3A_116] {strides = array<i32>} : memref<400x64xf32, #tpu.memory_space<vmem>>, vector<1x16xf32>,
      %get3A_118 = vector.shape_cast %get3A_117 : vector<1x16xf32> to vector<16xf32>
      %add3A_119 = arith.addf %get3A_114, %get3A_118 : vector<16xf32>
      %swap3A = arith.index_cast %scan3A_110 : i32 to index
      %swap3A_120 = arith.constant 0 : index
      %swap3A_121 = tpu.vector_load %arg12[%swap3A, %swap3A_120] {strides = array<i32>} : memref<128x64xf32, #tpu.memory_space<vmem>>, vector<1x16xf32>,
      %swap3A_122 = vector.shape_cast %swap3A_121 : vector<1x16xf32> to vector<16xf32>
      %swap3A_123 = vector.shape_cast %add3A_119 : vector<16xf32> to vector<1x16xf32>
      tpu.vector_store %arg12[%swap3A, %swap3A_120], %swap3A_123 {strides = array<i32>} : memref<128x64xf32, #tpu.memory_space<vmem>>, vector<1x16xf32>,
      %get3A_124 = arith.index_cast %scan3A_110 : i32 to index
      %get3A_125 = arith.constant 16 : index
      %get3A_126 = tpu.vector_load %arg8[%get3A_124, %get3A_125] {strides = array<i32>} : memref<128x64xf32, #tpu.memory_space<vmem>>, vector<1x16xf32>,
      %get3A_127 = vector.shape_cast %get3A_126 : vector<1x16xf32> to vector<16xf32>
      %get3A_128 = arith.index_cast %add3A_111 : i32 to index
      %get3A_129 = arith.constant 16 : index
      %get3A_130 = tpu.vector_load %arg7[%get3A_128, %get3A_129] {strides = array<i32>} : memref<400x64xf32, #tpu.memory_space<vmem>>, vector<1x16xf32>,
      %get3A_131 = vector.shape_cast %get3A_130 : vector<1x16xf32> to vector<16xf32>
      %add3A_132 = arith.addf %get3A_127, %get3A_131 : vector<16xf32>
      %swap3A_133 = arith.index_cast %scan3A_110 : i32 to index
      %swap3A_134 = arith.constant 16 : index
      %swap3A_135 = tpu.vector_load %arg12[%swap3A_133, %swap3A_134] {strides = array<i32>} : memref<128x64xf32, #tpu.memory_space<vmem>>, vector<1x16xf32>,
      %swap3A_136 = vector.shape_cast %swap3A_135 : vector<1x16xf32> to vector<16xf32>
      %swap3A_137 = vector.shape_cast %add3A_132 : vector<16xf32> to vector<1x16xf32>
      tpu.vector_store %arg12[%swap3A_133, %swap3A_134], %swap3A_137 {strides = array<i32>} : memref<128x64xf32, #tpu.memory_space<vmem>>, vector<1x16xf32>,
      %get3A_138 = arith.index_cast %scan3A_110 : i32 to index
      %get3A_139 = arith.constant 32 : index
      %get3A_140 = tpu.vector_load %arg8[%get3A_138, %get3A_139] {strides = array<i32>} : memref<128x64xf32, #tpu.memory_space<vmem>>, vector<1x16xf32>,
      %get3A_141 = vector.shape_cast %get3A_140 : vector<1x16xf32> to vector<16xf32>
      %get3A_142 = arith.index_cast %add3A_111 : i32 to index
      %get3A_143 = arith.constant 32 : index
      %get3A_144 = tpu.vector_load %arg7[%get3A_142, %get3A_143] {strides = array<i32>} : memref<400x64xf32, #tpu.memory_space<vmem>>, vector<1x16xf32>,
      %get3A_145 = vector.shape_cast %get3A_144 : vector<1x16xf32> to vector<16xf32>
      %add3A_146 = arith.addf %get3A_141, %get3A_145 : vector<16xf32>
      %swap3A_147 = arith.index_cast %scan3A_110 : i32 to index
      %swap3A_148 = arith.constant 32 : index
      %swap3A_149 = tpu.vector_load %arg12[%swap3A_147, %swap3A_148] {strides = array<i32>} : memref<128x64xf32, #tpu.memory_space<vmem>>, vector<1x16xf32>,
      %swap3A_150 = vector.shape_cast %swap3A_149 : vector<1x16xf32> to vector<16xf32>
      %swap3A_151 = vector.shape_cast %add3A_146 : vector<16xf32> to vector<1x16xf32>
      tpu.vector_store %arg12[%swap3A_147, %swap3A_148], %swap3A_151 {strides = array<i32>} : memref<128x64xf32, #tpu.memory_space<vmem>>, vector<1x16xf32>,
      %get3A_152 = arith.index_cast %scan3A_110 : i32 to index
      %get3A_153 = arith.constant 48 : index
      %get3A_154 = tpu.vector_load %arg8[%get3A_152, %get3A_153] {strides = array<i32>} : memref<128x64xf32, #tpu.memory_space<vmem>>, vector<1x16xf32>,
      %get3A_155 = vector.shape_cast %get3A_154 : vector<1x16xf32> to vector<16xf32>
      %get3A_156 = arith.index_cast %add3A_111 : i32 to index
      %get3A_157 = arith.constant 48 : index
      %get3A_158 = tpu.vector_load %arg7[%get3A_156, %get3A_157] {strides = array<i32>} : memref<400x64xf32, #tpu.memory_space<vmem>>, vector<1x16xf32>,
      %get3A_159 = vector.shape_cast %get3A_158 : vector<1x16xf32> to vector<16xf32>
      %add3A_160 = arith.addf %get3A_155, %get3A_159 : vector<16xf32>
      %swap3A_161 = arith.index_cast %scan3A_110 : i32 to index
      %swap3A_162 = arith.constant 48 : index
      %swap3A_163 = tpu.vector_load %arg12[%swap3A_161, %swap3A_162] {strides = array<i32>} : memref<128x64xf32, #tpu.memory_space<vmem>>, vector<1x16xf32>,
      %swap3A_164 = vector.shape_cast %swap3A_163 : vector<1x16xf32> to vector<16xf32>
      %swap3A_165 = vector.shape_cast %add3A_160 : vector<16xf32> to vector<1x16xf32>
      tpu.vector_store %arg12[%swap3A_161, %swap3A_162], %swap3A_165 {strides = array<i32>} : memref<128x64xf32, #tpu.memory_space<vmem>>, vector<1x16xf32>,
      %scan3A_166 = arith.constant 1 : i32
      %scan3A_167 = arith.addi %scan3A_110, %scan3A_166 : i32
      %add3A_168 = arith.addi %rem3A_37, %scan3A_167 : i32
      %get3A_169 = arith.index_cast %scan3A_167 : i32 to index
      %get3A_170 = arith.constant 0 : index
      %get3A_171 = tpu.vector_load %arg8[%get3A_169, %get3A_170] {strides = array<i32>} : memref<128x64xf32, #tpu.memory_space<vmem>>, vector<1x16xf32>,
      %get3A_172 = vector.shape_cast %get3A_171 : vector<1x16xf32> to vector<16xf32>
      %get3A_173 = arith.index_cast %add3A_168 : i32 to index
      %get3A_174 = arith.constant 0 : index
      %get3A_175 = tpu.vector_load %arg7[%get3A_173, %get3A_174] {strides = array<i32>} : memref<400x64xf32, #tpu.memory_space<vmem>>, vector<1x16xf32>,
      %get3A_176 = vector.shape_cast %get3A_175 : vector<1x16xf32> to vector<16xf32>
      %add3A_177 = arith.addf %get3A_172, %get3A_176 : vector<16xf32>
      %swap3A_178 = arith.index_cast %scan3A_167 : i32 to index
      %swap3A_179 = arith.constant 0 : index
      %swap3A_180 = tpu.vector_load %arg12[%swap3A_178, %swap3A_179] {strides = array<i32>} : memref<128x64xf32, #tpu.memory_space<vmem>>, vector<1x16xf32>,
      %swap3A_181 = vector.shape_cast %swap3A_180 : vector<1x16xf32> to vector<16xf32>
      %swap3A_182 = vector.shape_cast %add3A_177 : vector<16xf32> to vector<1x16xf32>
      tpu.vector_store %arg12[%swap3A_178, %swap3A_179], %swap3A_182 {strides = array<i32>} : memref<128x64xf32, #tpu.memory_space<vmem>>, vector<1x16xf32>,
      %get3A_183 = arith.index_cast %scan3A_167 : i32 to index
      %get3A_184 = arith.constant 16 : index
      %get3A_185 = tpu.vector_load %arg8[%get3A_183, %get3A_184] {strides = array<i32>} : memref<128x64xf32, #tpu.memory_space<vmem>>, vector<1x16xf32>,
      %get3A_186 = vector.shape_cast %get3A_185 : vector<1x16xf32> to vector<16xf32>
      %get3A_187 = arith.index_cast %add3A_168 : i32 to index
      %get3A_188 = arith.constant 16 : index
      %get3A_189 = tpu.vector_load %arg7[%get3A_187, %get3A_188] {strides = array<i32>} : memref<400x64xf32, #tpu.memory_space<vmem>>, vector<1x16xf32>,
      %get3A_190 = vector.shape_cast %get3A_189 : vector<1x16xf32> to vector<16xf32>
      %add3A_191 = arith.addf %get3A_186, %get3A_190 : vector<16xf32>
      %swap3A_192 = arith.index_cast %scan3A_167 : i32 to index
      %swap3A_193 = arith.constant 16 : index
      %swap3A_194 = tpu.vector_load %arg12[%swap3A_192, %swap3A_193] {strides = array<i32>} : memref<128x64xf32, #tpu.memory_space<vmem>>, vector<1x16xf32>,
      %swap3A_195 = vector.shape_cast %swap3A_194 : vector<1x16xf32> to vector<16xf32>
      %swap3A_196 = vector.shape_cast %add3A_191 : vector<16xf32> to vector<1x16xf32>
      tpu.vector_store %arg12[%swap3A_192, %swap3A_193], %swap3A_196 {strides = array<i32>} : memref<128x64xf32, #tpu.memory_space<vmem>>, vector<1x16xf32>,
      %get3A_197 = arith.index_cast %scan3A_167 : i32 to index
      %get3A_198 = arith.constant 32 : index
      %get3A_199 = tpu.vector_load %arg8[%get3A_197, %get3A_198] {strides = array<i32>} : memref<128x64xf32, #tpu.memory_space<vmem>>, vector<1x16xf32>,
      %get3A_200 = vector.shape_cast %get3A_199 : vector<1x16xf32> to vector<16xf32>
      %get3A_201 = arith.index_cast %add3A_168 : i32 to index
      %get3A_202 = arith.constant 32 : index
      %get3A_203 = tpu.vector_load %arg7[%get3A_201, %get3A_202] {strides = array<i32>} : memref<400x64xf32, #tpu.memory_space<vmem>>, vector<1x16xf32>,
      %get3A_204 = vector.shape_cast %get3A_203 : vector<1x16xf32> to vector<16xf32>
      %add3A_205 = arith.addf %get3A_200, %get3A_204 : vector<16xf32>
      %swap3A_206 = arith.index_cast %scan3A_167 : i32 to index
      %swap3A_207 = arith.constant 32 : index
      %swap3A_208 = tpu.vector_load %arg12[%swap3A_206, %swap3A_207] {strides = array<i32>} : memref<128x64xf32, #tpu.memory_space<vmem>>, vector<1x16xf32>,
      %swap3A_209 = vector.shape_cast %swap3A_208 : vector<1x16xf32> to vector<16xf32>
      %swap3A_210 = vector.shape_cast %add3A_205 : vector<16xf32> to vector<1x16xf32>
      tpu.vector_store %arg12[%swap3A_206, %swap3A_207], %swap3A_210 {strides = array<i32>} : memref<128x64xf32, #tpu.memory_space<vmem>>, vector<1x16xf32>,
      %get3A_211 = arith.index_cast %scan3A_167 : i32 to index
      %get3A_212 = arith.constant 48 : index
      %get3A_213 = tpu.vector_load %arg8[%get3A_211, %get3A_212] {strides = array<i32>} : memref<128x64xf32, #tpu.memory_space<vmem>>, vector<1x16xf32>,
      %get3A_214 = vector.shape_cast %get3A_213 : vector<1x16xf32> to vector<16xf32>
      %get3A_215 = arith.index_cast %add3A_168 : i32 to index
      %get3A_216 = arith.constant 48 : index
      %get3A_217 = tpu.vector_load %arg7[%get3A_215, %get3A_216] {strides = array<i32>} : memref<400x64xf32, #tpu.memory_space<vmem>>, vector<1x16xf32>,
      %get3A_218 = vector.shape_cast %get3A_217 : vector<1x16xf32> to vector<16xf32>
      %add3A_219 = arith.addf %get3A_214, %get3A_218 : vector<16xf32>
      %swap3A_220 = arith.index_cast %scan3A_167 : i32 to index
      %swap3A_221 = arith.constant 48 : index
      %swap3A_222 = tpu.vector_load %arg12[%swap3A_220, %swap3A_221] {strides = array<i32>} : memref<128x64xf32, #tpu.memory_space<vmem>>, vector<1x16xf32>,
      %swap3A_223 = vector.shape_cast %swap3A_222 : vector<1x16xf32> to vector<16xf32>
      %swap3A_224 = vector.shape_cast %add3A_219 : vector<16xf32> to vector<1x16xf32>
      tpu.vector_store %arg12[%swap3A_220, %swap3A_221], %swap3A_224 {strides = array<i32>} : memref<128x64xf32, #tpu.memory_space<vmem>>, vector<1x16xf32>,
      %scan3A_225 = arith.constant 2 : i32
      %scan3A_226 = arith.addi %scan3A_110, %scan3A_225 : i32
      %add3A_227 = arith.addi %rem3A_37, %scan3A_226 : i32
      %get3A_228 = arith.index_cast %scan3A_226 : i32 to index
      %get3A_229 = arith.constant 0 : index
      %get3A_230 = tpu.vector_load %arg8[%get3A_228, %get3A_229] {strides = array<i32>} : memref<128x64xf32, #tpu.memory_space<vmem>>, vector<1x16xf32>,
      %get3A_231 = vector.shape_cast %get3A_230 : vector<1x16xf32> to vector<16xf32>
      %get3A_232 = arith.index_cast %add3A_227 : i32 to index
      %get3A_233 = arith.constant 0 : index
      %get3A_234 = tpu.vector_load %arg7[%get3A_232, %get3A_233] {strides = array<i32>} : memref<400x64xf32, #tpu.memory_space<vmem>>, vector<1x16xf32>,
      %get3A_235 = vector.shape_cast %get3A_234 : vector<1x16xf32> to vector<16xf32>
      %add3A_236 = arith.addf %get3A_231, %get3A_235 : vector<16xf32>
      %swap3A_237 = arith.index_cast %scan3A_226 : i32 to index
      %swap3A_238 = arith.constant 0 : index
      %swap3A_239 = tpu.vector_load %arg12[%swap3A_237, %swap3A_238] {strides = array<i32>} : memref<128x64xf32, #tpu.memory_space<vmem>>, vector<1x16xf32>,
      %swap3A_240 = vector.shape_cast %swap3A_239 : vector<1x16xf32> to vector<16xf32>
      %swap3A_241 = vector.shape_cast %add3A_236 : vector<16xf32> to vector<1x16xf32>
      tpu.vector_store %arg12[%swap3A_237, %swap3A_238], %swap3A_241 {strides = array<i32>} : memref<128x64xf32, #tpu.memory_space<vmem>>, vector<1x16xf32>,
      %get3A_242 = arith.index_cast %scan3A_226 : i32 to index
      %get3A_243 = arith.constant 16 : index
      %get3A_244 = tpu.vector_load %arg8[%get3A_242, %get3A_243] {strides = array<i32>} : memref<128x64xf32, #tpu.memory_space<vmem>>, vector<1x16xf32>,
      %get3A_245 = vector.shape_cast %get3A_244 : vector<1x16xf32> to vector<16xf32>
      %get3A_246 = arith.index_cast %add3A_227 : i32 to index
      %get3A_247 = arith.constant 16 : index
      %get3A_248 = tpu.vector_load %arg7[%get3A_246, %get3A_247] {strides = array<i32>} : memref<400x64xf32, #tpu.memory_space<vmem>>, vector<1x16xf32>,
      %get3A_249 = vector.shape_cast %get3A_248 : vector<1x16xf32> to vector<16xf32>
      %add3A_250 = arith.addf %get3A_245, %get3A_249 : vector<16xf32>
      %swap3A_251 = arith.index_cast %scan3A_226 : i32 to index
      %swap3A_252 = arith.constant 16 : index
      %swap3A_253 = tpu.vector_load %arg12[%swap3A_251, %swap3A_252] {strides = array<i32>} : memref<128x64xf32, #tpu.memory_space<vmem>>, vector<1x16xf32>,
      %swap3A_254 = vector.shape_cast %swap3A_253 : vector<1x16xf32> to vector<16xf32>
      %swap3A_255 = vector.shape_cast %add3A_250 : vector<16xf32> to vector<1x16xf32>
      tpu.vector_store %arg12[%swap3A_251, %swap3A_252], %swap3A_255 {strides = array<i32>} : memref<128x64xf32, #tpu.memory_space<vmem>>, vector<1x16xf32>,
      %get3A_256 = arith.index_cast %scan3A_226 : i32 to index
      %get3A_257 = arith.constant 32 : index
      %get3A_258 = tpu.vector_load %arg8[%get3A_256, %get3A_257] {strides = array<i32>} : memref<128x64xf32, #tpu.memory_space<vmem>>, vector<1x16xf32>,
      %get3A_259 = vector.shape_cast %get3A_258 : vector<1x16xf32> to vector<16xf32>
      %get3A_260 = arith.index_cast %add3A_227 : i32 to index
      %get3A_261 = arith.constant 32 : index
      %get3A_262 = tpu.vector_load %arg7[%get3A_260, %get3A_261] {strides = array<i32>} : memref<400x64xf32, #tpu.memory_space<vmem>>, vector<1x16xf32>,
      %get3A_263 = vector.shape_cast %get3A_262 : vector<1x16xf32> to vector<16xf32>
      %add3A_264 = arith.addf %get3A_259, %get3A_263 : vector<16xf32>
      %swap3A_265 = arith.index_cast %scan3A_226 : i32 to index
      %swap3A_266 = arith.constant 32 : index
      %swap3A_267 = tpu.vector_load %arg12[%swap3A_265, %swap3A_266] {strides = array<i32>} : memref<128x64xf32, #tpu.memory_space<vmem>>, vector<1x16xf32>,
      %swap3A_268 = vector.shape_cast %swap3A_267 : vector<1x16xf32> to vector<16xf32>
      %swap3A_269 = vector.shape_cast %add3A_264 : vector<16xf32> to vector<1x16xf32>
      tpu.vector_store %arg12[%swap3A_265, %swap3A_266], %swap3A_269 {strides = array<i32>} : memref<128x64xf32, #tpu.memory_space<vmem>>, vector<1x16xf32>,
      %get3A_270 = arith.index_cast %scan3A_226 : i32 to index
      %get3A_271 = arith.constant 48 : index
      %get3A_272 = tpu.vector_load %arg8[%get3A_270, %get3A_271] {strides = array<i32>} : memref<128x64xf32, #tpu.memory_space<vmem>>, vector<1x16xf32>,
      %get3A_273 = vector.shape_cast %get3A_272 : vector<1x16xf32> to vector<16xf32>
      %get3A_274 = arith.index_cast %add3A_227 : i32 to index
      %get3A_275 = arith.constant 48 : index
      %get3A_276 = tpu.vector_load %arg7[%get3A_274, %get3A_275] {strides = array<i32>} : memref<400x64xf32, #tpu.memory_space<vmem>>, vector<1x16xf32>,
      %get3A_277 = vector.shape_cast %get3A_276 : vector<1x16xf32> to vector<16xf32>
      %add3A_278 = arith.addf %get3A_273, %get3A_277 : vector<16xf32>
      %swap3A_279 = arith.index_cast %scan3A_226 : i32 to index
      %swap3A_280 = arith.constant 48 : index
      %swap3A_281 = tpu.vector_load %arg12[%swap3A_279, %swap3A_280] {strides = array<i32>} : memref<128x64xf32, #tpu.memory_space<vmem>>, vector<1x16xf32>,
      %swap3A_282 = vector.shape_cast %swap3A_281 : vector<1x16xf32> to vector<16xf32>
      %swap3A_283 = vector.shape_cast %add3A_278 : vector<16xf32> to vector<1x16xf32>
      tpu.vector_store %arg12[%swap3A_279, %swap3A_280], %swap3A_283 {strides = array<i32>} : memref<128x64xf32, #tpu.memory_space<vmem>>, vector<1x16xf32>,
      %scan3A_284 = arith.constant 3 : i32
      %scan3A_285 = arith.addi %scan3A_110, %scan3A_284 : i32
      %add3A_286 = arith.addi %rem3A_37, %scan3A_285 : i32
      %get3A_287 = arith.index_cast %scan3A_285 : i32 to index
      %get3A_288 = arith.constant 0 : index
      %get3A_289 = tpu.vector_load %arg8[%get3A_287, %get3A_288] {strides = array<i32>} : memref<128x64xf32, #tpu.memory_space<vmem>>, vector<1x16xf32>,
      %get3A_290 = vector.shape_cast %get3A_289 : vector<1x16xf32> to vector<16xf32>
      %get3A_291 = arith.index_cast %add3A_286 : i32 to index
      %get3A_292 = arith.constant 0 : index
      %get3A_293 = tpu.vector_load %arg7[%get3A_291, %get3A_292] {strides = array<i32>} : memref<400x64xf32, #tpu.memory_space<vmem>>, vector<1x16xf32>,
      %get3A_294 = vector.shape_cast %get3A_293 : vector<1x16xf32> to vector<16xf32>
      %add3A_295 = arith.addf %get3A_290, %get3A_294 : vector<16xf32>
      %swap3A_296 = arith.index_cast %scan3A_285 : i32 to index
      %swap3A_297 = arith.constant 0 : index
      %swap3A_298 = tpu.vector_load %arg12[%swap3A_296, %swap3A_297] {strides = array<i32>} : memref<128x64xf32, #tpu.memory_space<vmem>>, vector<1x16xf32>,
      %swap3A_299 = vector.shape_cast %swap3A_298 : vector<1x16xf32> to vector<16xf32>
      %swap3A_300 = vector.shape_cast %add3A_295 : vector<16xf32> to vector<1x16xf32>
      tpu.vector_store %arg12[%swap3A_296, %swap3A_297], %swap3A_300 {strides = array<i32>} : memref<128x64xf32, #tpu.memory_space<vmem>>, vector<1x16xf32>,
      %get3A_301 = arith.index_cast %scan3A_285 : i32 to index
      %get3A_302 = arith.constant 16 : index
      %get3A_303 = tpu.vector_load %arg8[%get3A_301, %get3A_302] {strides = array<i32>} : memref<128x64xf32, #tpu.memory_space<vmem>>, vector<1x16xf32>,
      %get3A_304 = vector.shape_cast %get3A_303 : vector<1x16xf32> to vector<16xf32>
      %get3A_305 = arith.index_cast %add3A_286 : i32 to index
      %get3A_306 = arith.constant 16 : index
      %get3A_307 = tpu.vector_load %arg7[%get3A_305, %get3A_306] {strides = array<i32>} : memref<400x64xf32, #tpu.memory_space<vmem>>, vector<1x16xf32>,
      %get3A_308 = vector.shape_cast %get3A_307 : vector<1x16xf32> to vector<16xf32>
      %add3A_309 = arith.addf %get3A_304, %get3A_308 : vector<16xf32>
      %swap3A_310 = arith.index_cast %scan3A_285 : i32 to index
      %swap3A_311 = arith.constant 16 : index
      %swap3A_312 = tpu.vector_load %arg12[%swap3A_310, %swap3A_311] {strides = array<i32>} : memref<128x64xf32, #tpu.memory_space<vmem>>, vector<1x16xf32>,
      %swap3A_313 = vector.shape_cast %swap3A_312 : vector<1x16xf32> to vector<16xf32>
      %swap3A_314 = vector.shape_cast %add3A_309 : vector<16xf32> to vector<1x16xf32>
      tpu.vector_store %arg12[%swap3A_310, %swap3A_311], %swap3A_314 {strides = array<i32>} : memref<128x64xf32, #tpu.memory_space<vmem>>, vector<1x16xf32>,
      %get3A_315 = arith.index_cast %scan3A_285 : i32 to index
      %get3A_316 = arith.constant 32 : index
      %get3A_317 = tpu.vector_load %arg8[%get3A_315, %get3A_316] {strides = array<i32>} : memref<128x64xf32, #tpu.memory_space<vmem>>, vector<1x16xf32>,
      %get3A_318 = vector.shape_cast %get3A_317 : vector<1x16xf32> to vector<16xf32>
      %get3A_319 = arith.index_cast %add3A_286 : i32 to index
      %get3A_320 = arith.constant 32 : index
      %get3A_321 = tpu.vector_load %arg7[%get3A_319, %get3A_320] {strides = array<i32>} : memref<400x64xf32, #tpu.memory_space<vmem>>, vector<1x16xf32>,
      %get3A_322 = vector.shape_cast %get3A_321 : vector<1x16xf32> to vector<16xf32>
      %add3A_323 = arith.addf %get3A_318, %get3A_322 : vector<16xf32>
      %swap3A_324 = arith.index_cast %scan3A_285 : i32 to index
      %swap3A_325 = arith.constant 32 : index
      %swap3A_326 = tpu.vector_load %arg12[%swap3A_324, %swap3A_325] {strides = array<i32>} : memref<128x64xf32, #tpu.memory_space<vmem>>, vector<1x16xf32>,
      %swap3A_327 = vector.shape_cast %swap3A_326 : vector<1x16xf32> to vector<16xf32>
      %swap3A_328 = vector.shape_cast %add3A_323 : vector<16xf32> to vector<1x16xf32>
      tpu.vector_store %arg12[%swap3A_324, %swap3A_325], %swap3A_328 {strides = array<i32>} : memref<128x64xf32, #tpu.memory_space<vmem>>, vector<1x16xf32>,
      %get3A_329 = arith.index_cast %scan3A_285 : i32 to index
      %get3A_330 = arith.constant 48 : index
      %get3A_331 = tpu.vector_load %arg8[%get3A_329, %get3A_330] {strides = array<i32>} : memref<128x64xf32, #tpu.memory_space<vmem>>, vector<1x16xf32>,
      %get3A_332 = vector.shape_cast %get3A_331 : vector<1x16xf32> to vector<16xf32>
      %get3A_333 = arith.index_cast %add3A_286 : i32 to index
      %get3A_334 = arith.constant 48 : index
      %get3A_335 = tpu.vector_load %arg7[%get3A_333, %get3A_334] {strides = array<i32>} : memref<400x64xf32, #tpu.memory_space<vmem>>, vector<1x16xf32>,
      %get3A_336 = vector.shape_cast %get3A_335 : vector<1x16xf32> to vector<16xf32>
      %add3A_337 = arith.addf %get3A_332, %get3A_336 : vector<16xf32>
      %swap3A_338 = arith.index_cast %scan3A_285 : i32 to index
      %swap3A_339 = arith.constant 48 : index
      %swap3A_340 = tpu.vector_load %arg12[%swap3A_338, %swap3A_339] {strides = array<i32>} : memref<128x64xf32, #tpu.memory_space<vmem>>, vector<1x16xf32>,
      %swap3A_341 = vector.shape_cast %swap3A_340 : vector<1x16xf32> to vector<16xf32>
      %swap3A_342 = vector.shape_cast %add3A_337 : vector<16xf32> to vector<1x16xf32>
      tpu.vector_store %arg12[%swap3A_338, %swap3A_339], %swap3A_342 {strides = array<i32>} : memref<128x64xf32, #tpu.memory_space<vmem>>, vector<1x16xf32>,
      %scan3A_343 = arith.constant 4 : i32
      %scan3A_344 = arith.addi %scan3A_110, %scan3A_343 : i32
      %add3A_345 = arith.addi %rem3A_37, %scan3A_344 : i32
      %get3A_346 = arith.index_cast %scan3A_344 : i32 to index
      %get3A_347 = arith.constant 0 : index
      %get3A_348 = tpu.vector_load %arg8[%get3A_346, %get3A_347] {strides = array<i32>} : memref<128x64xf32, #tpu.memory_space<vmem>>, vector<1x16xf32>,
      %get3A_349 = vector.shape_cast %get3A_348 : vector<1x16xf32> to vector<16xf32>
      %get3A_350 = arith.index_cast %add3A_345 : i32 to index
      %get3A_351 = arith.constant 0 : index
      %get3A_352 = tpu.vector_load %arg7[%get3A_350, %get3A_351] {strides = array<i32>} : memref<400x64xf32, #tpu.memory_space<vmem>>, vector<1x16xf32>,
      %get3A_353 = vector.shape_cast %get3A_352 : vector<1x16xf32> to vector<16xf32>
      %add3A_354 = arith.addf %get3A_349, %get3A_353 : vector<16xf32>
      %swap3A_355 = arith.index_cast %scan3A_344 : i32 to index
      %swap3A_356 = arith.constant 0 : index
      %swap3A_357 = tpu.vector_load %arg12[%swap3A_355, %swap3A_356] {strides = array<i32>} : memref<128x64xf32, #tpu.memory_space<vmem>>, vector<1x16xf32>,
      %swap3A_358 = vector.shape_cast %swap3A_357 : vector<1x16xf32> to vector<16xf32>
      %swap3A_359 = vector.shape_cast %add3A_354 : vector<16xf32> to vector<1x16xf32>
      tpu.vector_store %arg12[%swap3A_355, %swap3A_356], %swap3A_359 {strides = array<i32>} : memref<128x64xf32, #tpu.memory_space<vmem>>, vector<1x16xf32>,
      %get3A_360 = arith.index_cast %scan3A_344 : i32 to index
      %get3A_361 = arith.constant 16 : index
      %get3A_362 = tpu.vector_load %arg8[%get3A_360, %get3A_361] {strides = array<i32>} : memref<128x64xf32, #tpu.memory_space<vmem>>, vector<1x16xf32>,
      %get3A_363 = vector.shape_cast %get3A_362 : vector<1x16xf32> to vector<16xf32>
      %get3A_364 = arith.index_cast %add3A_345 : i32 to index
      %get3A_365 = arith.constant 16 : index
      %get3A_366 = tpu.vector_load %arg7[%get3A_364, %get3A_365] {strides = array<i32>} : memref<400x64xf32, #tpu.memory_space<vmem>>, vector<1x16xf32>,
      %get3A_367 = vector.shape_cast %get3A_366 : vector<1x16xf32> to vector<16xf32>
      %add3A_368 = arith.addf %get3A_363, %get3A_367 : vector<16xf32>
      %swap3A_369 = arith.index_cast %scan3A_344 : i32 to index
      %swap3A_370 = arith.constant 16 : index
      %swap3A_371 = tpu.vector_load %arg12[%swap3A_369, %swap3A_370] {strides = array<i32>} : memref<128x64xf32, #tpu.memory_space<vmem>>, vector<1x16xf32>,
      %swap3A_372 = vector.shape_cast %swap3A_371 : vector<1x16xf32> to vector<16xf32>
      %swap3A_373 = vector.shape_cast %add3A_368 : vector<16xf32> to vector<1x16xf32>
      tpu.vector_store %arg12[%swap3A_369, %swap3A_370], %swap3A_373 {strides = array<i32>} : memref<128x64xf32, #tpu.memory_space<vmem>>, vector<1x16xf32>,
      %get3A_374 = arith.index_cast %scan3A_344 : i32 to index
      %get3A_375 = arith.constant 32 : index
      %get3A_376 = tpu.vector_load %arg8[%get3A_374, %get3A_375] {strides = array<i32>} : memref<128x64xf32, #tpu.memory_space<vmem>>, vector<1x16xf32>,
      %get3A_377 = vector.shape_cast %get3A_376 : vector<1x16xf32> to vector<16xf32>
      %get3A_378 = arith.index_cast %add3A_345 : i32 to index
      %get3A_379 = arith.constant 32 : index
      %get3A_380 = tpu.vector_load %arg7[%get3A_378, %get3A_379] {strides = array<i32>} : memref<400x64xf32, #tpu.memory_space<vmem>>, vector<1x16xf32>,
      %get3A_381 = vector.shape_cast %get3A_380 : vector<1x16xf32> to vector<16xf32>
      %add3A_382 = arith.addf %get3A_377, %get3A_381 : vector<16xf32>
      %swap3A_383 = arith.index_cast %scan3A_344 : i32 to index
      %swap3A_384 = arith.constant 32 : index
      %swap3A_385 = tpu.vector_load %arg12[%swap3A_383, %swap3A_384] {strides = array<i32>} : memref<128x64xf32, #tpu.memory_space<vmem>>, vector<1x16xf32>,
      %swap3A_386 = vector.shape_cast %swap3A_385 : vector<1x16xf32> to vector<16xf32>
      %swap3A_387 = vector.shape_cast %add3A_382 : vector<16xf32> to vector<1x16xf32>
      tpu.vector_store %arg12[%swap3A_383, %swap3A_384], %swap3A_387 {strides = array<i32>} : memref<128x64xf32, #tpu.memory_space<vmem>>, vector<1x16xf32>,
      %get3A_388 = arith.index_cast %scan3A_344 : i32 to index
      %get3A_389 = arith.constant 48 : index
      %get3A_390 = tpu.vector_load %arg8[%get3A_388, %get3A_389] {strides = array<i32>} : memref<128x64xf32, #tpu.memory_space<vmem>>, vector<1x16xf32>,
      %get3A_391 = vector.shape_cast %get3A_390 : vector<1x16xf32> to vector<16xf32>
      %get3A_392 = arith.index_cast %add3A_345 : i32 to index
      %get3A_393 = arith.constant 48 : index
      %get3A_394 = tpu.vector_load %arg7[%get3A_392, %get3A_393] {strides = array<i32>} : memref<400x64xf32, #tpu.memory_space<vmem>>, vector<1x16xf32>,
      %get3A_395 = vector.shape_cast %get3A_394 : vector<1x16xf32> to vector<16xf32>
      %add3A_396 = arith.addf %get3A_391, %get3A_395 : vector<16xf32>
      %swap3A_397 = arith.index_cast %scan3A_344 : i32 to index
      %swap3A_398 = arith.constant 48 : index
      %swap3A_399 = tpu.vector_load %arg12[%swap3A_397, %swap3A_398] {strides = array<i32>} : memref<128x64xf32, #tpu.memory_space<vmem>>, vector<1x16xf32>,
      %swap3A_400 = vector.shape_cast %swap3A_399 : vector<1x16xf32> to vector<16xf32>
      %swap3A_401 = vector.shape_cast %add3A_396 : vector<16xf32> to vector<1x16xf32>
      tpu.vector_store %arg12[%swap3A_397, %swap3A_398], %swap3A_401 {strides = array<i32>} : memref<128x64xf32, #tpu.memory_space<vmem>>, vector<1x16xf32>,
      %scan3A_402 = arith.constant 5 : i32
      %scan3A_403 = arith.addi %scan3A_110, %scan3A_402 : i32
      %add3A_404 = arith.addi %rem3A_37, %scan3A_403 : i32
      %get3A_405 = arith.index_cast %scan3A_403 : i32 to index
      %get3A_406 = arith.constant 0 : index
      %get3A_407 = tpu.vector_load %arg8[%get3A_405, %get3A_406] {strides = array<i32>} : memref<128x64xf32, #tpu.memory_space<vmem>>, vector<1x16xf32>,
      %get3A_408 = vector.shape_cast %get3A_407 : vector<1x16xf32> to vector<16xf32>
      %get3A_409 = arith.index_cast %add3A_404 : i32 to index
      %get3A_410 = arith.constant 0 : index
      %get3A_411 = tpu.vector_load %arg7[%get3A_409, %get3A_410] {strides = array<i32>} : memref<400x64xf32, #tpu.memory_space<vmem>>, vector<1x16xf32>,
      %get3A_412 = vector.shape_cast %get3A_411 : vector<1x16xf32> to vector<16xf32>
      %add3A_413 = arith.addf %get3A_408, %get3A_412 : vector<16xf32>
      %swap3A_414 = arith.index_cast %scan3A_403 : i32 to index
      %swap3A_415 = arith.constant 0 : index
      %swap3A_416 = tpu.vector_load %arg12[%swap3A_414, %swap3A_415] {strides = array<i32>} : memref<128x64xf32, #tpu.memory_space<vmem>>, vector<1x16xf32>,
      %swap3A_417 = vector.shape_cast %swap3A_416 : vector<1x16xf32> to vector<16xf32>
      %swap3A_418 = vector.shape_cast %add3A_413 : vector<16xf32> to vector<1x16xf32>
      tpu.vector_store %arg12[%swap3A_414, %swap3A_415], %swap3A_418 {strides = array<i32>} : memref<128x64xf32, #tpu.memory_space<vmem>>, vector<1x16xf32>,
      %get3A_419 = arith.index_cast %scan3A_403 : i32 to index
      %get3A_420 = arith.constant 16 : index
      %get3A_421 = tpu.vector_load %arg8[%get3A_419, %get3A_420] {strides = array<i32>} : memref<128x64xf32, #tpu.memory_space<vmem>>, vector<1x16xf32>,
      %get3A_422 = vector.shape_cast %get3A_421 : vector<1x16xf32> to vector<16xf32>
      %get3A_423 = arith.index_cast %add3A_404 : i32 to index
      %get3A_424 = arith.constant 16 : index
      %get3A_425 = tpu.vector_load %arg7[%get3A_423, %get3A_424] {strides = array<i32>} : memref<400x64xf32, #tpu.memory_space<vmem>>, vector<1x16xf32>,
      %get3A_426 = vector.shape_cast %get3A_425 : vector<1x16xf32> to vector<16xf32>
      %add3A_427 = arith.addf %get3A_422, %get3A_426 : vector<16xf32>
      %swap3A_428 = arith.index_cast %scan3A_403 : i32 to index
      %swap3A_429 = arith.constant 16 : index
      %swap3A_430 = tpu.vector_load %arg12[%swap3A_428, %swap3A_429] {strides = array<i32>} : memref<128x64xf32, #tpu.memory_space<vmem>>, vector<1x16xf32>,
      %swap3A_431 = vector.shape_cast %swap3A_430 : vector<1x16xf32> to vector<16xf32>
      %swap3A_432 = vector.shape_cast %add3A_427 : vector<16xf32> to vector<1x16xf32>
      tpu.vector_store %arg12[%swap3A_428, %swap3A_429], %swap3A_432 {strides = array<i32>} : memref<128x64xf32, #tpu.memory_space<vmem>>, vector<1x16xf32>,
      %get3A_433 = arith.index_cast %scan3A_403 : i32 to index
      %get3A_434 = arith.constant 32 : index
      %get3A_435 = tpu.vector_load %arg8[%get3A_433, %get3A_434] {strides = array<i32>} : memref<128x64xf32, #tpu.memory_space<vmem>>, vector<1x16xf32>,
      %get3A_436 = vector.shape_cast %get3A_435 : vector<1x16xf32> to vector<16xf32>
      %get3A_437 = arith.index_cast %add3A_404 : i32 to index
      %get3A_438 = arith.constant 32 : index
      %get3A_439 = tpu.vector_load %arg7[%get3A_437, %get3A_438] {strides = array<i32>} : memref<400x64xf32, #tpu.memory_space<vmem>>, vector<1x16xf32>,
      %get3A_440 = vector.shape_cast %get3A_439 : vector<1x16xf32> to vector<16xf32>
      %add3A_441 = arith.addf %get3A_436, %get3A_440 : vector<16xf32>
      %swap3A_442 = arith.index_cast %scan3A_403 : i32 to index
      %swap3A_443 = arith.constant 32 : index
      %swap3A_444 = tpu.vector_load %arg12[%swap3A_442, %swap3A_443] {strides = array<i32>} : memref<128x64xf32, #tpu.memory_space<vmem>>, vector<1x16xf32>,
      %swap3A_445 = vector.shape_cast %swap3A_444 : vector<1x16xf32> to vector<16xf32>
      %swap3A_446 = vector.shape_cast %add3A_441 : vector<16xf32> to vector<1x16xf32>
      tpu.vector_store %arg12[%swap3A_442, %swap3A_443], %swap3A_446 {strides = array<i32>} : memref<128x64xf32, #tpu.memory_space<vmem>>, vector<1x16xf32>,
      %get3A_447 = arith.index_cast %scan3A_403 : i32 to index
      %get3A_448 = arith.constant 48 : index
      %get3A_449 = tpu.vector_load %arg8[%get3A_447, %get3A_448] {strides = array<i32>} : memref<128x64xf32, #tpu.memory_space<vmem>>, vector<1x16xf32>,
      %get3A_450 = vector.shape_cast %get3A_449 : vector<1x16xf32> to vector<16xf32>
      %get3A_451 = arith.index_cast %add3A_404 : i32 to index
      %get3A_452 = arith.constant 48 : index
      %get3A_453 = tpu.vector_load %arg7[%get3A_451, %get3A_452] {strides = array<i32>} : memref<400x64xf32, #tpu.memory_space<vmem>>, vector<1x16xf32>,
      %get3A_454 = vector.shape_cast %get3A_453 : vector<1x16xf32> to vector<16xf32>
      %add3A_455 = arith.addf %get3A_450, %get3A_454 : vector<16xf32>
      %swap3A_456 = arith.index_cast %scan3A_403 : i32 to index
      %swap3A_457 = arith.constant 48 : index
      %swap3A_458 = tpu.vector_load %arg12[%swap3A_456, %swap3A_457] {strides = array<i32>} : memref<128x64xf32, #tpu.memory_space<vmem>>, vector<1x16xf32>,
      %swap3A_459 = vector.shape_cast %swap3A_458 : vector<1x16xf32> to vector<16xf32>
      %swap3A_460 = vector.shape_cast %add3A_455 : vector<16xf32> to vector<1x16xf32>
      tpu.vector_store %arg12[%swap3A_456, %swap3A_457], %swap3A_460 {strides = array<i32>} : memref<128x64xf32, #tpu.memory_space<vmem>>, vector<1x16xf32>,
      %scan3A_461 = arith.constant 6 : i32
      %scan3A_462 = arith.addi %scan3A_110, %scan3A_461 : i32
      %add3A_463 = arith.addi %rem3A_37, %scan3A_462 : i32
      %get3A_464 = arith.index_cast %scan3A_462 : i32 to index
      %get3A_465 = arith.constant 0 : index
      %get3A_466 = tpu.vector_load %arg8[%get3A_464, %get3A_465] {strides = array<i32>} : memref<128x64xf32, #tpu.memory_space<vmem>>, vector<1x16xf32>,
      %get3A_467 = vector.shape_cast %get3A_466 : vector<1x16xf32> to vector<16xf32>
      %get3A_468 = arith.index_cast %add3A_463 : i32 to index
      %get3A_469 = arith.constant 0 : index
      %get3A_470 = tpu.vector_load %arg7[%get3A_468, %get3A_469] {strides = array<i32>} : memref<400x64xf32, #tpu.memory_space<vmem>>, vector<1x16xf32>,
      %get3A_471 = vector.shape_cast %get3A_470 : vector<1x16xf32> to vector<16xf32>
      %add3A_472 = arith.addf %get3A_467, %get3A_471 : vector<16xf32>
      %swap3A_473 = arith.index_cast %scan3A_462 : i32 to index
      %swap3A_474 = arith.constant 0 : index
      %swap3A_475 = tpu.vector_load %arg12[%swap3A_473, %swap3A_474] {strides = array<i32>} : memref<128x64xf32, #tpu.memory_space<vmem>>, vector<1x16xf32>,
      %swap3A_476 = vector.shape_cast %swap3A_475 : vector<1x16xf32> to vector<16xf32>
      %swap3A_477 = vector.shape_cast %add3A_472 : vector<16xf32> to vector<1x16xf32>
      tpu.vector_store %arg12[%swap3A_473, %swap3A_474], %swap3A_477 {strides = array<i32>} : memref<128x64xf32, #tpu.memory_space<vmem>>, vector<1x16xf32>,
      %get3A_478 = arith.index_cast %scan3A_462 : i32 to index
      %get3A_479 = arith.constant 16 : index
      %get3A_480 = tpu.vector_load %arg8[%get3A_478, %get3A_479] {strides = array<i32>} : memref<128x64xf32, #tpu.memory_space<vmem>>, vector<1x16xf32>,
      %get3A_481 = vector.shape_cast %get3A_480 : vector<1x16xf32> to vector<16xf32>
      %get3A_482 = arith.index_cast %add3A_463 : i32 to index
      %get3A_483 = arith.constant 16 : index
      %get3A_484 = tpu.vector_load %arg7[%get3A_482, %get3A_483] {strides = array<i32>} : memref<400x64xf32, #tpu.memory_space<vmem>>, vector<1x16xf32>,
      %get3A_485 = vector.shape_cast %get3A_484 : vector<1x16xf32> to vector<16xf32>
      %add3A_486 = arith.addf %get3A_481, %get3A_485 : vector<16xf32>
      %swap3A_487 = arith.index_cast %scan3A_462 : i32 to index
      %swap3A_488 = arith.constant 16 : index
      %swap3A_489 = tpu.vector_load %arg12[%swap3A_487, %swap3A_488] {strides = array<i32>} : memref<128x64xf32, #tpu.memory_space<vmem>>, vector<1x16xf32>,
      %swap3A_490 = vector.shape_cast %swap3A_489 : vector<1x16xf32> to vector<16xf32>
      %swap3A_491 = vector.shape_cast %add3A_486 : vector<16xf32> to vector<1x16xf32>
      tpu.vector_store %arg12[%swap3A_487, %swap3A_488], %swap3A_491 {strides = array<i32>} : memref<128x64xf32, #tpu.memory_space<vmem>>, vector<1x16xf32>,
      %get3A_492 = arith.index_cast %scan3A_462 : i32 to index
      %get3A_493 = arith.constant 32 : index
      %get3A_494 = tpu.vector_load %arg8[%get3A_492, %get3A_493] {strides = array<i32>} : memref<128x64xf32, #tpu.memory_space<vmem>>, vector<1x16xf32>,
      %get3A_495 = vector.shape_cast %get3A_494 : vector<1x16xf32> to vector<16xf32>
      %get3A_496 = arith.index_cast %add3A_463 : i32 to index
      %get3A_497 = arith.constant 32 : index
      %get3A_498 = tpu.vector_load %arg7[%get3A_496, %get3A_497] {strides = array<i32>} : memref<400x64xf32, #tpu.memory_space<vmem>>, vector<1x16xf32>,
      %get3A_499 = vector.shape_cast %get3A_498 : vector<1x16xf32> to vector<16xf32>
      %add3A_500 = arith.addf %get3A_495, %get3A_499 : vector<16xf32>
      %swap3A_501 = arith.index_cast %scan3A_462 : i32 to index
      %swap3A_502 = arith.constant 32 : index
      %swap3A_503 = tpu.vector_load %arg12[%swap3A_501, %swap3A_502] {strides = array<i32>} : memref<128x64xf32, #tpu.memory_space<vmem>>, vector<1x16xf32>,
      %swap3A_504 = vector.shape_cast %swap3A_503 : vector<1x16xf32> to vector<16xf32>
      %swap3A_505 = vector.shape_cast %add3A_500 : vector<16xf32> to vector<1x16xf32>
      tpu.vector_store %arg12[%swap3A_501, %swap3A_502], %swap3A_505 {strides = array<i32>} : memref<128x64xf32, #tpu.memory_space<vmem>>, vector<1x16xf32>,
      %get3A_506 = arith.index_cast %scan3A_462 : i32 to index
      %get3A_507 = arith.constant 48 : index
      %get3A_508 = tpu.vector_load %arg8[%get3A_506, %get3A_507] {strides = array<i32>} : memref<128x64xf32, #tpu.memory_space<vmem>>, vector<1x16xf32>,
      %get3A_509 = vector.shape_cast %get3A_508 : vector<1x16xf32> to vector<16xf32>
      %get3A_510 = arith.index_cast %add3A_463 : i32 to index
      %get3A_511 = arith.constant 48 : index
      %get3A_512 = tpu.vector_load %arg7[%get3A_510, %get3A_511] {strides = array<i32>} : memref<400x64xf32, #tpu.memory_space<vmem>>, vector<1x16xf32>,
      %get3A_513 = vector.shape_cast %get3A_512 : vector<1x16xf32> to vector<16xf32>
      %add3A_514 = arith.addf %get3A_509, %get3A_513 : vector<16xf32>
      %swap3A_515 = arith.index_cast %scan3A_462 : i32 to index
      %swap3A_516 = arith.constant 48 : index
      %swap3A_517 = tpu.vector_load %arg12[%swap3A_515, %swap3A_516] {strides = array<i32>} : memref<128x64xf32, #tpu.memory_space<vmem>>, vector<1x16xf32>,
      %swap3A_518 = vector.shape_cast %swap3A_517 : vector<1x16xf32> to vector<16xf32>
      %swap3A_519 = vector.shape_cast %add3A_514 : vector<16xf32> to vector<1x16xf32>
      tpu.vector_store %arg12[%swap3A_515, %swap3A_516], %swap3A_519 {strides = array<i32>} : memref<128x64xf32, #tpu.memory_space<vmem>>, vector<1x16xf32>,
      %scan3A_520 = arith.constant 7 : i32
      %scan3A_521 = arith.addi %scan3A_110, %scan3A_520 : i32
      %add3A_522 = arith.addi %rem3A_37, %scan3A_521 : i32
      %get3A_523 = arith.index_cast %scan3A_521 : i32 to index
      %get3A_524 = arith.constant 0 : index
      %get3A_525 = tpu.vector_load %arg8[%get3A_523, %get3A_524] {strides = array<i32>} : memref<128x64xf32, #tpu.memory_space<vmem>>, vector<1x16xf32>,
      %get3A_526 = vector.shape_cast %get3A_525 : vector<1x16xf32> to vector<16xf32>
      %get3A_527 = arith.index_cast %add3A_522 : i32 to index
      %get3A_528 = arith.constant 0 : index
      %get3A_529 = tpu.vector_load %arg7[%get3A_527, %get3A_528] {strides = array<i32>} : memref<400x64xf32, #tpu.memory_space<vmem>>, vector<1x16xf32>,
      %get3A_530 = vector.shape_cast %get3A_529 : vector<1x16xf32> to vector<16xf32>
      %add3A_531 = arith.addf %get3A_526, %get3A_530 : vector<16xf32>
      %swap3A_532 = arith.index_cast %scan3A_521 : i32 to index
      %swap3A_533 = arith.constant 0 : index
      %swap3A_534 = tpu.vector_load %arg12[%swap3A_532, %swap3A_533] {strides = array<i32>} : memref<128x64xf32, #tpu.memory_space<vmem>>, vector<1x16xf32>,
      %swap3A_535 = vector.shape_cast %swap3A_534 : vector<1x16xf32> to vector<16xf32>
      %swap3A_536 = vector.shape_cast %add3A_531 : vector<16xf32> to vector<1x16xf32>
      tpu.vector_store %arg12[%swap3A_532, %swap3A_533], %swap3A_536 {strides = array<i32>} : memref<128x64xf32, #tpu.memory_space<vmem>>, vector<1x16xf32>,
      %get3A_537 = arith.index_cast %scan3A_521 : i32 to index
      %get3A_538 = arith.constant 16 : index
      %get3A_539 = tpu.vector_load %arg8[%get3A_537, %get3A_538] {strides = array<i32>} : memref<128x64xf32, #tpu.memory_space<vmem>>, vector<1x16xf32>,
      %get3A_540 = vector.shape_cast %get3A_539 : vector<1x16xf32> to vector<16xf32>
      %get3A_541 = arith.index_cast %add3A_522 : i32 to index
      %get3A_542 = arith.constant 16 : index
      %get3A_543 = tpu.vector_load %arg7[%get3A_541, %get3A_542] {strides = array<i32>} : memref<400x64xf32, #tpu.memory_space<vmem>>, vector<1x16xf32>,
      %get3A_544 = vector.shape_cast %get3A_543 : vector<1x16xf32> to vector<16xf32>
      %add3A_545 = arith.addf %get3A_540, %get3A_544 : vector<16xf32>
      %swap3A_546 = arith.index_cast %scan3A_521 : i32 to index
      %swap3A_547 = arith.constant 16 : index
      %swap3A_548 = tpu.vector_load %arg12[%swap3A_546, %swap3A_547] {strides = array<i32>} : memref<128x64xf32, #tpu.memory_space<vmem>>, vector<1x16xf32>,
      %swap3A_549 = vector.shape_cast %swap3A_548 : vector<1x16xf32> to vector<16xf32>
      %swap3A_550 = vector.shape_cast %add3A_545 : vector<16xf32> to vector<1x16xf32>
      tpu.vector_store %arg12[%swap3A_546, %swap3A_547], %swap3A_550 {strides = array<i32>} : memref<128x64xf32, #tpu.memory_space<vmem>>, vector<1x16xf32>,
      %get3A_551 = arith.index_cast %scan3A_521 : i32 to index
      %get3A_552 = arith.constant 32 : index
      %get3A_553 = tpu.vector_load %arg8[%get3A_551, %get3A_552] {strides = array<i32>} : memref<128x64xf32, #tpu.memory_space<vmem>>, vector<1x16xf32>,
      %get3A_554 = vector.shape_cast %get3A_553 : vector<1x16xf32> to vector<16xf32>
      %get3A_555 = arith.index_cast %add3A_522 : i32 to index
      %get3A_556 = arith.constant 32 : index
      %get3A_557 = tpu.vector_load %arg7[%get3A_555, %get3A_556] {strides = array<i32>} : memref<400x64xf32, #tpu.memory_space<vmem>>, vector<1x16xf32>,
      %get3A_558 = vector.shape_cast %get3A_557 : vector<1x16xf32> to vector<16xf32>
      %add3A_559 = arith.addf %get3A_554, %get3A_558 : vector<16xf32>
      %swap3A_560 = arith.index_cast %scan3A_521 : i32 to index
      %swap3A_561 = arith.constant 32 : index
      %swap3A_562 = tpu.vector_load %arg12[%swap3A_560, %swap3A_561] {strides = array<i32>} : memref<128x64xf32, #tpu.memory_space<vmem>>, vector<1x16xf32>,
      %swap3A_563 = vector.shape_cast %swap3A_562 : vector<1x16xf32> to vector<16xf32>
      %swap3A_564 = vector.shape_cast %add3A_559 : vector<16xf32> to vector<1x16xf32>
      tpu.vector_store %arg12[%swap3A_560, %swap3A_561], %swap3A_564 {strides = array<i32>} : memref<128x64xf32, #tpu.memory_space<vmem>>, vector<1x16xf32>,
      %get3A_565 = arith.index_cast %scan3A_521 : i32 to index
      %get3A_566 = arith.constant 48 : index
      %get3A_567 = tpu.vector_load %arg8[%get3A_565, %get3A_566] {strides = array<i32>} : memref<128x64xf32, #tpu.memory_space<vmem>>, vector<1x16xf32>,
      %get3A_568 = vector.shape_cast %get3A_567 : vector<1x16xf32> to vector<16xf32>
      %get3A_569 = arith.index_cast %add3A_522 : i32 to index
      %get3A_570 = arith.constant 48 : index
      %get3A_571 = tpu.vector_load %arg7[%get3A_569, %get3A_570] {strides = array<i32>} : memref<400x64xf32, #tpu.memory_space<vmem>>, vector<1x16xf32>,
      %get3A_572 = vector.shape_cast %get3A_571 : vector<1x16xf32> to vector<16xf32>
      %add3A_573 = arith.addf %get3A_568, %get3A_572 : vector<16xf32>
      %swap3A_574 = arith.index_cast %scan3A_521 : i32 to index
      %swap3A_575 = arith.constant 48 : index
      %swap3A_576 = tpu.vector_load %arg12[%swap3A_574, %swap3A_575] {strides = array<i32>} : memref<128x64xf32, #tpu.memory_space<vmem>>, vector<1x16xf32>,
      %swap3A_577 = vector.shape_cast %swap3A_576 : vector<1x16xf32> to vector<16xf32>
      %swap3A_578 = vector.shape_cast %add3A_573 : vector<16xf32> to vector<1x16xf32>
      tpu.vector_store %arg12[%swap3A_574, %swap3A_575], %swap3A_578 {strides = array<i32>} : memref<128x64xf32, #tpu.memory_space<vmem>>, vector<1x16xf32>,
    }
    %scan3A_42 = arith.constant 128 : i32
    %add3A_43 = arith.constant 48 : i32
    %add3A_44 = arith.constant 4 : i32
    %add3A_45 = arith.addi %add3A_43, %add3A_44 : i32
    %lt3A = arith.constant 50 : i32
    %lt3A_46 = arith.cmpi slt, %add3A_45, %lt3A : i32
    %convert_element_type3A_47 = arith.extui %lt3A_46 : i1 to i32
    %cond3A_48 = arith.constant 48 : i32
    %cond3A_49 = arith.constant 0 : i32
    %cond3A_50 = arith.cmpi ne, %convert_element_type3A_47, %cond3A_49 : i32
    scf.if %cond3A_50 {
      %add3A_110 = arith.constant 4 : i32
      %add3A_111 = arith.addi %cond3A_48, %add3A_110 : i32
      %mul3A_112 = arith.constant 128 : i32
      %mul3A_113 = arith.muli %add3A_111, %mul3A_112 : i32
      %dma_start3A_114 = tpu.memref_slice %arg6[%mul3A_113] : memref<6400xi32, #tpu.memory_space<vmem>> -> memref<128xi32, #tpu.memory_space<vmem>>
      %dma_start3A_115 = arith.constant 0 : i32
      %dma_start3A_116 = arith.constant 0 : i32
      %dma_start3A_117 = tpu.memref_slice %arg4[%dma_start3A_115, %dma_start3A_116] : memref<1000000x64xf32, #tpu.memory_space<hbm>> -> memref<1000000x64xf32, #tpu.memory_space<hbm>>
      tpu.enqueue_indirect_dma source(%dma_start3A_117 : memref<1000000x64xf32, #tpu.memory_space<hbm>>) target(%arg8 : memref<128x64xf32, #tpu.memory_space<vmem>>) offsets(%dma_start3A_114 : memref<128xi32, #tpu.memory_space<vmem>>) semaphore(%arg14 : memref<!tpu.dma_semaphore, #tpu.memory_space<semaphore_mem>>)
    } else {
    }
    %mul3A_51 = arith.constant 48 : i32
    %mul3A_52 = arith.constant 128 : i32
    %mul3A_53 = arith.muli %mul3A_51, %mul3A_52 : i32
    %add3A_54 = arith.addi %mul3A_2, %mul3A_53 : i32
    %dma_start3A_55 = arith.constant 0 : i32
    %dma_start3A_56 = tpu.memref_slice %arg5[%add3A_54, %dma_start3A_55] : memref<204800x64xf32, #tpu.memory_space<hbm>> -> memref<128x64xf32, #tpu.memory_space<hbm>>
    %dma_start3A_57 = arith.constant 0 : i32
    %dma_start3A_58 = tpu.memref_slice %arg5[%add3A_54, %dma_start3A_57] : memref<204800x64xf32, #tpu.memory_space<hbm>> -> memref<128x64xf32, #tpu.memory_space<hbm>>
    tpu.enqueue_dma source(%arg12 : memref<128x64xf32, #tpu.memory_space<vmem>>) target(%dma_start3A_58 : memref<128x64xf32, #tpu.memory_space<hbm>>) target_semaphore(%arg18 : memref<!tpu.dma_semaphore, #tpu.memory_space<semaphore_mem>>)
    %dma_wait3A_59 = arith.constant 0 : i32
    %dma_wait3A_60 = tpu.memref_slice %arg6[%dma_wait3A_59] : memref<6400xi32, #tpu.memory_space<vmem>> -> memref<128xi32, #tpu.memory_space<vmem>>
    %dma_wait3A_61 = arith.constant 0 : i32
    %dma_wait3A_62 = arith.constant 0 : i32
    %dma_wait3A_63 = tpu.memref_slice %arg4[%dma_wait3A_61, %dma_wait3A_62] : memref<1000000x64xf32, #tpu.memory_space<hbm>> -> memref<1000000x64xf32, #tpu.memory_space<hbm>>
    tpu.wait_indirect_dma semaphore(%arg15 : memref<!tpu.dma_semaphore, #tpu.memory_space<semaphore_mem>>) src(%dma_wait3A_63 : memref<1000000x64xf32, #tpu.memory_space<hbm>>) dst(%arg9 : memref<128x64xf32, #tpu.memory_space<vmem>>)
    %ge3A_64 = arith.constant 49 : i32
    %ge3A_65 = arith.constant 2 : i32
    %ge3A_66 = arith.cmpi sge, %ge3A_64, %ge3A_65 : i32
    %convert_element_type3A_67 = arith.extui %ge3A_66 : i1 to i32
    %cond3A_68 = arith.constant 49 : i32
    %cond3A_69 = arith.constant 0 : i32
    %cond3A_70 = arith.cmpi ne, %convert_element_type3A_67, %cond3A_69 : i32
    scf.if %cond3A_70 {
      %mul3A_110 = arith.constant 128 : i32
      %mul3A_111 = arith.muli %cond3A_68, %mul3A_110 : i32
      %add3A_112 = arith.addi %mul3A_2, %mul3A_111 : i32
      %dma_wait3A_113 = arith.constant 0 : i32
      %dma_wait3A_114 = tpu.memref_slice %arg5[%add3A_112, %dma_wait3A_113] : memref<204800x64xf32, #tpu.memory_space<hbm>> -> memref<128x64xf32, #tpu.memory_space<hbm>>
      %dma_wait3A_115 = arith.constant 0 : i32
      %dma_wait3A_116 = tpu.memref_slice %arg5[%add3A_112, %dma_wait3A_115] : memref<204800x64xf32, #tpu.memory_space<hbm>> -> memref<128x64xf32, #tpu.memory_space<hbm>>
      tpu.wait_dma2 semaphore(%arg19 : memref<!tpu.dma_semaphore, #tpu.memory_space<semaphore_mem>>) src(%arg13 : memref<128x64xf32, #tpu.memory_space<vmem>>) dst(%dma_wait3A_116 : memref<128x64xf32, #tpu.memory_space<hbm>>)
    } else {
    }
    %mul3A_71 = arith.constant 49 : i32
    %mul3A_72 = arith.constant 128 : i32
    %mul3A_73 = arith.muli %mul3A_71, %mul3A_72 : i32
    %rem3A_74 = arith.constant 200 : i32
    %rem3A_75 = arith.remsi %mul3A_73, %rem3A_74 : i32
    %scan3A_76 = arith.constant 0 : i32
    %scan3A_77 = arith.constant 128 : i32
    %scan3A_78 = arith.addi %scan3A_76, %scan3A_77 : i32
    %scan3A_79 = arith.constant 8 : i32
    scf.for %scan3A_110 = %scan3A_76 to %scan3A_78 step %scan3A_79  : i32 {
      %add3A_111 = arith.addi %rem3A_75, %scan3A_110 : i32
      %get3A = arith.index_cast %scan3A_110 : i32 to index
      %get3A_112 = arith.constant 0 : index
      %get3A_113 = tpu.vector_load %arg9[%get3A, %get3A_112] {strides = array<i32>} : memref<128x64xf32, #tpu.memory_space<vmem>>, vector<1x16xf32>,
      %get3A_114 = vector.shape_cast %get3A_113 : vector<1x16xf32> to vector<16xf32>
      %get3A_115 = arith.index_cast %add3A_111 : i32 to index
      %get3A_116 = arith.constant 0 : index
      %get3A_117 = tpu.vector_load %arg7[%get3A_115, %get3A_116] {strides = array<i32>} : memref<400x64xf32, #tpu.memory_space<vmem>>, vector<1x16xf32>,
      %get3A_118 = vector.shape_cast %get3A_117 : vector<1x16xf32> to vector<16xf32>
      %add3A_119 = arith.addf %get3A_114, %get3A_118 : vector<16xf32>
      %swap3A = arith.index_cast %scan3A_110 : i32 to index
      %swap3A_120 = arith.constant 0 : index
      %swap3A_121 = tpu.vector_load %arg13[%swap3A, %swap3A_120] {strides = array<i32>} : memref<128x64xf32, #tpu.memory_space<vmem>>, vector<1x16xf32>,
      %swap3A_122 = vector.shape_cast %swap3A_121 : vector<1x16xf32> to vector<16xf32>
      %swap3A_123 = vector.shape_cast %add3A_119 : vector<16xf32> to vector<1x16xf32>
      tpu.vector_store %arg13[%swap3A, %swap3A_120], %swap3A_123 {strides = array<i32>} : memref<128x64xf32, #tpu.memory_space<vmem>>, vector<1x16xf32>,
      %get3A_124 = arith.index_cast %scan3A_110 : i32 to index
      %get3A_125 = arith.constant 16 : index
      %get3A_126 = tpu.vector_load %arg9[%get3A_124, %get3A_125] {strides = array<i32>} : memref<128x64xf32, #tpu.memory_space<vmem>>, vector<1x16xf32>,
      %get3A_127 = vector.shape_cast %get3A_126 : vector<1x16xf32> to vector<16xf32>
      %get3A_128 = arith.index_cast %add3A_111 : i32 to index
      %get3A_129 = arith.constant 16 : index
      %get3A_130 = tpu.vector_load %arg7[%get3A_128, %get3A_129] {strides = array<i32>} : memref<400x64xf32, #tpu.memory_space<vmem>>, vector<1x16xf32>,
      %get3A_131 = vector.shape_cast %get3A_130 : vector<1x16xf32> to vector<16xf32>
      %add3A_132 = arith.addf %get3A_127, %get3A_131 : vector<16xf32>
      %swap3A_133 = arith.index_cast %scan3A_110 : i32 to index
      %swap3A_134 = arith.constant 16 : index
      %swap3A_135 = tpu.vector_load %arg13[%swap3A_133, %swap3A_134] {strides = array<i32>} : memref<128x64xf32, #tpu.memory_space<vmem>>, vector<1x16xf32>,
      %swap3A_136 = vector.shape_cast %swap3A_135 : vector<1x16xf32> to vector<16xf32>
      %swap3A_137 = vector.shape_cast %add3A_132 : vector<16xf32> to vector<1x16xf32>
      tpu.vector_store %arg13[%swap3A_133, %swap3A_134], %swap3A_137 {strides = array<i32>} : memref<128x64xf32, #tpu.memory_space<vmem>>, vector<1x16xf32>,
      %get3A_138 = arith.index_cast %scan3A_110 : i32 to index
      %get3A_139 = arith.constant 32 : index
      %get3A_140 = tpu.vector_load %arg9[%get3A_138, %get3A_139] {strides = array<i32>} : memref<128x64xf32, #tpu.memory_space<vmem>>, vector<1x16xf32>,
      %get3A_141 = vector.shape_cast %get3A_140 : vector<1x16xf32> to vector<16xf32>
      %get3A_142 = arith.index_cast %add3A_111 : i32 to index
      %get3A_143 = arith.constant 32 : index
      %get3A_144 = tpu.vector_load %arg7[%get3A_142, %get3A_143] {strides = array<i32>} : memref<400x64xf32, #tpu.memory_space<vmem>>, vector<1x16xf32>,
      %get3A_145 = vector.shape_cast %get3A_144 : vector<1x16xf32> to vector<16xf32>
      %add3A_146 = arith.addf %get3A_141, %get3A_145 : vector<16xf32>
      %swap3A_147 = arith.index_cast %scan3A_110 : i32 to index
      %swap3A_148 = arith.constant 32 : index
      %swap3A_149 = tpu.vector_load %arg13[%swap3A_147, %swap3A_148] {strides = array<i32>} : memref<128x64xf32, #tpu.memory_space<vmem>>, vector<1x16xf32>,
      %swap3A_150 = vector.shape_cast %swap3A_149 : vector<1x16xf32> to vector<16xf32>
      %swap3A_151 = vector.shape_cast %add3A_146 : vector<16xf32> to vector<1x16xf32>
      tpu.vector_store %arg13[%swap3A_147, %swap3A_148], %swap3A_151 {strides = array<i32>} : memref<128x64xf32, #tpu.memory_space<vmem>>, vector<1x16xf32>,
      %get3A_152 = arith.index_cast %scan3A_110 : i32 to index
      %get3A_153 = arith.constant 48 : index
      %get3A_154 = tpu.vector_load %arg9[%get3A_152, %get3A_153] {strides = array<i32>} : memref<128x64xf32, #tpu.memory_space<vmem>>, vector<1x16xf32>,
      %get3A_155 = vector.shape_cast %get3A_154 : vector<1x16xf32> to vector<16xf32>
      %get3A_156 = arith.index_cast %add3A_111 : i32 to index
      %get3A_157 = arith.constant 48 : index
      %get3A_158 = tpu.vector_load %arg7[%get3A_156, %get3A_157] {strides = array<i32>} : memref<400x64xf32, #tpu.memory_space<vmem>>, vector<1x16xf32>,
      %get3A_159 = vector.shape_cast %get3A_158 : vector<1x16xf32> to vector<16xf32>
      %add3A_160 = arith.addf %get3A_155, %get3A_159 : vector<16xf32>
      %swap3A_161 = arith.index_cast %scan3A_110 : i32 to index
      %swap3A_162 = arith.constant 48 : index
      %swap3A_163 = tpu.vector_load %arg13[%swap3A_161, %swap3A_162] {strides = array<i32>} : memref<128x64xf32, #tpu.memory_space<vmem>>, vector<1x16xf32>,
      %swap3A_164 = vector.shape_cast %swap3A_163 : vector<1x16xf32> to vector<16xf32>
      %swap3A_165 = vector.shape_cast %add3A_160 : vector<16xf32> to vector<1x16xf32>
      tpu.vector_store %arg13[%swap3A_161, %swap3A_162], %swap3A_165 {strides = array<i32>} : memref<128x64xf32, #tpu.memory_space<vmem>>, vector<1x16xf32>,
      %scan3A_166 = arith.constant 1 : i32
      %scan3A_167 = arith.addi %scan3A_110, %scan3A_166 : i32
      %add3A_168 = arith.addi %rem3A_75, %scan3A_167 : i32
      %get3A_169 = arith.index_cast %scan3A_167 : i32 to index
      %get3A_170 = arith.constant 0 : index
      %get3A_171 = tpu.vector_load %arg9[%get3A_169, %get3A_170] {strides = array<i32>} : memref<128x64xf32, #tpu.memory_space<vmem>>, vector<1x16xf32>,
      %get3A_172 = vector.shape_cast %get3A_171 : vector<1x16xf32> to vector<16xf32>
      %get3A_173 = arith.index_cast %add3A_168 : i32 to index
      %get3A_174 = arith.constant 0 : index
      %get3A_175 = tpu.vector_load %arg7[%get3A_173, %get3A_174] {strides = array<i32>} : memref<400x64xf32, #tpu.memory_space<vmem>>, vector<1x16xf32>,
      %get3A_176 = vector.shape_cast %get3A_175 : vector<1x16xf32> to vector<16xf32>
      %add3A_177 = arith.addf %get3A_172, %get3A_176 : vector<16xf32>
      %swap3A_178 = arith.index_cast %scan3A_167 : i32 to index
      %swap3A_179 = arith.constant 0 : index
      %swap3A_180 = tpu.vector_load %arg13[%swap3A_178, %swap3A_179] {strides = array<i32>} : memref<128x64xf32, #tpu.memory_space<vmem>>, vector<1x16xf32>,
      %swap3A_181 = vector.shape_cast %swap3A_180 : vector<1x16xf32> to vector<16xf32>
      %swap3A_182 = vector.shape_cast %add3A_177 : vector<16xf32> to vector<1x16xf32>
      tpu.vector_store %arg13[%swap3A_178, %swap3A_179], %swap3A_182 {strides = array<i32>} : memref<128x64xf32, #tpu.memory_space<vmem>>, vector<1x16xf32>,
      %get3A_183 = arith.index_cast %scan3A_167 : i32 to index
      %get3A_184 = arith.constant 16 : index
      %get3A_185 = tpu.vector_load %arg9[%get3A_183, %get3A_184] {strides = array<i32>} : memref<128x64xf32, #tpu.memory_space<vmem>>, vector<1x16xf32>,
      %get3A_186 = vector.shape_cast %get3A_185 : vector<1x16xf32> to vector<16xf32>
      %get3A_187 = arith.index_cast %add3A_168 : i32 to index
      %get3A_188 = arith.constant 16 : index
      %get3A_189 = tpu.vector_load %arg7[%get3A_187, %get3A_188] {strides = array<i32>} : memref<400x64xf32, #tpu.memory_space<vmem>>, vector<1x16xf32>,
      %get3A_190 = vector.shape_cast %get3A_189 : vector<1x16xf32> to vector<16xf32>
      %add3A_191 = arith.addf %get3A_186, %get3A_190 : vector<16xf32>
      %swap3A_192 = arith.index_cast %scan3A_167 : i32 to index
      %swap3A_193 = arith.constant 16 : index
      %swap3A_194 = tpu.vector_load %arg13[%swap3A_192, %swap3A_193] {strides = array<i32>} : memref<128x64xf32, #tpu.memory_space<vmem>>, vector<1x16xf32>,
      %swap3A_195 = vector.shape_cast %swap3A_194 : vector<1x16xf32> to vector<16xf32>
      %swap3A_196 = vector.shape_cast %add3A_191 : vector<16xf32> to vector<1x16xf32>
      tpu.vector_store %arg13[%swap3A_192, %swap3A_193], %swap3A_196 {strides = array<i32>} : memref<128x64xf32, #tpu.memory_space<vmem>>, vector<1x16xf32>,
      %get3A_197 = arith.index_cast %scan3A_167 : i32 to index
      %get3A_198 = arith.constant 32 : index
      %get3A_199 = tpu.vector_load %arg9[%get3A_197, %get3A_198] {strides = array<i32>} : memref<128x64xf32, #tpu.memory_space<vmem>>, vector<1x16xf32>,
      %get3A_200 = vector.shape_cast %get3A_199 : vector<1x16xf32> to vector<16xf32>
      %get3A_201 = arith.index_cast %add3A_168 : i32 to index
      %get3A_202 = arith.constant 32 : index
      %get3A_203 = tpu.vector_load %arg7[%get3A_201, %get3A_202] {strides = array<i32>} : memref<400x64xf32, #tpu.memory_space<vmem>>, vector<1x16xf32>,
      %get3A_204 = vector.shape_cast %get3A_203 : vector<1x16xf32> to vector<16xf32>
      %add3A_205 = arith.addf %get3A_200, %get3A_204 : vector<16xf32>
      %swap3A_206 = arith.index_cast %scan3A_167 : i32 to index
      %swap3A_207 = arith.constant 32 : index
      %swap3A_208 = tpu.vector_load %arg13[%swap3A_206, %swap3A_207] {strides = array<i32>} : memref<128x64xf32, #tpu.memory_space<vmem>>, vector<1x16xf32>,
      %swap3A_209 = vector.shape_cast %swap3A_208 : vector<1x16xf32> to vector<16xf32>
      %swap3A_210 = vector.shape_cast %add3A_205 : vector<16xf32> to vector<1x16xf32>
      tpu.vector_store %arg13[%swap3A_206, %swap3A_207], %swap3A_210 {strides = array<i32>} : memref<128x64xf32, #tpu.memory_space<vmem>>, vector<1x16xf32>,
      %get3A_211 = arith.index_cast %scan3A_167 : i32 to index
      %get3A_212 = arith.constant 48 : index
      %get3A_213 = tpu.vector_load %arg9[%get3A_211, %get3A_212] {strides = array<i32>} : memref<128x64xf32, #tpu.memory_space<vmem>>, vector<1x16xf32>,
      %get3A_214 = vector.shape_cast %get3A_213 : vector<1x16xf32> to vector<16xf32>
      %get3A_215 = arith.index_cast %add3A_168 : i32 to index
      %get3A_216 = arith.constant 48 : index
      %get3A_217 = tpu.vector_load %arg7[%get3A_215, %get3A_216] {strides = array<i32>} : memref<400x64xf32, #tpu.memory_space<vmem>>, vector<1x16xf32>,
      %get3A_218 = vector.shape_cast %get3A_217 : vector<1x16xf32> to vector<16xf32>
      %add3A_219 = arith.addf %get3A_214, %get3A_218 : vector<16xf32>
      %swap3A_220 = arith.index_cast %scan3A_167 : i32 to index
      %swap3A_221 = arith.constant 48 : index
      %swap3A_222 = tpu.vector_load %arg13[%swap3A_220, %swap3A_221] {strides = array<i32>} : memref<128x64xf32, #tpu.memory_space<vmem>>, vector<1x16xf32>,
      %swap3A_223 = vector.shape_cast %swap3A_222 : vector<1x16xf32> to vector<16xf32>
      %swap3A_224 = vector.shape_cast %add3A_219 : vector<16xf32> to vector<1x16xf32>
      tpu.vector_store %arg13[%swap3A_220, %swap3A_221], %swap3A_224 {strides = array<i32>} : memref<128x64xf32, #tpu.memory_space<vmem>>, vector<1x16xf32>,
      %scan3A_225 = arith.constant 2 : i32
      %scan3A_226 = arith.addi %scan3A_110, %scan3A_225 : i32
      %add3A_227 = arith.addi %rem3A_75, %scan3A_226 : i32
      %get3A_228 = arith.index_cast %scan3A_226 : i32 to index
      %get3A_229 = arith.constant 0 : index
      %get3A_230 = tpu.vector_load %arg9[%get3A_228, %get3A_229] {strides = array<i32>} : memref<128x64xf32, #tpu.memory_space<vmem>>, vector<1x16xf32>,
      %get3A_231 = vector.shape_cast %get3A_230 : vector<1x16xf32> to vector<16xf32>
      %get3A_232 = arith.index_cast %add3A_227 : i32 to index
      %get3A_233 = arith.constant 0 : index
      %get3A_234 = tpu.vector_load %arg7[%get3A_232, %get3A_233] {strides = array<i32>} : memref<400x64xf32, #tpu.memory_space<vmem>>, vector<1x16xf32>,
      %get3A_235 = vector.shape_cast %get3A_234 : vector<1x16xf32> to vector<16xf32>
      %add3A_236 = arith.addf %get3A_231, %get3A_235 : vector<16xf32>
      %swap3A_237 = arith.index_cast %scan3A_226 : i32 to index
      %swap3A_238 = arith.constant 0 : index
      %swap3A_239 = tpu.vector_load %arg13[%swap3A_237, %swap3A_238] {strides = array<i32>} : memref<128x64xf32, #tpu.memory_space<vmem>>, vector<1x16xf32>,
      %swap3A_240 = vector.shape_cast %swap3A_239 : vector<1x16xf32> to vector<16xf32>
      %swap3A_241 = vector.shape_cast %add3A_236 : vector<16xf32> to vector<1x16xf32>
      tpu.vector_store %arg13[%swap3A_237, %swap3A_238], %swap3A_241 {strides = array<i32>} : memref<128x64xf32, #tpu.memory_space<vmem>>, vector<1x16xf32>,
      %get3A_242 = arith.index_cast %scan3A_226 : i32 to index
      %get3A_243 = arith.constant 16 : index
      %get3A_244 = tpu.vector_load %arg9[%get3A_242, %get3A_243] {strides = array<i32>} : memref<128x64xf32, #tpu.memory_space<vmem>>, vector<1x16xf32>,
      %get3A_245 = vector.shape_cast %get3A_244 : vector<1x16xf32> to vector<16xf32>
      %get3A_246 = arith.index_cast %add3A_227 : i32 to index
      %get3A_247 = arith.constant 16 : index
      %get3A_248 = tpu.vector_load %arg7[%get3A_246, %get3A_247] {strides = array<i32>} : memref<400x64xf32, #tpu.memory_space<vmem>>, vector<1x16xf32>,
      %get3A_249 = vector.shape_cast %get3A_248 : vector<1x16xf32> to vector<16xf32>
      %add3A_250 = arith.addf %get3A_245, %get3A_249 : vector<16xf32>
      %swap3A_251 = arith.index_cast %scan3A_226 : i32 to index
      %swap3A_252 = arith.constant 16 : index
      %swap3A_253 = tpu.vector_load %arg13[%swap3A_251, %swap3A_252] {strides = array<i32>} : memref<128x64xf32, #tpu.memory_space<vmem>>, vector<1x16xf32>,
      %swap3A_254 = vector.shape_cast %swap3A_253 : vector<1x16xf32> to vector<16xf32>
      %swap3A_255 = vector.shape_cast %add3A_250 : vector<16xf32> to vector<1x16xf32>
      tpu.vector_store %arg13[%swap3A_251, %swap3A_252], %swap3A_255 {strides = array<i32>} : memref<128x64xf32, #tpu.memory_space<vmem>>, vector<1x16xf32>,
      %get3A_256 = arith.index_cast %scan3A_226 : i32 to index
      %get3A_257 = arith.constant 32 : index
      %get3A_258 = tpu.vector_load %arg9[%get3A_256, %get3A_257] {strides = array<i32>} : memref<128x64xf32, #tpu.memory_space<vmem>>, vector<1x16xf32>,
      %get3A_259 = vector.shape_cast %get3A_258 : vector<1x16xf32> to vector<16xf32>
      %get3A_260 = arith.index_cast %add3A_227 : i32 to index
      %get3A_261 = arith.constant 32 : index
      %get3A_262 = tpu.vector_load %arg7[%get3A_260, %get3A_261] {strides = array<i32>} : memref<400x64xf32, #tpu.memory_space<vmem>>, vector<1x16xf32>,
      %get3A_263 = vector.shape_cast %get3A_262 : vector<1x16xf32> to vector<16xf32>
      %add3A_264 = arith.addf %get3A_259, %get3A_263 : vector<16xf32>
      %swap3A_265 = arith.index_cast %scan3A_226 : i32 to index
      %swap3A_266 = arith.constant 32 : index
      %swap3A_267 = tpu.vector_load %arg13[%swap3A_265, %swap3A_266] {strides = array<i32>} : memref<128x64xf32, #tpu.memory_space<vmem>>, vector<1x16xf32>,
      %swap3A_268 = vector.shape_cast %swap3A_267 : vector<1x16xf32> to vector<16xf32>
      %swap3A_269 = vector.shape_cast %add3A_264 : vector<16xf32> to vector<1x16xf32>
      tpu.vector_store %arg13[%swap3A_265, %swap3A_266], %swap3A_269 {strides = array<i32>} : memref<128x64xf32, #tpu.memory_space<vmem>>, vector<1x16xf32>,
      %get3A_270 = arith.index_cast %scan3A_226 : i32 to index
      %get3A_271 = arith.constant 48 : index
      %get3A_272 = tpu.vector_load %arg9[%get3A_270, %get3A_271] {strides = array<i32>} : memref<128x64xf32, #tpu.memory_space<vmem>>, vector<1x16xf32>,
      %get3A_273 = vector.shape_cast %get3A_272 : vector<1x16xf32> to vector<16xf32>
      %get3A_274 = arith.index_cast %add3A_227 : i32 to index
      %get3A_275 = arith.constant 48 : index
      %get3A_276 = tpu.vector_load %arg7[%get3A_274, %get3A_275] {strides = array<i32>} : memref<400x64xf32, #tpu.memory_space<vmem>>, vector<1x16xf32>,
      %get3A_277 = vector.shape_cast %get3A_276 : vector<1x16xf32> to vector<16xf32>
      %add3A_278 = arith.addf %get3A_273, %get3A_277 : vector<16xf32>
      %swap3A_279 = arith.index_cast %scan3A_226 : i32 to index
      %swap3A_280 = arith.constant 48 : index
      %swap3A_281 = tpu.vector_load %arg13[%swap3A_279, %swap3A_280] {strides = array<i32>} : memref<128x64xf32, #tpu.memory_space<vmem>>, vector<1x16xf32>,
      %swap3A_282 = vector.shape_cast %swap3A_281 : vector<1x16xf32> to vector<16xf32>
      %swap3A_283 = vector.shape_cast %add3A_278 : vector<16xf32> to vector<1x16xf32>
      tpu.vector_store %arg13[%swap3A_279, %swap3A_280], %swap3A_283 {strides = array<i32>} : memref<128x64xf32, #tpu.memory_space<vmem>>, vector<1x16xf32>,
      %scan3A_284 = arith.constant 3 : i32
      %scan3A_285 = arith.addi %scan3A_110, %scan3A_284 : i32
      %add3A_286 = arith.addi %rem3A_75, %scan3A_285 : i32
      %get3A_287 = arith.index_cast %scan3A_285 : i32 to index
      %get3A_288 = arith.constant 0 : index
      %get3A_289 = tpu.vector_load %arg9[%get3A_287, %get3A_288] {strides = array<i32>} : memref<128x64xf32, #tpu.memory_space<vmem>>, vector<1x16xf32>,
      %get3A_290 = vector.shape_cast %get3A_289 : vector<1x16xf32> to vector<16xf32>
      %get3A_291 = arith.index_cast %add3A_286 : i32 to index
      %get3A_292 = arith.constant 0 : index
      %get3A_293 = tpu.vector_load %arg7[%get3A_291, %get3A_292] {strides = array<i32>} : memref<400x64xf32, #tpu.memory_space<vmem>>, vector<1x16xf32>,
      %get3A_294 = vector.shape_cast %get3A_293 : vector<1x16xf32> to vector<16xf32>
      %add3A_295 = arith.addf %get3A_290, %get3A_294 : vector<16xf32>
      %swap3A_296 = arith.index_cast %scan3A_285 : i32 to index
      %swap3A_297 = arith.constant 0 : index
      %swap3A_298 = tpu.vector_load %arg13[%swap3A_296, %swap3A_297] {strides = array<i32>} : memref<128x64xf32, #tpu.memory_space<vmem>>, vector<1x16xf32>,
      %swap3A_299 = vector.shape_cast %swap3A_298 : vector<1x16xf32> to vector<16xf32>
      %swap3A_300 = vector.shape_cast %add3A_295 : vector<16xf32> to vector<1x16xf32>
      tpu.vector_store %arg13[%swap3A_296, %swap3A_297], %swap3A_300 {strides = array<i32>} : memref<128x64xf32, #tpu.memory_space<vmem>>, vector<1x16xf32>,
      %get3A_301 = arith.index_cast %scan3A_285 : i32 to index
      %get3A_302 = arith.constant 16 : index
      %get3A_303 = tpu.vector_load %arg9[%get3A_301, %get3A_302] {strides = array<i32>} : memref<128x64xf32, #tpu.memory_space<vmem>>, vector<1x16xf32>,
      %get3A_304 = vector.shape_cast %get3A_303 : vector<1x16xf32> to vector<16xf32>
      %get3A_305 = arith.index_cast %add3A_286 : i32 to index
      %get3A_306 = arith.constant 16 : index
      %get3A_307 = tpu.vector_load %arg7[%get3A_305, %get3A_306] {strides = array<i32>} : memref<400x64xf32, #tpu.memory_space<vmem>>, vector<1x16xf32>,
      %get3A_308 = vector.shape_cast %get3A_307 : vector<1x16xf32> to vector<16xf32>
      %add3A_309 = arith.addf %get3A_304, %get3A_308 : vector<16xf32>
      %swap3A_310 = arith.index_cast %scan3A_285 : i32 to index
      %swap3A_311 = arith.constant 16 : index
      %swap3A_312 = tpu.vector_load %arg13[%swap3A_310, %swap3A_311] {strides = array<i32>} : memref<128x64xf32, #tpu.memory_space<vmem>>, vector<1x16xf32>,
      %swap3A_313 = vector.shape_cast %swap3A_312 : vector<1x16xf32> to vector<16xf32>
      %swap3A_314 = vector.shape_cast %add3A_309 : vector<16xf32> to vector<1x16xf32>
      tpu.vector_store %arg13[%swap3A_310, %swap3A_311], %swap3A_314 {strides = array<i32>} : memref<128x64xf32, #tpu.memory_space<vmem>>, vector<1x16xf32>,
      %get3A_315 = arith.index_cast %scan3A_285 : i32 to index
      %get3A_316 = arith.constant 32 : index
      %get3A_317 = tpu.vector_load %arg9[%get3A_315, %get3A_316] {strides = array<i32>} : memref<128x64xf32, #tpu.memory_space<vmem>>, vector<1x16xf32>,
      %get3A_318 = vector.shape_cast %get3A_317 : vector<1x16xf32> to vector<16xf32>
      %get3A_319 = arith.index_cast %add3A_286 : i32 to index
      %get3A_320 = arith.constant 32 : index
      %get3A_321 = tpu.vector_load %arg7[%get3A_319, %get3A_320] {strides = array<i32>} : memref<400x64xf32, #tpu.memory_space<vmem>>, vector<1x16xf32>,
      %get3A_322 = vector.shape_cast %get3A_321 : vector<1x16xf32> to vector<16xf32>
      %add3A_323 = arith.addf %get3A_318, %get3A_322 : vector<16xf32>
      %swap3A_324 = arith.index_cast %scan3A_285 : i32 to index
      %swap3A_325 = arith.constant 32 : index
      %swap3A_326 = tpu.vector_load %arg13[%swap3A_324, %swap3A_325] {strides = array<i32>} : memref<128x64xf32, #tpu.memory_space<vmem>>, vector<1x16xf32>,
      %swap3A_327 = vector.shape_cast %swap3A_326 : vector<1x16xf32> to vector<16xf32>
      %swap3A_328 = vector.shape_cast %add3A_323 : vector<16xf32> to vector<1x16xf32>
      tpu.vector_store %arg13[%swap3A_324, %swap3A_325], %swap3A_328 {strides = array<i32>} : memref<128x64xf32, #tpu.memory_space<vmem>>, vector<1x16xf32>,
      %get3A_329 = arith.index_cast %scan3A_285 : i32 to index
      %get3A_330 = arith.constant 48 : index
      %get3A_331 = tpu.vector_load %arg9[%get3A_329, %get3A_330] {strides = array<i32>} : memref<128x64xf32, #tpu.memory_space<vmem>>, vector<1x16xf32>,
      %get3A_332 = vector.shape_cast %get3A_331 : vector<1x16xf32> to vector<16xf32>
      %get3A_333 = arith.index_cast %add3A_286 : i32 to index
      %get3A_334 = arith.constant 48 : index
      %get3A_335 = tpu.vector_load %arg7[%get3A_333, %get3A_334] {strides = array<i32>} : memref<400x64xf32, #tpu.memory_space<vmem>>, vector<1x16xf32>,
      %get3A_336 = vector.shape_cast %get3A_335 : vector<1x16xf32> to vector<16xf32>
      %add3A_337 = arith.addf %get3A_332, %get3A_336 : vector<16xf32>
      %swap3A_338 = arith.index_cast %scan3A_285 : i32 to index
      %swap3A_339 = arith.constant 48 : index
      %swap3A_340 = tpu.vector_load %arg13[%swap3A_338, %swap3A_339] {strides = array<i32>} : memref<128x64xf32, #tpu.memory_space<vmem>>, vector<1x16xf32>,
      %swap3A_341 = vector.shape_cast %swap3A_340 : vector<1x16xf32> to vector<16xf32>
      %swap3A_342 = vector.shape_cast %add3A_337 : vector<16xf32> to vector<1x16xf32>
      tpu.vector_store %arg13[%swap3A_338, %swap3A_339], %swap3A_342 {strides = array<i32>} : memref<128x64xf32, #tpu.memory_space<vmem>>, vector<1x16xf32>,
      %scan3A_343 = arith.constant 4 : i32
      %scan3A_344 = arith.addi %scan3A_110, %scan3A_343 : i32
      %add3A_345 = arith.addi %rem3A_75, %scan3A_344 : i32
      %get3A_346 = arith.index_cast %scan3A_344 : i32 to index
      %get3A_347 = arith.constant 0 : index
      %get3A_348 = tpu.vector_load %arg9[%get3A_346, %get3A_347] {strides = array<i32>} : memref<128x64xf32, #tpu.memory_space<vmem>>, vector<1x16xf32>,
      %get3A_349 = vector.shape_cast %get3A_348 : vector<1x16xf32> to vector<16xf32>
      %get3A_350 = arith.index_cast %add3A_345 : i32 to index
      %get3A_351 = arith.constant 0 : index
      %get3A_352 = tpu.vector_load %arg7[%get3A_350, %get3A_351] {strides = array<i32>} : memref<400x64xf32, #tpu.memory_space<vmem>>, vector<1x16xf32>,
      %get3A_353 = vector.shape_cast %get3A_352 : vector<1x16xf32> to vector<16xf32>
      %add3A_354 = arith.addf %get3A_349, %get3A_353 : vector<16xf32>
      %swap3A_355 = arith.index_cast %scan3A_344 : i32 to index
      %swap3A_356 = arith.constant 0 : index
      %swap3A_357 = tpu.vector_load %arg13[%swap3A_355, %swap3A_356] {strides = array<i32>} : memref<128x64xf32, #tpu.memory_space<vmem>>, vector<1x16xf32>,
      %swap3A_358 = vector.shape_cast %swap3A_357 : vector<1x16xf32> to vector<16xf32>
      %swap3A_359 = vector.shape_cast %add3A_354 : vector<16xf32> to vector<1x16xf32>
      tpu.vector_store %arg13[%swap3A_355, %swap3A_356], %swap3A_359 {strides = array<i32>} : memref<128x64xf32, #tpu.memory_space<vmem>>, vector<1x16xf32>,
      %get3A_360 = arith.index_cast %scan3A_344 : i32 to index
      %get3A_361 = arith.constant 16 : index
      %get3A_362 = tpu.vector_load %arg9[%get3A_360, %get3A_361] {strides = array<i32>} : memref<128x64xf32, #tpu.memory_space<vmem>>, vector<1x16xf32>,
      %get3A_363 = vector.shape_cast %get3A_362 : vector<1x16xf32> to vector<16xf32>
      %get3A_364 = arith.index_cast %add3A_345 : i32 to index
      %get3A_365 = arith.constant 16 : index
      %get3A_366 = tpu.vector_load %arg7[%get3A_364, %get3A_365] {strides = array<i32>} : memref<400x64xf32, #tpu.memory_space<vmem>>, vector<1x16xf32>,
      %get3A_367 = vector.shape_cast %get3A_366 : vector<1x16xf32> to vector<16xf32>
      %add3A_368 = arith.addf %get3A_363, %get3A_367 : vector<16xf32>
      %swap3A_369 = arith.index_cast %scan3A_344 : i32 to index
      %swap3A_370 = arith.constant 16 : index
      %swap3A_371 = tpu.vector_load %arg13[%swap3A_369, %swap3A_370] {strides = array<i32>} : memref<128x64xf32, #tpu.memory_space<vmem>>, vector<1x16xf32>,
      %swap3A_372 = vector.shape_cast %swap3A_371 : vector<1x16xf32> to vector<16xf32>
      %swap3A_373 = vector.shape_cast %add3A_368 : vector<16xf32> to vector<1x16xf32>
      tpu.vector_store %arg13[%swap3A_369, %swap3A_370], %swap3A_373 {strides = array<i32>} : memref<128x64xf32, #tpu.memory_space<vmem>>, vector<1x16xf32>,
      %get3A_374 = arith.index_cast %scan3A_344 : i32 to index
      %get3A_375 = arith.constant 32 : index
      %get3A_376 = tpu.vector_load %arg9[%get3A_374, %get3A_375] {strides = array<i32>} : memref<128x64xf32, #tpu.memory_space<vmem>>, vector<1x16xf32>,
      %get3A_377 = vector.shape_cast %get3A_376 : vector<1x16xf32> to vector<16xf32>
      %get3A_378 = arith.index_cast %add3A_345 : i32 to index
      %get3A_379 = arith.constant 32 : index
      %get3A_380 = tpu.vector_load %arg7[%get3A_378, %get3A_379] {strides = array<i32>} : memref<400x64xf32, #tpu.memory_space<vmem>>, vector<1x16xf32>,
      %get3A_381 = vector.shape_cast %get3A_380 : vector<1x16xf32> to vector<16xf32>
      %add3A_382 = arith.addf %get3A_377, %get3A_381 : vector<16xf32>
      %swap3A_383 = arith.index_cast %scan3A_344 : i32 to index
      %swap3A_384 = arith.constant 32 : index
      %swap3A_385 = tpu.vector_load %arg13[%swap3A_383, %swap3A_384] {strides = array<i32>} : memref<128x64xf32, #tpu.memory_space<vmem>>, vector<1x16xf32>,
      %swap3A_386 = vector.shape_cast %swap3A_385 : vector<1x16xf32> to vector<16xf32>
      %swap3A_387 = vector.shape_cast %add3A_382 : vector<16xf32> to vector<1x16xf32>
      tpu.vector_store %arg13[%swap3A_383, %swap3A_384], %swap3A_387 {strides = array<i32>} : memref<128x64xf32, #tpu.memory_space<vmem>>, vector<1x16xf32>,
      %get3A_388 = arith.index_cast %scan3A_344 : i32 to index
      %get3A_389 = arith.constant 48 : index
      %get3A_390 = tpu.vector_load %arg9[%get3A_388, %get3A_389] {strides = array<i32>} : memref<128x64xf32, #tpu.memory_space<vmem>>, vector<1x16xf32>,
      %get3A_391 = vector.shape_cast %get3A_390 : vector<1x16xf32> to vector<16xf32>
      %get3A_392 = arith.index_cast %add3A_345 : i32 to index
      %get3A_393 = arith.constant 48 : index
      %get3A_394 = tpu.vector_load %arg7[%get3A_392, %get3A_393] {strides = array<i32>} : memref<400x64xf32, #tpu.memory_space<vmem>>, vector<1x16xf32>,
      %get3A_395 = vector.shape_cast %get3A_394 : vector<1x16xf32> to vector<16xf32>
      %add3A_396 = arith.addf %get3A_391, %get3A_395 : vector<16xf32>
      %swap3A_397 = arith.index_cast %scan3A_344 : i32 to index
      %swap3A_398 = arith.constant 48 : index
      %swap3A_399 = tpu.vector_load %arg13[%swap3A_397, %swap3A_398] {strides = array<i32>} : memref<128x64xf32, #tpu.memory_space<vmem>>, vector<1x16xf32>,
      %swap3A_400 = vector.shape_cast %swap3A_399 : vector<1x16xf32> to vector<16xf32>
      %swap3A_401 = vector.shape_cast %add3A_396 : vector<16xf32> to vector<1x16xf32>
      tpu.vector_store %arg13[%swap3A_397, %swap3A_398], %swap3A_401 {strides = array<i32>} : memref<128x64xf32, #tpu.memory_space<vmem>>, vector<1x16xf32>,
      %scan3A_402 = arith.constant 5 : i32
      %scan3A_403 = arith.addi %scan3A_110, %scan3A_402 : i32
      %add3A_404 = arith.addi %rem3A_75, %scan3A_403 : i32
      %get3A_405 = arith.index_cast %scan3A_403 : i32 to index
      %get3A_406 = arith.constant 0 : index
      %get3A_407 = tpu.vector_load %arg9[%get3A_405, %get3A_406] {strides = array<i32>} : memref<128x64xf32, #tpu.memory_space<vmem>>, vector<1x16xf32>,
      %get3A_408 = vector.shape_cast %get3A_407 : vector<1x16xf32> to vector<16xf32>
      %get3A_409 = arith.index_cast %add3A_404 : i32 to index
      %get3A_410 = arith.constant 0 : index
      %get3A_411 = tpu.vector_load %arg7[%get3A_409, %get3A_410] {strides = array<i32>} : memref<400x64xf32, #tpu.memory_space<vmem>>, vector<1x16xf32>,
      %get3A_412 = vector.shape_cast %get3A_411 : vector<1x16xf32> to vector<16xf32>
      %add3A_413 = arith.addf %get3A_408, %get3A_412 : vector<16xf32>
      %swap3A_414 = arith.index_cast %scan3A_403 : i32 to index
      %swap3A_415 = arith.constant 0 : index
      %swap3A_416 = tpu.vector_load %arg13[%swap3A_414, %swap3A_415] {strides = array<i32>} : memref<128x64xf32, #tpu.memory_space<vmem>>, vector<1x16xf32>,
      %swap3A_417 = vector.shape_cast %swap3A_416 : vector<1x16xf32> to vector<16xf32>
      %swap3A_418 = vector.shape_cast %add3A_413 : vector<16xf32> to vector<1x16xf32>
      tpu.vector_store %arg13[%swap3A_414, %swap3A_415], %swap3A_418 {strides = array<i32>} : memref<128x64xf32, #tpu.memory_space<vmem>>, vector<1x16xf32>,
      %get3A_419 = arith.index_cast %scan3A_403 : i32 to index
      %get3A_420 = arith.constant 16 : index
      %get3A_421 = tpu.vector_load %arg9[%get3A_419, %get3A_420] {strides = array<i32>} : memref<128x64xf32, #tpu.memory_space<vmem>>, vector<1x16xf32>,
      %get3A_422 = vector.shape_cast %get3A_421 : vector<1x16xf32> to vector<16xf32>
      %get3A_423 = arith.index_cast %add3A_404 : i32 to index
      %get3A_424 = arith.constant 16 : index
      %get3A_425 = tpu.vector_load %arg7[%get3A_423, %get3A_424] {strides = array<i32>} : memref<400x64xf32, #tpu.memory_space<vmem>>, vector<1x16xf32>,
      %get3A_426 = vector.shape_cast %get3A_425 : vector<1x16xf32> to vector<16xf32>
      %add3A_427 = arith.addf %get3A_422, %get3A_426 : vector<16xf32>
      %swap3A_428 = arith.index_cast %scan3A_403 : i32 to index
      %swap3A_429 = arith.constant 16 : index
      %swap3A_430 = tpu.vector_load %arg13[%swap3A_428, %swap3A_429] {strides = array<i32>} : memref<128x64xf32, #tpu.memory_space<vmem>>, vector<1x16xf32>,
      %swap3A_431 = vector.shape_cast %swap3A_430 : vector<1x16xf32> to vector<16xf32>
      %swap3A_432 = vector.shape_cast %add3A_427 : vector<16xf32> to vector<1x16xf32>
      tpu.vector_store %arg13[%swap3A_428, %swap3A_429], %swap3A_432 {strides = array<i32>} : memref<128x64xf32, #tpu.memory_space<vmem>>, vector<1x16xf32>,
      %get3A_433 = arith.index_cast %scan3A_403 : i32 to index
      %get3A_434 = arith.constant 32 : index
      %get3A_435 = tpu.vector_load %arg9[%get3A_433, %get3A_434] {strides = array<i32>} : memref<128x64xf32, #tpu.memory_space<vmem>>, vector<1x16xf32>,
      %get3A_436 = vector.shape_cast %get3A_435 : vector<1x16xf32> to vector<16xf32>
      %get3A_437 = arith.index_cast %add3A_404 : i32 to index
      %get3A_438 = arith.constant 32 : index
      %get3A_439 = tpu.vector_load %arg7[%get3A_437, %get3A_438] {strides = array<i32>} : memref<400x64xf32, #tpu.memory_space<vmem>>, vector<1x16xf32>,
      %get3A_440 = vector.shape_cast %get3A_439 : vector<1x16xf32> to vector<16xf32>
      %add3A_441 = arith.addf %get3A_436, %get3A_440 : vector<16xf32>
      %swap3A_442 = arith.index_cast %scan3A_403 : i32 to index
      %swap3A_443 = arith.constant 32 : index
      %swap3A_444 = tpu.vector_load %arg13[%swap3A_442, %swap3A_443] {strides = array<i32>} : memref<128x64xf32, #tpu.memory_space<vmem>>, vector<1x16xf32>,
      %swap3A_445 = vector.shape_cast %swap3A_444 : vector<1x16xf32> to vector<16xf32>
      %swap3A_446 = vector.shape_cast %add3A_441 : vector<16xf32> to vector<1x16xf32>
      tpu.vector_store %arg13[%swap3A_442, %swap3A_443], %swap3A_446 {strides = array<i32>} : memref<128x64xf32, #tpu.memory_space<vmem>>, vector<1x16xf32>,
      %get3A_447 = arith.index_cast %scan3A_403 : i32 to index
      %get3A_448 = arith.constant 48 : index
      %get3A_449 = tpu.vector_load %arg9[%get3A_447, %get3A_448] {strides = array<i32>} : memref<128x64xf32, #tpu.memory_space<vmem>>, vector<1x16xf32>,
      %get3A_450 = vector.shape_cast %get3A_449 : vector<1x16xf32> to vector<16xf32>
      %get3A_451 = arith.index_cast %add3A_404 : i32 to index
      %get3A_452 = arith.constant 48 : index
      %get3A_453 = tpu.vector_load %arg7[%get3A_451, %get3A_452] {strides = array<i32>} : memref<400x64xf32, #tpu.memory_space<vmem>>, vector<1x16xf32>,
      %get3A_454 = vector.shape_cast %get3A_453 : vector<1x16xf32> to vector<16xf32>
      %add3A_455 = arith.addf %get3A_450, %get3A_454 : vector<16xf32>
      %swap3A_456 = arith.index_cast %scan3A_403 : i32 to index
      %swap3A_457 = arith.constant 48 : index
      %swap3A_458 = tpu.vector_load %arg13[%swap3A_456, %swap3A_457] {strides = array<i32>} : memref<128x64xf32, #tpu.memory_space<vmem>>, vector<1x16xf32>,
      %swap3A_459 = vector.shape_cast %swap3A_458 : vector<1x16xf32> to vector<16xf32>
      %swap3A_460 = vector.shape_cast %add3A_455 : vector<16xf32> to vector<1x16xf32>
      tpu.vector_store %arg13[%swap3A_456, %swap3A_457], %swap3A_460 {strides = array<i32>} : memref<128x64xf32, #tpu.memory_space<vmem>>, vector<1x16xf32>,
      %scan3A_461 = arith.constant 6 : i32
      %scan3A_462 = arith.addi %scan3A_110, %scan3A_461 : i32
      %add3A_463 = arith.addi %rem3A_75, %scan3A_462 : i32
      %get3A_464 = arith.index_cast %scan3A_462 : i32 to index
      %get3A_465 = arith.constant 0 : index
      %get3A_466 = tpu.vector_load %arg9[%get3A_464, %get3A_465] {strides = array<i32>} : memref<128x64xf32, #tpu.memory_space<vmem>>, vector<1x16xf32>,
      %get3A_467 = vector.shape_cast %get3A_466 : vector<1x16xf32> to vector<16xf32>
      %get3A_468 = arith.index_cast %add3A_463 : i32 to index
      %get3A_469 = arith.constant 0 : index
      %get3A_470 = tpu.vector_load %arg7[%get3A_468, %get3A_469] {strides = array<i32>} : memref<400x64xf32, #tpu.memory_space<vmem>>, vector<1x16xf32>,
      %get3A_471 = vector.shape_cast %get3A_470 : vector<1x16xf32> to vector<16xf32>
      %add3A_472 = arith.addf %get3A_467, %get3A_471 : vector<16xf32>
      %swap3A_473 = arith.index_cast %scan3A_462 : i32 to index
      %swap3A_474 = arith.constant 0 : index
      %swap3A_475 = tpu.vector_load %arg13[%swap3A_473, %swap3A_474] {strides = array<i32>} : memref<128x64xf32, #tpu.memory_space<vmem>>, vector<1x16xf32>,
      %swap3A_476 = vector.shape_cast %swap3A_475 : vector<1x16xf32> to vector<16xf32>
      %swap3A_477 = vector.shape_cast %add3A_472 : vector<16xf32> to vector<1x16xf32>
      tpu.vector_store %arg13[%swap3A_473, %swap3A_474], %swap3A_477 {strides = array<i32>} : memref<128x64xf32, #tpu.memory_space<vmem>>, vector<1x16xf32>,
      %get3A_478 = arith.index_cast %scan3A_462 : i32 to index
      %get3A_479 = arith.constant 16 : index
      %get3A_480 = tpu.vector_load %arg9[%get3A_478, %get3A_479] {strides = array<i32>} : memref<128x64xf32, #tpu.memory_space<vmem>>, vector<1x16xf32>,
      %get3A_481 = vector.shape_cast %get3A_480 : vector<1x16xf32> to vector<16xf32>
      %get3A_482 = arith.index_cast %add3A_463 : i32 to index
      %get3A_483 = arith.constant 16 : index
      %get3A_484 = tpu.vector_load %arg7[%get3A_482, %get3A_483] {strides = array<i32>} : memref<400x64xf32, #tpu.memory_space<vmem>>, vector<1x16xf32>,
      %get3A_485 = vector.shape_cast %get3A_484 : vector<1x16xf32> to vector<16xf32>
      %add3A_486 = arith.addf %get3A_481, %get3A_485 : vector<16xf32>
      %swap3A_487 = arith.index_cast %scan3A_462 : i32 to index
      %swap3A_488 = arith.constant 16 : index
      %swap3A_489 = tpu.vector_load %arg13[%swap3A_487, %swap3A_488] {strides = array<i32>} : memref<128x64xf32, #tpu.memory_space<vmem>>, vector<1x16xf32>,
      %swap3A_490 = vector.shape_cast %swap3A_489 : vector<1x16xf32> to vector<16xf32>
      %swap3A_491 = vector.shape_cast %add3A_486 : vector<16xf32> to vector<1x16xf32>
      tpu.vector_store %arg13[%swap3A_487, %swap3A_488], %swap3A_491 {strides = array<i32>} : memref<128x64xf32, #tpu.memory_space<vmem>>, vector<1x16xf32>,
      %get3A_492 = arith.index_cast %scan3A_462 : i32 to index
      %get3A_493 = arith.constant 32 : index
      %get3A_494 = tpu.vector_load %arg9[%get3A_492, %get3A_493] {strides = array<i32>} : memref<128x64xf32, #tpu.memory_space<vmem>>, vector<1x16xf32>,
      %get3A_495 = vector.shape_cast %get3A_494 : vector<1x16xf32> to vector<16xf32>
      %get3A_496 = arith.index_cast %add3A_463 : i32 to index
      %get3A_497 = arith.constant 32 : index
      %get3A_498 = tpu.vector_load %arg7[%get3A_496, %get3A_497] {strides = array<i32>} : memref<400x64xf32, #tpu.memory_space<vmem>>, vector<1x16xf32>,
      %get3A_499 = vector.shape_cast %get3A_498 : vector<1x16xf32> to vector<16xf32>
      %add3A_500 = arith.addf %get3A_495, %get3A_499 : vector<16xf32>
      %swap3A_501 = arith.index_cast %scan3A_462 : i32 to index
      %swap3A_502 = arith.constant 32 : index
      %swap3A_503 = tpu.vector_load %arg13[%swap3A_501, %swap3A_502] {strides = array<i32>} : memref<128x64xf32, #tpu.memory_space<vmem>>, vector<1x16xf32>,
      %swap3A_504 = vector.shape_cast %swap3A_503 : vector<1x16xf32> to vector<16xf32>
      %swap3A_505 = vector.shape_cast %add3A_500 : vector<16xf32> to vector<1x16xf32>
      tpu.vector_store %arg13[%swap3A_501, %swap3A_502], %swap3A_505 {strides = array<i32>} : memref<128x64xf32, #tpu.memory_space<vmem>>, vector<1x16xf32>,
      %get3A_506 = arith.index_cast %scan3A_462 : i32 to index
      %get3A_507 = arith.constant 48 : index
      %get3A_508 = tpu.vector_load %arg9[%get3A_506, %get3A_507] {strides = array<i32>} : memref<128x64xf32, #tpu.memory_space<vmem>>, vector<1x16xf32>,
      %get3A_509 = vector.shape_cast %get3A_508 : vector<1x16xf32> to vector<16xf32>
      %get3A_510 = arith.index_cast %add3A_463 : i32 to index
      %get3A_511 = arith.constant 48 : index
      %get3A_512 = tpu.vector_load %arg7[%get3A_510, %get3A_511] {strides = array<i32>} : memref<400x64xf32, #tpu.memory_space<vmem>>, vector<1x16xf32>,
      %get3A_513 = vector.shape_cast %get3A_512 : vector<1x16xf32> to vector<16xf32>
      %add3A_514 = arith.addf %get3A_509, %get3A_513 : vector<16xf32>
      %swap3A_515 = arith.index_cast %scan3A_462 : i32 to index
      %swap3A_516 = arith.constant 48 : index
      %swap3A_517 = tpu.vector_load %arg13[%swap3A_515, %swap3A_516] {strides = array<i32>} : memref<128x64xf32, #tpu.memory_space<vmem>>, vector<1x16xf32>,
      %swap3A_518 = vector.shape_cast %swap3A_517 : vector<1x16xf32> to vector<16xf32>
      %swap3A_519 = vector.shape_cast %add3A_514 : vector<16xf32> to vector<1x16xf32>
      tpu.vector_store %arg13[%swap3A_515, %swap3A_516], %swap3A_519 {strides = array<i32>} : memref<128x64xf32, #tpu.memory_space<vmem>>, vector<1x16xf32>,
      %scan3A_520 = arith.constant 7 : i32
      %scan3A_521 = arith.addi %scan3A_110, %scan3A_520 : i32
      %add3A_522 = arith.addi %rem3A_75, %scan3A_521 : i32
      %get3A_523 = arith.index_cast %scan3A_521 : i32 to index
      %get3A_524 = arith.constant 0 : index
      %get3A_525 = tpu.vector_load %arg9[%get3A_523, %get3A_524] {strides = array<i32>} : memref<128x64xf32, #tpu.memory_space<vmem>>, vector<1x16xf32>,
      %get3A_526 = vector.shape_cast %get3A_525 : vector<1x16xf32> to vector<16xf32>
      %get3A_527 = arith.index_cast %add3A_522 : i32 to index
      %get3A_528 = arith.constant 0 : index
      %get3A_529 = tpu.vector_load %arg7[%get3A_527, %get3A_528] {strides = array<i32>} : memref<400x64xf32, #tpu.memory_space<vmem>>, vector<1x16xf32>,
      %get3A_530 = vector.shape_cast %get3A_529 : vector<1x16xf32> to vector<16xf32>
      %add3A_531 = arith.addf %get3A_526, %get3A_530 : vector<16xf32>
      %swap3A_532 = arith.index_cast %scan3A_521 : i32 to index
      %swap3A_533 = arith.constant 0 : index
      %swap3A_534 = tpu.vector_load %arg13[%swap3A_532, %swap3A_533] {strides = array<i32>} : memref<128x64xf32, #tpu.memory_space<vmem>>, vector<1x16xf32>,
      %swap3A_535 = vector.shape_cast %swap3A_534 : vector<1x16xf32> to vector<16xf32>
      %swap3A_536 = vector.shape_cast %add3A_531 : vector<16xf32> to vector<1x16xf32>
      tpu.vector_store %arg13[%swap3A_532, %swap3A_533], %swap3A_536 {strides = array<i32>} : memref<128x64xf32, #tpu.memory_space<vmem>>, vector<1x16xf32>,
      %get3A_537 = arith.index_cast %scan3A_521 : i32 to index
      %get3A_538 = arith.constant 16 : index
      %get3A_539 = tpu.vector_load %arg9[%get3A_537, %get3A_538] {strides = array<i32>} : memref<128x64xf32, #tpu.memory_space<vmem>>, vector<1x16xf32>,
      %get3A_540 = vector.shape_cast %get3A_539 : vector<1x16xf32> to vector<16xf32>
      %get3A_541 = arith.index_cast %add3A_522 : i32 to index
      %get3A_542 = arith.constant 16 : index
      %get3A_543 = tpu.vector_load %arg7[%get3A_541, %get3A_542] {strides = array<i32>} : memref<400x64xf32, #tpu.memory_space<vmem>>, vector<1x16xf32>,
      %get3A_544 = vector.shape_cast %get3A_543 : vector<1x16xf32> to vector<16xf32>
      %add3A_545 = arith.addf %get3A_540, %get3A_544 : vector<16xf32>
      %swap3A_546 = arith.index_cast %scan3A_521 : i32 to index
      %swap3A_547 = arith.constant 16 : index
      %swap3A_548 = tpu.vector_load %arg13[%swap3A_546, %swap3A_547] {strides = array<i32>} : memref<128x64xf32, #tpu.memory_space<vmem>>, vector<1x16xf32>,
      %swap3A_549 = vector.shape_cast %swap3A_548 : vector<1x16xf32> to vector<16xf32>
      %swap3A_550 = vector.shape_cast %add3A_545 : vector<16xf32> to vector<1x16xf32>
      tpu.vector_store %arg13[%swap3A_546, %swap3A_547], %swap3A_550 {strides = array<i32>} : memref<128x64xf32, #tpu.memory_space<vmem>>, vector<1x16xf32>,
      %get3A_551 = arith.index_cast %scan3A_521 : i32 to index
      %get3A_552 = arith.constant 32 : index
      %get3A_553 = tpu.vector_load %arg9[%get3A_551, %get3A_552] {strides = array<i32>} : memref<128x64xf32, #tpu.memory_space<vmem>>, vector<1x16xf32>,
      %get3A_554 = vector.shape_cast %get3A_553 : vector<1x16xf32> to vector<16xf32>
      %get3A_555 = arith.index_cast %add3A_522 : i32 to index
      %get3A_556 = arith.constant 32 : index
      %get3A_557 = tpu.vector_load %arg7[%get3A_555, %get3A_556] {strides = array<i32>} : memref<400x64xf32, #tpu.memory_space<vmem>>, vector<1x16xf32>,
      %get3A_558 = vector.shape_cast %get3A_557 : vector<1x16xf32> to vector<16xf32>
      %add3A_559 = arith.addf %get3A_554, %get3A_558 : vector<16xf32>
      %swap3A_560 = arith.index_cast %scan3A_521 : i32 to index
      %swap3A_561 = arith.constant 32 : index
      %swap3A_562 = tpu.vector_load %arg13[%swap3A_560, %swap3A_561] {strides = array<i32>} : memref<128x64xf32, #tpu.memory_space<vmem>>, vector<1x16xf32>,
      %swap3A_563 = vector.shape_cast %swap3A_562 : vector<1x16xf32> to vector<16xf32>
      %swap3A_564 = vector.shape_cast %add3A_559 : vector<16xf32> to vector<1x16xf32>
      tpu.vector_store %arg13[%swap3A_560, %swap3A_561], %swap3A_564 {strides = array<i32>} : memref<128x64xf32, #tpu.memory_space<vmem>>, vector<1x16xf32>,
      %get3A_565 = arith.index_cast %scan3A_521 : i32 to index
      %get3A_566 = arith.constant 48 : index
      %get3A_567 = tpu.vector_load %arg9[%get3A_565, %get3A_566] {strides = array<i32>} : memref<128x64xf32, #tpu.memory_space<vmem>>, vector<1x16xf32>,
      %get3A_568 = vector.shape_cast %get3A_567 : vector<1x16xf32> to vector<16xf32>
      %get3A_569 = arith.index_cast %add3A_522 : i32 to index
      %get3A_570 = arith.constant 48 : index
      %get3A_571 = tpu.vector_load %arg7[%get3A_569, %get3A_570] {strides = array<i32>} : memref<400x64xf32, #tpu.memory_space<vmem>>, vector<1x16xf32>,
      %get3A_572 = vector.shape_cast %get3A_571 : vector<1x16xf32> to vector<16xf32>
      %add3A_573 = arith.addf %get3A_568, %get3A_572 : vector<16xf32>
      %swap3A_574 = arith.index_cast %scan3A_521 : i32 to index
      %swap3A_575 = arith.constant 48 : index
      %swap3A_576 = tpu.vector_load %arg13[%swap3A_574, %swap3A_575] {strides = array<i32>} : memref<128x64xf32, #tpu.memory_space<vmem>>, vector<1x16xf32>,
      %swap3A_577 = vector.shape_cast %swap3A_576 : vector<1x16xf32> to vector<16xf32>
      %swap3A_578 = vector.shape_cast %add3A_573 : vector<16xf32> to vector<1x16xf32>
      tpu.vector_store %arg13[%swap3A_574, %swap3A_575], %swap3A_578 {strides = array<i32>} : memref<128x64xf32, #tpu.memory_space<vmem>>, vector<1x16xf32>,
    }
    %scan3A_80 = arith.constant 128 : i32
    %add3A_81 = arith.constant 49 : i32
    %add3A_82 = arith.constant 4 : i32
    %add3A_83 = arith.addi %add3A_81, %add3A_82 : i32
    %lt3A_84 = arith.constant 50 : i32
    %lt3A_85 = arith.cmpi slt, %add3A_83, %lt3A_84 : i32
    %convert_element_type3A_86 = arith.extui %lt3A_85 : i1 to i32
    %cond3A_87 = arith.constant 49 : i32
    %cond3A_88 = arith.constant 0 : i32
    %cond3A_89 = arith.cmpi ne, %convert_element_type3A_86, %cond3A_88 : i32
    scf.if %cond3A_89 {
      %add3A_110 = arith.constant 4 : i32
      %add3A_111 = arith.addi %cond3A_87, %add3A_110 : i32
      %mul3A_112 = arith.constant 128 : i32
      %mul3A_113 = arith.muli %add3A_111, %mul3A_112 : i32
      %dma_start3A_114 = tpu.memref_slice %arg6[%mul3A_113] : memref<6400xi32, #tpu.memory_space<vmem>> -> memref<128xi32, #tpu.memory_space<vmem>>
      %dma_start3A_115 = arith.constant 0 : i32
      %dma_start3A_116 = arith.constant 0 : i32
      %dma_start3A_117 = tpu.memref_slice %arg4[%dma_start3A_115, %dma_start3A_116] : memref<1000000x64xf32, #tpu.memory_space<hbm>> -> memref<1000000x64xf32, #tpu.memory_space<hbm>>
      tpu.enqueue_indirect_dma source(%dma_start3A_117 : memref<1000000x64xf32, #tpu.memory_space<hbm>>) target(%arg9 : memref<128x64xf32, #tpu.memory_space<vmem>>) offsets(%dma_start3A_114 : memref<128xi32, #tpu.memory_space<vmem>>) semaphore(%arg15 : memref<!tpu.dma_semaphore, #tpu.memory_space<semaphore_mem>>)
    } else {
    }
    %mul3A_90 = arith.constant 49 : i32
    %mul3A_91 = arith.constant 128 : i32
    %mul3A_92 = arith.muli %mul3A_90, %mul3A_91 : i32
    %add3A_93 = arith.addi %mul3A_2, %mul3A_92 : i32
    %dma_start3A_94 = arith.constant 0 : i32
    %dma_start3A_95 = tpu.memref_slice %arg5[%add3A_93, %dma_start3A_94] : memref<204800x64xf32, #tpu.memory_space<hbm>> -> memref<128x64xf32, #tpu.memory_space<hbm>>
    %dma_start3A_96 = arith.constant 0 : i32
    %dma_start3A_97 = tpu.memref_slice %arg5[%add3A_93, %dma_start3A_96] : memref<204800x64xf32, #tpu.memory_space<hbm>> -> memref<128x64xf32, #tpu.memory_space<hbm>>
    tpu.enqueue_dma source(%arg13 : memref<128x64xf32, #tpu.memory_space<vmem>>) target(%dma_start3A_97 : memref<128x64xf32, #tpu.memory_space<hbm>>) target_semaphore(%arg19 : memref<!tpu.dma_semaphore, #tpu.memory_space<semaphore_mem>>)
    %add3A_98 = arith.constant 6144 : i32
    %add3A_99 = arith.addi %mul3A_2, %add3A_98 : i32
    %dma_wait3A_100 = arith.constant 0 : i32
    %dma_wait3A_101 = tpu.memref_slice %arg5[%add3A_99, %dma_wait3A_100] : memref<204800x64xf32, #tpu.memory_space<hbm>> -> memref<128x64xf32, #tpu.memory_space<hbm>>
    %dma_wait3A_102 = arith.constant 0 : i32
    %dma_wait3A_103 = tpu.memref_slice %arg5[%add3A_99, %dma_wait3A_102] : memref<204800x64xf32, #tpu.memory_space<hbm>> -> memref<128x64xf32, #tpu.memory_space<hbm>>
    tpu.wait_dma2 semaphore(%arg18 : memref<!tpu.dma_semaphore, #tpu.memory_space<semaphore_mem>>) src(%arg12 : memref<128x64xf32, #tpu.memory_space<vmem>>) dst(%dma_wait3A_103 : memref<128x64xf32, #tpu.memory_space<hbm>>)
    %add3A_104 = arith.constant 6272 : i32
    %add3A_105 = arith.addi %mul3A_2, %add3A_104 : i32
    %dma_wait3A_106 = arith.constant 0 : i32
    %dma_wait3A_107 = tpu.memref_slice %arg5[%add3A_105, %dma_wait3A_106] : memref<204800x64xf32, #tpu.memory_space<hbm>> -> memref<128x64xf32, #tpu.memory_space<hbm>>
    %dma_wait3A_108 = arith.constant 0 : i32
    %dma_wait3A_109 = tpu.memref_slice %arg5[%add3A_105, %dma_wait3A_108] : memref<204800x64xf32, #tpu.memory_space<hbm>> -> memref<128x64xf32, #tpu.memory_space<hbm>>
    tpu.wait_dma2 semaphore(%arg19 : memref<!tpu.dma_semaphore, #tpu.memory_space<semaphore_mem>>) src(%arg13 : memref<128x64xf32, #tpu.memory_space<vmem>>) dst(%dma_wait3A_109 : memref<128x64xf32, #tpu.memory_space<hbm>>)
    return
  }
}

</mosaic_0001>

<sc_bundles>
// kernel: kernel.3.cloned.1.call-start
scs
__scs_entry_jumppad:
0x0: {  	(pc) =	sbr.rel $0x88, $3  }
0x1: {  	(tag) =	ssettag $0x0;
	lr =	simm.s32 $0x1  }
0x2: {  	[smem:$0x3F9E] =	sst lr;
	_ =	strace $0xD0000000  }
0x3: {  	_ = 	snop  }
0x4: {  	_ = 	snop  }
0x5: {  	_ = 	snop  }
0x6: {  	_ = 	snop  }
0x7: {  	_ = 	snop  }
__scs_overlays_trampoline_lowered:
0x8: {  	[smem:$0x3FAD] =	sst s0  }
0x9: {  	[smem:$0x3FAE] =	sst s1  }
0xa: {  	[smem:$0x3FAF] =	sst s2  }
0xb: {  	[smem:$0x3FB0] =	sst s3  }
0xc: {  	[smem:$0x3FB1] =	sst s4  }
0xd: {  	[smem:$0x3FB2] =	sst s5  }
0xe: {  	[smem:$0x3FB3] =	sst s6  }
0xf: {  	[smem:$0x3FB4] =	sst s7  }
0x10: {  	[smem:$0x3FB5] =	sst s8  }
0x11: {  	[smem:$0x3FB6] =	sst s9;
	s0 =	simm.s32 @!p0 $0x0  }
0x12: {  	s1 =	sld [smem:$0x3F9C];
	s0 =	simm.s32 @p0 $0x1  }
0x13: {  	[smem:$0x3FB7] =	sst s0;
	s0 =	simm.s32 @!p1 $0x0  }
0x14: {  	s2 =	sld [smem:$0x3F9B];
	s0 =	simm.s32 @p1 $0x1  }
0x15: {  	[smem:$0x3FB8] =	sst s0;
	s0 =	simm.s32 @!p2 $0x0  }
0x16: {  	s3 =	sld [smem:$0x3FDB];
	s0 =	simm.s32 @p2 $0x1  }
0x17: {  	s4 =	simm.s32 $0x1BF5;
	[smem:$0x3FBA] =	sst s0  }
0x18: {  	s0 =	sld [smem:$0x3F9D];
	_ =	swait.ge [sflag:s4], $0x0  }
0x19: {  	s7 =	sld [smem:$0x3F9E]  }
0x1a: {  	s8 =	sadd.s32 $0xFFFFE003, lr  }
0x1b: {  	s9 =	sadd.s32 $0xFFFFFEF7, lr;
	s5 =	simm.s32 $0xFFFFFFFF;
	p2 =	slt.u32 s8, $0xFFFFF086  }
0x1c: {  	p1 =	slt.u32 s9, $0xF7A;
	s5 =	simm.s32 @!p2 $0x0  }
0x1d: {  	s5 =	simm.s32 @p1 $0x1;
	p0 =	seq.s32 s7, s2  }
0x1e: {  	s7 =	smul.u32 @!p0 $0xF7A, s2;
	p2 =	seq.s32 @!p0 s5, $0x0  }
0x1f: {  	s9 =	smul.u32 $0xF7A, s1;
	s8 =	simm.s32 @!p0 $0x1BF5;
	p2 =	por !p2, p0  }
0x20: {  	[sflag:s8] =	ssyncset.s32 @!p0 $0xFFFFF086;
	s6 =	sadd.s32 @!p0 s3, s7;
	s7 =	simm.s32 @!p0 $0x108  }
0x21: {  	s3 =	sadd.s32 s3, s9;
	s6 =	sadd.s32 @!p0 $0x88, s6;
	s7 =	simm.s32 @p2 $0x1082  }
0x22: {  	[simem:s7], [sflag:s8] =	dma.local @!p0 [hbm:s6], $0xF7A  }
0x23: {  	s9 =	sor.u32 $0xD0000000, s2;
	s6 =	simm.s32 $0x108;
	_ =	swait.ge @!p0 [sflag:s8], $0x0  }
0x24: {  	s3 =	sadd.s32 $0x88, s3;
	s6 =	simm.s32 @!p1 $0x1082;
	[sflag:s4] =	ssyncset.s32 $0xFFFFF086  }
0x25: {  	[simem:s6], [sflag:s4] =	dma.local [hbm:s3], $0xF7A  }
0x26: {  	[smem:$0x3F9E] =	sst s1;
	(tag) =	ssettag s2;
	_ =	strace s9  }
0x27: {  	s1 =	sld [smem:$0x3FAE]  }
0x28: {  	s2 =	sld [smem:$0x3FAF]  }
0x29: {  	s4 =	sld [smem:$0x3FB1]  }
0x2a: {  	p0 =	seq.s32 s5, $0x0;
	s5 =	sld [smem:$0x3FB2]  }
0x2b: {  	s6 =	sld [smem:$0x3FB3]  }
0x2c: {  	s7 =	sld [smem:$0x3FB4]  }
0x2d: {  	s3 =	simm.s32 $0x108;
	s8 =	sld [smem:$0x3FB5]  }
0x2e: {  	s3 =	simm.s32 @!p0 $0x1082;
	s9 =	sld [smem:$0x3FB6]  }
0x2f: {  	lr =	sadd.s32 s0, s3;
	s0 =	sld [smem:$0x3FAD]  }
0x30: {  	s3 =	sld [smem:$0x3FB0]  }
0x31: {  	[smem:$0x3FB9] =	sst s10  }
0x32: {  	s10 =	sld [smem:$0x3FB7];
	_ =	sdelay $0x3  }
0x33: {  	p0 =	seq.s32 s10, $0x1;
	s10 =	sld [smem:$0x3FB9];
	_ =	sdelay $0x3  }
0x34: {  	[smem:$0x3FB9] =	sst s10  }
0x35: {  	s10 =	sld [smem:$0x3FB8];
	_ =	sdelay $0x3  }
0x36: {  	p1 =	seq.s32 s10, $0x1;
	s10 =	sld [smem:$0x3FB9];
	_ =	sdelay $0x3  }
0x37: {  	[smem:$0x3FB9] =	sst s10  }
0x38: {  	s10 =	sld [smem:$0x3FBA]  }
0x39: {  	_ = 	snop;
	(pc) =	sbr.ind lr, $3  }
0x3a: {  	_ = 	snop  }
0x3b: {  	_ = 	snop  }
0x3c: {  	p2 =	seq.s32 s10, $0x1;
	s10 =	sld [smem:$0x3FB9]  }
0x3d: {  	_ =	shalt  }
0x3e: {  	_ =	shalt  }
0x3f: {  	_ =	shalt  }
0x40: {  	_ =	shalt  }
0x41: {  	_ =	shalt  }
0x42: {  	_ =	shalt  }
0x43: {  	_ =	shalt  }
0x44: {  	_ =	shalt  }
0x45: {  	_ =	shalt  }
0x46: {  	_ =	shalt  }
0x47: {  	_ =	shalt  }
0x48: {  	_ =	shalt  }
0x49: {  	_ =	shalt  }
0x4a: {  	_ =	shalt  }
0x4b: {  	_ =	shalt  }
0x4c: {  	_ =	shalt  }
0x4d: {  	_ =	shalt  }
0x4e: {  	_ =	shalt  }
0x4f: {  	_ =	shalt  }
0x50: {  	_ =	shalt  }
0x51: {  	_ =	shalt  }
0x52: {  	_ =	shalt  }
0x53: {  	_ =	shalt  }
0x54: {  	_ =	shalt  }
0x55: {  	_ =	shalt  }
0x56: {  	_ =	shalt  }
0x57: {  	_ =	shalt  }
0x58: {  	_ =	shalt  }
0x59: {  	_ =	shalt  }
0x5a: {  	_ =	shalt  }
0x5b: {  	_ =	shalt  }
0x5c: {  	_ =	shalt  }
0x5d: {  	_ =	shalt  }
0x5e: {  	_ =	shalt  }
0x5f: {  	_ =	shalt  }
0x60: {  	_ =	shalt  }
0x61: {  	_ =	shalt  }
0x62: {  	_ =	shalt  }
0x63: {  	_ =	shalt  }
0x64: {  	_ =	shalt  }
0x65: {  	_ =	shalt  }
0x66: {  	_ =	shalt  }
0x67: {  	_ =	shalt  }
0x68: {  	_ =	shalt  }
0x69: {  	_ =	shalt  }
0x6a: {  	_ =	shalt  }
0x6b: {  	_ =	shalt  }
0x6c: {  	_ =	shalt  }
0x6d: {  	_ =	shalt  }
0x6e: {  	_ =	shalt  }
0x6f: {  	_ =	shalt  }
0x70: {  	_ =	shalt  }
0x71: {  	_ =	shalt  }
0x72: {  	_ =	shalt  }
0x73: {  	_ =	shalt  }
0x74: {  	_ =	shalt  }
0x75: {  	_ =	shalt  }
0x76: {  	_ =	shalt  }
0x77: {  	_ =	shalt  }
0x78: {  	_ =	shalt  }
0x79: {  	_ =	shalt  }
0x7a: {  	_ =	shalt  }
0x7b: {  	_ =	shalt  }
0x7c: {  	_ =	shalt  }
0x7d: {  	_ =	shalt  }
0x7e: {  	_ =	shalt  }
0x7f: {  	_ =	shalt  }
0x80: {  	_ =	shalt  }
0x81: {  	_ =	shalt  }
0x82: {  	_ =	shalt  }
0x83: {  	_ =	shalt  }
0x84: {  	_ =	shalt  }
0x85: {  	_ =	shalt  }
0x86: {  	_ =	shalt  }
0x87: {  	_ =	shalt  }
.Lfunc_end0:
.L_simem_size_0:
called_computation.1_lowered:
.L_overlay_start_0:
0x88: {  	s2 =	sld [smem:$0x3FD9]  }
0x89: {  	s3 =	sld [smem:$0x3FFE];
	_ =	sdelay $0x1  }
0x8a: {  	s1 =	srdreg.scid  }
0x8b: {  	s0 =	sand.u32 $0x1, s1  }
0x8c: {  	s17 =	sshll.u32 s0, $0xA;
	s2 =	sadd.s32 s3, s2  }
0x8d: {  	s2 =	sadd.s32 s2, s17  }
0x8e: {  	[smem:$0x3FC5] =	sst s2  }
0x8f: {  	_ = 	snop  }
0x90: {  	s2 =	sld [smem:$0x3FD0];
	(tm) =	ssettm $0x1  }
0x91: {  	s18 =	sld [smem:$0x3FFB];
	_ =	sdelay $0x3  }
0x92: {  	_ =	strace s18  }
0x93: {  	s3 =	sld [smem:$0x3FFC];
	_ =	sdelay $0x3  }
0x94: {  	_ =	strace s3  }
0x95: {  	s3 =	sld [smem:$0x3FFD];
	_ =	sdelay $0x3  }
0x96: {  	_ =	strace s3  }
0x97: {  	_ =	strace $0x8FFFFFFF  }
0x98: {  	s19 =	sld [smem:$0x3FDB];
	_ =	sdelay $0x1  }
0x99: {  	s4 =	simm.s32 $_scs_section_size  }
0x9a: {  	s5 =	simm.s32 $_size__tile_overlayer_lowered;
	s6 =	simm.s32 $_tile_overlayer_lowered  }
0x9b: {  	s22 =	simm.s32 $0x1BFF;
	s21 =	sshll.u32 s6, $0x1;
	s3 =	sadd.s32 s4, s19  }
0x9c: {  	s7 =	simm.s32 $0x0;
	s20 =	sshll.u32 s5, $0x1;
	s5 =	sadd.s32 s21, s3  }
0x9d: {  	[timem:s7], [sflag:s22] =	dma.local [hbm:s5], s20  }
0x9e: {  	_ =	swait.ge [sflag:s22], s20  }
0x9f: {  	s4 =	ssub.s32 $0x0, s20;
	[sflag:s22] =	ssyncset.done $0x0  }
0xa0: {  	[sflag:s22] =	ssyncadd.s32 s4;
	_ =	sdelay $0x1  }
0xa1: {  	s23 =	simm.s32 $0x1B8B  }
0xa2: {  	_ =	swait.ge [sflag:s23], $0x1  }
0xa3: {  	[sflag:s23] =	ssyncset.done $0x0  }
0xa4: {  	s25 =	simm.s32 $0x1B8E;
	s24 =	sld [smem:$0x3FFE];
	[sflag:s23] =	ssyncadd.s32 $0xFFFFFFFF  }
0xa5: {  	s26 =	simm.s32 $execute0_lowered;
	[smem:$0x3FD2] =	sst s25  }
0xa6: {  	s5 =	sshll.u32 s26, $0x1;
	_ =	strace $0x80000046;
	[dreg:$0x1] =	wrdreg $0xFFFFFFFF  }
0xa7: {  	s28 =	simm.s32 $_size_execute0_lowered;
	s3 =	sadd.s32 s3, s5;
	[dreg:$0x0] =	wrdreg $0x0  }
0xa8: {  	s5 =	sshll.u32 s28, $0x1;
	[dreg:$0x2] =	wrdreg s3  }
0xa9: {  	[dreg:$0x3] =	wrdreg s5  }
0xaa: {  	[dreg:$0x4] =	wrdreg $0xC0  }
0xab: {  	_ =	task [dreg:s7], $0x5FFFF  }
0xac: {  	[dreg:$0x1] =	wrdreg $0xFFFFFFFF  }
0xad: {  	[dreg:$0x0] =	wrdreg $0x60  }
0xae: {  	[dreg:$0x2] =	wrdreg s24  }
0xaf: {  	[dreg:$0x3] =	wrdreg s2  }
0xb0: {  	[dreg:$0x4] =	wrdreg $0x9  }
0xb1: {  	_ =	task.clear_ibuf [dreg:s7], $0x5FFFF;
	_ =	strace $0x90000046  }
0xb2: {  	s29 =	simm.s32 $0x9;
	_ =	strace $0x80000048  }
0xb3: {  	_ =	swait.ge [sflag:s29], $0x1  }
0xb4: {  	[sflag:s29] =	ssyncadd.s32 $0xFFFFFFFF  }
0xb5: {  	_ =	strace $0x90000048  }
0xb6: {  	_ =	sfence  }
0xb7: {  	s30 =	sld [smem:$0x0];
	_ =	sdelay $0x2  }
0xb8: {  	s31 =	sshll.u32 s1, $0xD;
	s1 =	sshrl.u32 s1, $0x2  }
0xb9: {  	s3 =	sand.u32 $0x4000, s31;
	s1 =	sadd.s32 s1, s30  }
0xba: {  	s0 =	sor.u32 s3, s0;
	s1 =	sshll.u32 s1, $0x11  }
0xbb: {  	s0 =	sor.u32 s1, s0  }
0xbc: {  	s0 =	sadd.s32 $0x8F2B, s0  }
0xbd: {  	[sflag:s0] =	ssyncadd.remote.s32 $0x1  }
0xbe: {  	_ =	sfence.sel $0xFFFF  }
0xbf: {  	[dreg:$0x0] =	wrdreg $0xFFFFFFFF;
	(pc) =	sbr.abs _section_cstart, $3  }
0xc0: {  	[dreg:$0x1] =	wrdreg $0xFFFFFFFF  }
0xc1: {  	_ =	task.clear_ibuf [dreg:s7], $0x2FFFF;
	_ =	strace $0x9FFFFFFF  }
0xc2: {  	(tm) =	ssettm $0x7FFFFFFF  }
0xc3: {  	_ =	shalt  }
tec
execute0_lowered:
.L_overlay_start_1:
0x0: {  	(tag) =	ssettag $0x1  }
0x1: {  	s0 =	srdreg.scid;
	s5 =	rddreg [dreg:$0x0]  }
0x2: {  	s1 =	stileid.u32;
	s2 =	rddreg [dreg:$0x1]  }
0x3: {  	s4 =	simm.s32 $0x0;
	s17 =	simm.s32 $0x1;
	s20 =	simm.s32 $0x2  }
0x4: {  	s23 =	simm.s32 $0x5;
	s0 =	sand.u32 $0x1, s0;
	s1 =	sshll.u32 s1, $0x1  }
0x5: {  	s24 =	simm.s32 $0x4;
	[smem:$0x7FF] =	sst s4;
	s1 =	sor.u32 s0, s1  }
0x6: {  	s28 =	sadd.s32 $0x7200, s5;
	s0 =	ssub.s32 $0x2, s0;
	s3 =	smul.u32 $0x1900, s1  }
0x7: {  	_ =	strace $0x80000047;
	s1 =	smul.u32 $0x64000, s1;
	s29 =	sshrl.u32 s0, $0x1  }
0x8: {  	[dreg:$0x3] =	wrdreg s28;
	s0 =	ssub.s32 s0, s29;
	s6 =	sshrl.u32 s3, $0x3  }
0x9: {  	s1 =	sshrl.u32 s1, $0x3;
	s0 =	smax.u32 s0, $0x1;
	s7 =	sadd.s32 s6, s5  }
0xa: {  	s1 =	sadd.s32 s2, s1;
	[dreg:$0x7] =	wrdreg s0;
	s30 =	sadd.s32 $0xE00, s7  }
0xb: {  	s25 =	simm.s32 $0x6;
	s31 =	sadd.s32 $0xC000, s1;
	[dreg:$0x4] =	wrdreg s30  }
0xc: {  	s22 =	simm.s32 $0x80;
	s1 =	sadd.s32 $0xC400, s1;
	[dreg:$0x5] =	wrdreg s31  }
0xd: {  	s6 =	sadd.s32 $0xF43200, s5;
	[dreg:$0x6] =	wrdreg s1;
	s1 =	simm.s32 $0x0  }
.LBB2_1:
0xe: {  	[dreg:$0x8] =	wrdreg s1  }
0xf: {  	s0 =	rddreg [dreg:$0x4];
	s14 =	simm.s32 $0x7  }
0x10: {  	[tilespmem:s4], [sflag:$0x7] =	stream.linear.gather [hbm4b:s0+s4], $0x1900, $0x38;
	[tilespmem:$0x13D00] =	vst v63  }
0x11: {  	_ =	swait.ge [sflag:s14], $0x1900  }
0x12: {  	[sflag:s14] =	ssyncset.done $0x0  }
0x13: {  	s5 =	simm.s32 $0x1900;
	s15 =	rddreg [dreg:$0x3];
	[sflag:s14] =	ssyncadd.s32 $0xFFFFE700  }
0x14: {  	[tilespmem:s5], [sflag:$0x7] =	stream.linear.gather [hbm4b:s15+s4], $0x6400, $0x38;
	[tilespmem:$0x13D00] =	vst v63  }
0x15: {  	s16 =	simm.s32 $0x7D00;
	_ =	swait.ge [sflag:s14], $0x6400  }
0x16: {  	s18 =	simm.s32 $0x80;
	s19 =	simm.s32 $0x9D00;
	[sflag:s14] =	ssyncset.done $0x0  }
0x17: {  	s28 =	simm.s32 $0x100;
	s21 =	simm.s32 $0xBD00;
	[sflag:s14] =	ssyncadd.s32 $0xFFFF9C00  }
0x18: {  	[tilespmem:s16], [sflag:$0x1] =	stream.indirect.gather [hbm4b:s6+s18], $0x40, s4, s18, $0xb8;
	[tilespmem:$0x13D00] =	vst v63  }
0x19: {  	s29 =	simm.s32 $0x180;
	s26 =	simm.s32 $0xDD00;
	s30 =	simm.s32 $0x1AF0  }
0x1a: {  	[tilespmem:s19], [sflag:$0x2] =	stream.indirect.gather [hbm4b:s6+s18], $0x40, s18, s18, $0xb8;
	[tilespmem:$0x13D00] =	vst v63  }
0x1b: {  	s31 =	simm.s32 $0x3AF0;
	s1 =	simm.s32 $0x5AF0;
	s12 =	simm.s32 $0x80  }
0x1c: {  	[tilespmem:s21], [sflag:$0x3] =	stream.indirect.gather [hbm4b:s6+s18], $0x40, s28, s18, $0xb8;
	[tilespmem:$0x13D00] =	vst v63  }
0x1d: {  	s0 =	simm.s32 $0x7AF0;
	s15 =	simm.s32 $0x0;
	s16 =	simm.s32 $0x0  }
0x1e: {  	[tilespmem:s26], [sflag:$0x4] =	stream.indirect.gather [hbm4b:s6+s18], $0x40, s29, s18, $0xb8;
	[tilespmem:$0x13D00] =	vst v63  }
.LBB2_2:
0x1f: {  	s5 =	smulhi.u32 $0x51EB851F, s15;
	_ =	swait.ge [sflag:s17], $0x2000  }
0x20: {  	p0 =	seq.s32 s16, $0x0;
	[sflag:s17] =	ssyncset.done $0x0  }
0x21: {  	s7 =	simm.s32 @!p0 $0x5;
	s5 =	sshrl.u32 s5, $0x6;
	[sflag:s17] =	ssyncadd.s32 $0xFFFFE000  }
0x22: {  	s5 =	smul.u32 $0xFFFF3800, s5;
	_ =	swait.ge @!p0 [sflag:s7], $0x2000  }
0x23: {  	[sflag:s7] =	ssyncset.done @!p0 $0x0  }
0x24: {  	s11 =	simm.s32 $0x7E00;
	s5 =	sshra.s32 s5, $0x2;
	[sflag:s7] =	ssyncadd.s32 @!p0 $0xFFFFE000  }
0x25: {  	s7 =	sadd.s32 s5, s30;
	v0 =	vld [tilespmem:s11+$0xFFFFFF00]  }
0x26: {  	v1 =	vld [tilespmem:s7+$0xFFFFFE10];
	_ =	sdelay $0x4  }
0x27: {  	v0 =	vadd.f32 v1, v0  }
0x28: {  	s26 =	simm.s32 $0xFE00  }
0x29: {  	[tilespmem:s26+$0xFFFFFF00] =	vst v0  }
0x2a: {  	v0 =	vld [tilespmem:s7+$0xFFFFFE20]  }
0x2b: {  	v1 =	vld [tilespmem:s11+$0xFFFFFF10];
	_ =	sdelay $0x4  }
0x2c: {  	v0 =	vadd.f32 v0, v1;
	_ =	sdelay $0x1  }
0x2d: {  	[tilespmem:s26+$0xFFFFFF10] =	vst v0  }
0x2e: {  	v0 =	vld [tilespmem:s11+$0xFFFFFF20]  }
0x2f: {  	v1 =	vld [tilespmem:s7+$0xFFFFFE30];
	_ =	sdelay $0x4  }
0x30: {  	v0 =	vadd.f32 v1, v0;
	_ =	sdelay $0x1  }
0x31: {  	[tilespmem:s26+$0xFFFFFF20] =	vst v0  }
0x32: {  	v0 =	vld [tilespmem:s11+$0xFFFFFF30]  }
0x33: {  	v1 =	vld [tilespmem:s7+$0xFFFFFE40];
	_ =	sdelay $0x4  }
0x34: {  	v0 =	vadd.f32 v1, v0;
	_ =	sdelay $0x1  }
0x35: {  	[tilespmem:s26+$0xFFFFFF30] =	vst v0  }
0x36: {  	v0 =	vld [tilespmem:s11+$0xFFFFFF40]  }
0x37: {  	v1 =	vld [tilespmem:s7+$0xFFFFFE50];
	_ =	sdelay $0x4  }
0x38: {  	v0 =	vadd.f32 v1, v0;
	_ =	sdelay $0x1  }
0x39: {  	[tilespmem:s26+$0xFFFFFF40] =	vst v0  }
0x3a: {  	v0 =	vld [tilespmem:s11+$0xFFFFFF50]  }
0x3b: {  	v1 =	vld [tilespmem:s7+$0xFFFFFE60];
	_ =	sdelay $0x4  }
0x3c: {  	v0 =	vadd.f32 v1, v0;
	_ =	sdelay $0x1  }
0x3d: {  	[tilespmem:s26+$0xFFFFFF50] =	vst v0  }
0x3e: {  	v0 =	vld [tilespmem:s11+$0xFFFFFF60]  }
0x3f: {  	v1 =	vld [tilespmem:s7+$0xFFFFFE70];
	_ =	sdelay $0x4  }
0x40: {  	v0 =	vadd.f32 v1, v0;
	_ =	sdelay $0x1  }
0x41: {  	[tilespmem:s26+$0xFFFFFF60] =	vst v0  }
0x42: {  	v0 =	vld [tilespmem:s11+$0xFFFFFF70]  }
0x43: {  	v1 =	vld [tilespmem:s7+$0xFFFFFE80];
	_ =	sdelay $0x4  }
0x44: {  	v0 =	vadd.f32 v1, v0;
	_ =	sdelay $0x1  }
0x45: {  	[tilespmem:s26+$0xFFFFFF70] =	vst v0  }
0x46: {  	v0 =	vld [tilespmem:s11+$0xFFFFFF80]  }
0x47: {  	v1 =	vld [tilespmem:s7+$0xFFFFFE90];
	_ =	sdelay $0x4  }
0x48: {  	v0 =	vadd.f32 v1, v0;
	_ =	sdelay $0x1  }
0x49: {  	[tilespmem:s26+$0xFFFFFF80] =	vst v0  }
0x4a: {  	v0 =	vld [tilespmem:s11+$0xFFFFFF90]  }
0x4b: {  	v1 =	vld [tilespmem:s7+$0xFFFFFEA0];
	_ =	sdelay $0x4  }
0x4c: {  	v0 =	vadd.f32 v1, v0;
	_ =	sdelay $0x1  }
0x4d: {  	[tilespmem:s26+$0xFFFFFF90] =	vst v0  }
0x4e: {  	v0 =	vld [tilespmem:s11+$0xFFFFFFA0]  }
0x4f: {  	v1 =	vld [tilespmem:s7+$0xFFFFFEB0];
	_ =	sdelay $0x4  }
0x50: {  	v0 =	vadd.f32 v1, v0;
	_ =	sdelay $0x1  }
0x51: {  	[tilespmem:s26+$0xFFFFFFA0] =	vst v0  }
0x52: {  	v0 =	vld [tilespmem:s11+$0xFFFFFFB0]  }
0x53: {  	v1 =	vld [tilespmem:s7+$0xFFFFFEC0];
	_ =	sdelay $0x4  }
0x54: {  	v0 =	vadd.f32 v1, v0;
	_ =	sdelay $0x1  }
0x55: {  	[tilespmem:s26+$0xFFFFFFB0] =	vst v0  }
0x56: {  	v0 =	vld [tilespmem:s11+$0xFFFFFFC0]  }
0x57: {  	v1 =	vld [tilespmem:s7+$0xFFFFFED0];
	_ =	sdelay $0x4  }
0x58: {  	v0 =	vadd.f32 v1, v0;
	_ =	sdelay $0x1  }
0x59: {  	[tilespmem:s26+$0xFFFFFFC0] =	vst v0  }
0x5a: {  	v0 =	vld [tilespmem:s11+$0xFFFFFFD0]  }
0x5b: {  	v1 =	vld [tilespmem:s7+$0xFFFFFEE0];
	_ =	sdelay $0x4  }
0x5c: {  	v0 =	vadd.f32 v1, v0;
	_ =	sdelay $0x1  }
0x5d: {  	[tilespmem:s26+$0xFFFFFFD0] =	vst v0  }
0x5e: {  	v0 =	vld [tilespmem:s11+$0xFFFFFFE0]  }
0x5f: {  	v1 =	vld [tilespmem:s7+$0xFFFFFEF0];
	_ =	sdelay $0x4  }
0x60: {  	v0 =	vadd.f32 v1, v0;
	_ =	sdelay $0x1  }
0x61: {  	[tilespmem:s26+$0xFFFFFFE0] =	vst v0  }
0x62: {  	v0 =	vld [tilespmem:s11+$0xFFFFFFF0]  }
0x63: {  	v1 =	vld [tilespmem:s7+$0xFFFFFF00];
	_ =	sdelay $0x4  }
0x64: {  	v0 =	vadd.f32 v1, v0;
	_ =	sdelay $0x1  }
0x65: {  	[tilespmem:s26+$0xFFFFFFF0] =	vst v0  }
0x66: {  	v0 =	vld [tilespmem:s11+$0x0]  }
0x67: {  	v1 =	vld [tilespmem:s7+$0xFFFFFF10];
	_ =	sdelay $0x4  }
0x68: {  	v0 =	vadd.f32 v1, v0;
	_ =	sdelay $0x1  }
0x69: {  	[tilespmem:s26+$0x0] =	vst v0  }
0x6a: {  	v0 =	vld [tilespmem:s11+$0x10]  }
0x6b: {  	v1 =	vld [tilespmem:s7+$0xFFFFFF20];
	_ =	sdelay $0x4  }
0x6c: {  	v0 =	vadd.f32 v1, v0;
	_ =	sdelay $0x1  }
0x6d: {  	[tilespmem:s26+$0x10] =	vst v0  }
0x6e: {  	v0 =	vld [tilespmem:s11+$0x20]  }
0x6f: {  	v1 =	vld [tilespmem:s7+$0xFFFFFF30];
	_ =	sdelay $0x4  }
0x70: {  	v0 =	vadd.f32 v1, v0;
	_ =	sdelay $0x1  }
0x71: {  	[tilespmem:s26+$0x20] =	vst v0  }
0x72: {  	v0 =	vld [tilespmem:s11+$0x30]  }
0x73: {  	v1 =	vld [tilespmem:s7+$0xFFFFFF40];
	_ =	sdelay $0x4  }
0x74: {  	v0 =	vadd.f32 v1, v0;
	_ =	sdelay $0x1  }
0x75: {  	[tilespmem:s26+$0x30] =	vst v0  }
0x76: {  	v0 =	vld [tilespmem:s11+$0x40]  }
0x77: {  	v1 =	vld [tilespmem:s7+$0xFFFFFF50];
	_ =	sdelay $0x4  }
0x78: {  	v0 =	vadd.f32 v1, v0;
	_ =	sdelay $0x1  }
0x79: {  	[tilespmem:s26+$0x40] =	vst v0  }
0x7a: {  	v0 =	vld [tilespmem:s11+$0x50]  }
0x7b: {  	v1 =	vld [tilespmem:s7+$0xFFFFFF60];
	_ =	sdelay $0x4  }
0x7c: {  	v0 =	vadd.f32 v1, v0;
	_ =	sdelay $0x1  }
0x7d: {  	[tilespmem:s26+$0x50] =	vst v0  }
0x7e: {  	v0 =	vld [tilespmem:s11+$0x60]  }
0x7f: {  	v1 =	vld [tilespmem:s7+$0xFFFFFF70];
	_ =	sdelay $0x4  }
0x80: {  	v0 =	vadd.f32 v1, v0;
	_ =	sdelay $0x1  }
0x81: {  	[tilespmem:s26+$0x60] =	vst v0  }
0x82: {  	v0 =	vld [tilespmem:s11+$0x70]  }
0x83: {  	v1 =	vld [tilespmem:s7+$0xFFFFFF80];
	_ =	sdelay $0x4  }
0x84: {  	v0 =	vadd.f32 v1, v0;
	_ =	sdelay $0x1  }
0x85: {  	[tilespmem:s26+$0x70] =	vst v0  }
0x86: {  	v0 =	vld [tilespmem:s11+$0x80]  }
0x87: {  	v1 =	vld [tilespmem:s7+$0xFFFFFF90];
	_ =	sdelay $0x4  }
0x88: {  	v0 =	vadd.f32 v1, v0;
	_ =	sdelay $0x1  }
0x89: {  	[tilespmem:s26+$0x80] =	vst v0  }
0x8a: {  	v0 =	vld [tilespmem:s11+$0x90]  }
0x8b: {  	v1 =	vld [tilespmem:s7+$0xFFFFFFA0];
	_ =	sdelay $0x4  }
0x8c: {  	v0 =	vadd.f32 v1, v0;
	_ =	sdelay $0x1  }
0x8d: {  	[tilespmem:s26+$0x90] =	vst v0  }
0x8e: {  	v0 =	vld [tilespmem:s11+$0xA0]  }
0x8f: {  	v1 =	vld [tilespmem:s7+$0xFFFFFFB0];
	_ =	sdelay $0x4  }
0x90: {  	v0 =	vadd.f32 v1, v0;
	_ =	sdelay $0x1  }
0x91: {  	[tilespmem:s26+$0xA0] =	vst v0  }
0x92: {  	v0 =	vld [tilespmem:s11+$0xB0]  }
0x93: {  	v1 =	vld [tilespmem:s7+$0xFFFFFFC0];
	_ =	sdelay $0x2  }
0x94: {  	s8 =	smulhi.u32 $0x51EB851F, s28  }
0x95: {  	s9 =	smulhi.u32 $0x51EB851F, s12  }
0x96: {  	s21 =	smulhi.u32 $0x51EB851F, s29;
	s8 =	sshrl.u32 s8, $0x6;
	v0 =	vadd.f32 v1, v0  }
0x97: {  	s9 =	sshrl.u32 s9, $0x6;
	s8 =	smul.u32 $0xFFFF3800, s8  }
0x98: {  	s13 =	sshll.u32 s16, $0xB;
	s9 =	smul.u32 $0xFFFF3800, s9;
	s5 =	sshrl.u32 s21, $0x6;
	[tilespmem:s26+$0xB0] =	vst v0  }
0x99: {  	s14 =	simm.s32 $0xFE00;
	s8 =	sshra.s32 s8, $0x2;
	s5 =	smul.u32 $0xFFFF3800, s5;
	v0 =	vld [tilespmem:s11+$0xC0]  }
0x9a: {  	s19 =	simm.s32 $0x7E00;
	s10 =	sshra.s32 s9, $0x2;
	s9 =	sadd.s32 s8, s1;
	v1 =	vld [tilespmem:s7+$0xFFFFFFD0]  }
0x9b: {  	s10 =	sadd.s32 s10, s31;
	s8 =	sshll.u32 s16, $0x9;
	s5 =	sshra.s32 s5, $0x2  }
0x9c: {  	s21 =	simm.s32 $0x0;
	s18 =	sadd.s32 $0x200, s7;
	s5 =	sadd.s32 s5, s0  }
.LBB2_3:
0x9d: {  	s21 =	sadd.s32 $0x8, s21;
	s11 =	sadd.s32 $0x200, s11;
	s26 =	sadd.s32 $0x200, s26  }
0x9e: {  	p1 =	slt.u32 s21, $0x78  }
0x9f: {  	v0 =	vadd.f32 v1, v0;
	_ =	sdelay $0x1  }
0xa0: {  	[tilespmem:s14+$0xC0] =	vst v0  }
0xa1: {  	v0 =	vld [tilespmem:s19+$0xD0]  }
0xa2: {  	v1 =	vld [tilespmem:s7+$0xFFFFFFE0];
	_ =	sdelay $0x4  }
0xa3: {  	v0 =	vadd.f32 v1, v0;
	_ =	sdelay $0x1  }
0xa4: {  	[tilespmem:s14+$0xD0] =	vst v0  }
0xa5: {  	v0 =	vld [tilespmem:s19+$0xE0]  }
0xa6: {  	v1 =	vld [tilespmem:s7+$0xFFFFFFF0];
	_ =	sdelay $0x4  }
0xa7: {  	v0 =	vadd.f32 v1, v0;
	_ =	sdelay $0x1  }
0xa8: {  	[tilespmem:s14+$0xE0] =	vst v0  }
0xa9: {  	v0 =	vld [tilespmem:s19+$0xF0];
	s19 =	smov.u32 s11  }
0xaa: {  	v1 =	vld [tilespmem:s7+$0x0];
	s7 =	smov.u32 s18;
	_ =	sdelay $0x4  }
0xab: {  	v0 =	vadd.f32 v1, v0;
	_ =	sdelay $0x1  }
0xac: {  	[tilespmem:s14+$0xF0] =	vst v0;
	s14 =	smov.u32 s26  }
0xad: {  	v0 =	vld [tilespmem:s11+$0xFFFFFF00]  }
0xae: {  	v1 =	vld [tilespmem:s18+$0xFFFFFE10];
	_ =	sdelay $0x4  }
0xaf: {  	v0 =	vadd.f32 v1, v0;
	_ =	sdelay $0x1  }
0xb0: {  	[tilespmem:s26+$0xFFFFFF00] =	vst v0  }
0xb1: {  	v0 =	vld [tilespmem:s18+$0xFFFFFE20]  }
0xb2: {  	v1 =	vld [tilespmem:s11+$0xFFFFFF10];
	_ =	sdelay $0x4  }
0xb3: {  	v0 =	vadd.f32 v0, v1;
	_ =	sdelay $0x1  }
0xb4: {  	[tilespmem:s26+$0xFFFFFF10] =	vst v0  }
0xb5: {  	v0 =	vld [tilespmem:s11+$0xFFFFFF20]  }
0xb6: {  	v1 =	vld [tilespmem:s18+$0xFFFFFE30];
	_ =	sdelay $0x4  }
0xb7: {  	v0 =	vadd.f32 v1, v0;
	_ =	sdelay $0x1  }
0xb8: {  	[tilespmem:s26+$0xFFFFFF20] =	vst v0  }
0xb9: {  	v0 =	vld [tilespmem:s11+$0xFFFFFF30]  }
0xba: {  	v1 =	vld [tilespmem:s18+$0xFFFFFE40];
	_ =	sdelay $0x4  }
0xbb: {  	v0 =	vadd.f32 v1, v0;
	_ =	sdelay $0x1  }
0xbc: {  	[tilespmem:s26+$0xFFFFFF30] =	vst v0  }
0xbd: {  	v0 =	vld [tilespmem:s11+$0xFFFFFF40]  }
0xbe: {  	v1 =	vld [tilespmem:s18+$0xFFFFFE50];
	_ =	sdelay $0x4  }
0xbf: {  	v0 =	vadd.f32 v1, v0;
	_ =	sdelay $0x1  }
0xc0: {  	[tilespmem:s26+$0xFFFFFF40] =	vst v0  }
0xc1: {  	v0 =	vld [tilespmem:s11+$0xFFFFFF50]  }
0xc2: {  	v1 =	vld [tilespmem:s18+$0xFFFFFE60];
	_ =	sdelay $0x4  }
0xc3: {  	v0 =	vadd.f32 v1, v0;
	_ =	sdelay $0x1  }
0xc4: {  	[tilespmem:s26+$0xFFFFFF50] =	vst v0  }
0xc5: {  	v0 =	vld [tilespmem:s11+$0xFFFFFF60]  }
0xc6: {  	v1 =	vld [tilespmem:s18+$0xFFFFFE70];
	_ =	sdelay $0x4  }
0xc7: {  	v0 =	vadd.f32 v1, v0;
	_ =	sdelay $0x1  }
0xc8: {  	[tilespmem:s26+$0xFFFFFF60] =	vst v0  }
0xc9: {  	v0 =	vld [tilespmem:s11+$0xFFFFFF70]  }
0xca: {  	v1 =	vld [tilespmem:s18+$0xFFFFFE80];
	_ =	sdelay $0x4  }
0xcb: {  	v0 =	vadd.f32 v1, v0;
	_ =	sdelay $0x1  }
0xcc: {  	[tilespmem:s26+$0xFFFFFF70] =	vst v0  }
0xcd: {  	v0 =	vld [tilespmem:s11+$0xFFFFFF80]  }
0xce: {  	v1 =	vld [tilespmem:s18+$0xFFFFFE90];
	_ =	sdelay $0x4  }
0xcf: {  	v0 =	vadd.f32 v1, v0;
	_ =	sdelay $0x1  }
0xd0: {  	[tilespmem:s26+$0xFFFFFF80] =	vst v0  }
0xd1: {  	v0 =	vld [tilespmem:s11+$0xFFFFFF90]  }
0xd2: {  	v1 =	vld [tilespmem:s18+$0xFFFFFEA0];
	_ =	sdelay $0x4  }
0xd3: {  	v0 =	vadd.f32 v1, v0;
	_ =	sdelay $0x1  }
0xd4: {  	[tilespmem:s26+$0xFFFFFF90] =	vst v0  }
0xd5: {  	v0 =	vld [tilespmem:s11+$0xFFFFFFA0]  }
0xd6: {  	v1 =	vld [tilespmem:s18+$0xFFFFFEB0];
	_ =	sdelay $0x4  }
0xd7: {  	v0 =	vadd.f32 v1, v0;
	_ =	sdelay $0x1  }
0xd8: {  	[tilespmem:s26+$0xFFFFFFA0] =	vst v0  }
0xd9: {  	v0 =	vld [tilespmem:s11+$0xFFFFFFB0]  }
0xda: {  	v1 =	vld [tilespmem:s18+$0xFFFFFEC0];
	_ =	sdelay $0x4  }
0xdb: {  	v0 =	vadd.f32 v1, v0;
	_ =	sdelay $0x1  }
0xdc: {  	[tilespmem:s26+$0xFFFFFFB0] =	vst v0  }
0xdd: {  	v0 =	vld [tilespmem:s11+$0xFFFFFFC0]  }
0xde: {  	v1 =	vld [tilespmem:s18+$0xFFFFFED0];
	_ =	sdelay $0x4  }
0xdf: {  	v0 =	vadd.f32 v1, v0;
	_ =	sdelay $0x1  }
0xe0: {  	[tilespmem:s26+$0xFFFFFFC0] =	vst v0  }
0xe1: {  	v0 =	vld [tilespmem:s11+$0xFFFFFFD0]  }
0xe2: {  	v1 =	vld [tilespmem:s18+$0xFFFFFEE0];
	_ =	sdelay $0x4  }
0xe3: {  	v0 =	vadd.f32 v1, v0;
	_ =	sdelay $0x1  }
0xe4: {  	[tilespmem:s26+$0xFFFFFFD0] =	vst v0  }
0xe5: {  	v0 =	vld [tilespmem:s11+$0xFFFFFFE0]  }
0xe6: {  	v1 =	vld [tilespmem:s18+$0xFFFFFEF0];
	_ =	sdelay $0x4  }
0xe7: {  	v0 =	vadd.f32 v1, v0;
	_ =	sdelay $0x1  }
0xe8: {  	[tilespmem:s26+$0xFFFFFFE0] =	vst v0  }
0xe9: {  	v0 =	vld [tilespmem:s11+$0xFFFFFFF0]  }
0xea: {  	v1 =	vld [tilespmem:s18+$0xFFFFFF00];
	_ =	sdelay $0x4  }
0xeb: {  	v0 =	vadd.f32 v1, v0;
	_ =	sdelay $0x1  }
0xec: {  	[tilespmem:s26+$0xFFFFFFF0] =	vst v0  }
0xed: {  	v0 =	vld [tilespmem:s11+$0x0]  }
0xee: {  	v1 =	vld [tilespmem:s18+$0xFFFFFF10];
	_ =	sdelay $0x4  }
0xef: {  	v0 =	vadd.f32 v1, v0;
	_ =	sdelay $0x1  }
0xf0: {  	[tilespmem:s26+$0x0] =	vst v0  }
0xf1: {  	v0 =	vld [tilespmem:s11+$0x10]  }
0xf2: {  	v1 =	vld [tilespmem:s18+$0xFFFFFF20];
	_ =	sdelay $0x4  }
0xf3: {  	v0 =	vadd.f32 v1, v0;
	_ =	sdelay $0x1  }
0xf4: {  	[tilespmem:s26+$0x10] =	vst v0  }
0xf5: {  	v0 =	vld [tilespmem:s11+$0x20]  }
0xf6: {  	v1 =	vld [tilespmem:s18+$0xFFFFFF30];
	_ =	sdelay $0x4  }
0xf7: {  	v0 =	vadd.f32 v1, v0;
	_ =	sdelay $0x1  }
0xf8: {  	[tilespmem:s26+$0x20] =	vst v0  }
0xf9: {  	v0 =	vld [tilespmem:s11+$0x30]  }
0xfa: {  	v1 =	vld [tilespmem:s18+$0xFFFFFF40];
	_ =	sdelay $0x4  }
0xfb: {  	v0 =	vadd.f32 v1, v0;
	_ =	sdelay $0x1  }
0xfc: {  	[tilespmem:s26+$0x30] =	vst v0  }
0xfd: {  	v0 =	vld [tilespmem:s11+$0x40]  }
0xfe: {  	v1 =	vld [tilespmem:s18+$0xFFFFFF50];
	_ =	sdelay $0x4  }
0xff: {  	v0 =	vadd.f32 v1, v0;
	_ =	sdelay $0x1  }
0x100: {  	[tilespmem:s26+$0x40] =	vst v0  }
0x101: {  	v0 =	vld [tilespmem:s11+$0x50]  }
0x102: {  	v1 =	vld [tilespmem:s18+$0xFFFFFF60];
	_ =	sdelay $0x4  }
0x103: {  	v0 =	vadd.f32 v1, v0;
	_ =	sdelay $0x1  }
0x104: {  	[tilespmem:s26+$0x50] =	vst v0  }
0x105: {  	v0 =	vld [tilespmem:s11+$0x60]  }
0x106: {  	v1 =	vld [tilespmem:s18+$0xFFFFFF70];
	_ =	sdelay $0x4  }
0x107: {  	v0 =	vadd.f32 v1, v0;
	_ =	sdelay $0x1  }
0x108: {  	[tilespmem:s26+$0x60] =	vst v0  }
0x109: {  	v0 =	vld [tilespmem:s11+$0x70]  }
0x10a: {  	v1 =	vld [tilespmem:s18+$0xFFFFFF80];
	_ =	sdelay $0x4  }
0x10b: {  	v0 =	vadd.f32 v1, v0;
	_ =	sdelay $0x1  }
0x10c: {  	[tilespmem:s26+$0x70] =	vst v0  }
0x10d: {  	v0 =	vld [tilespmem:s11+$0x80]  }
0x10e: {  	v1 =	vld [tilespmem:s18+$0xFFFFFF90];
	_ =	sdelay $0x4  }
0x10f: {  	v0 =	vadd.f32 v1, v0;
	_ =	sdelay $0x1  }
0x110: {  	[tilespmem:s26+$0x80] =	vst v0  }
0x111: {  	v0 =	vld [tilespmem:s11+$0x90]  }
0x112: {  	v1 =	vld [tilespmem:s18+$0xFFFFFFA0];
	_ =	sdelay $0x4  }
0x113: {  	v0 =	vadd.f32 v1, v0;
	_ =	sdelay $0x1  }
0x114: {  	[tilespmem:s26+$0x90] =	vst v0  }
0x115: {  	v0 =	vld [tilespmem:s11+$0xA0]  }
0x116: {  	v1 =	vld [tilespmem:s18+$0xFFFFFFB0];
	_ =	sdelay $0x4  }
0x117: {  	v0 =	vadd.f32 v1, v0;
	_ =	sdelay $0x1  }
0x118: {  	[tilespmem:s26+$0xA0] =	vst v0  }
0x119: {  	v0 =	vld [tilespmem:s11+$0xB0]  }
0x11a: {  	v1 =	vld [tilespmem:s18+$0xFFFFFFC0];
	_ =	sdelay $0x4  }
0x11b: {  	v0 =	vadd.f32 v1, v0;
	_ =	sdelay $0x1  }
.Ltmp0:
0x11c: {  	[tilespmem:s26+$0xB0] =	vst v0;
	(pc) =	sbr.rel @p1 .LBB2_3-.Ltmp0, $3  }
0x11d: {  	v0 =	vld [tilespmem:s11+$0xC0]  }
0x11e: {  	v1 =	vld [tilespmem:s18+$0xFFFFFFD0];
	_ =	sdelay $0x1  }
0x11f: {  	s18 =	sadd.s32 $0x200, s18  }
0x120: {  	_ =	sdelay $0x1  }
0x121: {  	v0 =	vadd.f32 v1, v0;
	_ =	sdelay $0x1  }
0x122: {  	[tilespmem:s14+$0xC0] =	vst v0  }
0x123: {  	v0 =	vld [tilespmem:s19+$0xD0]  }
0x124: {  	v1 =	vld [tilespmem:s7+$0xFFFFFFE0];
	_ =	sdelay $0x4  }
0x125: {  	v0 =	vadd.f32 v1, v0;
	_ =	sdelay $0x1  }
0x126: {  	[tilespmem:s14+$0xD0] =	vst v0  }
0x127: {  	v0 =	vld [tilespmem:s19+$0xE0]  }
0x128: {  	v1 =	vld [tilespmem:s7+$0xFFFFFFF0];
	_ =	sdelay $0x4  }
0x129: {  	v0 =	vadd.f32 v1, v0;
	_ =	sdelay $0x1  }
0x12a: {  	[tilespmem:s14+$0xE0] =	vst v0  }
0x12b: {  	v0 =	vld [tilespmem:s19+$0xF0]  }
0x12c: {  	v1 =	vld [tilespmem:s7+$0x0];
	_ =	sdelay $0x4  }
0x12d: {  	v0 =	vadd.f32 v1, v0  }
0x12e: {  	s7 =	sshrl.u32 s13, $0x2  }
0x12f: {  	s21 =	sadd.s32 s3, s8;
	s19 =	simm.s32 $0x7D00;
	s11 =	sadd.s32 $0x200, s7;
	[tilespmem:s14+$0xF0] =	vst v0  }
0x130: {  	[tilespmem:s19], [sflag:$0x1] =	stream.indirect.gather [hbm4b:s6+s22], $0x40, s11, s22, $0xb8;
	[tilespmem:$0x13D00] =	vst v63  }
0x131: {  	s11 =	sshll.u32 s21, $0x3  }
0x132: {  	s26 =	simm.s32 $0xFD00;
	s11 =	sadd.s32 s2, s11  }
0x133: {  	[hbm4b:s11+s4] =	stream.linear.scatter [tilespmem:s26], [sflag:$0x5], $0x2000, $0x38;
	[tilespmem:$0x13D00] =	vst v63  }
0x134: {  	_ =	swait.ge [sflag:s20], $0x2000  }
0x135: {  	[sflag:s20] =	ssyncset.done $0x0  }
0x136: {  	s11 =	simm.s32 @!p0 $0x6;
	[sflag:s20] =	ssyncadd.s32 $0xFFFFE000  }
0x137: {  	_ =	swait.ge @!p0 [sflag:s11], $0x2000  }
0x138: {  	[sflag:s11] =	ssyncset.done @!p0 $0x0  }
0x139: {  	[sflag:s11] =	ssyncadd.s32 @!p0 $0xFFFFE000;
	s11 =	simm.s32 $0x9E00  }
0x13a: {  	v0 =	vld [tilespmem:s11+$0xFFFFFF00]  }
0x13b: {  	v1 =	vld [tilespmem:s10+$0xFFFFFE10];
	_ =	sdelay $0x4  }
0x13c: {  	v0 =	vadd.f32 v1, v0  }
0x13d: {  	s26 =	simm.s32 $0x11E00  }
0x13e: {  	[tilespmem:s26+$0xFFFFFF00] =	vst v0  }
0x13f: {  	v0 =	vld [tilespmem:s10+$0xFFFFFE20]  }
0x140: {  	v1 =	vld [tilespmem:s11+$0xFFFFFF10];
	_ =	sdelay $0x4  }
0x141: {  	v0 =	vadd.f32 v0, v1;
	_ =	sdelay $0x1  }
0x142: {  	[tilespmem:s26+$0xFFFFFF10] =	vst v0  }
0x143: {  	v0 =	vld [tilespmem:s11+$0xFFFFFF20]  }
0x144: {  	v1 =	vld [tilespmem:s10+$0xFFFFFE30];
	_ =	sdelay $0x4  }
0x145: {  	v0 =	vadd.f32 v1, v0;
	_ =	sdelay $0x1  }
0x146: {  	[tilespmem:s26+$0xFFFFFF20] =	vst v0  }
0x147: {  	v0 =	vld [tilespmem:s11+$0xFFFFFF30]  }
0x148: {  	v1 =	vld [tilespmem:s10+$0xFFFFFE40];
	_ =	sdelay $0x4  }
0x149: {  	v0 =	vadd.f32 v1, v0;
	_ =	sdelay $0x1  }
0x14a: {  	[tilespmem:s26+$0xFFFFFF30] =	vst v0  }
0x14b: {  	v0 =	vld [tilespmem:s11+$0xFFFFFF40]  }
0x14c: {  	v1 =	vld [tilespmem:s10+$0xFFFFFE50];
	_ =	sdelay $0x4  }
0x14d: {  	v0 =	vadd.f32 v1, v0;
	_ =	sdelay $0x1  }
0x14e: {  	[tilespmem:s26+$0xFFFFFF40] =	vst v0  }
0x14f: {  	v0 =	vld [tilespmem:s11+$0xFFFFFF50]  }
0x150: {  	v1 =	vld [tilespmem:s10+$0xFFFFFE60];
	_ =	sdelay $0x4  }
0x151: {  	v0 =	vadd.f32 v1, v0;
	_ =	sdelay $0x1  }
0x152: {  	[tilespmem:s26+$0xFFFFFF50] =	vst v0  }
0x153: {  	v0 =	vld [tilespmem:s11+$0xFFFFFF60]  }
0x154: {  	v1 =	vld [tilespmem:s10+$0xFFFFFE70];
	_ =	sdelay $0x4  }
0x155: {  	v0 =	vadd.f32 v1, v0;
	_ =	sdelay $0x1  }
0x156: {  	[tilespmem:s26+$0xFFFFFF60] =	vst v0  }
0x157: {  	v0 =	vld [tilespmem:s11+$0xFFFFFF70]  }
0x158: {  	v1 =	vld [tilespmem:s10+$0xFFFFFE80];
	_ =	sdelay $0x4  }
0x159: {  	v0 =	vadd.f32 v1, v0;
	_ =	sdelay $0x1  }
0x15a: {  	[tilespmem:s26+$0xFFFFFF70] =	vst v0  }
0x15b: {  	v0 =	vld [tilespmem:s11+$0xFFFFFF80]  }
0x15c: {  	v1 =	vld [tilespmem:s10+$0xFFFFFE90];
	_ =	sdelay $0x4  }
0x15d: {  	v0 =	vadd.f32 v1, v0;
	_ =	sdelay $0x1  }
0x15e: {  	[tilespmem:s26+$0xFFFFFF80] =	vst v0  }
0x15f: {  	v0 =	vld [tilespmem:s11+$0xFFFFFF90]  }
0x160: {  	v1 =	vld [tilespmem:s10+$0xFFFFFEA0];
	_ =	sdelay $0x4  }
0x161: {  	v0 =	vadd.f32 v1, v0;
	_ =	sdelay $0x1  }
0x162: {  	[tilespmem:s26+$0xFFFFFF90] =	vst v0  }
0x163: {  	v0 =	vld [tilespmem:s11+$0xFFFFFFA0]  }
0x164: {  	v1 =	vld [tilespmem:s10+$0xFFFFFEB0];
	_ =	sdelay $0x4  }
0x165: {  	v0 =	vadd.f32 v1, v0;
	_ =	sdelay $0x1  }
0x166: {  	[tilespmem:s26+$0xFFFFFFA0] =	vst v0  }
0x167: {  	v0 =	vld [tilespmem:s11+$0xFFFFFFB0]  }
0x168: {  	v1 =	vld [tilespmem:s10+$0xFFFFFEC0];
	_ =	sdelay $0x4  }
0x169: {  	v0 =	vadd.f32 v1, v0;
	_ =	sdelay $0x1  }
0x16a: {  	[tilespmem:s26+$0xFFFFFFB0] =	vst v0  }
0x16b: {  	v0 =	vld [tilespmem:s11+$0xFFFFFFC0]  }
0x16c: {  	v1 =	vld [tilespmem:s10+$0xFFFFFED0];
	_ =	sdelay $0x4  }
0x16d: {  	v0 =	vadd.f32 v1, v0;
	_ =	sdelay $0x1  }
0x16e: {  	[tilespmem:s26+$0xFFFFFFC0] =	vst v0  }
0x16f: {  	v0 =	vld [tilespmem:s11+$0xFFFFFFD0]  }
0x170: {  	v1 =	vld [tilespmem:s10+$0xFFFFFEE0];
	_ =	sdelay $0x4  }
0x171: {  	v0 =	vadd.f32 v1, v0;
	_ =	sdelay $0x1  }
0x172: {  	[tilespmem:s26+$0xFFFFFFD0] =	vst v0  }
0x173: {  	v0 =	vld [tilespmem:s11+$0xFFFFFFE0]  }
0x174: {  	v1 =	vld [tilespmem:s10+$0xFFFFFEF0];
	_ =	sdelay $0x4  }
0x175: {  	v0 =	vadd.f32 v1, v0;
	_ =	sdelay $0x1  }
0x176: {  	[tilespmem:s26+$0xFFFFFFE0] =	vst v0  }
0x177: {  	v0 =	vld [tilespmem:s11+$0xFFFFFFF0]  }
0x178: {  	v1 =	vld [tilespmem:s10+$0xFFFFFF00];
	_ =	sdelay $0x4  }
0x179: {  	v0 =	vadd.f32 v1, v0;
	_ =	sdelay $0x1  }
0x17a: {  	[tilespmem:s26+$0xFFFFFFF0] =	vst v0  }
0x17b: {  	v0 =	vld [tilespmem:s11+$0x0]  }
0x17c: {  	v1 =	vld [tilespmem:s10+$0xFFFFFF10];
	_ =	sdelay $0x4  }
0x17d: {  	v0 =	vadd.f32 v1, v0;
	_ =	sdelay $0x1  }
0x17e: {  	[tilespmem:s26+$0x0] =	vst v0  }
0x17f: {  	v0 =	vld [tilespmem:s11+$0x10]  }
0x180: {  	v1 =	vld [tilespmem:s10+$0xFFFFFF20];
	_ =	sdelay $0x4  }
0x181: {  	v0 =	vadd.f32 v1, v0;
	_ =	sdelay $0x1  }
0x182: {  	[tilespmem:s26+$0x10] =	vst v0  }
0x183: {  	v0 =	vld [tilespmem:s11+$0x20]  }
0x184: {  	v1 =	vld [tilespmem:s10+$0xFFFFFF30];
	_ =	sdelay $0x4  }
0x185: {  	v0 =	vadd.f32 v1, v0;
	_ =	sdelay $0x1  }
0x186: {  	[tilespmem:s26+$0x20] =	vst v0  }
0x187: {  	v0 =	vld [tilespmem:s11+$0x30]  }
0x188: {  	v1 =	vld [tilespmem:s10+$0xFFFFFF40];
	_ =	sdelay $0x4  }
0x189: {  	v0 =	vadd.f32 v1, v0;
	_ =	sdelay $0x1  }
0x18a: {  	[tilespmem:s26+$0x30] =	vst v0  }
0x18b: {  	v0 =	vld [tilespmem:s11+$0x40]  }
0x18c: {  	v1 =	vld [tilespmem:s10+$0xFFFFFF50];
	_ =	sdelay $0x4  }
0x18d: {  	v0 =	vadd.f32 v1, v0;
	_ =	sdelay $0x1  }
0x18e: {  	[tilespmem:s26+$0x40] =	vst v0  }
0x18f: {  	v0 =	vld [tilespmem:s11+$0x50]  }
0x190: {  	v1 =	vld [tilespmem:s10+$0xFFFFFF60];
	_ =	sdelay $0x4  }
0x191: {  	v0 =	vadd.f32 v1, v0;
	_ =	sdelay $0x1  }
0x192: {  	[tilespmem:s26+$0x50] =	vst v0  }
0x193: {  	v0 =	vld [tilespmem:s11+$0x60]  }
0x194: {  	v1 =	vld [tilespmem:s10+$0xFFFFFF70];
	_ =	sdelay $0x4  }
0x195: {  	v0 =	vadd.f32 v1, v0;
	_ =	sdelay $0x1  }
0x196: {  	[tilespmem:s26+$0x60] =	vst v0  }
0x197: {  	v0 =	vld [tilespmem:s11+$0x70]  }
0x198: {  	v1 =	vld [tilespmem:s10+$0xFFFFFF80];
	_ =	sdelay $0x4  }
0x199: {  	v0 =	vadd.f32 v1, v0;
	_ =	sdelay $0x1  }
0x19a: {  	[tilespmem:s26+$0x70] =	vst v0  }
0x19b: {  	v0 =	vld [tilespmem:s11+$0x80]  }
0x19c: {  	v1 =	vld [tilespmem:s10+$0xFFFFFF90];
	_ =	sdelay $0x4  }
0x19d: {  	v0 =	vadd.f32 v1, v0;
	_ =	sdelay $0x1  }
0x19e: {  	[tilespmem:s26+$0x80] =	vst v0  }
0x19f: {  	v0 =	vld [tilespmem:s11+$0x90]  }
0x1a0: {  	v1 =	vld [tilespmem:s10+$0xFFFFFFA0];
	_ =	sdelay $0x4  }
0x1a1: {  	v0 =	vadd.f32 v1, v0;
	_ =	sdelay $0x1  }
0x1a2: {  	[tilespmem:s26+$0x90] =	vst v0  }
0x1a3: {  	v0 =	vld [tilespmem:s11+$0xA0]  }
0x1a4: {  	v1 =	vld [tilespmem:s10+$0xFFFFFFB0];
	_ =	sdelay $0x4  }
0x1a5: {  	v0 =	vadd.f32 v1, v0;
	_ =	sdelay $0x1  }
0x1a6: {  	[tilespmem:s26+$0xA0] =	vst v0  }
0x1a7: {  	v0 =	vld [tilespmem:s11+$0xB0]  }
0x1a8: {  	v1 =	vld [tilespmem:s10+$0xFFFFFFC0];
	_ =	sdelay $0x4  }
0x1a9: {  	v0 =	vadd.f32 v1, v0;
	_ =	sdelay $0x1  }
0x1aa: {  	[tilespmem:s26+$0xB0] =	vst v0  }
0x1ab: {  	v0 =	vld [tilespmem:s11+$0xC0]  }
0x1ac: {  	v1 =	vld [tilespmem:s10+$0xFFFFFFD0]  }
0x1ad: {  	s18 =	sadd.s32 $0x200, s10;
	s13 =	sor.u32 $0x80, s8  }
0x1ae: {  	s14 =	simm.s32 $0x11E00;
	s21 =	simm.s32 $0x0;
	s19 =	simm.s32 $0x9E00  }
.LBB2_5:
0x1af: {  	s21 =	sadd.s32 $0x8, s21;
	s11 =	sadd.s32 $0x200, s11;
	s26 =	sadd.s32 $0x200, s26  }
0x1b0: {  	p0 =	slt.u32 s21, $0x78  }
0x1b1: {  	v0 =	vadd.f32 v1, v0;
	_ =	sdelay $0x1  }
0x1b2: {  	[tilespmem:s14+$0xC0] =	vst v0  }
0x1b3: {  	v0 =	vld [tilespmem:s19+$0xD0]  }
0x1b4: {  	v1 =	vld [tilespmem:s10+$0xFFFFFFE0];
	_ =	sdelay $0x4  }
0x1b5: {  	v0 =	vadd.f32 v1, v0;
	_ =	sdelay $0x1  }
0x1b6: {  	[tilespmem:s14+$0xD0] =	vst v0  }
0x1b7: {  	v0 =	vld [tilespmem:s19+$0xE0]  }
0x1b8: {  	v1 =	vld [tilespmem:s10+$0xFFFFFFF0];
	_ =	sdelay $0x4  }
0x1b9: {  	v0 =	vadd.f32 v1, v0;
	_ =	sdelay $0x1  }
0x1ba: {  	[tilespmem:s14+$0xE0] =	vst v0  }
0x1bb: {  	v0 =	vld [tilespmem:s19+$0xF0];
	s19 =	smov.u32 s11  }
0x1bc: {  	v1 =	vld [tilespmem:s10+$0x0];
	s10 =	smov.u32 s18;
	_ =	sdelay $0x4  }
0x1bd: {  	v0 =	vadd.f32 v1, v0;
	_ =	sdelay $0x1  }
0x1be: {  	[tilespmem:s14+$0xF0] =	vst v0;
	s14 =	smov.u32 s26  }
0x1bf: {  	v0 =	vld [tilespmem:s11+$0xFFFFFF00]  }
0x1c0: {  	v1 =	vld [tilespmem:s18+$0xFFFFFE10];
	_ =	sdelay $0x4  }
0x1c1: {  	v0 =	vadd.f32 v1, v0;
	_ =	sdelay $0x1  }
0x1c2: {  	[tilespmem:s26+$0xFFFFFF00] =	vst v0  }
0x1c3: {  	v0 =	vld [tilespmem:s18+$0xFFFFFE20]  }
0x1c4: {  	v1 =	vld [tilespmem:s11+$0xFFFFFF10];
	_ =	sdelay $0x4  }
0x1c5: {  	v0 =	vadd.f32 v0, v1;
	_ =	sdelay $0x1  }
0x1c6: {  	[tilespmem:s26+$0xFFFFFF10] =	vst v0  }
0x1c7: {  	v0 =	vld [tilespmem:s11+$0xFFFFFF20]  }
0x1c8: {  	v1 =	vld [tilespmem:s18+$0xFFFFFE30];
	_ =	sdelay $0x4  }
0x1c9: {  	v0 =	vadd.f32 v1, v0;
	_ =	sdelay $0x1  }
0x1ca: {  	[tilespmem:s26+$0xFFFFFF20] =	vst v0  }
0x1cb: {  	v0 =	vld [tilespmem:s11+$0xFFFFFF30]  }
0x1cc: {  	v1 =	vld [tilespmem:s18+$0xFFFFFE40];
	_ =	sdelay $0x4  }
0x1cd: {  	v0 =	vadd.f32 v1, v0;
	_ =	sdelay $0x1  }
0x1ce: {  	[tilespmem:s26+$0xFFFFFF30] =	vst v0  }
0x1cf: {  	v0 =	vld [tilespmem:s11+$0xFFFFFF40]  }
0x1d0: {  	v1 =	vld [tilespmem:s18+$0xFFFFFE50];
	_ =	sdelay $0x4  }
0x1d1: {  	v0 =	vadd.f32 v1, v0;
	_ =	sdelay $0x1  }
0x1d2: {  	[tilespmem:s26+$0xFFFFFF40] =	vst v0  }
0x1d3: {  	v0 =	vld [tilespmem:s11+$0xFFFFFF50]  }
0x1d4: {  	v1 =	vld [tilespmem:s18+$0xFFFFFE60];
	_ =	sdelay $0x4  }
0x1d5: {  	v0 =	vadd.f32 v1, v0;
	_ =	sdelay $0x1  }
0x1d6: {  	[tilespmem:s26+$0xFFFFFF50] =	vst v0  }
0x1d7: {  	v0 =	vld [tilespmem:s11+$0xFFFFFF60]  }
0x1d8: {  	v1 =	vld [tilespmem:s18+$0xFFFFFE70];
	_ =	sdelay $0x4  }
0x1d9: {  	v0 =	vadd.f32 v1, v0;
	_ =	sdelay $0x1  }
0x1da: {  	[tilespmem:s26+$0xFFFFFF60] =	vst v0  }
0x1db: {  	v0 =	vld [tilespmem:s11+$0xFFFFFF70]  }
0x1dc: {  	v1 =	vld [tilespmem:s18+$0xFFFFFE80];
	_ =	sdelay $0x4  }
0x1dd: {  	v0 =	vadd.f32 v1, v0;
	_ =	sdelay $0x1  }
0x1de: {  	[tilespmem:s26+$0xFFFFFF70] =	vst v0  }
0x1df: {  	v0 =	vld [tilespmem:s11+$0xFFFFFF80]  }
0x1e0: {  	v1 =	vld [tilespmem:s18+$0xFFFFFE90];
	_ =	sdelay $0x4  }
0x1e1: {  	v0 =	vadd.f32 v1, v0;
	_ =	sdelay $0x1  }
0x1e2: {  	[tilespmem:s26+$0xFFFFFF80] =	vst v0  }
0x1e3: {  	v0 =	vld [tilespmem:s11+$0xFFFFFF90]  }
0x1e4: {  	v1 =	vld [tilespmem:s18+$0xFFFFFEA0];
	_ =	sdelay $0x4  }
0x1e5: {  	v0 =	vadd.f32 v1, v0;
	_ =	sdelay $0x1  }
0x1e6: {  	[tilespmem:s26+$0xFFFFFF90] =	vst v0  }
0x1e7: {  	v0 =	vld [tilespmem:s11+$0xFFFFFFA0]  }
0x1e8: {  	v1 =	vld [tilespmem:s18+$0xFFFFFEB0];
	_ =	sdelay $0x4  }
0x1e9: {  	v0 =	vadd.f32 v1, v0;
	_ =	sdelay $0x1  }
0x1ea: {  	[tilespmem:s26+$0xFFFFFFA0] =	vst v0  }
0x1eb: {  	v0 =	vld [tilespmem:s11+$0xFFFFFFB0]  }
0x1ec: {  	v1 =	vld [tilespmem:s18+$0xFFFFFEC0];
	_ =	sdelay $0x4  }
0x1ed: {  	v0 =	vadd.f32 v1, v0;
	_ =	sdelay $0x1  }
0x1ee: {  	[tilespmem:s26+$0xFFFFFFB0] =	vst v0  }
0x1ef: {  	v0 =	vld [tilespmem:s11+$0xFFFFFFC0]  }
0x1f0: {  	v1 =	vld [tilespmem:s18+$0xFFFFFED0];
	_ =	sdelay $0x4  }
0x1f1: {  	v0 =	vadd.f32 v1, v0;
	_ =	sdelay $0x1  }
0x1f2: {  	[tilespmem:s26+$0xFFFFFFC0] =	vst v0  }
0x1f3: {  	v0 =	vld [tilespmem:s11+$0xFFFFFFD0]  }
0x1f4: {  	v1 =	vld [tilespmem:s18+$0xFFFFFEE0];
	_ =	sdelay $0x4  }
0x1f5: {  	v0 =	vadd.f32 v1, v0;
	_ =	sdelay $0x1  }
0x1f6: {  	[tilespmem:s26+$0xFFFFFFD0] =	vst v0  }
0x1f7: {  	v0 =	vld [tilespmem:s11+$0xFFFFFFE0]  }
0x1f8: {  	v1 =	vld [tilespmem:s18+$0xFFFFFEF0];
	_ =	sdelay $0x4  }
0x1f9: {  	v0 =	vadd.f32 v1, v0;
	_ =	sdelay $0x1  }
0x1fa: {  	[tilespmem:s26+$0xFFFFFFE0] =	vst v0  }
0x1fb: {  	v0 =	vld [tilespmem:s11+$0xFFFFFFF0]  }
0x1fc: {  	v1 =	vld [tilespmem:s18+$0xFFFFFF00];
	_ =	sdelay $0x4  }
0x1fd: {  	v0 =	vadd.f32 v1, v0;
	_ =	sdelay $0x1  }
0x1fe: {  	[tilespmem:s26+$0xFFFFFFF0] =	vst v0  }
0x1ff: {  	v0 =	vld [tilespmem:s11+$0x0]  }
0x200: {  	v1 =	vld [tilespmem:s18+$0xFFFFFF10];
	_ =	sdelay $0x4  }
0x201: {  	v0 =	vadd.f32 v1, v0;
	_ =	sdelay $0x1  }
0x202: {  	[tilespmem:s26+$0x0] =	vst v0  }
0x203: {  	v0 =	vld [tilespmem:s11+$0x10]  }
0x204: {  	v1 =	vld [tilespmem:s18+$0xFFFFFF20];
	_ =	sdelay $0x4  }
0x205: {  	v0 =	vadd.f32 v1, v0;
	_ =	sdelay $0x1  }
0x206: {  	[tilespmem:s26+$0x10] =	vst v0  }
0x207: {  	v0 =	vld [tilespmem:s11+$0x20]  }
0x208: {  	v1 =	vld [tilespmem:s18+$0xFFFFFF30];
	_ =	sdelay $0x4  }
0x209: {  	v0 =	vadd.f32 v1, v0;
	_ =	sdelay $0x1  }
0x20a: {  	[tilespmem:s26+$0x20] =	vst v0  }
0x20b: {  	v0 =	vld [tilespmem:s11+$0x30]  }
0x20c: {  	v1 =	vld [tilespmem:s18+$0xFFFFFF40];
	_ =	sdelay $0x4  }
0x20d: {  	v0 =	vadd.f32 v1, v0;
	_ =	sdelay $0x1  }
0x20e: {  	[tilespmem:s26+$0x30] =	vst v0  }
0x20f: {  	v0 =	vld [tilespmem:s11+$0x40]  }
0x210: {  	v1 =	vld [tilespmem:s18+$0xFFFFFF50];
	_ =	sdelay $0x4  }
0x211: {  	v0 =	vadd.f32 v1, v0;
	_ =	sdelay $0x1  }
0x212: {  	[tilespmem:s26+$0x40] =	vst v0  }
0x213: {  	v0 =	vld [tilespmem:s11+$0x50]  }
0x214: {  	v1 =	vld [tilespmem:s18+$0xFFFFFF60];
	_ =	sdelay $0x4  }
0x215: {  	v0 =	vadd.f32 v1, v0;
	_ =	sdelay $0x1  }
0x216: {  	[tilespmem:s26+$0x50] =	vst v0  }
0x217: {  	v0 =	vld [tilespmem:s11+$0x60]  }
0x218: {  	v1 =	vld [tilespmem:s18+$0xFFFFFF70];
	_ =	sdelay $0x4  }
0x219: {  	v0 =	vadd.f32 v1, v0;
	_ =	sdelay $0x1  }
0x21a: {  	[tilespmem:s26+$0x60] =	vst v0  }
0x21b: {  	v0 =	vld [tilespmem:s11+$0x70]  }
0x21c: {  	v1 =	vld [tilespmem:s18+$0xFFFFFF80];
	_ =	sdelay $0x4  }
0x21d: {  	v0 =	vadd.f32 v1, v0;
	_ =	sdelay $0x1  }
0x21e: {  	[tilespmem:s26+$0x70] =	vst v0  }
0x21f: {  	v0 =	vld [tilespmem:s11+$0x80]  }
0x220: {  	v1 =	vld [tilespmem:s18+$0xFFFFFF90];
	_ =	sdelay $0x4  }
0x221: {  	v0 =	vadd.f32 v1, v0;
	_ =	sdelay $0x1  }
0x222: {  	[tilespmem:s26+$0x80] =	vst v0  }
0x223: {  	v0 =	vld [tilespmem:s11+$0x90]  }
0x224: {  	v1 =	vld [tilespmem:s18+$0xFFFFFFA0];
	_ =	sdelay $0x4  }
0x225: {  	v0 =	vadd.f32 v1, v0;
	_ =	sdelay $0x1  }
0x226: {  	[tilespmem:s26+$0x90] =	vst v0  }
0x227: {  	v0 =	vld [tilespmem:s11+$0xA0]  }
0x228: {  	v1 =	vld [tilespmem:s18+$0xFFFFFFB0];
	_ =	sdelay $0x4  }
0x229: {  	v0 =	vadd.f32 v1, v0;
	_ =	sdelay $0x1  }
0x22a: {  	[tilespmem:s26+$0xA0] =	vst v0  }
0x22b: {  	v0 =	vld [tilespmem:s11+$0xB0]  }
0x22c: {  	v1 =	vld [tilespmem:s18+$0xFFFFFFC0];
	_ =	sdelay $0x4  }
0x22d: {  	v0 =	vadd.f32 v1, v0;
	_ =	sdelay $0x1  }
.Ltmp1:
0x22e: {  	[tilespmem:s26+$0xB0] =	vst v0;
	(pc) =	sbr.rel @p0 .LBB2_5-.Ltmp1, $3  }
0x22f: {  	v0 =	vld [tilespmem:s11+$0xC0]  }
0x230: {  	v1 =	vld [tilespmem:s18+$0xFFFFFFD0];
	_ =	sdelay $0x1  }
0x231: {  	s18 =	sadd.s32 $0x200, s18  }
0x232: {  	_ =	sdelay $0x1  }
0x233: {  	v0 =	vadd.f32 v1, v0;
	_ =	sdelay $0x1  }
0x234: {  	[tilespmem:s14+$0xC0] =	vst v0  }
0x235: {  	v0 =	vld [tilespmem:s19+$0xD0]  }
0x236: {  	v1 =	vld [tilespmem:s10+$0xFFFFFFE0];
	_ =	sdelay $0x4  }
0x237: {  	v0 =	vadd.f32 v1, v0;
	_ =	sdelay $0x1  }
0x238: {  	[tilespmem:s14+$0xD0] =	vst v0  }
0x239: {  	v0 =	vld [tilespmem:s19+$0xE0]  }
0x23a: {  	v1 =	vld [tilespmem:s10+$0xFFFFFFF0];
	_ =	sdelay $0x4  }
0x23b: {  	v0 =	vadd.f32 v1, v0;
	_ =	sdelay $0x1  }
0x23c: {  	[tilespmem:s14+$0xE0] =	vst v0  }
0x23d: {  	v0 =	vld [tilespmem:s19+$0xF0]  }
0x23e: {  	v1 =	vld [tilespmem:s10+$0x0];
	_ =	sdelay $0x4  }
0x23f: {  	s21 =	sadd.s32 s3, s13;
	v0 =	vadd.f32 v1, v0  }
0x240: {  	s10 =	sshll.u32 s21, $0x3  }
0x241: {  	s11 =	simm.s32 $0x9D00;
	s19 =	sadd.s32 $0x280, s7;
	s10 =	sand.u32 $0x1FFFFC00, s10;
	[tilespmem:s14+$0xF0] =	vst v0  }
0x242: {  	[tilespmem:s11], [sflag:$0x2] =	stream.indirect.gather [hbm4b:s6+s22], $0x40, s19, s22, $0xb8;
	[tilespmem:$0x13D00] =	vst v63  }
0x243: {  	s26 =	simm.s32 $0x3;
	s21 =	simm.s32 $0x11D00;
	s10 =	sadd.s32 s2, s10  }
0x244: {  	[hbm4b:s10+s4] =	stream.linear.scatter [tilespmem:s21], [sflag:$0x6], $0x2000, $0x38;
	[tilespmem:$0x13D00] =	vst v63  }
0x245: {  	_ =	swait.ge [sflag:s26], $0x2000  }
0x246: {  	[sflag:s26] =	ssyncset.done $0x0  }
0x247: {  	[sflag:s26] =	ssyncadd.s32 $0xFFFFE000  }
0x248: {  	_ =	swait.ge [sflag:s23], $0x2000  }
0x249: {  	[sflag:s23] =	ssyncset.done $0x0  }
0x24a: {  	s10 =	simm.s32 $0xBE00;
	[sflag:s23] =	ssyncadd.s32 $0xFFFFE000  }
0x24b: {  	v0 =	vld [tilespmem:s10+$0xFFFFFF00]  }
0x24c: {  	v1 =	vld [tilespmem:s9+$0xFFFFFE10];
	_ =	sdelay $0x4  }
0x24d: {  	v0 =	vadd.f32 v1, v0  }
0x24e: {  	s11 =	simm.s32 $0xFE00  }
0x24f: {  	[tilespmem:s11+$0xFFFFFF00] =	vst v0  }
0x250: {  	v0 =	vld [tilespmem:s9+$0xFFFFFE20]  }
0x251: {  	v1 =	vld [tilespmem:s10+$0xFFFFFF10];
	_ =	sdelay $0x4  }
0x252: {  	v0 =	vadd.f32 v0, v1;
	_ =	sdelay $0x1  }
0x253: {  	[tilespmem:s11+$0xFFFFFF10] =	vst v0  }
0x254: {  	v0 =	vld [tilespmem:s10+$0xFFFFFF20]  }
0x255: {  	v1 =	vld [tilespmem:s9+$0xFFFFFE30];
	_ =	sdelay $0x4  }
0x256: {  	v0 =	vadd.f32 v1, v0;
	_ =	sdelay $0x1  }
0x257: {  	[tilespmem:s11+$0xFFFFFF20] =	vst v0  }
0x258: {  	v0 =	vld [tilespmem:s10+$0xFFFFFF30]  }
0x259: {  	v1 =	vld [tilespmem:s9+$0xFFFFFE40];
	_ =	sdelay $0x4  }
0x25a: {  	v0 =	vadd.f32 v1, v0;
	_ =	sdelay $0x1  }
0x25b: {  	[tilespmem:s11+$0xFFFFFF30] =	vst v0  }
0x25c: {  	v0 =	vld [tilespmem:s10+$0xFFFFFF40]  }
0x25d: {  	v1 =	vld [tilespmem:s9+$0xFFFFFE50];
	_ =	sdelay $0x4  }
0x25e: {  	v0 =	vadd.f32 v1, v0;
	_ =	sdelay $0x1  }
0x25f: {  	[tilespmem:s11+$0xFFFFFF40] =	vst v0  }
0x260: {  	v0 =	vld [tilespmem:s10+$0xFFFFFF50]  }
0x261: {  	v1 =	vld [tilespmem:s9+$0xFFFFFE60];
	_ =	sdelay $0x4  }
0x262: {  	v0 =	vadd.f32 v1, v0;
	_ =	sdelay $0x1  }
0x263: {  	[tilespmem:s11+$0xFFFFFF50] =	vst v0  }
0x264: {  	v0 =	vld [tilespmem:s10+$0xFFFFFF60]  }
0x265: {  	v1 =	vld [tilespmem:s9+$0xFFFFFE70];
	_ =	sdelay $0x4  }
0x266: {  	v0 =	vadd.f32 v1, v0;
	_ =	sdelay $0x1  }
0x267: {  	[tilespmem:s11+$0xFFFFFF60] =	vst v0  }
0x268: {  	v0 =	vld [tilespmem:s10+$0xFFFFFF70]  }
0x269: {  	v1 =	vld [tilespmem:s9+$0xFFFFFE80];
	_ =	sdelay $0x4  }
0x26a: {  	v0 =	vadd.f32 v1, v0;
	_ =	sdelay $0x1  }
0x26b: {  	[tilespmem:s11+$0xFFFFFF70] =	vst v0  }
0x26c: {  	v0 =	vld [tilespmem:s10+$0xFFFFFF80]  }
0x26d: {  	v1 =	vld [tilespmem:s9+$0xFFFFFE90];
	_ =	sdelay $0x4  }
0x26e: {  	v0 =	vadd.f32 v1, v0;
	_ =	sdelay $0x1  }
0x26f: {  	[tilespmem:s11+$0xFFFFFF80] =	vst v0  }
0x270: {  	v0 =	vld [tilespmem:s10+$0xFFFFFF90]  }
0x271: {  	v1 =	vld [tilespmem:s9+$0xFFFFFEA0];
	_ =	sdelay $0x4  }
0x272: {  	v0 =	vadd.f32 v1, v0;
	_ =	sdelay $0x1  }
0x273: {  	[tilespmem:s11+$0xFFFFFF90] =	vst v0  }
0x274: {  	v0 =	vld [tilespmem:s10+$0xFFFFFFA0]  }
0x275: {  	v1 =	vld [tilespmem:s9+$0xFFFFFEB0];
	_ =	sdelay $0x4  }
0x276: {  	v0 =	vadd.f32 v1, v0;
	_ =	sdelay $0x1  }
0x277: {  	[tilespmem:s11+$0xFFFFFFA0] =	vst v0  }
0x278: {  	v0 =	vld [tilespmem:s10+$0xFFFFFFB0]  }
0x279: {  	v1 =	vld [tilespmem:s9+$0xFFFFFEC0];
	_ =	sdelay $0x4  }
0x27a: {  	v0 =	vadd.f32 v1, v0;
	_ =	sdelay $0x1  }
0x27b: {  	[tilespmem:s11+$0xFFFFFFB0] =	vst v0  }
0x27c: {  	v0 =	vld [tilespmem:s10+$0xFFFFFFC0]  }
0x27d: {  	v1 =	vld [tilespmem:s9+$0xFFFFFED0];
	_ =	sdelay $0x4  }
0x27e: {  	v0 =	vadd.f32 v1, v0;
	_ =	sdelay $0x1  }
0x27f: {  	[tilespmem:s11+$0xFFFFFFC0] =	vst v0  }
0x280: {  	v0 =	vld [tilespmem:s10+$0xFFFFFFD0]  }
0x281: {  	v1 =	vld [tilespmem:s9+$0xFFFFFEE0];
	_ =	sdelay $0x4  }
0x282: {  	v0 =	vadd.f32 v1, v0;
	_ =	sdelay $0x1  }
0x283: {  	[tilespmem:s11+$0xFFFFFFD0] =	vst v0  }
0x284: {  	v0 =	vld [tilespmem:s10+$0xFFFFFFE0]  }
0x285: {  	v1 =	vld [tilespmem:s9+$0xFFFFFEF0];
	_ =	sdelay $0x4  }
0x286: {  	v0 =	vadd.f32 v1, v0;
	_ =	sdelay $0x1  }
0x287: {  	[tilespmem:s11+$0xFFFFFFE0] =	vst v0  }
0x288: {  	v0 =	vld [tilespmem:s10+$0xFFFFFFF0]  }
0x289: {  	v1 =	vld [tilespmem:s9+$0xFFFFFF00];
	_ =	sdelay $0x4  }
0x28a: {  	v0 =	vadd.f32 v1, v0;
	_ =	sdelay $0x1  }
0x28b: {  	[tilespmem:s11+$0xFFFFFFF0] =	vst v0  }
0x28c: {  	v0 =	vld [tilespmem:s10+$0x0]  }
0x28d: {  	v1 =	vld [tilespmem:s9+$0xFFFFFF10];
	_ =	sdelay $0x4  }
0x28e: {  	v0 =	vadd.f32 v1, v0;
	_ =	sdelay $0x1  }
0x28f: {  	[tilespmem:s11+$0x0] =	vst v0  }
0x290: {  	v0 =	vld [tilespmem:s10+$0x10]  }
0x291: {  	v1 =	vld [tilespmem:s9+$0xFFFFFF20];
	_ =	sdelay $0x4  }
0x292: {  	v0 =	vadd.f32 v1, v0;
	_ =	sdelay $0x1  }
0x293: {  	[tilespmem:s11+$0x10] =	vst v0  }
0x294: {  	v0 =	vld [tilespmem:s10+$0x20]  }
0x295: {  	v1 =	vld [tilespmem:s9+$0xFFFFFF30];
	_ =	sdelay $0x4  }
0x296: {  	v0 =	vadd.f32 v1, v0;
	_ =	sdelay $0x1  }
0x297: {  	[tilespmem:s11+$0x20] =	vst v0  }
0x298: {  	v0 =	vld [tilespmem:s10+$0x30]  }
0x299: {  	v1 =	vld [tilespmem:s9+$0xFFFFFF40];
	_ =	sdelay $0x4  }
0x29a: {  	v0 =	vadd.f32 v1, v0;
	_ =	sdelay $0x1  }
0x29b: {  	[tilespmem:s11+$0x30] =	vst v0  }
0x29c: {  	v0 =	vld [tilespmem:s10+$0x40]  }
0x29d: {  	v1 =	vld [tilespmem:s9+$0xFFFFFF50];
	_ =	sdelay $0x4  }
0x29e: {  	v0 =	vadd.f32 v1, v0;
	_ =	sdelay $0x1  }
0x29f: {  	[tilespmem:s11+$0x40] =	vst v0  }
0x2a0: {  	v0 =	vld [tilespmem:s10+$0x50]  }
0x2a1: {  	v1 =	vld [tilespmem:s9+$0xFFFFFF60];
	_ =	sdelay $0x4  }
0x2a2: {  	v0 =	vadd.f32 v1, v0;
	_ =	sdelay $0x1  }
0x2a3: {  	[tilespmem:s11+$0x50] =	vst v0  }
0x2a4: {  	v0 =	vld [tilespmem:s10+$0x60]  }
0x2a5: {  	v1 =	vld [tilespmem:s9+$0xFFFFFF70];
	_ =	sdelay $0x4  }
0x2a6: {  	v0 =	vadd.f32 v1, v0;
	_ =	sdelay $0x1  }
0x2a7: {  	[tilespmem:s11+$0x60] =	vst v0  }
0x2a8: {  	v0 =	vld [tilespmem:s10+$0x70]  }
0x2a9: {  	v1 =	vld [tilespmem:s9+$0xFFFFFF80];
	_ =	sdelay $0x4  }
0x2aa: {  	v0 =	vadd.f32 v1, v0;
	_ =	sdelay $0x1  }
0x2ab: {  	[tilespmem:s11+$0x70] =	vst v0  }
0x2ac: {  	v0 =	vld [tilespmem:s10+$0x80]  }
0x2ad: {  	v1 =	vld [tilespmem:s9+$0xFFFFFF90];
	_ =	sdelay $0x4  }
0x2ae: {  	v0 =	vadd.f32 v1, v0;
	_ =	sdelay $0x1  }
0x2af: {  	[tilespmem:s11+$0x80] =	vst v0  }
0x2b0: {  	v0 =	vld [tilespmem:s10+$0x90]  }
0x2b1: {  	v1 =	vld [tilespmem:s9+$0xFFFFFFA0];
	_ =	sdelay $0x4  }
0x2b2: {  	v0 =	vadd.f32 v1, v0;
	_ =	sdelay $0x1  }
0x2b3: {  	[tilespmem:s11+$0x90] =	vst v0  }
0x2b4: {  	v0 =	vld [tilespmem:s10+$0xA0]  }
0x2b5: {  	v1 =	vld [tilespmem:s9+$0xFFFFFFB0];
	_ =	sdelay $0x4  }
0x2b6: {  	v0 =	vadd.f32 v1, v0;
	_ =	sdelay $0x1  }
0x2b7: {  	[tilespmem:s11+$0xA0] =	vst v0  }
0x2b8: {  	v0 =	vld [tilespmem:s10+$0xB0]  }
0x2b9: {  	v1 =	vld [tilespmem:s9+$0xFFFFFFC0];
	_ =	sdelay $0x4  }
0x2ba: {  	v0 =	vadd.f32 v1, v0;
	_ =	sdelay $0x1  }
0x2bb: {  	[tilespmem:s11+$0xB0] =	vst v0  }
0x2bc: {  	v0 =	vld [tilespmem:s10+$0xC0]  }
0x2bd: {  	v1 =	vld [tilespmem:s9+$0xFFFFFFD0]  }
0x2be: {  	s18 =	sadd.s32 $0x200, s9;
	s13 =	simm.s32 $0xFE00  }
0x2bf: {  	s14 =	simm.s32 $0xBE00;
	s19 =	simm.s32 $0x0;
	s26 =	sor.u32 $0x100, s8  }
.LBB2_7:
0x2c0: {  	s19 =	sadd.s32 $0x8, s19;
	s10 =	sadd.s32 $0x200, s10;
	s11 =	sadd.s32 $0x200, s11  }
0x2c1: {  	p0 =	slt.u32 s19, $0x78  }
0x2c2: {  	v0 =	vadd.f32 v1, v0;
	_ =	sdelay $0x1  }
0x2c3: {  	[tilespmem:s13+$0xC0] =	vst v0  }
0x2c4: {  	v0 =	vld [tilespmem:s14+$0xD0]  }
0x2c5: {  	v1 =	vld [tilespmem:s9+$0xFFFFFFE0];
	_ =	sdelay $0x4  }
0x2c6: {  	v0 =	vadd.f32 v1, v0;
	_ =	sdelay $0x1  }
0x2c7: {  	[tilespmem:s13+$0xD0] =	vst v0  }
0x2c8: {  	v0 =	vld [tilespmem:s14+$0xE0]  }
0x2c9: {  	v1 =	vld [tilespmem:s9+$0xFFFFFFF0];
	_ =	sdelay $0x4  }
0x2ca: {  	v0 =	vadd.f32 v1, v0;
	_ =	sdelay $0x1  }
0x2cb: {  	[tilespmem:s13+$0xE0] =	vst v0  }
0x2cc: {  	v0 =	vld [tilespmem:s14+$0xF0];
	s14 =	smov.u32 s10  }
0x2cd: {  	v1 =	vld [tilespmem:s9+$0x0];
	s9 =	smov.u32 s18;
	_ =	sdelay $0x4  }
0x2ce: {  	v0 =	vadd.f32 v1, v0;
	_ =	sdelay $0x1  }
0x2cf: {  	[tilespmem:s13+$0xF0] =	vst v0;
	s13 =	smov.u32 s11  }
0x2d0: {  	v0 =	vld [tilespmem:s10+$0xFFFFFF00]  }
0x2d1: {  	v1 =	vld [tilespmem:s18+$0xFFFFFE10];
	_ =	sdelay $0x4  }
0x2d2: {  	v0 =	vadd.f32 v1, v0;
	_ =	sdelay $0x1  }
0x2d3: {  	[tilespmem:s11+$0xFFFFFF00] =	vst v0  }
0x2d4: {  	v0 =	vld [tilespmem:s18+$0xFFFFFE20]  }
0x2d5: {  	v1 =	vld [tilespmem:s10+$0xFFFFFF10];
	_ =	sdelay $0x4  }
0x2d6: {  	v0 =	vadd.f32 v0, v1;
	_ =	sdelay $0x1  }
0x2d7: {  	[tilespmem:s11+$0xFFFFFF10] =	vst v0  }
0x2d8: {  	v0 =	vld [tilespmem:s10+$0xFFFFFF20]  }
0x2d9: {  	v1 =	vld [tilespmem:s18+$0xFFFFFE30];
	_ =	sdelay $0x4  }
0x2da: {  	v0 =	vadd.f32 v1, v0;
	_ =	sdelay $0x1  }
0x2db: {  	[tilespmem:s11+$0xFFFFFF20] =	vst v0  }
0x2dc: {  	v0 =	vld [tilespmem:s10+$0xFFFFFF30]  }
0x2dd: {  	v1 =	vld [tilespmem:s18+$0xFFFFFE40];
	_ =	sdelay $0x4  }
0x2de: {  	v0 =	vadd.f32 v1, v0;
	_ =	sdelay $0x1  }
0x2df: {  	[tilespmem:s11+$0xFFFFFF30] =	vst v0  }
0x2e0: {  	v0 =	vld [tilespmem:s10+$0xFFFFFF40]  }
0x2e1: {  	v1 =	vld [tilespmem:s18+$0xFFFFFE50];
	_ =	sdelay $0x4  }
0x2e2: {  	v0 =	vadd.f32 v1, v0;
	_ =	sdelay $0x1  }
0x2e3: {  	[tilespmem:s11+$0xFFFFFF40] =	vst v0  }
0x2e4: {  	v0 =	vld [tilespmem:s10+$0xFFFFFF50]  }
0x2e5: {  	v1 =	vld [tilespmem:s18+$0xFFFFFE60];
	_ =	sdelay $0x4  }
0x2e6: {  	v0 =	vadd.f32 v1, v0;
	_ =	sdelay $0x1  }
0x2e7: {  	[tilespmem:s11+$0xFFFFFF50] =	vst v0  }
0x2e8: {  	v0 =	vld [tilespmem:s10+$0xFFFFFF60]  }
0x2e9: {  	v1 =	vld [tilespmem:s18+$0xFFFFFE70];
	_ =	sdelay $0x4  }
0x2ea: {  	v0 =	vadd.f32 v1, v0;
	_ =	sdelay $0x1  }
0x2eb: {  	[tilespmem:s11+$0xFFFFFF60] =	vst v0  }
0x2ec: {  	v0 =	vld [tilespmem:s10+$0xFFFFFF70]  }
0x2ed: {  	v1 =	vld [tilespmem:s18+$0xFFFFFE80];
	_ =	sdelay $0x4  }
0x2ee: {  	v0 =	vadd.f32 v1, v0;
	_ =	sdelay $0x1  }
0x2ef: {  	[tilespmem:s11+$0xFFFFFF70] =	vst v0  }
0x2f0: {  	v0 =	vld [tilespmem:s10+$0xFFFFFF80]  }
0x2f1: {  	v1 =	vld [tilespmem:s18+$0xFFFFFE90];
	_ =	sdelay $0x4  }
0x2f2: {  	v0 =	vadd.f32 v1, v0;
	_ =	sdelay $0x1  }
0x2f3: {  	[tilespmem:s11+$0xFFFFFF80] =	vst v0  }
0x2f4: {  	v0 =	vld [tilespmem:s10+$0xFFFFFF90]  }
0x2f5: {  	v1 =	vld [tilespmem:s18+$0xFFFFFEA0];
	_ =	sdelay $0x4  }
0x2f6: {  	v0 =	vadd.f32 v1, v0;
	_ =	sdelay $0x1  }
0x2f7: {  	[tilespmem:s11+$0xFFFFFF90] =	vst v0  }
0x2f8: {  	v0 =	vld [tilespmem:s10+$0xFFFFFFA0]  }
0x2f9: {  	v1 =	vld [tilespmem:s18+$0xFFFFFEB0];
	_ =	sdelay $0x4  }
0x2fa: {  	v0 =	vadd.f32 v1, v0;
	_ =	sdelay $0x1  }
0x2fb: {  	[tilespmem:s11+$0xFFFFFFA0] =	vst v0  }
0x2fc: {  	v0 =	vld [tilespmem:s10+$0xFFFFFFB0]  }
0x2fd: {  	v1 =	vld [tilespmem:s18+$0xFFFFFEC0];
	_ =	sdelay $0x4  }
0x2fe: {  	v0 =	vadd.f32 v1, v0;
	_ =	sdelay $0x1  }
0x2ff: {  	[tilespmem:s11+$0xFFFFFFB0] =	vst v0  }
0x300: {  	v0 =	vld [tilespmem:s10+$0xFFFFFFC0]  }
0x301: {  	v1 =	vld [tilespmem:s18+$0xFFFFFED0];
	_ =	sdelay $0x4  }
0x302: {  	v0 =	vadd.f32 v1, v0;
	_ =	sdelay $0x1  }
0x303: {  	[tilespmem:s11+$0xFFFFFFC0] =	vst v0  }
0x304: {  	v0 =	vld [tilespmem:s10+$0xFFFFFFD0]  }
0x305: {  	v1 =	vld [tilespmem:s18+$0xFFFFFEE0];
	_ =	sdelay $0x4  }
0x306: {  	v0 =	vadd.f32 v1, v0;
	_ =	sdelay $0x1  }
0x307: {  	[tilespmem:s11+$0xFFFFFFD0] =	vst v0  }
0x308: {  	v0 =	vld [tilespmem:s10+$0xFFFFFFE0]  }
0x309: {  	v1 =	vld [tilespmem:s18+$0xFFFFFEF0];
	_ =	sdelay $0x4  }
0x30a: {  	v0 =	vadd.f32 v1, v0;
	_ =	sdelay $0x1  }
0x30b: {  	[tilespmem:s11+$0xFFFFFFE0] =	vst v0  }
0x30c: {  	v0 =	vld [tilespmem:s10+$0xFFFFFFF0]  }
0x30d: {  	v1 =	vld [tilespmem:s18+$0xFFFFFF00];
	_ =	sdelay $0x4  }
0x30e: {  	v0 =	vadd.f32 v1, v0;
	_ =	sdelay $0x1  }
0x30f: {  	[tilespmem:s11+$0xFFFFFFF0] =	vst v0  }
0x310: {  	v0 =	vld [tilespmem:s10+$0x0]  }
0x311: {  	v1 =	vld [tilespmem:s18+$0xFFFFFF10];
	_ =	sdelay $0x4  }
0x312: {  	v0 =	vadd.f32 v1, v0;
	_ =	sdelay $0x1  }
0x313: {  	[tilespmem:s11+$0x0] =	vst v0  }
0x314: {  	v0 =	vld [tilespmem:s10+$0x10]  }
0x315: {  	v1 =	vld [tilespmem:s18+$0xFFFFFF20];
	_ =	sdelay $0x4  }
0x316: {  	v0 =	vadd.f32 v1, v0;
	_ =	sdelay $0x1  }
0x317: {  	[tilespmem:s11+$0x10] =	vst v0  }
0x318: {  	v0 =	vld [tilespmem:s10+$0x20]  }
0x319: {  	v1 =	vld [tilespmem:s18+$0xFFFFFF30];
	_ =	sdelay $0x4  }
0x31a: {  	v0 =	vadd.f32 v1, v0;
	_ =	sdelay $0x1  }
0x31b: {  	[tilespmem:s11+$0x20] =	vst v0  }
0x31c: {  	v0 =	vld [tilespmem:s10+$0x30]  }
0x31d: {  	v1 =	vld [tilespmem:s18+$0xFFFFFF40];
	_ =	sdelay $0x4  }
0x31e: {  	v0 =	vadd.f32 v1, v0;
	_ =	sdelay $0x1  }
0x31f: {  	[tilespmem:s11+$0x30] =	vst v0  }
0x320: {  	v0 =	vld [tilespmem:s10+$0x40]  }
0x321: {  	v1 =	vld [tilespmem:s18+$0xFFFFFF50];
	_ =	sdelay $0x4  }
0x322: {  	v0 =	vadd.f32 v1, v0;
	_ =	sdelay $0x1  }
0x323: {  	[tilespmem:s11+$0x40] =	vst v0  }
0x324: {  	v0 =	vld [tilespmem:s10+$0x50]  }
0x325: {  	v1 =	vld [tilespmem:s18+$0xFFFFFF60];
	_ =	sdelay $0x4  }
0x326: {  	v0 =	vadd.f32 v1, v0;
	_ =	sdelay $0x1  }
0x327: {  	[tilespmem:s11+$0x50] =	vst v0  }
0x328: {  	v0 =	vld [tilespmem:s10+$0x60]  }
0x329: {  	v1 =	vld [tilespmem:s18+$0xFFFFFF70];
	_ =	sdelay $0x4  }
0x32a: {  	v0 =	vadd.f32 v1, v0;
	_ =	sdelay $0x1  }
0x32b: {  	[tilespmem:s11+$0x60] =	vst v0  }
0x32c: {  	v0 =	vld [tilespmem:s10+$0x70]  }
0x32d: {  	v1 =	vld [tilespmem:s18+$0xFFFFFF80];
	_ =	sdelay $0x4  }
0x32e: {  	v0 =	vadd.f32 v1, v0;
	_ =	sdelay $0x1  }
0x32f: {  	[tilespmem:s11+$0x70] =	vst v0  }
0x330: {  	v0 =	vld [tilespmem:s10+$0x80]  }
0x331: {  	v1 =	vld [tilespmem:s18+$0xFFFFFF90];
	_ =	sdelay $0x4  }
0x332: {  	v0 =	vadd.f32 v1, v0;
	_ =	sdelay $0x1  }
0x333: {  	[tilespmem:s11+$0x80] =	vst v0  }
0x334: {  	v0 =	vld [tilespmem:s10+$0x90]  }
0x335: {  	v1 =	vld [tilespmem:s18+$0xFFFFFFA0];
	_ =	sdelay $0x4  }
0x336: {  	v0 =	vadd.f32 v1, v0;
	_ =	sdelay $0x1  }
0x337: {  	[tilespmem:s11+$0x90] =	vst v0  }
0x338: {  	v0 =	vld [tilespmem:s10+$0xA0]  }
0x339: {  	v1 =	vld [tilespmem:s18+$0xFFFFFFB0];
	_ =	sdelay $0x4  }
0x33a: {  	v0 =	vadd.f32 v1, v0;
	_ =	sdelay $0x1  }
0x33b: {  	[tilespmem:s11+$0xA0] =	vst v0  }
0x33c: {  	v0 =	vld [tilespmem:s10+$0xB0]  }
0x33d: {  	v1 =	vld [tilespmem:s18+$0xFFFFFFC0];
	_ =	sdelay $0x4  }
0x33e: {  	v0 =	vadd.f32 v1, v0;
	_ =	sdelay $0x1  }
.Ltmp2:
0x33f: {  	[tilespmem:s11+$0xB0] =	vst v0;
	(pc) =	sbr.rel @p0 .LBB2_7-.Ltmp2, $3  }
0x340: {  	v0 =	vld [tilespmem:s10+$0xC0]  }
0x341: {  	v1 =	vld [tilespmem:s18+$0xFFFFFFD0];
	_ =	sdelay $0x1  }
0x342: {  	s18 =	sadd.s32 $0x200, s18  }
0x343: {  	_ =	sdelay $0x1  }
0x344: {  	v0 =	vadd.f32 v1, v0;
	_ =	sdelay $0x1  }
0x345: {  	[tilespmem:s13+$0xC0] =	vst v0  }
0x346: {  	v0 =	vld [tilespmem:s14+$0xD0]  }
0x347: {  	v1 =	vld [tilespmem:s9+$0xFFFFFFE0];
	_ =	sdelay $0x4  }
0x348: {  	v0 =	vadd.f32 v1, v0;
	_ =	sdelay $0x1  }
0x349: {  	[tilespmem:s13+$0xD0] =	vst v0  }
0x34a: {  	v0 =	vld [tilespmem:s14+$0xE0]  }
0x34b: {  	v1 =	vld [tilespmem:s9+$0xFFFFFFF0];
	_ =	sdelay $0x4  }
0x34c: {  	v0 =	vadd.f32 v1, v0;
	_ =	sdelay $0x1  }
0x34d: {  	[tilespmem:s13+$0xE0] =	vst v0  }
0x34e: {  	v0 =	vld [tilespmem:s14+$0xF0]  }
0x34f: {  	v1 =	vld [tilespmem:s9+$0x0];
	_ =	sdelay $0x4  }
0x350: {  	v0 =	vadd.f32 v1, v0  }
0x351: {  	p0 =	seq.s32 s16, $0xB;
	s19 =	sadd.s32 s3, s26  }
0x352: {  	s10 =	simm.s32 @!p0 $0x80;
	s11 =	simm.s32 @!p0 $0xBD00;
	s9 =	sadd.s32 @!p0 $0x300, s7;
	[tilespmem:s13+$0xF0] =	vst v0  }
0x353: {  	[tilespmem:s11], [sflag:$0x3] =	stream.indirect.gather @!p0 [hbm4b:s6+s10], $0x40, s9, s10, $0xb8;
	[tilespmem:$0x13D00] =	vst v63  }
0x354: {  	s9 =	sshll.u32 s19, $0x3  }
0x355: {  	s9 =	sand.u32 $0x1FFFF800, s9  }
0x356: {  	s26 =	simm.s32 $0xFD00;
	s9 =	sadd.s32 s2, s9  }
0x357: {  	[hbm4b:s9+s4] =	stream.linear.scatter [tilespmem:s26], [sflag:$0x5], $0x2000, $0x38;
	[tilespmem:$0x13D00] =	vst v63  }
0x358: {  	_ =	swait.ge [sflag:s24], $0x2000  }
0x359: {  	[sflag:s24] =	ssyncset.done $0x0  }
0x35a: {  	[sflag:s24] =	ssyncadd.s32 $0xFFFFE000  }
0x35b: {  	_ =	swait.ge [sflag:s25], $0x2000  }
0x35c: {  	[sflag:s25] =	ssyncset.done $0x0  }
0x35d: {  	s9 =	simm.s32 $0xDE00;
	[sflag:s25] =	ssyncadd.s32 $0xFFFFE000  }
0x35e: {  	v0 =	vld [tilespmem:s9+$0xFFFFFF00]  }
0x35f: {  	v1 =	vld [tilespmem:s5+$0xFFFFFE10];
	_ =	sdelay $0x4  }
0x360: {  	v0 =	vadd.f32 v1, v0  }
0x361: {  	s10 =	simm.s32 $0x11E00  }
0x362: {  	[tilespmem:s10+$0xFFFFFF00] =	vst v0  }
0x363: {  	v0 =	vld [tilespmem:s5+$0xFFFFFE20]  }
0x364: {  	v1 =	vld [tilespmem:s9+$0xFFFFFF10];
	_ =	sdelay $0x4  }
0x365: {  	v0 =	vadd.f32 v0, v1;
	_ =	sdelay $0x1  }
0x366: {  	[tilespmem:s10+$0xFFFFFF10] =	vst v0  }
0x367: {  	v0 =	vld [tilespmem:s9+$0xFFFFFF20]  }
0x368: {  	v1 =	vld [tilespmem:s5+$0xFFFFFE30];
	_ =	sdelay $0x4  }
0x369: {  	v0 =	vadd.f32 v1, v0;
	_ =	sdelay $0x1  }
0x36a: {  	[tilespmem:s10+$0xFFFFFF20] =	vst v0  }
0x36b: {  	v0 =	vld [tilespmem:s9+$0xFFFFFF30]  }
0x36c: {  	v1 =	vld [tilespmem:s5+$0xFFFFFE40];
	_ =	sdelay $0x4  }
0x36d: {  	v0 =	vadd.f32 v1, v0;
	_ =	sdelay $0x1  }
0x36e: {  	[tilespmem:s10+$0xFFFFFF30] =	vst v0  }
0x36f: {  	v0 =	vld [tilespmem:s9+$0xFFFFFF40]  }
0x370: {  	v1 =	vld [tilespmem:s5+$0xFFFFFE50];
	_ =	sdelay $0x4  }
0x371: {  	v0 =	vadd.f32 v1, v0;
	_ =	sdelay $0x1  }
0x372: {  	[tilespmem:s10+$0xFFFFFF40] =	vst v0  }
0x373: {  	v0 =	vld [tilespmem:s9+$0xFFFFFF50]  }
0x374: {  	v1 =	vld [tilespmem:s5+$0xFFFFFE60];
	_ =	sdelay $0x4  }
0x375: {  	v0 =	vadd.f32 v1, v0;
	_ =	sdelay $0x1  }
0x376: {  	[tilespmem:s10+$0xFFFFFF50] =	vst v0  }
0x377: {  	v0 =	vld [tilespmem:s9+$0xFFFFFF60]  }
0x378: {  	v1 =	vld [tilespmem:s5+$0xFFFFFE70];
	_ =	sdelay $0x4  }
0x379: {  	v0 =	vadd.f32 v1, v0;
	_ =	sdelay $0x1  }
0x37a: {  	[tilespmem:s10+$0xFFFFFF60] =	vst v0  }
0x37b: {  	v0 =	vld [tilespmem:s9+$0xFFFFFF70]  }
0x37c: {  	v1 =	vld [tilespmem:s5+$0xFFFFFE80];
	_ =	sdelay $0x4  }
0x37d: {  	v0 =	vadd.f32 v1, v0;
	_ =	sdelay $0x1  }
0x37e: {  	[tilespmem:s10+$0xFFFFFF70] =	vst v0  }
0x37f: {  	v0 =	vld [tilespmem:s9+$0xFFFFFF80]  }
0x380: {  	v1 =	vld [tilespmem:s5+$0xFFFFFE90];
	_ =	sdelay $0x4  }
0x381: {  	v0 =	vadd.f32 v1, v0;
	_ =	sdelay $0x1  }
0x382: {  	[tilespmem:s10+$0xFFFFFF80] =	vst v0  }
0x383: {  	v0 =	vld [tilespmem:s9+$0xFFFFFF90]  }
0x384: {  	v1 =	vld [tilespmem:s5+$0xFFFFFEA0];
	_ =	sdelay $0x4  }
0x385: {  	v0 =	vadd.f32 v1, v0;
	_ =	sdelay $0x1  }
0x386: {  	[tilespmem:s10+$0xFFFFFF90] =	vst v0  }
0x387: {  	v0 =	vld [tilespmem:s9+$0xFFFFFFA0]  }
0x388: {  	v1 =	vld [tilespmem:s5+$0xFFFFFEB0];
	_ =	sdelay $0x4  }
0x389: {  	v0 =	vadd.f32 v1, v0;
	_ =	sdelay $0x1  }
0x38a: {  	[tilespmem:s10+$0xFFFFFFA0] =	vst v0  }
0x38b: {  	v0 =	vld [tilespmem:s9+$0xFFFFFFB0]  }
0x38c: {  	v1 =	vld [tilespmem:s5+$0xFFFFFEC0];
	_ =	sdelay $0x4  }
0x38d: {  	v0 =	vadd.f32 v1, v0;
	_ =	sdelay $0x1  }
0x38e: {  	[tilespmem:s10+$0xFFFFFFB0] =	vst v0  }
0x38f: {  	v0 =	vld [tilespmem:s9+$0xFFFFFFC0]  }
0x390: {  	v1 =	vld [tilespmem:s5+$0xFFFFFED0];
	_ =	sdelay $0x4  }
0x391: {  	v0 =	vadd.f32 v1, v0;
	_ =	sdelay $0x1  }
0x392: {  	[tilespmem:s10+$0xFFFFFFC0] =	vst v0  }
0x393: {  	v0 =	vld [tilespmem:s9+$0xFFFFFFD0]  }
0x394: {  	v1 =	vld [tilespmem:s5+$0xFFFFFEE0];
	_ =	sdelay $0x4  }
0x395: {  	v0 =	vadd.f32 v1, v0;
	_ =	sdelay $0x1  }
0x396: {  	[tilespmem:s10+$0xFFFFFFD0] =	vst v0  }
0x397: {  	v0 =	vld [tilespmem:s9+$0xFFFFFFE0]  }
0x398: {  	v1 =	vld [tilespmem:s5+$0xFFFFFEF0];
	_ =	sdelay $0x4  }
0x399: {  	v0 =	vadd.f32 v1, v0;
	_ =	sdelay $0x1  }
0x39a: {  	[tilespmem:s10+$0xFFFFFFE0] =	vst v0  }
0x39b: {  	v0 =	vld [tilespmem:s9+$0xFFFFFFF0]  }
0x39c: {  	v1 =	vld [tilespmem:s5+$0xFFFFFF00];
	_ =	sdelay $0x4  }
0x39d: {  	v0 =	vadd.f32 v1, v0;
	_ =	sdelay $0x1  }
0x39e: {  	[tilespmem:s10+$0xFFFFFFF0] =	vst v0  }
0x39f: {  	v0 =	vld [tilespmem:s9+$0x0]  }
0x3a0: {  	v1 =	vld [tilespmem:s5+$0xFFFFFF10];
	_ =	sdelay $0x4  }
0x3a1: {  	v0 =	vadd.f32 v1, v0;
	_ =	sdelay $0x1  }
0x3a2: {  	[tilespmem:s10+$0x0] =	vst v0  }
0x3a3: {  	v0 =	vld [tilespmem:s9+$0x10]  }
0x3a4: {  	v1 =	vld [tilespmem:s5+$0xFFFFFF20];
	_ =	sdelay $0x4  }
0x3a5: {  	v0 =	vadd.f32 v1, v0;
	_ =	sdelay $0x1  }
0x3a6: {  	[tilespmem:s10+$0x10] =	vst v0  }
0x3a7: {  	v0 =	vld [tilespmem:s9+$0x20]  }
0x3a8: {  	v1 =	vld [tilespmem:s5+$0xFFFFFF30];
	_ =	sdelay $0x4  }
0x3a9: {  	v0 =	vadd.f32 v1, v0;
	_ =	sdelay $0x1  }
0x3aa: {  	[tilespmem:s10+$0x20] =	vst v0  }
0x3ab: {  	v0 =	vld [tilespmem:s9+$0x30]  }
0x3ac: {  	v1 =	vld [tilespmem:s5+$0xFFFFFF40];
	_ =	sdelay $0x4  }
0x3ad: {  	v0 =	vadd.f32 v1, v0;
	_ =	sdelay $0x1  }
0x3ae: {  	[tilespmem:s10+$0x30] =	vst v0  }
0x3af: {  	v0 =	vld [tilespmem:s9+$0x40]  }
0x3b0: {  	v1 =	vld [tilespmem:s5+$0xFFFFFF50];
	_ =	sdelay $0x4  }
0x3b1: {  	v0 =	vadd.f32 v1, v0;
	_ =	sdelay $0x1  }
0x3b2: {  	[tilespmem:s10+$0x40] =	vst v0  }
0x3b3: {  	v0 =	vld [tilespmem:s9+$0x50]  }
0x3b4: {  	v1 =	vld [tilespmem:s5+$0xFFFFFF60];
	_ =	sdelay $0x4  }
0x3b5: {  	v0 =	vadd.f32 v1, v0;
	_ =	sdelay $0x1  }
0x3b6: {  	[tilespmem:s10+$0x50] =	vst v0  }
0x3b7: {  	v0 =	vld [tilespmem:s9+$0x60]  }
0x3b8: {  	v1 =	vld [tilespmem:s5+$0xFFFFFF70];
	_ =	sdelay $0x4  }
0x3b9: {  	v0 =	vadd.f32 v1, v0;
	_ =	sdelay $0x1  }
0x3ba: {  	[tilespmem:s10+$0x60] =	vst v0  }
0x3bb: {  	v0 =	vld [tilespmem:s9+$0x70]  }
0x3bc: {  	v1 =	vld [tilespmem:s5+$0xFFFFFF80];
	_ =	sdelay $0x4  }
0x3bd: {  	v0 =	vadd.f32 v1, v0;
	_ =	sdelay $0x1  }
0x3be: {  	[tilespmem:s10+$0x70] =	vst v0  }
0x3bf: {  	v0 =	vld [tilespmem:s9+$0x80]  }
0x3c0: {  	v1 =	vld [tilespmem:s5+$0xFFFFFF90];
	_ =	sdelay $0x4  }
0x3c1: {  	v0 =	vadd.f32 v1, v0;
	_ =	sdelay $0x1  }
0x3c2: {  	[tilespmem:s10+$0x80] =	vst v0  }
0x3c3: {  	v0 =	vld [tilespmem:s9+$0x90]  }
0x3c4: {  	v1 =	vld [tilespmem:s5+$0xFFFFFFA0];
	_ =	sdelay $0x4  }
0x3c5: {  	v0 =	vadd.f32 v1, v0;
	_ =	sdelay $0x1  }
0x3c6: {  	[tilespmem:s10+$0x90] =	vst v0  }
0x3c7: {  	v0 =	vld [tilespmem:s9+$0xA0]  }
0x3c8: {  	v1 =	vld [tilespmem:s5+$0xFFFFFFB0];
	_ =	sdelay $0x4  }
0x3c9: {  	v0 =	vadd.f32 v1, v0;
	_ =	sdelay $0x1  }
0x3ca: {  	[tilespmem:s10+$0xA0] =	vst v0  }
0x3cb: {  	v0 =	vld [tilespmem:s9+$0xB0]  }
0x3cc: {  	v1 =	vld [tilespmem:s5+$0xFFFFFFC0];
	_ =	sdelay $0x4  }
0x3cd: {  	v0 =	vadd.f32 v1, v0;
	_ =	sdelay $0x1  }
0x3ce: {  	[tilespmem:s10+$0xB0] =	vst v0  }
0x3cf: {  	v0 =	vld [tilespmem:s9+$0xC0]  }
0x3d0: {  	v1 =	vld [tilespmem:s5+$0xFFFFFFD0]  }
0x3d1: {  	s8 =	sor.u32 $0x180, s8;
	s18 =	sadd.s32 $0x200, s5  }
0x3d2: {  	s14 =	simm.s32 $0x0;
	s13 =	simm.s32 $0xDE00;
	s11 =	simm.s32 $0x11E00  }
.LBB2_9:
0x3d3: {  	s14 =	sadd.s32 $0x8, s14;
	s9 =	sadd.s32 $0x200, s9;
	s10 =	sadd.s32 $0x200, s10  }
0x3d4: {  	p1 =	slt.u32 s14, $0x78  }
0x3d5: {  	v0 =	vadd.f32 v1, v0;
	_ =	sdelay $0x1  }
0x3d6: {  	[tilespmem:s11+$0xC0] =	vst v0  }
0x3d7: {  	v0 =	vld [tilespmem:s13+$0xD0]  }
0x3d8: {  	v1 =	vld [tilespmem:s5+$0xFFFFFFE0];
	_ =	sdelay $0x4  }
0x3d9: {  	v0 =	vadd.f32 v1, v0;
	_ =	sdelay $0x1  }
0x3da: {  	[tilespmem:s11+$0xD0] =	vst v0  }
0x3db: {  	v0 =	vld [tilespmem:s13+$0xE0]  }
0x3dc: {  	v1 =	vld [tilespmem:s5+$0xFFFFFFF0];
	_ =	sdelay $0x4  }
0x3dd: {  	v0 =	vadd.f32 v1, v0;
	_ =	sdelay $0x1  }
0x3de: {  	[tilespmem:s11+$0xE0] =	vst v0  }
0x3df: {  	v0 =	vld [tilespmem:s13+$0xF0];
	s13 =	smov.u32 s9  }
0x3e0: {  	v1 =	vld [tilespmem:s5+$0x0];
	s5 =	smov.u32 s18;
	_ =	sdelay $0x4  }
0x3e1: {  	v0 =	vadd.f32 v1, v0;
	_ =	sdelay $0x1  }
0x3e2: {  	[tilespmem:s11+$0xF0] =	vst v0;
	s11 =	smov.u32 s10  }
0x3e3: {  	v0 =	vld [tilespmem:s9+$0xFFFFFF00]  }
0x3e4: {  	v1 =	vld [tilespmem:s18+$0xFFFFFE10];
	_ =	sdelay $0x4  }
0x3e5: {  	v0 =	vadd.f32 v1, v0;
	_ =	sdelay $0x1  }
0x3e6: {  	[tilespmem:s10+$0xFFFFFF00] =	vst v0  }
0x3e7: {  	v0 =	vld [tilespmem:s18+$0xFFFFFE20]  }
0x3e8: {  	v1 =	vld [tilespmem:s9+$0xFFFFFF10];
	_ =	sdelay $0x4  }
0x3e9: {  	v0 =	vadd.f32 v0, v1;
	_ =	sdelay $0x1  }
0x3ea: {  	[tilespmem:s10+$0xFFFFFF10] =	vst v0  }
0x3eb: {  	v0 =	vld [tilespmem:s9+$0xFFFFFF20]  }
0x3ec: {  	v1 =	vld [tilespmem:s18+$0xFFFFFE30];
	_ =	sdelay $0x4  }
0x3ed: {  	v0 =	vadd.f32 v1, v0;
	_ =	sdelay $0x1  }
0x3ee: {  	[tilespmem:s10+$0xFFFFFF20] =	vst v0  }
0x3ef: {  	v0 =	vld [tilespmem:s9+$0xFFFFFF30]  }
0x3f0: {  	v1 =	vld [tilespmem:s18+$0xFFFFFE40];
	_ =	sdelay $0x4  }
0x3f1: {  	v0 =	vadd.f32 v1, v0;
	_ =	sdelay $0x1  }
0x3f2: {  	[tilespmem:s10+$0xFFFFFF30] =	vst v0  }
0x3f3: {  	v0 =	vld [tilespmem:s9+$0xFFFFFF40]  }
0x3f4: {  	v1 =	vld [tilespmem:s18+$0xFFFFFE50];
	_ =	sdelay $0x4  }
0x3f5: {  	v0 =	vadd.f32 v1, v0;
	_ =	sdelay $0x1  }
0x3f6: {  	[tilespmem:s10+$0xFFFFFF40] =	vst v0  }
0x3f7: {  	v0 =	vld [tilespmem:s9+$0xFFFFFF50]  }
0x3f8: {  	v1 =	vld [tilespmem:s18+$0xFFFFFE60];
	_ =	sdelay $0x4  }
0x3f9: {  	v0 =	vadd.f32 v1, v0;
	_ =	sdelay $0x1  }
0x3fa: {  	[tilespmem:s10+$0xFFFFFF50] =	vst v0  }
0x3fb: {  	v0 =	vld [tilespmem:s9+$0xFFFFFF60]  }
0x3fc: {  	v1 =	vld [tilespmem:s18+$0xFFFFFE70];
	_ =	sdelay $0x4  }
0x3fd: {  	v0 =	vadd.f32 v1, v0;
	_ =	sdelay $0x1  }
0x3fe: {  	[tilespmem:s10+$0xFFFFFF60] =	vst v0  }
0x3ff: {  	v0 =	vld [tilespmem:s9+$0xFFFFFF70]  }
0x400: {  	v1 =	vld [tilespmem:s18+$0xFFFFFE80];
	_ =	sdelay $0x4  }
0x401: {  	v0 =	vadd.f32 v1, v0;
	_ =	sdelay $0x1  }
0x402: {  	[tilespmem:s10+$0xFFFFFF70] =	vst v0  }
0x403: {  	v0 =	vld [tilespmem:s9+$0xFFFFFF80]  }
0x404: {  	v1 =	vld [tilespmem:s18+$0xFFFFFE90];
	_ =	sdelay $0x4  }
0x405: {  	v0 =	vadd.f32 v1, v0;
	_ =	sdelay $0x1  }
0x406: {  	[tilespmem:s10+$0xFFFFFF80] =	vst v0  }
0x407: {  	v0 =	vld [tilespmem:s9+$0xFFFFFF90]  }
0x408: {  	v1 =	vld [tilespmem:s18+$0xFFFFFEA0];
	_ =	sdelay $0x4  }
0x409: {  	v0 =	vadd.f32 v1, v0;
	_ =	sdelay $0x1  }
0x40a: {  	[tilespmem:s10+$0xFFFFFF90] =	vst v0  }
0x40b: {  	v0 =	vld [tilespmem:s9+$0xFFFFFFA0]  }
0x40c: {  	v1 =	vld [tilespmem:s18+$0xFFFFFEB0];
	_ =	sdelay $0x4  }
0x40d: {  	v0 =	vadd.f32 v1, v0;
	_ =	sdelay $0x1  }
0x40e: {  	[tilespmem:s10+$0xFFFFFFA0] =	vst v0  }
0x40f: {  	v0 =	vld [tilespmem:s9+$0xFFFFFFB0]  }
0x410: {  	v1 =	vld [tilespmem:s18+$0xFFFFFEC0];
	_ =	sdelay $0x4  }
0x411: {  	v0 =	vadd.f32 v1, v0;
	_ =	sdelay $0x1  }
0x412: {  	[tilespmem:s10+$0xFFFFFFB0] =	vst v0  }
0x413: {  	v0 =	vld [tilespmem:s9+$0xFFFFFFC0]  }
0x414: {  	v1 =	vld [tilespmem:s18+$0xFFFFFED0];
	_ =	sdelay $0x4  }
0x415: {  	v0 =	vadd.f32 v1, v0;
	_ =	sdelay $0x1  }
0x416: {  	[tilespmem:s10+$0xFFFFFFC0] =	vst v0  }
0x417: {  	v0 =	vld [tilespmem:s9+$0xFFFFFFD0]  }
0x418: {  	v1 =	vld [tilespmem:s18+$0xFFFFFEE0];
	_ =	sdelay $0x4  }
0x419: {  	v0 =	vadd.f32 v1, v0;
	_ =	sdelay $0x1  }
0x41a: {  	[tilespmem:s10+$0xFFFFFFD0] =	vst v0  }
0x41b: {  	v0 =	vld [tilespmem:s9+$0xFFFFFFE0]  }
0x41c: {  	v1 =	vld [tilespmem:s18+$0xFFFFFEF0];
	_ =	sdelay $0x4  }
0x41d: {  	v0 =	vadd.f32 v1, v0;
	_ =	sdelay $0x1  }
0x41e: {  	[tilespmem:s10+$0xFFFFFFE0] =	vst v0  }
0x41f: {  	v0 =	vld [tilespmem:s9+$0xFFFFFFF0]  }
0x420: {  	v1 =	vld [tilespmem:s18+$0xFFFFFF00];
	_ =	sdelay $0x4  }
0x421: {  	v0 =	vadd.f32 v1, v0;
	_ =	sdelay $0x1  }
0x422: {  	[tilespmem:s10+$0xFFFFFFF0] =	vst v0  }
0x423: {  	v0 =	vld [tilespmem:s9+$0x0]  }
0x424: {  	v1 =	vld [tilespmem:s18+$0xFFFFFF10];
	_ =	sdelay $0x4  }
0x425: {  	v0 =	vadd.f32 v1, v0;
	_ =	sdelay $0x1  }
0x426: {  	[tilespmem:s10+$0x0] =	vst v0  }
0x427: {  	v0 =	vld [tilespmem:s9+$0x10]  }
0x428: {  	v1 =	vld [tilespmem:s18+$0xFFFFFF20];
	_ =	sdelay $0x4  }
0x429: {  	v0 =	vadd.f32 v1, v0;
	_ =	sdelay $0x1  }
0x42a: {  	[tilespmem:s10+$0x10] =	vst v0  }
0x42b: {  	v0 =	vld [tilespmem:s9+$0x20]  }
0x42c: {  	v1 =	vld [tilespmem:s18+$0xFFFFFF30];
	_ =	sdelay $0x4  }
0x42d: {  	v0 =	vadd.f32 v1, v0;
	_ =	sdelay $0x1  }
0x42e: {  	[tilespmem:s10+$0x20] =	vst v0  }
0x42f: {  	v0 =	vld [tilespmem:s9+$0x30]  }
0x430: {  	v1 =	vld [tilespmem:s18+$0xFFFFFF40];
	_ =	sdelay $0x4  }
0x431: {  	v0 =	vadd.f32 v1, v0;
	_ =	sdelay $0x1  }
0x432: {  	[tilespmem:s10+$0x30] =	vst v0  }
0x433: {  	v0 =	vld [tilespmem:s9+$0x40]  }
0x434: {  	v1 =	vld [tilespmem:s18+$0xFFFFFF50];
	_ =	sdelay $0x4  }
0x435: {  	v0 =	vadd.f32 v1, v0;
	_ =	sdelay $0x1  }
0x436: {  	[tilespmem:s10+$0x40] =	vst v0  }
0x437: {  	v0 =	vld [tilespmem:s9+$0x50]  }
0x438: {  	v1 =	vld [tilespmem:s18+$0xFFFFFF60];
	_ =	sdelay $0x4  }
0x439: {  	v0 =	vadd.f32 v1, v0;
	_ =	sdelay $0x1  }
0x43a: {  	[tilespmem:s10+$0x50] =	vst v0  }
0x43b: {  	v0 =	vld [tilespmem:s9+$0x60]  }
0x43c: {  	v1 =	vld [tilespmem:s18+$0xFFFFFF70];
	_ =	sdelay $0x4  }
0x43d: {  	v0 =	vadd.f32 v1, v0;
	_ =	sdelay $0x1  }
0x43e: {  	[tilespmem:s10+$0x60] =	vst v0  }
0x43f: {  	v0 =	vld [tilespmem:s9+$0x70]  }
0x440: {  	v1 =	vld [tilespmem:s18+$0xFFFFFF80];
	_ =	sdelay $0x4  }
0x441: {  	v0 =	vadd.f32 v1, v0;
	_ =	sdelay $0x1  }
0x442: {  	[tilespmem:s10+$0x70] =	vst v0  }
0x443: {  	v0 =	vld [tilespmem:s9+$0x80]  }
0x444: {  	v1 =	vld [tilespmem:s18+$0xFFFFFF90];
	_ =	sdelay $0x4  }
0x445: {  	v0 =	vadd.f32 v1, v0;
	_ =	sdelay $0x1  }
0x446: {  	[tilespmem:s10+$0x80] =	vst v0  }
0x447: {  	v0 =	vld [tilespmem:s9+$0x90]  }
0x448: {  	v1 =	vld [tilespmem:s18+$0xFFFFFFA0];
	_ =	sdelay $0x4  }
0x449: {  	v0 =	vadd.f32 v1, v0;
	_ =	sdelay $0x1  }
0x44a: {  	[tilespmem:s10+$0x90] =	vst v0  }
0x44b: {  	v0 =	vld [tilespmem:s9+$0xA0]  }
0x44c: {  	v1 =	vld [tilespmem:s18+$0xFFFFFFB0];
	_ =	sdelay $0x4  }
0x44d: {  	v0 =	vadd.f32 v1, v0;
	_ =	sdelay $0x1  }
0x44e: {  	[tilespmem:s10+$0xA0] =	vst v0  }
0x44f: {  	v0 =	vld [tilespmem:s9+$0xB0]  }
0x450: {  	v1 =	vld [tilespmem:s18+$0xFFFFFFC0];
	_ =	sdelay $0x4  }
0x451: {  	v0 =	vadd.f32 v1, v0;
	_ =	sdelay $0x1  }
.Ltmp3:
0x452: {  	[tilespmem:s10+$0xB0] =	vst v0;
	(pc) =	sbr.rel @p1 .LBB2_9-.Ltmp3, $3  }
0x453: {  	v0 =	vld [tilespmem:s9+$0xC0]  }
0x454: {  	v1 =	vld [tilespmem:s18+$0xFFFFFFD0];
	_ =	sdelay $0x1  }
0x455: {  	s18 =	sadd.s32 $0x200, s18  }
0x456: {  	_ =	sdelay $0x1  }
0x457: {  	v0 =	vadd.f32 v1, v0;
	_ =	sdelay $0x1  }
0x458: {  	[tilespmem:s11+$0xC0] =	vst v0  }
0x459: {  	v0 =	vld [tilespmem:s13+$0xD0]  }
0x45a: {  	v61 =	vld [tilespmem:s5+$0xFFFFFFE0];
	_ =	sdelay $0x4  }
0x45b: {  	v0 =	vadd.f32 v61, v0;
	_ =	sdelay $0x1  }
0x45c: {  	[tilespmem:s11+$0xD0] =	vst v0  }
0x45d: {  	v0 =	vld [tilespmem:s13+$0xE0]  }
0x45e: {  	v62 =	vld [tilespmem:s5+$0xFFFFFFF0];
	_ =	sdelay $0x4  }
0x45f: {  	v0 =	vadd.f32 v62, v0;
	_ =	sdelay $0x1  }
0x460: {  	[tilespmem:s11+$0xE0] =	vst v0  }
0x461: {  	v0 =	vld [tilespmem:s13+$0xF0]  }
0x462: {  	v63 =	vld [tilespmem:s5+$0x0];
	_ =	sdelay $0x4  }
0x463: {  	v0 =	vadd.f32 v63, v0  }
0x464: {  	s9 =	simm.s32 @!p0 $0xDD00  }
0x465: {  	s16 =	sadd.s32 $0x1, s16;
	s5 =	sadd.s32 @!p0 $0x380, s7;
	s7 =	simm.s32 @!p0 $0x80;
	[tilespmem:s11+$0xF0] =	vst v0  }
0x466: {  	[tilespmem:s9], [sflag:$0x4] =	stream.indirect.gather @!p0 [hbm4b:s6+s7], $0x40, s5, s7, $0xb8;
	[tilespmem:$0x13D00] =	vst v63  }
0x467: {  	s26 =	sadd.s32 s3, s8;
	p0 =	sne.s32 s16, $0xC  }
.Ltmp4:
0x468: {  	s30 =	sadd.s32 $0x8000, s30;
	s15 =	sadd.s32 $0x200, s15;
	(pc) =	sbr.rel @p0 .LBB2_2-.Ltmp4, $4  }
0x469: {  	s31 =	sadd.s32 $0x8000, s31;
	s12 =	sadd.s32 $0x200, s12;
	s5 =	sshll.u32 s26, $0x3  }
0x46a: {  	s1 =	sadd.s32 $0x8000, s1;
	s28 =	sadd.s32 $0x200, s28;
	s5 =	sand.u32 $0x1FFFFC00, s5  }
0x46b: {  	s0 =	sadd.s32 $0x8000, s0;
	s29 =	sadd.s32 $0x200, s29;
	s5 =	sadd.s32 s2, s5  }
0x46c: {  	[hbm4b:s5+s4] =	stream.linear.scatter [tilespmem:s21], [sflag:$0x6], $0x2000, $0x38;
	[tilespmem:$0x13D00] =	vst v63  }
0x46d: {  	_ =	swait.ge [sflag:s17], $0x2000  }
0x46e: {  	[sflag:s17] =	ssyncset.done $0x0  }
0x46f: {  	[sflag:s17] =	ssyncadd.s32 $0xFFFFE000  }
0x470: {  	_ =	swait.ge [sflag:s23], $0x2000  }
0x471: {  	[sflag:s23] =	ssyncset.done $0x0  }
0x472: {  	s1 =	simm.s32 $0x7E00;
	[sflag:s23] =	ssyncadd.s32 $0xFFFFE000  }
0x473: {  	s5 =	simm.s32 $0x3EF0;
	v0 =	vld [tilespmem:s1+$0xFFFFFF00]  }
0x474: {  	v1 =	vld [tilespmem:s5+$0xFFFFFE10];
	_ =	sdelay $0x4  }
0x475: {  	v0 =	vadd.f32 v1, v0  }
0x476: {  	s0 =	simm.s32 $0xFE00  }
0x477: {  	[tilespmem:s0+$0xFFFFFF00] =	vst v0  }
0x478: {  	v0 =	vld [tilespmem:s5+$0xFFFFFE20]  }
0x479: {  	v1 =	vld [tilespmem:s1+$0xFFFFFF10];
	_ =	sdelay $0x4  }
0x47a: {  	v0 =	vadd.f32 v0, v1;
	_ =	sdelay $0x1  }
0x47b: {  	[tilespmem:s0+$0xFFFFFF10] =	vst v0  }
0x47c: {  	v0 =	vld [tilespmem:s1+$0xFFFFFF20]  }
0x47d: {  	v1 =	vld [tilespmem:s5+$0xFFFFFE30];
	_ =	sdelay $0x4  }
0x47e: {  	v0 =	vadd.f32 v1, v0;
	_ =	sdelay $0x1  }
0x47f: {  	[tilespmem:s0+$0xFFFFFF20] =	vst v0  }
0x480: {  	v0 =	vld [tilespmem:s1+$0xFFFFFF30]  }
0x481: {  	v1 =	vld [tilespmem:s5+$0xFFFFFE40];
	_ =	sdelay $0x4  }
0x482: {  	v0 =	vadd.f32 v1, v0;
	_ =	sdelay $0x1  }
0x483: {  	[tilespmem:s0+$0xFFFFFF30] =	vst v0  }
0x484: {  	v0 =	vld [tilespmem:s1+$0xFFFFFF40]  }
0x485: {  	v1 =	vld [tilespmem:s5+$0xFFFFFE50];
	_ =	sdelay $0x4  }
0x486: {  	v0 =	vadd.f32 v1, v0;
	_ =	sdelay $0x1  }
0x487: {  	[tilespmem:s0+$0xFFFFFF40] =	vst v0  }
0x488: {  	v0 =	vld [tilespmem:s1+$0xFFFFFF50]  }
0x489: {  	v1 =	vld [tilespmem:s5+$0xFFFFFE60];
	_ =	sdelay $0x4  }
0x48a: {  	v0 =	vadd.f32 v1, v0;
	_ =	sdelay $0x1  }
0x48b: {  	[tilespmem:s0+$0xFFFFFF50] =	vst v0  }
0x48c: {  	v0 =	vld [tilespmem:s1+$0xFFFFFF60]  }
0x48d: {  	v1 =	vld [tilespmem:s5+$0xFFFFFE70];
	_ =	sdelay $0x4  }
0x48e: {  	v0 =	vadd.f32 v1, v0;
	_ =	sdelay $0x1  }
0x48f: {  	[tilespmem:s0+$0xFFFFFF60] =	vst v0  }
0x490: {  	v0 =	vld [tilespmem:s1+$0xFFFFFF70]  }
0x491: {  	v1 =	vld [tilespmem:s5+$0xFFFFFE80];
	_ =	sdelay $0x4  }
0x492: {  	v0 =	vadd.f32 v1, v0;
	_ =	sdelay $0x1  }
0x493: {  	[tilespmem:s0+$0xFFFFFF70] =	vst v0  }
0x494: {  	v0 =	vld [tilespmem:s1+$0xFFFFFF80]  }
0x495: {  	v1 =	vld [tilespmem:s5+$0xFFFFFE90];
	_ =	sdelay $0x4  }
0x496: {  	v0 =	vadd.f32 v1, v0;
	_ =	sdelay $0x1  }
0x497: {  	[tilespmem:s0+$0xFFFFFF80] =	vst v0  }
0x498: {  	v0 =	vld [tilespmem:s1+$0xFFFFFF90]  }
0x499: {  	v1 =	vld [tilespmem:s5+$0xFFFFFEA0];
	_ =	sdelay $0x4  }
0x49a: {  	v0 =	vadd.f32 v1, v0;
	_ =	sdelay $0x1  }
0x49b: {  	[tilespmem:s0+$0xFFFFFF90] =	vst v0  }
0x49c: {  	v0 =	vld [tilespmem:s1+$0xFFFFFFA0]  }
0x49d: {  	v1 =	vld [tilespmem:s5+$0xFFFFFEB0];
	_ =	sdelay $0x4  }
0x49e: {  	v0 =	vadd.f32 v1, v0;
	_ =	sdelay $0x1  }
0x49f: {  	[tilespmem:s0+$0xFFFFFFA0] =	vst v0  }
0x4a0: {  	v0 =	vld [tilespmem:s1+$0xFFFFFFB0]  }
0x4a1: {  	v1 =	vld [tilespmem:s5+$0xFFFFFEC0];
	_ =	sdelay $0x4  }
0x4a2: {  	v0 =	vadd.f32 v1, v0;
	_ =	sdelay $0x1  }
0x4a3: {  	[tilespmem:s0+$0xFFFFFFB0] =	vst v0  }
0x4a4: {  	v0 =	vld [tilespmem:s1+$0xFFFFFFC0]  }
0x4a5: {  	v1 =	vld [tilespmem:s5+$0xFFFFFED0];
	_ =	sdelay $0x4  }
0x4a6: {  	v0 =	vadd.f32 v1, v0;
	_ =	sdelay $0x1  }
0x4a7: {  	[tilespmem:s0+$0xFFFFFFC0] =	vst v0  }
0x4a8: {  	v0 =	vld [tilespmem:s1+$0xFFFFFFD0]  }
0x4a9: {  	v1 =	vld [tilespmem:s5+$0xFFFFFEE0];
	_ =	sdelay $0x4  }
0x4aa: {  	v0 =	vadd.f32 v1, v0;
	_ =	sdelay $0x1  }
0x4ab: {  	[tilespmem:s0+$0xFFFFFFD0] =	vst v0  }
0x4ac: {  	v0 =	vld [tilespmem:s1+$0xFFFFFFE0]  }
0x4ad: {  	v1 =	vld [tilespmem:s5+$0xFFFFFEF0];
	_ =	sdelay $0x4  }
0x4ae: {  	v0 =	vadd.f32 v1, v0;
	_ =	sdelay $0x1  }
0x4af: {  	[tilespmem:s0+$0xFFFFFFE0] =	vst v0  }
0x4b0: {  	v0 =	vld [tilespmem:s1+$0xFFFFFFF0]  }
0x4b1: {  	v1 =	vld [tilespmem:s5+$0xFFFFFF00];
	_ =	sdelay $0x4  }
0x4b2: {  	v0 =	vadd.f32 v1, v0;
	_ =	sdelay $0x1  }
0x4b3: {  	[tilespmem:s0+$0xFFFFFFF0] =	vst v0  }
0x4b4: {  	v0 =	vld [tilespmem:s1+$0x0]  }
0x4b5: {  	v1 =	vld [tilespmem:s5+$0xFFFFFF10];
	_ =	sdelay $0x4  }
0x4b6: {  	v0 =	vadd.f32 v1, v0;
	_ =	sdelay $0x1  }
0x4b7: {  	[tilespmem:s0+$0x0] =	vst v0  }
0x4b8: {  	v0 =	vld [tilespmem:s1+$0x10]  }
0x4b9: {  	v1 =	vld [tilespmem:s5+$0xFFFFFF20];
	_ =	sdelay $0x4  }
0x4ba: {  	v0 =	vadd.f32 v1, v0;
	_ =	sdelay $0x1  }
0x4bb: {  	[tilespmem:s0+$0x10] =	vst v0  }
0x4bc: {  	v0 =	vld [tilespmem:s1+$0x20]  }
0x4bd: {  	v1 =	vld [tilespmem:s5+$0xFFFFFF30];
	_ =	sdelay $0x4  }
0x4be: {  	v0 =	vadd.f32 v1, v0;
	_ =	sdelay $0x1  }
0x4bf: {  	[tilespmem:s0+$0x20] =	vst v0  }
0x4c0: {  	v0 =	vld [tilespmem:s1+$0x30]  }
0x4c1: {  	v1 =	vld [tilespmem:s5+$0xFFFFFF40];
	_ =	sdelay $0x4  }
0x4c2: {  	v0 =	vadd.f32 v1, v0;
	_ =	sdelay $0x1  }
0x4c3: {  	[tilespmem:s0+$0x30] =	vst v0  }
0x4c4: {  	v0 =	vld [tilespmem:s1+$0x40]  }
0x4c5: {  	v1 =	vld [tilespmem:s5+$0xFFFFFF50];
	_ =	sdelay $0x4  }
0x4c6: {  	v0 =	vadd.f32 v1, v0;
	_ =	sdelay $0x1  }
0x4c7: {  	[tilespmem:s0+$0x40] =	vst v0  }
0x4c8: {  	v0 =	vld [tilespmem:s1+$0x50]  }
0x4c9: {  	v1 =	vld [tilespmem:s5+$0xFFFFFF60];
	_ =	sdelay $0x4  }
0x4ca: {  	v0 =	vadd.f32 v1, v0;
	_ =	sdelay $0x1  }
0x4cb: {  	[tilespmem:s0+$0x50] =	vst v0  }
0x4cc: {  	v0 =	vld [tilespmem:s1+$0x60]  }
0x4cd: {  	v1 =	vld [tilespmem:s5+$0xFFFFFF70];
	_ =	sdelay $0x4  }
0x4ce: {  	v0 =	vadd.f32 v1, v0;
	_ =	sdelay $0x1  }
0x4cf: {  	[tilespmem:s0+$0x60] =	vst v0  }
0x4d0: {  	v0 =	vld [tilespmem:s1+$0x70]  }
0x4d1: {  	v1 =	vld [tilespmem:s5+$0xFFFFFF80];
	_ =	sdelay $0x4  }
0x4d2: {  	v0 =	vadd.f32 v1, v0;
	_ =	sdelay $0x1  }
0x4d3: {  	[tilespmem:s0+$0x70] =	vst v0  }
0x4d4: {  	v0 =	vld [tilespmem:s1+$0x80]  }
0x4d5: {  	v1 =	vld [tilespmem:s5+$0xFFFFFF90];
	_ =	sdelay $0x4  }
0x4d6: {  	v0 =	vadd.f32 v1, v0;
	_ =	sdelay $0x1  }
0x4d7: {  	[tilespmem:s0+$0x80] =	vst v0  }
0x4d8: {  	v0 =	vld [tilespmem:s1+$0x90]  }
0x4d9: {  	v1 =	vld [tilespmem:s5+$0xFFFFFFA0];
	_ =	sdelay $0x4  }
0x4da: {  	v0 =	vadd.f32 v1, v0;
	_ =	sdelay $0x1  }
0x4db: {  	[tilespmem:s0+$0x90] =	vst v0  }
0x4dc: {  	v0 =	vld [tilespmem:s1+$0xA0]  }
0x4dd: {  	v1 =	vld [tilespmem:s5+$0xFFFFFFB0];
	_ =	sdelay $0x4  }
0x4de: {  	v0 =	vadd.f32 v1, v0;
	_ =	sdelay $0x1  }
0x4df: {  	[tilespmem:s0+$0xA0] =	vst v0  }
0x4e0: {  	v0 =	vld [tilespmem:s1+$0xB0]  }
0x4e1: {  	v1 =	vld [tilespmem:s5+$0xFFFFFFC0];
	_ =	sdelay $0x4  }
0x4e2: {  	v0 =	vadd.f32 v1, v0;
	_ =	sdelay $0x1  }
0x4e3: {  	[tilespmem:s0+$0xB0] =	vst v0  }
0x4e4: {  	v0 =	vld [tilespmem:s1+$0xC0]  }
0x4e5: {  	v1 =	vld [tilespmem:s5+$0xFFFFFFD0]  }
0x4e6: {  	s9 =	simm.s32 $0x0  }
0x4e7: {  	s10 =	simm.s32 $0x10000;
	s7 =	simm.s32 $0x7E00;
	s8 =	simm.s32 $0x3EF0  }
.LBB2_12:
0x4e8: {  	s9 =	sadd.s32 $0x8, s9;
	s5 =	sadd.s32 $0x200, s5;
	s1 =	sadd.s32 $0x200, s1  }
0x4e9: {  	p0 =	slt.u32 s9, $0x78  }
0x4ea: {  	v0 =	vadd.f32 v1, v0;
	_ =	sdelay $0x1  }
0x4eb: {  	[tilespmem:s0+$0xC0] =	vst v0  }
0x4ec: {  	v0 =	vld [tilespmem:s7+$0xD0]  }
0x4ed: {  	v1 =	vld [tilespmem:s8+$0xFFFFFFE0];
	_ =	sdelay $0x4  }
0x4ee: {  	v0 =	vadd.f32 v1, v0;
	_ =	sdelay $0x1  }
0x4ef: {  	[tilespmem:s0+$0xD0] =	vst v0  }
0x4f0: {  	v0 =	vld [tilespmem:s7+$0xE0]  }
0x4f1: {  	v1 =	vld [tilespmem:s8+$0xFFFFFFF0];
	_ =	sdelay $0x4  }
0x4f2: {  	v0 =	vadd.f32 v1, v0;
	_ =	sdelay $0x1  }
0x4f3: {  	[tilespmem:s0+$0xE0] =	vst v0  }
0x4f4: {  	v0 =	vld [tilespmem:s7+$0xF0];
	s7 =	smov.u32 s1  }
0x4f5: {  	v1 =	vld [tilespmem:s8+$0x0];
	s8 =	smov.u32 s5;
	_ =	sdelay $0x4  }
0x4f6: {  	v0 =	vadd.f32 v1, v0;
	_ =	sdelay $0x1  }
0x4f7: {  	[tilespmem:s0+$0xF0] =	vst v0;
	s0 =	smov.u32 s10  }
0x4f8: {  	v0 =	vld [tilespmem:s1+$0xFFFFFF00]  }
0x4f9: {  	v1 =	vld [tilespmem:s5+$0xFFFFFE10];
	_ =	sdelay $0x4  }
0x4fa: {  	v0 =	vadd.f32 v1, v0;
	_ =	sdelay $0x1  }
0x4fb: {  	[tilespmem:s10+$0xFFFFFF00] =	vst v0  }
0x4fc: {  	v0 =	vld [tilespmem:s5+$0xFFFFFE20]  }
0x4fd: {  	v1 =	vld [tilespmem:s1+$0xFFFFFF10];
	_ =	sdelay $0x4  }
0x4fe: {  	v0 =	vadd.f32 v0, v1;
	_ =	sdelay $0x1  }
0x4ff: {  	[tilespmem:s10+$0xFFFFFF10] =	vst v0  }
0x500: {  	v0 =	vld [tilespmem:s1+$0xFFFFFF20]  }
0x501: {  	v1 =	vld [tilespmem:s5+$0xFFFFFE30];
	_ =	sdelay $0x4  }
0x502: {  	v0 =	vadd.f32 v1, v0;
	_ =	sdelay $0x1  }
0x503: {  	[tilespmem:s10+$0xFFFFFF20] =	vst v0  }
0x504: {  	v0 =	vld [tilespmem:s1+$0xFFFFFF30]  }
0x505: {  	v1 =	vld [tilespmem:s5+$0xFFFFFE40];
	_ =	sdelay $0x4  }
0x506: {  	v0 =	vadd.f32 v1, v0;
	_ =	sdelay $0x1  }
0x507: {  	[tilespmem:s10+$0xFFFFFF30] =	vst v0  }
0x508: {  	v0 =	vld [tilespmem:s1+$0xFFFFFF40]  }
0x509: {  	v1 =	vld [tilespmem:s5+$0xFFFFFE50];
	_ =	sdelay $0x4  }
0x50a: {  	v0 =	vadd.f32 v1, v0;
	_ =	sdelay $0x1  }
0x50b: {  	[tilespmem:s10+$0xFFFFFF40] =	vst v0  }
0x50c: {  	v0 =	vld [tilespmem:s1+$0xFFFFFF50]  }
0x50d: {  	v1 =	vld [tilespmem:s5+$0xFFFFFE60];
	_ =	sdelay $0x4  }
0x50e: {  	v0 =	vadd.f32 v1, v0;
	_ =	sdelay $0x1  }
0x50f: {  	[tilespmem:s10+$0xFFFFFF50] =	vst v0  }
0x510: {  	v0 =	vld [tilespmem:s1+$0xFFFFFF60]  }
0x511: {  	v1 =	vld [tilespmem:s5+$0xFFFFFE70];
	_ =	sdelay $0x4  }
0x512: {  	v0 =	vadd.f32 v1, v0;
	_ =	sdelay $0x1  }
0x513: {  	[tilespmem:s10+$0xFFFFFF60] =	vst v0  }
0x514: {  	v0 =	vld [tilespmem:s1+$0xFFFFFF70]  }
0x515: {  	v1 =	vld [tilespmem:s5+$0xFFFFFE80];
	_ =	sdelay $0x4  }
0x516: {  	v0 =	vadd.f32 v1, v0;
	_ =	sdelay $0x1  }
0x517: {  	[tilespmem:s10+$0xFFFFFF70] =	vst v0  }
0x518: {  	v0 =	vld [tilespmem:s1+$0xFFFFFF80]  }
0x519: {  	v1 =	vld [tilespmem:s5+$0xFFFFFE90];
	_ =	sdelay $0x4  }
0x51a: {  	v0 =	vadd.f32 v1, v0;
	_ =	sdelay $0x1  }
0x51b: {  	[tilespmem:s10+$0xFFFFFF80] =	vst v0  }
0x51c: {  	v0 =	vld [tilespmem:s1+$0xFFFFFF90]  }
0x51d: {  	v1 =	vld [tilespmem:s5+$0xFFFFFEA0];
	_ =	sdelay $0x4  }
0x51e: {  	v0 =	vadd.f32 v1, v0;
	_ =	sdelay $0x1  }
0x51f: {  	[tilespmem:s10+$0xFFFFFF90] =	vst v0  }
0x520: {  	v0 =	vld [tilespmem:s1+$0xFFFFFFA0]  }
0x521: {  	v1 =	vld [tilespmem:s5+$0xFFFFFEB0];
	_ =	sdelay $0x4  }
0x522: {  	v0 =	vadd.f32 v1, v0;
	_ =	sdelay $0x1  }
0x523: {  	[tilespmem:s10+$0xFFFFFFA0] =	vst v0  }
0x524: {  	v0 =	vld [tilespmem:s1+$0xFFFFFFB0]  }
0x525: {  	v1 =	vld [tilespmem:s5+$0xFFFFFEC0];
	_ =	sdelay $0x4  }
0x526: {  	v0 =	vadd.f32 v1, v0;
	_ =	sdelay $0x1  }
0x527: {  	[tilespmem:s10+$0xFFFFFFB0] =	vst v0  }
0x528: {  	v0 =	vld [tilespmem:s1+$0xFFFFFFC0]  }
0x529: {  	v1 =	vld [tilespmem:s5+$0xFFFFFED0];
	_ =	sdelay $0x4  }
0x52a: {  	v0 =	vadd.f32 v1, v0;
	_ =	sdelay $0x1  }
0x52b: {  	[tilespmem:s10+$0xFFFFFFC0] =	vst v0  }
0x52c: {  	v0 =	vld [tilespmem:s1+$0xFFFFFFD0]  }
0x52d: {  	v1 =	vld [tilespmem:s5+$0xFFFFFEE0];
	_ =	sdelay $0x4  }
0x52e: {  	v0 =	vadd.f32 v1, v0;
	_ =	sdelay $0x1  }
0x52f: {  	[tilespmem:s10+$0xFFFFFFD0] =	vst v0  }
0x530: {  	v0 =	vld [tilespmem:s1+$0xFFFFFFE0]  }
0x531: {  	v1 =	vld [tilespmem:s5+$0xFFFFFEF0];
	_ =	sdelay $0x4  }
0x532: {  	v0 =	vadd.f32 v1, v0;
	_ =	sdelay $0x1  }
0x533: {  	[tilespmem:s10+$0xFFFFFFE0] =	vst v0  }
0x534: {  	v0 =	vld [tilespmem:s1+$0xFFFFFFF0]  }
0x535: {  	v1 =	vld [tilespmem:s5+$0xFFFFFF00];
	_ =	sdelay $0x4  }
0x536: {  	v0 =	vadd.f32 v1, v0;
	_ =	sdelay $0x1  }
0x537: {  	[tilespmem:s10+$0xFFFFFFF0] =	vst v0  }
0x538: {  	v0 =	vld [tilespmem:s1+$0x0]  }
0x539: {  	v1 =	vld [tilespmem:s5+$0xFFFFFF10];
	_ =	sdelay $0x4  }
0x53a: {  	v0 =	vadd.f32 v1, v0;
	_ =	sdelay $0x1  }
0x53b: {  	[tilespmem:s10+$0x0] =	vst v0  }
0x53c: {  	v0 =	vld [tilespmem:s1+$0x10]  }
0x53d: {  	v1 =	vld [tilespmem:s5+$0xFFFFFF20];
	_ =	sdelay $0x4  }
0x53e: {  	v0 =	vadd.f32 v1, v0;
	_ =	sdelay $0x1  }
0x53f: {  	[tilespmem:s10+$0x10] =	vst v0  }
0x540: {  	v0 =	vld [tilespmem:s1+$0x20]  }
0x541: {  	v1 =	vld [tilespmem:s5+$0xFFFFFF30];
	_ =	sdelay $0x4  }
0x542: {  	v0 =	vadd.f32 v1, v0;
	_ =	sdelay $0x1  }
0x543: {  	[tilespmem:s10+$0x20] =	vst v0  }
0x544: {  	v0 =	vld [tilespmem:s1+$0x30]  }
0x545: {  	v1 =	vld [tilespmem:s5+$0xFFFFFF40];
	_ =	sdelay $0x4  }
0x546: {  	v0 =	vadd.f32 v1, v0;
	_ =	sdelay $0x1  }
0x547: {  	[tilespmem:s10+$0x30] =	vst v0  }
0x548: {  	v0 =	vld [tilespmem:s1+$0x40]  }
0x549: {  	v1 =	vld [tilespmem:s5+$0xFFFFFF50];
	_ =	sdelay $0x4  }
0x54a: {  	v0 =	vadd.f32 v1, v0;
	_ =	sdelay $0x1  }
0x54b: {  	[tilespmem:s10+$0x40] =	vst v0  }
0x54c: {  	v0 =	vld [tilespmem:s1+$0x50]  }
0x54d: {  	v1 =	vld [tilespmem:s5+$0xFFFFFF60];
	_ =	sdelay $0x4  }
0x54e: {  	v0 =	vadd.f32 v1, v0;
	_ =	sdelay $0x1  }
0x54f: {  	[tilespmem:s10+$0x50] =	vst v0  }
0x550: {  	v0 =	vld [tilespmem:s1+$0x60]  }
0x551: {  	v1 =	vld [tilespmem:s5+$0xFFFFFF70];
	_ =	sdelay $0x4  }
0x552: {  	v0 =	vadd.f32 v1, v0;
	_ =	sdelay $0x1  }
0x553: {  	[tilespmem:s10+$0x60] =	vst v0  }
0x554: {  	v0 =	vld [tilespmem:s1+$0x70]  }
0x555: {  	v1 =	vld [tilespmem:s5+$0xFFFFFF80];
	_ =	sdelay $0x4  }
0x556: {  	v0 =	vadd.f32 v1, v0;
	_ =	sdelay $0x1  }
0x557: {  	[tilespmem:s10+$0x70] =	vst v0  }
0x558: {  	v0 =	vld [tilespmem:s1+$0x80]  }
0x559: {  	v1 =	vld [tilespmem:s5+$0xFFFFFF90];
	_ =	sdelay $0x4  }
0x55a: {  	v0 =	vadd.f32 v1, v0;
	_ =	sdelay $0x1  }
0x55b: {  	[tilespmem:s10+$0x80] =	vst v0  }
0x55c: {  	v0 =	vld [tilespmem:s1+$0x90]  }
0x55d: {  	v1 =	vld [tilespmem:s5+$0xFFFFFFA0];
	_ =	sdelay $0x4  }
0x55e: {  	v0 =	vadd.f32 v1, v0;
	_ =	sdelay $0x1  }
0x55f: {  	[tilespmem:s10+$0x90] =	vst v0  }
0x560: {  	v0 =	vld [tilespmem:s1+$0xA0]  }
0x561: {  	v1 =	vld [tilespmem:s5+$0xFFFFFFB0];
	_ =	sdelay $0x4  }
0x562: {  	v0 =	vadd.f32 v1, v0;
	_ =	sdelay $0x1  }
0x563: {  	[tilespmem:s10+$0xA0] =	vst v0  }
0x564: {  	v0 =	vld [tilespmem:s1+$0xB0]  }
0x565: {  	v1 =	vld [tilespmem:s5+$0xFFFFFFC0];
	_ =	sdelay $0x4  }
0x566: {  	v0 =	vadd.f32 v1, v0;
	_ =	sdelay $0x1  }
.Ltmp5:
0x567: {  	[tilespmem:s10+$0xB0] =	vst v0;
	(pc) =	sbr.rel @p0 .LBB2_12-.Ltmp5, $3  }
0x568: {  	v0 =	vld [tilespmem:s1+$0xC0]  }
0x569: {  	v1 =	vld [tilespmem:s5+$0xFFFFFFD0];
	_ =	sdelay $0x1  }
0x56a: {  	s10 =	sadd.s32 $0x200, s10  }
0x56b: {  	_ =	sdelay $0x1  }
0x56c: {  	v0 =	vadd.f32 v1, v0;
	_ =	sdelay $0x1  }
0x56d: {  	[tilespmem:s0+$0xC0] =	vst v0  }
0x56e: {  	v0 =	vld [tilespmem:s7+$0xD0]  }
0x56f: {  	v1 =	vld [tilespmem:s8+$0xFFFFFFE0];
	_ =	sdelay $0x4  }
0x570: {  	v0 =	vadd.f32 v1, v0;
	_ =	sdelay $0x1  }
0x571: {  	[tilespmem:s0+$0xD0] =	vst v0  }
0x572: {  	v0 =	vld [tilespmem:s7+$0xE0]  }
0x573: {  	v1 =	vld [tilespmem:s8+$0xFFFFFFF0];
	_ =	sdelay $0x4  }
0x574: {  	v0 =	vadd.f32 v1, v0;
	_ =	sdelay $0x1  }
0x575: {  	[tilespmem:s0+$0xE0] =	vst v0  }
0x576: {  	v0 =	vld [tilespmem:s7+$0xF0]  }
0x577: {  	v1 =	vld [tilespmem:s8+$0x0];
	_ =	sdelay $0x4  }
0x578: {  	v0 =	vadd.f32 v1, v0;
	_ =	sdelay $0x1  }
0x579: {  	s31 =	rddreg [dreg:$0x5];
	s1 =	simm.s32 $0xFD00;
	[tilespmem:s0+$0xF0] =	vst v0  }
0x57a: {  	[hbm4b:s31+s4] =	stream.linear.scatter [tilespmem:s1], [sflag:$0x5], $0x2000, $0x38;
	[tilespmem:$0x13D00] =	vst v63  }
0x57b: {  	_ =	swait.ge [sflag:s20], $0x2000  }
0x57c: {  	[sflag:s20] =	ssyncset.done $0x0  }
0x57d: {  	[sflag:s20] =	ssyncadd.s32 $0xFFFFE000  }
0x57e: {  	_ =	swait.ge [sflag:s25], $0x2000  }
0x57f: {  	[sflag:s25] =	ssyncset.done $0x0  }
0x580: {  	s1 =	simm.s32 $0x9E00;
	[sflag:s25] =	ssyncadd.s32 $0xFFFFE000  }
0x581: {  	s5 =	simm.s32 $0x2CF0;
	v0 =	vld [tilespmem:s1+$0xFFFFFF00]  }
0x582: {  	v1 =	vld [tilespmem:s5+$0xFFFFFE10];
	_ =	sdelay $0x4  }
0x583: {  	v0 =	vadd.f32 v1, v0  }
0x584: {  	s0 =	simm.s32 $0x11E00  }
0x585: {  	[tilespmem:s0+$0xFFFFFF00] =	vst v0  }
0x586: {  	v0 =	vld [tilespmem:s5+$0xFFFFFE20]  }
0x587: {  	v1 =	vld [tilespmem:s1+$0xFFFFFF10];
	_ =	sdelay $0x4  }
0x588: {  	v0 =	vadd.f32 v0, v1;
	_ =	sdelay $0x1  }
0x589: {  	[tilespmem:s0+$0xFFFFFF10] =	vst v0  }
0x58a: {  	v0 =	vld [tilespmem:s1+$0xFFFFFF20]  }
0x58b: {  	v1 =	vld [tilespmem:s5+$0xFFFFFE30];
	_ =	sdelay $0x4  }
0x58c: {  	v0 =	vadd.f32 v1, v0;
	_ =	sdelay $0x1  }
0x58d: {  	[tilespmem:s0+$0xFFFFFF20] =	vst v0  }
0x58e: {  	v0 =	vld [tilespmem:s1+$0xFFFFFF30]  }
0x58f: {  	v1 =	vld [tilespmem:s5+$0xFFFFFE40];
	_ =	sdelay $0x4  }
0x590: {  	v0 =	vadd.f32 v1, v0;
	_ =	sdelay $0x1  }
0x591: {  	[tilespmem:s0+$0xFFFFFF30] =	vst v0  }
0x592: {  	v0 =	vld [tilespmem:s1+$0xFFFFFF40]  }
0x593: {  	v1 =	vld [tilespmem:s5+$0xFFFFFE50];
	_ =	sdelay $0x4  }
0x594: {  	v0 =	vadd.f32 v1, v0;
	_ =	sdelay $0x1  }
0x595: {  	[tilespmem:s0+$0xFFFFFF40] =	vst v0  }
0x596: {  	v0 =	vld [tilespmem:s1+$0xFFFFFF50]  }
0x597: {  	v1 =	vld [tilespmem:s5+$0xFFFFFE60];
	_ =	sdelay $0x4  }
0x598: {  	v0 =	vadd.f32 v1, v0;
	_ =	sdelay $0x1  }
0x599: {  	[tilespmem:s0+$0xFFFFFF50] =	vst v0  }
0x59a: {  	v0 =	vld [tilespmem:s1+$0xFFFFFF60]  }
0x59b: {  	v1 =	vld [tilespmem:s5+$0xFFFFFE70];
	_ =	sdelay $0x4  }
0x59c: {  	v0 =	vadd.f32 v1, v0;
	_ =	sdelay $0x1  }
0x59d: {  	[tilespmem:s0+$0xFFFFFF60] =	vst v0  }
0x59e: {  	v0 =	vld [tilespmem:s1+$0xFFFFFF70]  }
0x59f: {  	v1 =	vld [tilespmem:s5+$0xFFFFFE80];
	_ =	sdelay $0x4  }
0x5a0: {  	v0 =	vadd.f32 v1, v0;
	_ =	sdelay $0x1  }
0x5a1: {  	[tilespmem:s0+$0xFFFFFF70] =	vst v0  }
0x5a2: {  	v0 =	vld [tilespmem:s1+$0xFFFFFF80]  }
0x5a3: {  	v1 =	vld [tilespmem:s5+$0xFFFFFE90];
	_ =	sdelay $0x4  }
0x5a4: {  	v0 =	vadd.f32 v1, v0;
	_ =	sdelay $0x1  }
0x5a5: {  	[tilespmem:s0+$0xFFFFFF80] =	vst v0  }
0x5a6: {  	v0 =	vld [tilespmem:s1+$0xFFFFFF90]  }
0x5a7: {  	v1 =	vld [tilespmem:s5+$0xFFFFFEA0];
	_ =	sdelay $0x4  }
0x5a8: {  	v0 =	vadd.f32 v1, v0;
	_ =	sdelay $0x1  }
0x5a9: {  	[tilespmem:s0+$0xFFFFFF90] =	vst v0  }
0x5aa: {  	v0 =	vld [tilespmem:s1+$0xFFFFFFA0]  }
0x5ab: {  	v1 =	vld [tilespmem:s5+$0xFFFFFEB0];
	_ =	sdelay $0x4  }
0x5ac: {  	v0 =	vadd.f32 v1, v0;
	_ =	sdelay $0x1  }
0x5ad: {  	[tilespmem:s0+$0xFFFFFFA0] =	vst v0  }
0x5ae: {  	v0 =	vld [tilespmem:s1+$0xFFFFFFB0]  }
0x5af: {  	v1 =	vld [tilespmem:s5+$0xFFFFFEC0];
	_ =	sdelay $0x4  }
0x5b0: {  	v0 =	vadd.f32 v1, v0;
	_ =	sdelay $0x1  }
0x5b1: {  	[tilespmem:s0+$0xFFFFFFB0] =	vst v0  }
0x5b2: {  	v0 =	vld [tilespmem:s1+$0xFFFFFFC0]  }
0x5b3: {  	v1 =	vld [tilespmem:s5+$0xFFFFFED0];
	_ =	sdelay $0x4  }
0x5b4: {  	v0 =	vadd.f32 v1, v0;
	_ =	sdelay $0x1  }
0x5b5: {  	[tilespmem:s0+$0xFFFFFFC0] =	vst v0  }
0x5b6: {  	v0 =	vld [tilespmem:s1+$0xFFFFFFD0]  }
0x5b7: {  	v1 =	vld [tilespmem:s5+$0xFFFFFEE0];
	_ =	sdelay $0x4  }
0x5b8: {  	v0 =	vadd.f32 v1, v0;
	_ =	sdelay $0x1  }
0x5b9: {  	[tilespmem:s0+$0xFFFFFFD0] =	vst v0  }
0x5ba: {  	v0 =	vld [tilespmem:s1+$0xFFFFFFE0]  }
0x5bb: {  	v1 =	vld [tilespmem:s5+$0xFFFFFEF0];
	_ =	sdelay $0x4  }
0x5bc: {  	v0 =	vadd.f32 v1, v0;
	_ =	sdelay $0x1  }
0x5bd: {  	[tilespmem:s0+$0xFFFFFFE0] =	vst v0  }
0x5be: {  	v0 =	vld [tilespmem:s1+$0xFFFFFFF0]  }
0x5bf: {  	v1 =	vld [tilespmem:s5+$0xFFFFFF00];
	_ =	sdelay $0x4  }
0x5c0: {  	v0 =	vadd.f32 v1, v0;
	_ =	sdelay $0x1  }
0x5c1: {  	[tilespmem:s0+$0xFFFFFFF0] =	vst v0  }
0x5c2: {  	v0 =	vld [tilespmem:s1+$0x0]  }
0x5c3: {  	v1 =	vld [tilespmem:s5+$0xFFFFFF10];
	_ =	sdelay $0x4  }
0x5c4: {  	v0 =	vadd.f32 v1, v0;
	_ =	sdelay $0x1  }
0x5c5: {  	[tilespmem:s0+$0x0] =	vst v0  }
0x5c6: {  	v0 =	vld [tilespmem:s1+$0x10]  }
0x5c7: {  	v1 =	vld [tilespmem:s5+$0xFFFFFF20];
	_ =	sdelay $0x4  }
0x5c8: {  	v0 =	vadd.f32 v1, v0;
	_ =	sdelay $0x1  }
0x5c9: {  	[tilespmem:s0+$0x10] =	vst v0  }
0x5ca: {  	v0 =	vld [tilespmem:s1+$0x20]  }
0x5cb: {  	v1 =	vld [tilespmem:s5+$0xFFFFFF30];
	_ =	sdelay $0x4  }
0x5cc: {  	v0 =	vadd.f32 v1, v0;
	_ =	sdelay $0x1  }
0x5cd: {  	[tilespmem:s0+$0x20] =	vst v0  }
0x5ce: {  	v0 =	vld [tilespmem:s1+$0x30]  }
0x5cf: {  	v1 =	vld [tilespmem:s5+$0xFFFFFF40];
	_ =	sdelay $0x4  }
0x5d0: {  	v0 =	vadd.f32 v1, v0;
	_ =	sdelay $0x1  }
0x5d1: {  	[tilespmem:s0+$0x30] =	vst v0  }
0x5d2: {  	v0 =	vld [tilespmem:s1+$0x40]  }
0x5d3: {  	v1 =	vld [tilespmem:s5+$0xFFFFFF50];
	_ =	sdelay $0x4  }
0x5d4: {  	v0 =	vadd.f32 v1, v0;
	_ =	sdelay $0x1  }
0x5d5: {  	[tilespmem:s0+$0x40] =	vst v0  }
0x5d6: {  	v0 =	vld [tilespmem:s1+$0x50]  }
0x5d7: {  	v1 =	vld [tilespmem:s5+$0xFFFFFF60];
	_ =	sdelay $0x4  }
0x5d8: {  	v0 =	vadd.f32 v1, v0;
	_ =	sdelay $0x1  }
0x5d9: {  	[tilespmem:s0+$0x50] =	vst v0  }
0x5da: {  	v0 =	vld [tilespmem:s1+$0x60]  }
0x5db: {  	v1 =	vld [tilespmem:s5+$0xFFFFFF70];
	_ =	sdelay $0x4  }
0x5dc: {  	v0 =	vadd.f32 v1, v0;
	_ =	sdelay $0x1  }
0x5dd: {  	[tilespmem:s0+$0x60] =	vst v0  }
0x5de: {  	v0 =	vld [tilespmem:s1+$0x70]  }
0x5df: {  	v1 =	vld [tilespmem:s5+$0xFFFFFF80];
	_ =	sdelay $0x4  }
0x5e0: {  	v0 =	vadd.f32 v1, v0;
	_ =	sdelay $0x1  }
0x5e1: {  	[tilespmem:s0+$0x70] =	vst v0  }
0x5e2: {  	v0 =	vld [tilespmem:s1+$0x80]  }
0x5e3: {  	v1 =	vld [tilespmem:s5+$0xFFFFFF90];
	_ =	sdelay $0x4  }
0x5e4: {  	v0 =	vadd.f32 v1, v0;
	_ =	sdelay $0x1  }
0x5e5: {  	[tilespmem:s0+$0x80] =	vst v0  }
0x5e6: {  	v0 =	vld [tilespmem:s1+$0x90]  }
0x5e7: {  	v1 =	vld [tilespmem:s5+$0xFFFFFFA0];
	_ =	sdelay $0x4  }
0x5e8: {  	v0 =	vadd.f32 v1, v0;
	_ =	sdelay $0x1  }
0x5e9: {  	[tilespmem:s0+$0x90] =	vst v0  }
0x5ea: {  	v0 =	vld [tilespmem:s1+$0xA0]  }
0x5eb: {  	v1 =	vld [tilespmem:s5+$0xFFFFFFB0];
	_ =	sdelay $0x4  }
0x5ec: {  	v0 =	vadd.f32 v1, v0;
	_ =	sdelay $0x1  }
0x5ed: {  	[tilespmem:s0+$0xA0] =	vst v0  }
0x5ee: {  	v0 =	vld [tilespmem:s1+$0xB0]  }
0x5ef: {  	v1 =	vld [tilespmem:s5+$0xFFFFFFC0];
	_ =	sdelay $0x4  }
0x5f0: {  	v0 =	vadd.f32 v1, v0;
	_ =	sdelay $0x1  }
0x5f1: {  	[tilespmem:s0+$0xB0] =	vst v0  }
0x5f2: {  	v0 =	vld [tilespmem:s1+$0xC0]  }
0x5f3: {  	v1 =	vld [tilespmem:s5+$0xFFFFFFD0]  }
0x5f4: {  	s9 =	simm.s32 $0x0  }
0x5f5: {  	s10 =	simm.s32 $0x12000;
	s7 =	simm.s32 $0x9E00;
	s8 =	simm.s32 $0x2CF0  }
.LBB2_14:
0x5f6: {  	s9 =	sadd.s32 $0x8, s9;
	s5 =	sadd.s32 $0x200, s5;
	s1 =	sadd.s32 $0x200, s1  }
0x5f7: {  	p0 =	slt.u32 s9, $0x78  }
0x5f8: {  	v0 =	vadd.f32 v1, v0;
	_ =	sdelay $0x1  }
0x5f9: {  	[tilespmem:s0+$0xC0] =	vst v0  }
0x5fa: {  	v0 =	vld [tilespmem:s7+$0xD0]  }
0x5fb: {  	v1 =	vld [tilespmem:s8+$0xFFFFFFE0];
	_ =	sdelay $0x4  }
0x5fc: {  	v0 =	vadd.f32 v1, v0;
	_ =	sdelay $0x1  }
0x5fd: {  	[tilespmem:s0+$0xD0] =	vst v0  }
0x5fe: {  	v0 =	vld [tilespmem:s7+$0xE0]  }
0x5ff: {  	v1 =	vld [tilespmem:s8+$0xFFFFFFF0];
	_ =	sdelay $0x4  }
0x600: {  	v0 =	vadd.f32 v1, v0;
	_ =	sdelay $0x1  }
0x601: {  	[tilespmem:s0+$0xE0] =	vst v0  }
0x602: {  	v0 =	vld [tilespmem:s7+$0xF0];
	s7 =	smov.u32 s1  }
0x603: {  	v1 =	vld [tilespmem:s8+$0x0];
	s8 =	smov.u32 s5;
	_ =	sdelay $0x4  }
0x604: {  	v0 =	vadd.f32 v1, v0;
	_ =	sdelay $0x1  }
0x605: {  	[tilespmem:s0+$0xF0] =	vst v0;
	s0 =	smov.u32 s10  }
0x606: {  	v0 =	vld [tilespmem:s1+$0xFFFFFF00]  }
0x607: {  	v1 =	vld [tilespmem:s5+$0xFFFFFE10];
	_ =	sdelay $0x4  }
0x608: {  	v0 =	vadd.f32 v1, v0;
	_ =	sdelay $0x1  }
0x609: {  	[tilespmem:s10+$0xFFFFFF00] =	vst v0  }
0x60a: {  	v0 =	vld [tilespmem:s5+$0xFFFFFE20]  }
0x60b: {  	v1 =	vld [tilespmem:s1+$0xFFFFFF10];
	_ =	sdelay $0x4  }
0x60c: {  	v0 =	vadd.f32 v0, v1;
	_ =	sdelay $0x1  }
0x60d: {  	[tilespmem:s10+$0xFFFFFF10] =	vst v0  }
0x60e: {  	v0 =	vld [tilespmem:s1+$0xFFFFFF20]  }
0x60f: {  	v1 =	vld [tilespmem:s5+$0xFFFFFE30];
	_ =	sdelay $0x4  }
0x610: {  	v0 =	vadd.f32 v1, v0;
	_ =	sdelay $0x1  }
0x611: {  	[tilespmem:s10+$0xFFFFFF20] =	vst v0  }
0x612: {  	v0 =	vld [tilespmem:s1+$0xFFFFFF30]  }
0x613: {  	v1 =	vld [tilespmem:s5+$0xFFFFFE40];
	_ =	sdelay $0x4  }
0x614: {  	v0 =	vadd.f32 v1, v0;
	_ =	sdelay $0x1  }
0x615: {  	[tilespmem:s10+$0xFFFFFF30] =	vst v0  }
0x616: {  	v0 =	vld [tilespmem:s1+$0xFFFFFF40]  }
0x617: {  	v1 =	vld [tilespmem:s5+$0xFFFFFE50];
	_ =	sdelay $0x4  }
0x618: {  	v0 =	vadd.f32 v1, v0;
	_ =	sdelay $0x1  }
0x619: {  	[tilespmem:s10+$0xFFFFFF40] =	vst v0  }
0x61a: {  	v0 =	vld [tilespmem:s1+$0xFFFFFF50]  }
0x61b: {  	v1 =	vld [tilespmem:s5+$0xFFFFFE60];
	_ =	sdelay $0x4  }
0x61c: {  	v0 =	vadd.f32 v1, v0;
	_ =	sdelay $0x1  }
0x61d: {  	[tilespmem:s10+$0xFFFFFF50] =	vst v0  }
0x61e: {  	v0 =	vld [tilespmem:s1+$0xFFFFFF60]  }
0x61f: {  	v1 =	vld [tilespmem:s5+$0xFFFFFE70];
	_ =	sdelay $0x4  }
0x620: {  	v0 =	vadd.f32 v1, v0;
	_ =	sdelay $0x1  }
0x621: {  	[tilespmem:s10+$0xFFFFFF60] =	vst v0  }
0x622: {  	v0 =	vld [tilespmem:s1+$0xFFFFFF70]  }
0x623: {  	v1 =	vld [tilespmem:s5+$0xFFFFFE80];
	_ =	sdelay $0x4  }
0x624: {  	v0 =	vadd.f32 v1, v0;
	_ =	sdelay $0x1  }
0x625: {  	[tilespmem:s10+$0xFFFFFF70] =	vst v0  }
0x626: {  	v0 =	vld [tilespmem:s1+$0xFFFFFF80]  }
0x627: {  	v1 =	vld [tilespmem:s5+$0xFFFFFE90];
	_ =	sdelay $0x4  }
0x628: {  	v0 =	vadd.f32 v1, v0;
	_ =	sdelay $0x1  }
0x629: {  	[tilespmem:s10+$0xFFFFFF80] =	vst v0  }
0x62a: {  	v0 =	vld [tilespmem:s1+$0xFFFFFF90]  }
0x62b: {  	v1 =	vld [tilespmem:s5+$0xFFFFFEA0];
	_ =	sdelay $0x4  }
0x62c: {  	v0 =	vadd.f32 v1, v0;
	_ =	sdelay $0x1  }
0x62d: {  	[tilespmem:s10+$0xFFFFFF90] =	vst v0  }
0x62e: {  	v0 =	vld [tilespmem:s1+$0xFFFFFFA0]  }
0x62f: {  	v1 =	vld [tilespmem:s5+$0xFFFFFEB0];
	_ =	sdelay $0x4  }
0x630: {  	v0 =	vadd.f32 v1, v0;
	_ =	sdelay $0x1  }
0x631: {  	[tilespmem:s10+$0xFFFFFFA0] =	vst v0  }
0x632: {  	v0 =	vld [tilespmem:s1+$0xFFFFFFB0]  }
0x633: {  	v1 =	vld [tilespmem:s5+$0xFFFFFEC0];
	_ =	sdelay $0x4  }
0x634: {  	v0 =	vadd.f32 v1, v0;
	_ =	sdelay $0x1  }
0x635: {  	[tilespmem:s10+$0xFFFFFFB0] =	vst v0  }
0x636: {  	v0 =	vld [tilespmem:s1+$0xFFFFFFC0]  }
0x637: {  	v1 =	vld [tilespmem:s5+$0xFFFFFED0];
	_ =	sdelay $0x4  }
0x638: {  	v0 =	vadd.f32 v1, v0;
	_ =	sdelay $0x1  }
0x639: {  	[tilespmem:s10+$0xFFFFFFC0] =	vst v0  }
0x63a: {  	v0 =	vld [tilespmem:s1+$0xFFFFFFD0]  }
0x63b: {  	v1 =	vld [tilespmem:s5+$0xFFFFFEE0];
	_ =	sdelay $0x4  }
0x63c: {  	v0 =	vadd.f32 v1, v0;
	_ =	sdelay $0x1  }
0x63d: {  	[tilespmem:s10+$0xFFFFFFD0] =	vst v0  }
0x63e: {  	v0 =	vld [tilespmem:s1+$0xFFFFFFE0]  }
0x63f: {  	v1 =	vld [tilespmem:s5+$0xFFFFFEF0];
	_ =	sdelay $0x4  }
0x640: {  	v0 =	vadd.f32 v1, v0;
	_ =	sdelay $0x1  }
0x641: {  	[tilespmem:s10+$0xFFFFFFE0] =	vst v0  }
0x642: {  	v0 =	vld [tilespmem:s1+$0xFFFFFFF0]  }
0x643: {  	v1 =	vld [tilespmem:s5+$0xFFFFFF00];
	_ =	sdelay $0x4  }
0x644: {  	v0 =	vadd.f32 v1, v0;
	_ =	sdelay $0x1  }
0x645: {  	[tilespmem:s10+$0xFFFFFFF0] =	vst v0  }
0x646: {  	v0 =	vld [tilespmem:s1+$0x0]  }
0x647: {  	v1 =	vld [tilespmem:s5+$0xFFFFFF10];
	_ =	sdelay $0x4  }
0x648: {  	v0 =	vadd.f32 v1, v0;
	_ =	sdelay $0x1  }
0x649: {  	[tilespmem:s10+$0x0] =	vst v0  }
0x64a: {  	v0 =	vld [tilespmem:s1+$0x10]  }
0x64b: {  	v1 =	vld [tilespmem:s5+$0xFFFFFF20];
	_ =	sdelay $0x4  }
0x64c: {  	v0 =	vadd.f32 v1, v0;
	_ =	sdelay $0x1  }
0x64d: {  	[tilespmem:s10+$0x10] =	vst v0  }
0x64e: {  	v0 =	vld [tilespmem:s1+$0x20]  }
0x64f: {  	v1 =	vld [tilespmem:s5+$0xFFFFFF30];
	_ =	sdelay $0x4  }
0x650: {  	v0 =	vadd.f32 v1, v0;
	_ =	sdelay $0x1  }
0x651: {  	[tilespmem:s10+$0x20] =	vst v0  }
0x652: {  	v0 =	vld [tilespmem:s1+$0x30]  }
0x653: {  	v1 =	vld [tilespmem:s5+$0xFFFFFF40];
	_ =	sdelay $0x4  }
0x654: {  	v0 =	vadd.f32 v1, v0;
	_ =	sdelay $0x1  }
0x655: {  	[tilespmem:s10+$0x30] =	vst v0  }
0x656: {  	v0 =	vld [tilespmem:s1+$0x40]  }
0x657: {  	v1 =	vld [tilespmem:s5+$0xFFFFFF50];
	_ =	sdelay $0x4  }
0x658: {  	v0 =	vadd.f32 v1, v0;
	_ =	sdelay $0x1  }
0x659: {  	[tilespmem:s10+$0x40] =	vst v0  }
0x65a: {  	v0 =	vld [tilespmem:s1+$0x50]  }
0x65b: {  	v1 =	vld [tilespmem:s5+$0xFFFFFF60];
	_ =	sdelay $0x4  }
0x65c: {  	v0 =	vadd.f32 v1, v0;
	_ =	sdelay $0x1  }
0x65d: {  	[tilespmem:s10+$0x50] =	vst v0  }
0x65e: {  	v0 =	vld [tilespmem:s1+$0x60]  }
0x65f: {  	v1 =	vld [tilespmem:s5+$0xFFFFFF70];
	_ =	sdelay $0x4  }
0x660: {  	v0 =	vadd.f32 v1, v0;
	_ =	sdelay $0x1  }
0x661: {  	[tilespmem:s10+$0x60] =	vst v0  }
0x662: {  	v0 =	vld [tilespmem:s1+$0x70]  }
0x663: {  	v1 =	vld [tilespmem:s5+$0xFFFFFF80];
	_ =	sdelay $0x4  }
0x664: {  	v0 =	vadd.f32 v1, v0;
	_ =	sdelay $0x1  }
0x665: {  	[tilespmem:s10+$0x70] =	vst v0  }
0x666: {  	v0 =	vld [tilespmem:s1+$0x80]  }
0x667: {  	v1 =	vld [tilespmem:s5+$0xFFFFFF90];
	_ =	sdelay $0x4  }
0x668: {  	v0 =	vadd.f32 v1, v0;
	_ =	sdelay $0x1  }
0x669: {  	[tilespmem:s10+$0x80] =	vst v0  }
0x66a: {  	v0 =	vld [tilespmem:s1+$0x90]  }
0x66b: {  	v1 =	vld [tilespmem:s5+$0xFFFFFFA0];
	_ =	sdelay $0x4  }
0x66c: {  	v0 =	vadd.f32 v1, v0;
	_ =	sdelay $0x1  }
0x66d: {  	[tilespmem:s10+$0x90] =	vst v0  }
0x66e: {  	v0 =	vld [tilespmem:s1+$0xA0]  }
0x66f: {  	v1 =	vld [tilespmem:s5+$0xFFFFFFB0];
	_ =	sdelay $0x4  }
0x670: {  	v0 =	vadd.f32 v1, v0;
	_ =	sdelay $0x1  }
0x671: {  	[tilespmem:s10+$0xA0] =	vst v0  }
0x672: {  	v0 =	vld [tilespmem:s1+$0xB0]  }
0x673: {  	v1 =	vld [tilespmem:s5+$0xFFFFFFC0];
	_ =	sdelay $0x4  }
0x674: {  	v0 =	vadd.f32 v1, v0;
	_ =	sdelay $0x1  }
.Ltmp6:
0x675: {  	[tilespmem:s10+$0xB0] =	vst v0;
	(pc) =	sbr.rel @p0 .LBB2_14-.Ltmp6, $3  }
0x676: {  	v0 =	vld [tilespmem:s1+$0xC0]  }
0x677: {  	v1 =	vld [tilespmem:s5+$0xFFFFFFD0];
	_ =	sdelay $0x1  }
0x678: {  	s10 =	sadd.s32 $0x200, s10  }
0x679: {  	_ =	sdelay $0x1  }
0x67a: {  	v0 =	vadd.f32 v1, v0;
	_ =	sdelay $0x1  }
0x67b: {  	[tilespmem:s0+$0xC0] =	vst v0  }
0x67c: {  	v0 =	vld [tilespmem:s7+$0xD0]  }
0x67d: {  	v61 =	vld [tilespmem:s8+$0xFFFFFFE0];
	_ =	sdelay $0x4  }
0x67e: {  	v0 =	vadd.f32 v61, v0;
	_ =	sdelay $0x1  }
0x67f: {  	[tilespmem:s0+$0xD0] =	vst v0  }
0x680: {  	v0 =	vld [tilespmem:s7+$0xE0]  }
0x681: {  	v62 =	vld [tilespmem:s8+$0xFFFFFFF0];
	_ =	sdelay $0x4  }
0x682: {  	v0 =	vadd.f32 v62, v0;
	_ =	sdelay $0x1  }
0x683: {  	[tilespmem:s0+$0xE0] =	vst v0  }
0x684: {  	v0 =	vld [tilespmem:s7+$0xF0]  }
0x685: {  	v63 =	vld [tilespmem:s8+$0x0];
	_ =	sdelay $0x4  }
0x686: {  	v0 =	vadd.f32 v63, v0;
	_ =	sdelay $0x1  }
0x687: {  	s30 =	rddreg [dreg:$0x6];
	[tilespmem:s0+$0xF0] =	vst v0  }
0x688: {  	[hbm4b:s30+s4] =	stream.linear.scatter [tilespmem:s21], [sflag:$0x6], $0x2000, $0x38;
	[tilespmem:$0x13D00] =	vst v63  }
0x689: {  	_ =	swait.ge [sflag:s23], $0x2000  }
0x68a: {  	[sflag:s23] =	ssyncset.done $0x0  }
0x68b: {  	[sflag:s23] =	ssyncadd.s32 $0xFFFFE000  }
0x68c: {  	_ =	swait.ge [sflag:s25], $0x2000  }
0x68d: {  	s1 =	rddreg [dreg:$0x8]  }
0x68e: {  	s31 =	rddreg [dreg:$0x7];
	s1 =	sadd.s32 $0x1, s1  }
0x68f: {  	p0 =	sne.s32 s1, s31  }
.Ltmp7:
0x690: {  	_ = 	snop;
	(pc) =	sbr.rel @p0 .LBB2_1-.Ltmp7, $3  }
0x691: {  	_ =	sdelay $0x1  }
0x692: {  	[sflag:s25] =	ssyncset.done $0x0  }
0x693: {  	[sflag:s25] =	ssyncadd.s32 $0xFFFFE000  }
0x694: {  	_ =	sfence.sel $0x180000  }
0x695: {  	[bflag:$0x0] =	sbarrier.arrive $0xFFFF  }
0x696: {  	_ =	strace $0x90000047  }
0x697: {  	s0 =	stileid.u32;
	[bflag:$0x2] =	sbarrier.arrive $0xFFFF  }
0x698: {  	p0 =	sne.s32 s0, $0x0;
	s0 =	rddreg [dreg:$0x2]  }
0x699: {  	s0 =	sadd.s32 @!p0 $0x100000, s0  }
0x69a: {  	[sflag:s0] =	ssyncadd.tile.s32 @!p0 $0x1;
	_ =	shalt  }
.Lfunc_end2:
_tile_overlayer_lowered:
.L_overlay_start_2:
0x69b: {  	(tag) =	ssettag $0x2  }
0x69c: {  	s0 =	rddreg [dreg:$0x0];
	s2 =	stileid.u32  }
0x69d: {  	s1 =	rddreg [dreg:$0x1];
	p0 =	sne.s32 s2, $0x0  }
0x69e: {  	s3 =	rddreg [dreg:$0x2];
	[bflag:$0x3] =	sbarrier.arrive $0xFFFF;
	s2 =	simm.s32 @!p0 $0x1C07  }
0x69f: {  	[timem:s3], [sflag:s2] =	dma.local @!p0 [hbm:s0], s1  }
0x6a0: {  	s0 =	simm.s32 @!p0 $0x7  }
0x6a1: {  	_ =	swait.ge @!p0 [sflag:s0], s1  }
0x6a2: {  	s1 =	ssub.s32 @!p0 $0x0, s1;
	[sflag:s0] =	ssyncset.done @!p0 $0x0  }
0x6a3: {  	[sflag:s0] =	ssyncadd.s32 @!p0 s1  }
0x6a4: {  	[bflag:$0x3] =	sbarrier.arrive $0xFFFF  }
0x6a5: {  	_ =	shalt  }

// kernel: sparse-core-data-format-call.cloned.1.call-start
scs
called_computation_lowered:
.L_overlay_start_0:
0x0: {  	s2 =	sld [smem:$0x3FD9]  }
0x1: {  	s3 =	sld [smem:$0x3FFE];
	_ =	sdelay $0x1  }
0x2: {  	s1 =	srdreg.scid  }
0x3: {  	s0 =	sand.u32 $0x1, s1  }
0x4: {  	s18 =	sshll.u32 s0, $0xA;
	s2 =	sadd.s32 s3, s2  }
0x5: {  	s2 =	sadd.s32 s2, s18  }
0x6: {  	[smem:$0x3FC5] =	sst s2  }
0x7: {  	_ = 	snop  }
0x8: {  	s2 =	sld [smem:$0x3FD0];
	(tm) =	ssettm $0x1  }
0x9: {  	s19 =	sld [smem:$0x3FFB];
	_ =	sdelay $0x3  }
0xa: {  	_ =	strace s19  }
0xb: {  	s3 =	sld [smem:$0x3FFC];
	_ =	sdelay $0x3  }
0xc: {  	_ =	strace s3  }
0xd: {  	s3 =	sld [smem:$0x3FFD];
	_ =	sdelay $0x3  }
0xe: {  	_ =	strace s3  }
0xf: {  	_ =	strace $0x8FFFFFFF  }
0x10: {  	s20 =	sld [smem:$0x3FDB];
	_ =	sdelay $0x1  }
0x11: {  	s4 =	simm.s32 $_scs_section_size  }
0x12: {  	s5 =	simm.s32 $_size__tile_overlayer_lowered;
	s6 =	simm.s32 $_tile_overlayer_lowered  }
0x13: {  	s23 =	simm.s32 $0x1BFF;
	s22 =	sshll.u32 s6, $0x1;
	s3 =	sadd.s32 s4, s20  }
0x14: {  	s7 =	simm.s32 $0x0;
	s21 =	sshll.u32 s5, $0x1;
	s5 =	sadd.s32 s22, s3  }
0x15: {  	[timem:s7], [sflag:s23] =	dma.local [hbm:s5], s21  }
0x16: {  	_ =	swait.ge [sflag:s23], s21  }
0x17: {  	s4 =	ssub.s32 $0x0, s21;
	[sflag:s23] =	ssyncset.done $0x0  }
0x18: {  	[sflag:s23] =	ssyncadd.s32 s4;
	_ =	sdelay $0x1  }
0x19: {  	s24 =	simm.s32 $0x1B8B  }
0x1a: {  	_ =	swait.ge [sflag:s24], $0x1  }
0x1b: {  	[sflag:s24] =	ssyncset.done $0x0  }
0x1c: {  	s26 =	simm.s32 $0x1B8E;
	s25 =	sld [smem:$0x3FFE];
	[sflag:s24] =	ssyncadd.s32 $0xFFFFFFFF  }
0x1d: {  	s27 =	simm.s32 $execute0_lowered;
	[smem:$0x3FD2] =	sst s26  }
0x1e: {  	s5 =	sshll.u32 s27, $0x1;
	_ =	strace $0x80000049;
	[dreg:$0x1] =	wrdreg $0xFFFFFFFF  }
0x1f: {  	s28 =	simm.s32 $_size_execute0_lowered;
	s3 =	sadd.s32 s3, s5;
	[dreg:$0x0] =	wrdreg $0x0  }
0x20: {  	s5 =	sshll.u32 s28, $0x1;
	[dreg:$0x2] =	wrdreg s3  }
0x21: {  	[dreg:$0x3] =	wrdreg s5  }
0x22: {  	[dreg:$0x4] =	wrdreg $0xC0  }
0x23: {  	_ =	task [dreg:s7], $0x5FFFF  }
0x24: {  	[dreg:$0x1] =	wrdreg $0xFFFFFFFF  }
0x25: {  	[dreg:$0x0] =	wrdreg $0x60  }
0x26: {  	[dreg:$0x2] =	wrdreg s25  }
0x27: {  	[dreg:$0x3] =	wrdreg s2  }
0x28: {  	[dreg:$0x4] =	wrdreg $0x9  }
0x29: {  	_ =	task.clear_ibuf [dreg:s7], $0x5FFFF;
	_ =	strace $0x90000049  }
0x2a: {  	s29 =	simm.s32 $0x9;
	_ =	strace $0x8000004B  }
0x2b: {  	_ =	swait.ge [sflag:s29], $0x1  }
0x2c: {  	[sflag:s29] =	ssyncadd.s32 $0xFFFFFFFF  }
0x2d: {  	_ =	strace $0x9000004B  }
0x2e: {  	_ =	sfence  }
0x2f: {  	s30 =	sld [smem:$0x0];
	_ =	sdelay $0x2  }
0x30: {  	s31 =	sshll.u32 s1, $0xD;
	s1 =	sshrl.u32 s1, $0x2  }
0x31: {  	s3 =	sand.u32 $0x4000, s31;
	s1 =	sadd.s32 s1, s30  }
0x32: {  	s0 =	sor.u32 s3, s0;
	s1 =	sshll.u32 s1, $0x11  }
0x33: {  	s0 =	sor.u32 s1, s0  }
0x34: {  	s0 =	sadd.s32 $0x8F2B, s0  }
0x35: {  	[sflag:s0] =	ssyncadd.remote.s32 $0x1  }
0x36: {  	_ =	sfence.sel $0xFFFF  }
0x37: {  	[dreg:$0x0] =	wrdreg $0xFFFFFFFF;
	(pc) =	sbr.abs _section_cstart, $3  }
0x38: {  	[dreg:$0x1] =	wrdreg $0xFFFFFFFF  }
0x39: {  	_ =	task.clear_ibuf [dreg:s7], $0x2FFFF;
	_ =	strace $0x9FFFFFFF  }
0x3a: {  	(tm) =	ssettm $0x7FFFFFFF  }
0x3b: {  	_ =	shalt  }
tec
execute0_lowered:
.L_overlay_start_1:
0x0: {  	(tag) =	ssettag $0x1  }
0x1: {  	s0 =	stileid.u32;
	s6 =	rddreg [dreg:$0x0]  }
0x2: {  	s2 =	rddreg [dreg:$0x1];
	s5 =	srdreg.scid  }
0x3: {  	s31 =	simm.s32 $0x2;
	s13 =	simm.s32 $0x0;
	s1 =	sshll.u32 s0, $0x7  }
0x4: {  	s14 =	simm.s32 $0x0;
	s12 =	simm.s32 $0x0;
	s3 =	sand.u32 $0x380, s1  }
0x5: {  	s5 =	sshll.u32 s5, $0x4;
	s6 =	sadd.s32 $0xE00, s6;
	s4 =	ssub.s32 $0x400, s3  }
0x6: {  	s1 =	rddreg [dreg:$0x2];
	_ =	strace $0x8000004A;
	s7 =	sand.u32 $0x380, s4  }
0x7: {  	s5 =	sand.u32 $0x10, s5;
	p0 =	sne.s32 s7, $0x0;
	s7 =	simm.s32 $0x1  }
.Ltmp0:
0x8: {  	s8 =	sshrl.u32 s4, $0xA;
	s7 =	simm.s32 @!p0 $0x0;
	(pc) =	sbr.rel .LBB1_1-.Ltmp0, $4  }
0x9: {  	s9 =	sor.u32 s0, s5;
	s4 =	simm.s32 $0x1;
	s30 =	sadd.s32 s7, s8  }
0xa: {  	s11 =	smov.u32 s3;
	[sflag:s4] =	ssyncpa.u1 $0x0;
	s5 =	smul.u32 $0x32, s30  }
0xb: {  	[sflag:s31] =	ssyncpa.u1 $0x0;
	p0 =	por $0x0, $0x0;
	s7 =	sshrl.u32 s9, $0x3  }
0xc: {  	s9 =	simm.s32 $0x2000;
	s10 =	smov.u32 s7;
	s8 =	sor.u32 $0x1, s5  }
.LBB1_4:
0xd: {  	s17 =	sand.u32 $0x1F80, s14;
	s13 =	sshll.u32 s13, $0xD  }
0xe: {  	[tilespmem:s16+$0x810 ss:$0x81] =	vst.msk $0xffff, v2;
	s18 =	sshrl.u32 s14, $0x3;
	s31 =	sand.u32 $0x7, s14;
	s17 =	sadd.s32 s2, s17  }
0xf: {  	[tilespmem:s16+$0x1020 ss:$0x81] =	vst.msk $0xffff, v0;
	s18 =	sand.u32 $0xF, s18;
	s14 =	sshll.u32 s31, $0x12;
	s13 =	sadd.s32 s13, s17  }
0x10: {  	[tilespmem:s16+$0x0 ss:$0x81] =	vst.msk $0xffff, v1;
	s14 =	sor.u32 $0x400, s14;
	s13 =	sadd.s32 s18, s13  }
0x11: {  	[hbm4b:s13+s14] =	stream.strided.scatter [tilespmem:s15], [sflag:$0x2], $0x2000, s9, s14, $0x20;
	[tilespmem:$0x8080] =	vst v63  }
.LBB1_5:
0x12: {  	s15 =	sadd.s32 $0x4, s10  }
0x13: {  	s13 =	sadd.s32 $0x400, s11;
	s17 =	smov.u32 s11;
	p2 =	sgt.s32 s15, $0xC7  }
0x14: {  	s17 =	smov.u32 @p2 s13  }
0x15: {  	s15 =	smov.u32 @p2 s7;
	p2 =	sgt.s32 s17, $0x3FF  }
0x16: {  	s17 =	smov.u32 @p2 s3;
	p2 =	sne.s32 s12, s8  }
.Ltmp1:
0x17: {  	p1 =	slt.u32 s12, $0x2;
	(pc) =	sbr.rel @!p2 .LBB1_6-.Ltmp1, $4  }
0x18: {  	s16 =	simm.s32 @!p1 $0x2  }
0x19: {  	s14 =	smov.u32 s11;
	p0 =	por !p0, !p0;
	_ =	swait.ge @!p1 [sflag:s16], $0x2000  }
0x1a: {  	s13 =	smov.u32 s10;
	[sflag:s16] =	ssyncset.done @!p1 $0x0;
	s10 =	smov.u32 s15  }
0x1b: {  	s12 =	sadd.s32 $0x1, s12;
	[sflag:s16] =	ssyncadd.s32 @!p1 $0xFFFFE000;
	s11 =	smov.u32 s17  }
.LBB1_1:
0x1c: {  	p1 =	sge.u32 s12, s5  }
0x1d: {  	s15 =	sand.u32 @!p1 $0x1FFFFFF, s10  }
0x1e: {  	s16 =	smulhi.u32 @!p1 $0x147AE15, s15;
	_ =	sdelay $0x1  }
0x1f: {  	s16 =	smul.u32 @!p1 $0xC8, s16  }
0x20: {  	s17 =	sxor.u32 @!p1 $0xFFFFFFFF, s12;
	s18 =	smul.u32 @!p1 $0xC80, s11  }
0x21: {  	s31 =	sadd.s32 $0xFFFFFFFF, s12;
	s17 =	sshll.u32 @!p1 s17, $0xD;
	s15 =	ssub.s32 @!p1 s15, s16  }
0x22: {  	s16 =	sand.u32 @!p1 $0x2000, s17;
	s17 =	sadd.s32 @!p1 s6, s18;
	s15 =	sshll.u32 @!p1 s15, $0x4  }
0x23: {  	s18 =	simm.s32 @!p1 $0x6400;
	s15 =	sadd.s32 @!p1 s15, s17;
	s17 =	simm.s32 @!p1 $0x40  }
0x24: {  	[tilespmem:s16], [sflag:$0x1] =	stream.strided.gather @!p1 [hbm4b:s15+s17], $0x2000, s18, s17, $0x38;
	[tilespmem:$0x8080] =	vst v63  }
0x25: {  	p1 =	sge.u32 s31, s5  }
.Ltmp2:
0x26: {  	_ = 	snop;
	(pc) =	sbr.rel @p1 .LBB1_5-.Ltmp2, $1  }
0x27: {  	_ =	sdelay $0x3  }
0x28: {  	s15 =	simm.s32 $0x1  }
0x29: {  	_ =	swait.ge [sflag:s4], $0x2000;
	s15 =	simm.s32 @!p0 $0x0  }
0x2a: {  	[sflag:s4] =	ssyncset.done $0x0;
	s16 =	sshll.u32 s15, $0xD  }
0x2b: {  	[sflag:s4] =	ssyncadd.s32 $0xFFFFE000;
	s19 =	sor.u32 $0x20, s16  }
0x2c: {  	s15 =	smul.u32 $0x8100, s15;
	v3 =	vld [tilespmem:s19+$0x10]  }
0x2d: {  	s30 =	sand.u32 $0x1, s12;
	v2 =	vld [tilespmem:s19+$0xFFFFFFF0]  }
0x2e: {  	s16 =	smul.u32 $0x8100, s30;
	s15 =	sshrl.u32 s15, $0x2;
	v0 =	vld [tilespmem:s19+$0x0]  }
0x2f: {  	v1 =	vld [tilespmem:s19+$0xFFFFFFE0];
	s17 =	sor.u32 $0x4000, s15  }
0x30: {  	s31 =	sshrl.u32 s16, $0x2;
	s16 =	sadd.s32 $0x0, s17  }
0x31: {  	s18 =	simm.s32 $0x4;
	s19 =	sadd.s32 $0x40, s19;
	s15 =	sor.u32 $0x4000, s31;
	[tilespmem:s16+$0x1830 ss:$0x81] =	vst.msk $0xffff, v3  }
.LBB1_3:
0x32: {  	v3 =	vld [tilespmem:s19+$0x10];
	p1 =	sne.s32 s18, $0x1FC;
	[tilespmem:s16+$0x810 ss:$0x81] =	vst.msk $0xffff, v2;
	s20 =	smov.u32 s18;
	s18 =	sadd.s32 $0x4, s18  }
.Ltmp3:
0x33: {  	v2 =	vld [tilespmem:s19+$0xFFFFFFF0];
	[tilespmem:s16+$0x1020 ss:$0x81] =	vst.msk $0xffff, v0;
	(pc) =	sbr.rel @p1 .LBB1_3-.Ltmp3, $4  }
0x34: {  	v0 =	vld [tilespmem:s19+$0x0];
	[tilespmem:s16+$0x0 ss:$0x81] =	vst.msk $0xffff, v1  }
0x35: {  	s16 =	sshra.s32 s20, $0x2;
	v1 =	vld [tilespmem:s19+$0xFFFFFFE0]  }
0x36: {  	s16 =	sadd.s32 s16, s17  }
0x37: {  	s19 =	sadd.s32 $0x40, s19;
	[tilespmem:s16+$0x1830 ss:$0x81] =	vst.msk $0xffff, v3  }
.Ltmp4:
0x38: {  	_ = 	snop;
	(pc) =	sbr.rel .LBB1_4-.Ltmp4, $1  }
0x39: {  	_ =	sdelay $0x3  }
.LBB1_6:
0x3a: {  	_ =	sfence.sel $0x180000  }
0x3b: {  	s2 =	simm.s32 $0x1;
	[bflag:$0x0] =	sbarrier.arrive $0xFFFF  }
0x3c: {  	s31 =	simm.s32 $0x2;
	[sflag:s2] =	ssyncpa.u1 $0x1  }
0x3d: {  	[sflag:s31] =	ssyncpa.u1 $0x1  }
0x3e: {  	p0 =	sne.s32 s0, $0x0;
	_ =	strace $0x9000004A  }
0x3f: {  	s0 =	sadd.s32 @!p0 $0x100000, s1;
	[bflag:$0x2] =	sbarrier.arrive $0xFFFF  }
0x40: {  	[sflag:s0] =	ssyncadd.tile.s32 @!p0 $0x1;
	_ =	shalt  }
.Lfunc_end1:
_tile_overlayer_lowered:
.L_overlay_start_2:
0x41: {  	(tag) =	ssettag $0x2  }
0x42: {  	s0 =	rddreg [dreg:$0x0];
	s2 =	stileid.u32  }
0x43: {  	s1 =	rddreg [dreg:$0x1];
	p0 =	sne.s32 s2, $0x0  }
0x44: {  	s3 =	rddreg [dreg:$0x2];
	[bflag:$0x3] =	sbarrier.arrive $0xFFFF;
	s2 =	simm.s32 @!p0 $0x1C01  }
0x45: {  	[timem:s3], [sflag:s2] =	dma.local @!p0 [hbm:s0], s1  }
0x46: {  	s0 =	simm.s32 @!p0 $0x1  }
0x47: {  	_ =	swait.ge @!p0 [sflag:s0], s1  }
0x48: {  	s1 =	ssub.s32 @!p0 $0x0, s1;
	[sflag:s0] =	ssyncset.done @!p0 $0x0  }
0x49: {  	[sflag:s0] =	ssyncadd.s32 @!p0 s1  }
0x4a: {  	[bflag:$0x3] =	sbarrier.arrive $0xFFFF  }
0x4b: {  	_ =	shalt  }

</sc_bundles>
